<compile_context>
chip_gen: v7x
topology: tpu7x:2x2x1
jax: 0.10.2.dev20260603
libtpu: 0.0.44.dev20260713+nightly
codegen_flags: <defaults>
</compile_context>

<pallas_src>
import jax
import jax.numpy as jnp
from jax import lax
from jax.experimental import pallas as pl
from jax.experimental.pallas import tpu as pltpu
from jax.experimental.pallas import tpu_sc as plsc

_L = 16
_R = 128
_N = 32768
_NW = 32
_RPW = _R // _NW
_CPR = 2
_CH = _N // _CPR
_SEGC = _CH // _L
_P = 8
_SP = _SEGC + _P
_NQ = _RPW * _CPR
_VPS = _SEGC // _L


def _rev_cumsum_body(x_hbm, out_hbm, xin0, xin1, xout0, xout1, xpad, opad,
                     sem_in0, sem_in1, sem_out0, sem_out1):
    cid = lax.axis_index("c")
    sid = lax.axis_index("s")
    wid = sid * 2 + cid
    seg_base = lax.iota(jnp.int32, _L) * _SP
    lane = lax.iota(jnp.int32, _L)
    xins = (xin0, xin1)
    xouts = (xout0, xout1)
    sems_in = (sem_in0, sem_in1)
    sems_out = (sem_out0, sem_out1)

    def start_in(q):
        r, c = divmod(q, _CPR)
        row = wid * _RPW + r
        col0 = _N - (c + 1) * _CH
        return pltpu.async_copy(
            x_hbm.at[row, pl.ds(col0, _CH)], xins[q % 2], sems_in[q % 2])

    def start_out(q):
        r, c = divmod(q, _CPR)
        row = wid * _RPW + r
        return pltpu.async_copy(
            xouts[q % 2], out_hbm.at[row, pl.ds(c * _CH, _CH)],
            sems_out[q % 2])

    U = 8
    _W = 15 * _SP + U
    g3c = [jnp.full((_L,), 15 * _SP + U - 1 - k, jnp.int32) - seg_base
           for k in range(U)]
    s3c = [seg_base + k for k in range(U)]

    def compute(xin_b, xout_b, carry):
        def seg1(s, t):
            def p1(i, part):
                v = [None] * 4
                for k in range(4):
                    off = i * _L + k * _L
                    v[k] = xin_b[pl.ds(s * _SEGC + off, _L)]
                    xpad[pl.ds(s * _SP + off, _L)] = v[k]
                return part + ((v[0] + v[1]) + (v[2] + v[3]))

            part = plsc.parallel_loop(
                0, _VPS, step=4, unroll=2,
                carry=jnp.zeros((_L,), jnp.float32))(p1)
            return t + jnp.where(lane == (_L - 1 - s),
                                 jnp.full((_L,), jnp.sum(part)),
                                 jnp.zeros((_L,), jnp.float32))

        t = lax.fori_loop(0, _L, seg1, jnp.zeros((_L,), jnp.float32))

        offs = plsc.cumsum(t) - t + carry
        total = jnp.sum(t)

        def p3(i, acc):
            gwin = xpad.at[pl.ds(_SEGC - U - i, _W)]
            swin = opad.at[pl.ds(i, _W)]
            g = [plsc.load_gather(gwin, [g3c[k]]) for k in range(U)]
            h01 = g[0] + g[1]
            h23 = g[2] + g[3]
            h45 = g[4] + g[5]
            h67 = g[6] + g[7]
            q03 = h01 + h23
            q47 = h45 + h67
            p = [g[0], h01, h01 + g[2], q03, q03 + g[4], q03 + h45,
                 (q03 + h45) + g[6], q03 + q47]
            o = [acc + p[k] for k in range(U)]
            for k in range(U):
                plsc.store_scatter(swin, [s3c[k]], o[k])
            return o[U - 1]

        plsc.parallel_loop(0, _SEGC, step=U, unroll=2, carry=offs)(p3)

        def seg4(s, z):
            def p4(i, zz):
                off = i * _L
                xout_b[pl.ds(s * _SEGC + off, _L)] = (
                    opad[pl.ds(s * _SP + off, _L)])
                return zz

            return plsc.parallel_loop(
                0, _VPS, unroll=8, carry=z)(p4)

        lax.fori_loop(0, _L, seg4, jnp.int32(0))

        return carry + total

    h_in = [None] * _NQ
    h_out = [None] * _NQ
    h_in[0] = start_in(0)
    carry = jnp.float32(0.0)
    for q in range(_NQ):
        if q + 1 < _NQ:
            h_in[q + 1] = start_in(q + 1)
        h_in[q].wait()
        if q >= 2:
            h_out[q - 2].wait()
        if q % _CPR == 0:
            carry = jnp.float32(0.0)
        carry = compute(xins[q % 2], xouts[q % 2], carry)
        h_out[q] = start_out(q)
    h_out[_NQ - 2].wait()
    h_out[_NQ - 1].wait()


def kernel(x):
    mesh = plsc.VectorSubcoreMesh(core_axis_name="c", subcore_axis_name="s")
    f = pl.kernel(
        _rev_cumsum_body,
        out_type=jax.ShapeDtypeStruct((_R, _N), jnp.float32),
        mesh=mesh,
        scratch_types=[
            pltpu.VMEM((_CH,), jnp.float32),
            pltpu.VMEM((_CH,), jnp.float32),
            pltpu.VMEM((_CH,), jnp.float32),
            pltpu.VMEM((_CH,), jnp.float32),
            pltpu.VMEM((_L * _SP,), jnp.float32),
            pltpu.VMEM((_L * _SP,), jnp.float32),
            pltpu.SemaphoreType.DMA,
            pltpu.SemaphoreType.DMA,
            pltpu.SemaphoreType.DMA,
            pltpu.SemaphoreType.DMA,
        ],
        compiler_params=pltpu.CompilerParams(needs_layout_passes=False),
    )
    return f(x)

# --- scband reference (transcript-rebuilt; emitter-appended) ---
"""Pipeline reference for scband-model-new-4810363371667 (READ-ONLY COPY).

The authoritative reference and input builder live on the scoring server;
editing this copy changes nothing except your own understanding.
"""

import jax, jax.numpy as jnp
import numpy as np

def setup_inputs(seed: int = 0) -> dict:
    key = jax.random.key(seed)
    x = jax.random.normal(key, (128, 32768), dtype=jnp.float32)
    return {"x": x}

def reference(x):
    # The CUDA kernel computes output[pos] = sum_{i=0}^{pos} input[dim_size-1-i]
    # along dim=1, i.e. the cumulative sum of the flipped input (NOT flipped back).
    dim = 1
    return jnp.cumsum(jnp.flip(x, axis=dim), axis=dim)

if __name__ == "__main__":
    import jax
    _d = setup_inputs()
    print(jax.jit(kernel)(*tuple(_d.values())))

</pallas_src>

<mosaic_0001>
#map = affine_map<(d0, d1) -> (0, 0)>
module attributes {stable_mosaic.version = 14 : i64} {
  func.func @_rev_cumsum_body(%arg0: i32, %arg1: i32, %arg2: memref<128x32768xf32, #tpu.memory_space<hbm>>, %arg3: memref<128x32768xf32, #tpu.memory_space<hbm>>, %arg4: memref<16384xf32, #tpu.memory_space<vmem>>, %arg5: memref<16384xf32, #tpu.memory_space<vmem>>, %arg6: memref<16384xf32, #tpu.memory_space<vmem>>, %arg7: memref<16384xf32, #tpu.memory_space<vmem>>, %arg8: memref<16512xf32, #tpu.memory_space<vmem>>, %arg9: memref<16512xf32, #tpu.memory_space<vmem>>, %arg10: memref<!tpu.dma_semaphore, #tpu.memory_space<semaphore_mem>>, %arg11: memref<!tpu.dma_semaphore, #tpu.memory_space<semaphore_mem>>, %arg12: memref<!tpu.dma_semaphore, #tpu.memory_space<semaphore_mem>>, %arg13: memref<!tpu.dma_semaphore, #tpu.memory_space<semaphore_mem>>) attributes {dimension_semantics = [#tpu.dimension_semantics<core_parallel>, #tpu.dimension_semantics<subcore_parallel>], iteration_bounds = array<i64: 2, 16>, scalar_prefetch = 0 : i64, scratch_operands = 10 : i64, tpu.core_type = #tpu.core_type<sc_vector_subcore>, window_params = [{transform_indices = #map}, {transform_indices = #map}]} {
    %mul3A = arith.constant 2 : i32
    %mul3A_0 = arith.muli %arg1, %mul3A : i32
    %add3A = arith.addi %mul3A_0, %arg0 : i32
    %iota3A = tpu.iota {dimensions = array<i32: 0>} : vector<16xi32>
    %mul3A_1 = arith.constant 1032 : i32
    %mul3A_2 = vector.broadcast %mul3A_1 : i32 to vector<16xi32>
    %mul3A_3 = arith.muli %iota3A, %mul3A_2 : vector<16xi32>
    %iota3A_4 = tpu.iota {dimensions = array<i32: 0>} : vector<16xi32>
    %broadcast_in_dim3A = arith.constant 15487 : i32
    %broadcast_in_dim3A_5 = vector.broadcast %broadcast_in_dim3A : i32 to vector<16xi32>
    %sub3A = arith.subi %broadcast_in_dim3A_5, %mul3A_3 : vector<16xi32>
    %broadcast_in_dim3A_6 = arith.constant 15486 : i32
    %broadcast_in_dim3A_7 = vector.broadcast %broadcast_in_dim3A_6 : i32 to vector<16xi32>
    %sub3A_8 = arith.subi %broadcast_in_dim3A_7, %mul3A_3 : vector<16xi32>
    %broadcast_in_dim3A_9 = arith.constant 15485 : i32
    %broadcast_in_dim3A_10 = vector.broadcast %broadcast_in_dim3A_9 : i32 to vector<16xi32>
    %sub3A_11 = arith.subi %broadcast_in_dim3A_10, %mul3A_3 : vector<16xi32>
    %broadcast_in_dim3A_12 = arith.constant 15484 : i32
    %broadcast_in_dim3A_13 = vector.broadcast %broadcast_in_dim3A_12 : i32 to vector<16xi32>
    %sub3A_14 = arith.subi %broadcast_in_dim3A_13, %mul3A_3 : vector<16xi32>
    %broadcast_in_dim3A_15 = arith.constant 15483 : i32
    %broadcast_in_dim3A_16 = vector.broadcast %broadcast_in_dim3A_15 : i32 to vector<16xi32>
    %sub3A_17 = arith.subi %broadcast_in_dim3A_16, %mul3A_3 : vector<16xi32>
    %broadcast_in_dim3A_18 = arith.constant 15482 : i32
    %broadcast_in_dim3A_19 = vector.broadcast %broadcast_in_dim3A_18 : i32 to vector<16xi32>
    %sub3A_20 = arith.subi %broadcast_in_dim3A_19, %mul3A_3 : vector<16xi32>
    %broadcast_in_dim3A_21 = arith.constant 15481 : i32
    %broadcast_in_dim3A_22 = vector.broadcast %broadcast_in_dim3A_21 : i32 to vector<16xi32>
    %sub3A_23 = arith.subi %broadcast_in_dim3A_22, %mul3A_3 : vector<16xi32>
    %broadcast_in_dim3A_24 = arith.constant 15480 : i32
    %broadcast_in_dim3A_25 = vector.broadcast %broadcast_in_dim3A_24 : i32 to vector<16xi32>
    %sub3A_26 = arith.subi %broadcast_in_dim3A_25, %mul3A_3 : vector<16xi32>
    %add3A_27 = arith.constant 0 : i32
    %add3A_28 = vector.broadcast %add3A_27 : i32 to vector<16xi32>
    %add3A_29 = arith.addi %mul3A_3, %add3A_28 : vector<16xi32>
    %add3A_30 = arith.constant 1 : i32
    %add3A_31 = vector.broadcast %add3A_30 : i32 to vector<16xi32>
    %add3A_32 = arith.addi %mul3A_3, %add3A_31 : vector<16xi32>
    %add3A_33 = arith.constant 2 : i32
    %add3A_34 = vector.broadcast %add3A_33 : i32 to vector<16xi32>
    %add3A_35 = arith.addi %mul3A_3, %add3A_34 : vector<16xi32>
    %add3A_36 = arith.constant 3 : i32
    %add3A_37 = vector.broadcast %add3A_36 : i32 to vector<16xi32>
    %add3A_38 = arith.addi %mul3A_3, %add3A_37 : vector<16xi32>
    %add3A_39 = arith.constant 4 : i32
    %add3A_40 = vector.broadcast %add3A_39 : i32 to vector<16xi32>
    %add3A_41 = arith.addi %mul3A_3, %add3A_40 : vector<16xi32>
    %add3A_42 = arith.constant 5 : i32
    %add3A_43 = vector.broadcast %add3A_42 : i32 to vector<16xi32>
    %add3A_44 = arith.addi %mul3A_3, %add3A_43 : vector<16xi32>
    %add3A_45 = arith.constant 6 : i32
    %add3A_46 = vector.broadcast %add3A_45 : i32 to vector<16xi32>
    %add3A_47 = arith.addi %mul3A_3, %add3A_46 : vector<16xi32>
    %add3A_48 = arith.constant 7 : i32
    %add3A_49 = vector.broadcast %add3A_48 : i32 to vector<16xi32>
    %add3A_50 = arith.addi %mul3A_3, %add3A_49 : vector<16xi32>
    %mul3A_51 = arith.constant 4 : i32
    %mul3A_52 = arith.muli %add3A, %mul3A_51 : i32
    %add3A_53 = arith.constant 0 : i32
    %add3A_54 = arith.addi %mul3A_52, %add3A_53 : i32
    %dma_start3A = arith.constant 16384 : i32
    %dma_start3A_55 = tpu.memref_slice %arg2[%add3A_54, %dma_start3A] : memref<128x32768xf32, #tpu.memory_space<hbm>> -> memref<1x16384xf32, #tpu.memory_space<hbm>>
    %dma_start3A_56 = tpu.memref_squeeze %dma_start3A_55 : memref<1x16384xf32, #tpu.memory_space<hbm>> -> memref<16384xf32, #tpu.memory_space<hbm>>
    %dma_start3A_57 = arith.constant 16384 : i32
    %dma_start3A_58 = tpu.memref_slice %arg2[%add3A_54, %dma_start3A_57] : memref<128x32768xf32, #tpu.memory_space<hbm>> -> memref<1x16384xf32, #tpu.memory_space<hbm>>
    %dma_start3A_59 = tpu.memref_squeeze %dma_start3A_58 : memref<1x16384xf32, #tpu.memory_space<hbm>> -> memref<16384xf32, #tpu.memory_space<hbm>>
    tpu.enqueue_dma source(%dma_start3A_59 : memref<16384xf32, #tpu.memory_space<hbm>>) target(%arg4 : memref<16384xf32, #tpu.memory_space<vmem>>) target_semaphore(%arg10 : memref<!tpu.dma_semaphore, #tpu.memory_space<semaphore_mem>>)
    %mul3A_60 = arith.constant 4 : i32
    %mul3A_61 = arith.muli %add3A, %mul3A_60 : i32
    %add3A_62 = arith.constant 0 : i32
    %add3A_63 = arith.addi %mul3A_61, %add3A_62 : i32
    %dma_start3A_64 = arith.constant 0 : i32
    %dma_start3A_65 = tpu.memref_slice %arg2[%add3A_63, %dma_start3A_64] : memref<128x32768xf32, #tpu.memory_space<hbm>> -> memref<1x16384xf32, #tpu.memory_space<hbm>>
    %dma_start3A_66 = tpu.memref_squeeze %dma_start3A_65 : memref<1x16384xf32, #tpu.memory_space<hbm>> -> memref<16384xf32, #tpu.memory_space<hbm>>
    %dma_start3A_67 = arith.constant 0 : i32
    %dma_start3A_68 = tpu.memref_slice %arg2[%add3A_63, %dma_start3A_67] : memref<128x32768xf32, #tpu.memory_space<hbm>> -> memref<1x16384xf32, #tpu.memory_space<hbm>>
    %dma_start3A_69 = tpu.memref_squeeze %dma_start3A_68 : memref<1x16384xf32, #tpu.memory_space<hbm>> -> memref<16384xf32, #tpu.memory_space<hbm>>
    tpu.enqueue_dma source(%dma_start3A_69 : memref<16384xf32, #tpu.memory_space<hbm>>) target(%arg5 : memref<16384xf32, #tpu.memory_space<vmem>>) target_semaphore(%arg11 : memref<!tpu.dma_semaphore, #tpu.memory_space<semaphore_mem>>)
    %dma_wait3A = arith.constant 16384 : i32
    %dma_wait3A_70 = tpu.memref_slice %arg2[%add3A_54, %dma_wait3A] : memref<128x32768xf32, #tpu.memory_space<hbm>> -> memref<1x16384xf32, #tpu.memory_space<hbm>>
    %dma_wait3A_71 = tpu.memref_squeeze %dma_wait3A_70 : memref<1x16384xf32, #tpu.memory_space<hbm>> -> memref<16384xf32, #tpu.memory_space<hbm>>
    %dma_wait3A_72 = arith.constant 16384 : i32
    %dma_wait3A_73 = tpu.memref_slice %arg2[%add3A_54, %dma_wait3A_72] : memref<128x32768xf32, #tpu.memory_space<hbm>> -> memref<1x16384xf32, #tpu.memory_space<hbm>>
    %dma_wait3A_74 = tpu.memref_squeeze %dma_wait3A_73 : memref<1x16384xf32, #tpu.memory_space<hbm>> -> memref<16384xf32, #tpu.memory_space<hbm>>
    tpu.wait_dma2 semaphore(%arg10 : memref<!tpu.dma_semaphore, #tpu.memory_space<semaphore_mem>>) src(%dma_wait3A_74 : memref<16384xf32, #tpu.memory_space<hbm>>) dst(%arg4 : memref<16384xf32, #tpu.memory_space<vmem>>)
    %broadcast_in_dim3A_75 = arith.constant 0.000000e+00 : f32
    %broadcast_in_dim3A_76 = vector.broadcast %broadcast_in_dim3A_75 : f32 to vector<16xf32>
    %scan3A = arith.constant 0 : i32
    %scan3A_77 = arith.constant 16 : i32
    %scan3A_78 = arith.addi %scan3A, %scan3A_77 : i32
    %scan3A_79 = arith.constant 1 : i32
    %scan3A_80 = scf.for %scan3A_549 = %scan3A to %scan3A_78 step %scan3A_79 iter_args(%scan3A_550 = %broadcast_in_dim3A_76) -> (vector<16xf32>)  : i32 {
      %broadcast_in_dim3A_551 = arith.constant 0.000000e+00 : f32
      %broadcast_in_dim3A_552 = vector.broadcast %broadcast_in_dim3A_551 : f32 to vector<16xf32>
      %parallel_loop3A_553 = arith.constant 0 : i32
      %parallel_loop3A_554 = arith.constant 64 : i32
      %parallel_loop3A_555 = arith.constant 4 : i32
      %parallel_loop3A_556 = scf.for %parallel_loop3A_568 = %parallel_loop3A_553 to %parallel_loop3A_554 step %parallel_loop3A_555 iter_args(%parallel_loop3A_569 = %broadcast_in_dim3A_552) -> (vector<16xf32>)  : i32 {
        %parallel_loop3A_570 = arith.constant 16 : i32
        %parallel_loop3A_571 = arith.muli %parallel_loop3A_568, %parallel_loop3A_570 : i32
        %parallel_loop3A_572 = arith.constant 0 : i32
        %parallel_loop3A_573 = arith.addi %parallel_loop3A_571, %parallel_loop3A_572 : i32
        %parallel_loop3A_574 = arith.constant 1024 : i32
        %parallel_loop3A_575 = arith.muli %scan3A_549, %parallel_loop3A_574 : i32
        %parallel_loop3A_576 = arith.addi %parallel_loop3A_575, %parallel_loop3A_573 : i32
        %parallel_loop3A_577 = arith.index_cast %parallel_loop3A_576 : i32 to index
        %parallel_loop3A_578 = tpu.vector_load %arg4[%parallel_loop3A_577] {strides = array<i32>} : memref<16384xf32, #tpu.memory_space<vmem>>, vector<16xf32>,
        %parallel_loop3A_579 = arith.constant 1032 : i32
        %parallel_loop3A_580 = arith.muli %scan3A_549, %parallel_loop3A_579 : i32
        %parallel_loop3A_581 = arith.addi %parallel_loop3A_580, %parallel_loop3A_573 : i32
        %parallel_loop3A_582 = arith.index_cast %parallel_loop3A_581 : i32 to index
        %parallel_loop3A_583 = tpu.vector_load %arg8[%parallel_loop3A_582] {strides = array<i32>} : memref<16512xf32, #tpu.memory_space<vmem>>, vector<16xf32>,
        tpu.vector_store %arg8[%parallel_loop3A_582], %parallel_loop3A_578 {strides = array<i32>} : memref<16512xf32, #tpu.memory_space<vmem>>, vector<16xf32>,
        %parallel_loop3A_584 = arith.constant 16 : i32
        %parallel_loop3A_585 = arith.muli %parallel_loop3A_568, %parallel_loop3A_584 : i32
        %parallel_loop3A_586 = arith.constant 16 : i32
        %parallel_loop3A_587 = arith.addi %parallel_loop3A_585, %parallel_loop3A_586 : i32
        %parallel_loop3A_588 = arith.constant 1024 : i32
        %parallel_loop3A_589 = arith.muli %scan3A_549, %parallel_loop3A_588 : i32
        %parallel_loop3A_590 = arith.addi %parallel_loop3A_589, %parallel_loop3A_587 : i32
        %parallel_loop3A_591 = arith.index_cast %parallel_loop3A_590 : i32 to index
        %parallel_loop3A_592 = tpu.vector_load %arg4[%parallel_loop3A_591] {strides = array<i32>} : memref<16384xf32, #tpu.memory_space<vmem>>, vector<16xf32>,
        %parallel_loop3A_593 = arith.constant 1032 : i32
        %parallel_loop3A_594 = arith.muli %scan3A_549, %parallel_loop3A_593 : i32
        %parallel_loop3A_595 = arith.addi %parallel_loop3A_594, %parallel_loop3A_587 : i32
        %parallel_loop3A_596 = arith.index_cast %parallel_loop3A_595 : i32 to index
        %parallel_loop3A_597 = tpu.vector_load %arg8[%parallel_loop3A_596] {strides = array<i32>} : memref<16512xf32, #tpu.memory_space<vmem>>, vector<16xf32>,
        tpu.vector_store %arg8[%parallel_loop3A_596], %parallel_loop3A_592 {strides = array<i32>} : memref<16512xf32, #tpu.memory_space<vmem>>, vector<16xf32>,
        %parallel_loop3A_598 = arith.constant 16 : i32
        %parallel_loop3A_599 = arith.muli %parallel_loop3A_568, %parallel_loop3A_598 : i32
        %parallel_loop3A_600 = arith.constant 32 : i32
        %parallel_loop3A_601 = arith.addi %parallel_loop3A_599, %parallel_loop3A_600 : i32
        %parallel_loop3A_602 = arith.constant 1024 : i32
        %parallel_loop3A_603 = arith.muli %scan3A_549, %parallel_loop3A_602 : i32
        %parallel_loop3A_604 = arith.addi %parallel_loop3A_603, %parallel_loop3A_601 : i32
        %parallel_loop3A_605 = arith.index_cast %parallel_loop3A_604 : i32 to index
        %parallel_loop3A_606 = tpu.vector_load %arg4[%parallel_loop3A_605] {strides = array<i32>} : memref<16384xf32, #tpu.memory_space<vmem>>, vector<16xf32>,
        %parallel_loop3A_607 = arith.constant 1032 : i32
        %parallel_loop3A_608 = arith.muli %scan3A_549, %parallel_loop3A_607 : i32
        %parallel_loop3A_609 = arith.addi %parallel_loop3A_608, %parallel_loop3A_601 : i32
        %parallel_loop3A_610 = arith.index_cast %parallel_loop3A_609 : i32 to index
        %parallel_loop3A_611 = tpu.vector_load %arg8[%parallel_loop3A_610] {strides = array<i32>} : memref<16512xf32, #tpu.memory_space<vmem>>, vector<16xf32>,
        tpu.vector_store %arg8[%parallel_loop3A_610], %parallel_loop3A_606 {strides = array<i32>} : memref<16512xf32, #tpu.memory_space<vmem>>, vector<16xf32>,
        %parallel_loop3A_612 = arith.constant 16 : i32
        %parallel_loop3A_613 = arith.muli %parallel_loop3A_568, %parallel_loop3A_612 : i32
        %parallel_loop3A_614 = arith.constant 48 : i32
        %parallel_loop3A_615 = arith.addi %parallel_loop3A_613, %parallel_loop3A_614 : i32
        %parallel_loop3A_616 = arith.constant 1024 : i32
        %parallel_loop3A_617 = arith.muli %scan3A_549, %parallel_loop3A_616 : i32
        %parallel_loop3A_618 = arith.addi %parallel_loop3A_617, %parallel_loop3A_615 : i32
        %parallel_loop3A_619 = arith.index_cast %parallel_loop3A_618 : i32 to index
        %parallel_loop3A_620 = tpu.vector_load %arg4[%parallel_loop3A_619] {strides = array<i32>} : memref<16384xf32, #tpu.memory_space<vmem>>, vector<16xf32>,
        %parallel_loop3A_621 = arith.constant 1032 : i32
        %parallel_loop3A_622 = arith.muli %scan3A_549, %parallel_loop3A_621 : i32
        %parallel_loop3A_623 = arith.addi %parallel_loop3A_622, %parallel_loop3A_615 : i32
        %parallel_loop3A_624 = arith.index_cast %parallel_loop3A_623 : i32 to index
        %parallel_loop3A_625 = tpu.vector_load %arg8[%parallel_loop3A_624] {strides = array<i32>} : memref<16512xf32, #tpu.memory_space<vmem>>, vector<16xf32>,
        tpu.vector_store %arg8[%parallel_loop3A_624], %parallel_loop3A_620 {strides = array<i32>} : memref<16512xf32, #tpu.memory_space<vmem>>, vector<16xf32>,
        %parallel_loop3A_626 = arith.addf %parallel_loop3A_578, %parallel_loop3A_592 : vector<16xf32>
        %parallel_loop3A_627 = arith.addf %parallel_loop3A_606, %parallel_loop3A_620 : vector<16xf32>
        %parallel_loop3A_628 = arith.addf %parallel_loop3A_626, %parallel_loop3A_627 : vector<16xf32>
        %parallel_loop3A_629 = arith.addf %parallel_loop3A_569, %parallel_loop3A_628 : vector<16xf32>
        scf.yield %parallel_loop3A_629 : vector<16xf32>
      } {sc.loop_unroll_factor = 2 : i64, sc.parallel_access}
      %sub3A_557 = arith.constant 15 : i32
      %sub3A_558 = arith.subi %sub3A_557, %scan3A_549 : i32
      %eq3A = vector.broadcast %sub3A_558 : i32 to vector<16xi32>
      %eq3A_559 = arith.cmpi eq, %iota3A_4, %eq3A : vector<16xi32>
      %reduce_sum3A_560 = arith.constant true
      %reduce_sum3A_561 = vector.broadcast %reduce_sum3A_560 : i1 to vector<16xi1>
      %reduce_sum3A_562 = tpu.scan <sum>, %parallel_loop3A_556 masked %reduce_sum3A_561 : vector<16xf32>, vector<16xi1> -> vector<16xf32>
      %reduce_sum3A_563 = vector.extract %reduce_sum3A_562[15] : f32 from vector<16xf32>
      %broadcast_in_dim3A_564 = vector.broadcast %reduce_sum3A_563 : f32 to vector<16xf32>
      %broadcast_in_dim3A_565 = arith.constant 0.000000e+00 : f32
      %broadcast_in_dim3A_566 = vector.broadcast %broadcast_in_dim3A_565 : f32 to vector<16xf32>
      %select_n3A = arith.select %eq3A_559, %broadcast_in_dim3A_564, %broadcast_in_dim3A_566 : vector<16xi1>, vector<16xf32>
      %add3A_567 = arith.addf %scan3A_550, %select_n3A : vector<16xf32>
      scf.yield %add3A_567 : vector<16xf32>
    }
    %scan3A_81 = arith.constant 16 : i32
    %broadcast_in_dim3A_82 = arith.constant true
    %broadcast_in_dim3A_83 = vector.broadcast %broadcast_in_dim3A_82 : i1 to vector<16xi1>
    %masked_cumsum3A = tpu.scan <sum>, %scan3A_80 masked %broadcast_in_dim3A_83 : vector<16xf32>, vector<16xi1> -> vector<16xf32>
    %sub3A_84 = arith.subf %masked_cumsum3A, %scan3A_80 : vector<16xf32>
    %add3A_85 = arith.constant 0.000000e+00 : f32
    %add3A_86 = vector.broadcast %add3A_85 : f32 to vector<16xf32>
    %add3A_87 = arith.addf %sub3A_84, %add3A_86 : vector<16xf32>
    %reduce_sum3A = arith.constant true
    %reduce_sum3A_88 = vector.broadcast %reduce_sum3A : i1 to vector<16xi1>
    %reduce_sum3A_89 = tpu.scan <sum>, %scan3A_80 masked %reduce_sum3A_88 : vector<16xf32>, vector<16xi1> -> vector<16xf32>
    %reduce_sum3A_90 = vector.extract %reduce_sum3A_89[15] : f32 from vector<16xf32>
    %parallel_loop3A = arith.constant 0 : i32
    %parallel_loop3A_91 = arith.constant 1024 : i32
    %parallel_loop3A_92 = arith.constant 8 : i32
    %parallel_loop3A_93 = scf.for %parallel_loop3A_549 = %parallel_loop3A to %parallel_loop3A_91 step %parallel_loop3A_92 iter_args(%parallel_loop3A_550 = %add3A_87) -> (vector<16xf32>)  : i32 {
      %parallel_loop3A_551 = arith.constant 1016 : i32
      %parallel_loop3A_552 = arith.subi %parallel_loop3A_551, %parallel_loop3A_549 : i32
      %parallel_loop3A_553 = tpu.memref_slice %arg8[%parallel_loop3A_552] : memref<16512xf32, #tpu.memory_space<vmem>> -> memref<15488xf32, #tpu.memory_space<vmem>>
      %parallel_loop3A_554 = tpu.vector_load_idx %parallel_loop3A_553[%sub3A] : memref<15488xf32, #tpu.memory_space<vmem>>[vector<16xi32>], vector<16xf32>,
      %parallel_loop3A_555 = tpu.memref_slice %arg8[%parallel_loop3A_552] : memref<16512xf32, #tpu.memory_space<vmem>> -> memref<15488xf32, #tpu.memory_space<vmem>>
      %parallel_loop3A_556 = tpu.vector_load_idx %parallel_loop3A_555[%sub3A_8] : memref<15488xf32, #tpu.memory_space<vmem>>[vector<16xi32>], vector<16xf32>,
      %parallel_loop3A_557 = tpu.memref_slice %arg8[%parallel_loop3A_552] : memref<16512xf32, #tpu.memory_space<vmem>> -> memref<15488xf32, #tpu.memory_space<vmem>>
      %parallel_loop3A_558 = tpu.vector_load_idx %parallel_loop3A_557[%sub3A_11] : memref<15488xf32, #tpu.memory_space<vmem>>[vector<16xi32>], vector<16xf32>,
      %parallel_loop3A_559 = tpu.memref_slice %arg8[%parallel_loop3A_552] : memref<16512xf32, #tpu.memory_space<vmem>> -> memref<15488xf32, #tpu.memory_space<vmem>>
      %parallel_loop3A_560 = tpu.vector_load_idx %parallel_loop3A_559[%sub3A_14] : memref<15488xf32, #tpu.memory_space<vmem>>[vector<16xi32>], vector<16xf32>,
      %parallel_loop3A_561 = tpu.memref_slice %arg8[%parallel_loop3A_552] : memref<16512xf32, #tpu.memory_space<vmem>> -> memref<15488xf32, #tpu.memory_space<vmem>>
      %parallel_loop3A_562 = tpu.vector_load_idx %parallel_loop3A_561[%sub3A_17] : memref<15488xf32, #tpu.memory_space<vmem>>[vector<16xi32>], vector<16xf32>,
      %parallel_loop3A_563 = tpu.memref_slice %arg8[%parallel_loop3A_552] : memref<16512xf32, #tpu.memory_space<vmem>> -> memref<15488xf32, #tpu.memory_space<vmem>>
      %parallel_loop3A_564 = tpu.vector_load_idx %parallel_loop3A_563[%sub3A_20] : memref<15488xf32, #tpu.memory_space<vmem>>[vector<16xi32>], vector<16xf32>,
      %parallel_loop3A_565 = tpu.memref_slice %arg8[%parallel_loop3A_552] : memref<16512xf32, #tpu.memory_space<vmem>> -> memref<15488xf32, #tpu.memory_space<vmem>>
      %parallel_loop3A_566 = tpu.vector_load_idx %parallel_loop3A_565[%sub3A_23] : memref<15488xf32, #tpu.memory_space<vmem>>[vector<16xi32>], vector<16xf32>,
      %parallel_loop3A_567 = tpu.memref_slice %arg8[%parallel_loop3A_552] : memref<16512xf32, #tpu.memory_space<vmem>> -> memref<15488xf32, #tpu.memory_space<vmem>>
      %parallel_loop3A_568 = tpu.vector_load_idx %parallel_loop3A_567[%sub3A_26] : memref<15488xf32, #tpu.memory_space<vmem>>[vector<16xi32>], vector<16xf32>,
      %parallel_loop3A_569 = arith.addf %parallel_loop3A_554, %parallel_loop3A_556 : vector<16xf32>
      %parallel_loop3A_570 = arith.addf %parallel_loop3A_558, %parallel_loop3A_560 : vector<16xf32>
      %parallel_loop3A_571 = arith.addf %parallel_loop3A_562, %parallel_loop3A_564 : vector<16xf32>
      %parallel_loop3A_572 = arith.addf %parallel_loop3A_566, %parallel_loop3A_568 : vector<16xf32>
      %parallel_loop3A_573 = arith.addf %parallel_loop3A_569, %parallel_loop3A_570 : vector<16xf32>
      %parallel_loop3A_574 = arith.addf %parallel_loop3A_571, %parallel_loop3A_572 : vector<16xf32>
      %parallel_loop3A_575 = arith.addf %parallel_loop3A_569, %parallel_loop3A_558 : vector<16xf32>
      %parallel_loop3A_576 = arith.addf %parallel_loop3A_573, %parallel_loop3A_562 : vector<16xf32>
      %parallel_loop3A_577 = arith.addf %parallel_loop3A_573, %parallel_loop3A_571 : vector<16xf32>
      %parallel_loop3A_578 = arith.addf %parallel_loop3A_573, %parallel_loop3A_571 : vector<16xf32>
      %parallel_loop3A_579 = arith.addf %parallel_loop3A_578, %parallel_loop3A_566 : vector<16xf32>
      %parallel_loop3A_580 = arith.addf %parallel_loop3A_573, %parallel_loop3A_574 : vector<16xf32>
      %parallel_loop3A_581 = arith.addf %parallel_loop3A_550, %parallel_loop3A_554 : vector<16xf32>
      %parallel_loop3A_582 = arith.addf %parallel_loop3A_550, %parallel_loop3A_569 : vector<16xf32>
      %parallel_loop3A_583 = arith.addf %parallel_loop3A_550, %parallel_loop3A_575 : vector<16xf32>
      %parallel_loop3A_584 = arith.addf %parallel_loop3A_550, %parallel_loop3A_573 : vector<16xf32>
      %parallel_loop3A_585 = arith.addf %parallel_loop3A_550, %parallel_loop3A_576 : vector<16xf32>
      %parallel_loop3A_586 = arith.addf %parallel_loop3A_550, %parallel_loop3A_577 : vector<16xf32>
      %parallel_loop3A_587 = arith.addf %parallel_loop3A_550, %parallel_loop3A_579 : vector<16xf32>
      %parallel_loop3A_588 = arith.addf %parallel_loop3A_550, %parallel_loop3A_580 : vector<16xf32>
      %parallel_loop3A_589 = tpu.memref_slice %arg9[%parallel_loop3A_549] : memref<16512xf32, #tpu.memory_space<vmem>> -> memref<15488xf32, #tpu.memory_space<vmem>>
      tpu.vector_store_idx %parallel_loop3A_589[%add3A_29], %parallel_loop3A_581 : memref<15488xf32, #tpu.memory_space<vmem>>[vector<16xi32>], vector<16xf32>,
      %parallel_loop3A_590 = tpu.memref_slice %arg9[%parallel_loop3A_549] : memref<16512xf32, #tpu.memory_space<vmem>> -> memref<15488xf32, #tpu.memory_space<vmem>>
      tpu.vector_store_idx %parallel_loop3A_590[%add3A_32], %parallel_loop3A_582 : memref<15488xf32, #tpu.memory_space<vmem>>[vector<16xi32>], vector<16xf32>,
      %parallel_loop3A_591 = tpu.memref_slice %arg9[%parallel_loop3A_549] : memref<16512xf32, #tpu.memory_space<vmem>> -> memref<15488xf32, #tpu.memory_space<vmem>>
      tpu.vector_store_idx %parallel_loop3A_591[%add3A_35], %parallel_loop3A_583 : memref<15488xf32, #tpu.memory_space<vmem>>[vector<16xi32>], vector<16xf32>,
      %parallel_loop3A_592 = tpu.memref_slice %arg9[%parallel_loop3A_549] : memref<16512xf32, #tpu.memory_space<vmem>> -> memref<15488xf32, #tpu.memory_space<vmem>>
      tpu.vector_store_idx %parallel_loop3A_592[%add3A_38], %parallel_loop3A_584 : memref<15488xf32, #tpu.memory_space<vmem>>[vector<16xi32>], vector<16xf32>,
      %parallel_loop3A_593 = tpu.memref_slice %arg9[%parallel_loop3A_549] : memref<16512xf32, #tpu.memory_space<vmem>> -> memref<15488xf32, #tpu.memory_space<vmem>>
      tpu.vector_store_idx %parallel_loop3A_593[%add3A_41], %parallel_loop3A_585 : memref<15488xf32, #tpu.memory_space<vmem>>[vector<16xi32>], vector<16xf32>,
      %parallel_loop3A_594 = tpu.memref_slice %arg9[%parallel_loop3A_549] : memref<16512xf32, #tpu.memory_space<vmem>> -> memref<15488xf32, #tpu.memory_space<vmem>>
      tpu.vector_store_idx %parallel_loop3A_594[%add3A_44], %parallel_loop3A_586 : memref<15488xf32, #tpu.memory_space<vmem>>[vector<16xi32>], vector<16xf32>,
      %parallel_loop3A_595 = tpu.memref_slice %arg9[%parallel_loop3A_549] : memref<16512xf32, #tpu.memory_space<vmem>> -> memref<15488xf32, #tpu.memory_space<vmem>>
      tpu.vector_store_idx %parallel_loop3A_595[%add3A_47], %parallel_loop3A_587 : memref<15488xf32, #tpu.memory_space<vmem>>[vector<16xi32>], vector<16xf32>,
      %parallel_loop3A_596 = tpu.memref_slice %arg9[%parallel_loop3A_549] : memref<16512xf32, #tpu.memory_space<vmem>> -> memref<15488xf32, #tpu.memory_space<vmem>>
      tpu.vector_store_idx %parallel_loop3A_596[%add3A_50], %parallel_loop3A_588 : memref<15488xf32, #tpu.memory_space<vmem>>[vector<16xi32>], vector<16xf32>,
      scf.yield %parallel_loop3A_588 : vector<16xf32>
    } {sc.loop_unroll_factor = 2 : i64, sc.parallel_access}
    %scan3A_94 = arith.constant 0 : i32
    %scan3A_95 = arith.constant 0 : i32
    %scan3A_96 = arith.constant 16 : i32
    %scan3A_97 = arith.addi %scan3A_95, %scan3A_96 : i32
    %scan3A_98 = arith.constant 1 : i32
    %scan3A_99 = scf.for %scan3A_549 = %scan3A_95 to %scan3A_97 step %scan3A_98 iter_args(%scan3A_550 = %scan3A_94) -> (i32)  : i32 {
      %parallel_loop3A_551 = arith.constant 0 : i32
      %parallel_loop3A_552 = arith.constant 64 : i32
      %parallel_loop3A_553 = arith.constant 1 : i32
      %parallel_loop3A_554 = scf.for %parallel_loop3A_555 = %parallel_loop3A_551 to %parallel_loop3A_552 step %parallel_loop3A_553 iter_args(%parallel_loop3A_556 = %scan3A_550) -> (i32)  : i32 {
        %parallel_loop3A_557 = arith.constant 16 : i32
        %parallel_loop3A_558 = arith.muli %parallel_loop3A_555, %parallel_loop3A_557 : i32
        %parallel_loop3A_559 = arith.constant 1032 : i32
        %parallel_loop3A_560 = arith.muli %scan3A_549, %parallel_loop3A_559 : i32
        %parallel_loop3A_561 = arith.addi %parallel_loop3A_560, %parallel_loop3A_558 : i32
        %parallel_loop3A_562 = arith.index_cast %parallel_loop3A_561 : i32 to index
        %parallel_loop3A_563 = tpu.vector_load %arg9[%parallel_loop3A_562] {strides = array<i32>} : memref<16512xf32, #tpu.memory_space<vmem>>, vector<16xf32>,
        %parallel_loop3A_564 = arith.constant 1024 : i32
        %parallel_loop3A_565 = arith.muli %scan3A_549, %parallel_loop3A_564 : i32
        %parallel_loop3A_566 = arith.addi %parallel_loop3A_565, %parallel_loop3A_558 : i32
        %parallel_loop3A_567 = arith.index_cast %parallel_loop3A_566 : i32 to index
        %parallel_loop3A_568 = tpu.vector_load %arg6[%parallel_loop3A_567] {strides = array<i32>} : memref<16384xf32, #tpu.memory_space<vmem>>, vector<16xf32>,
        tpu.vector_store %arg6[%parallel_loop3A_567], %parallel_loop3A_563 {strides = array<i32>} : memref<16384xf32, #tpu.memory_space<vmem>>, vector<16xf32>,
        scf.yield %parallel_loop3A_556 : i32
      } {sc.loop_unroll_factor = 8 : i64, sc.parallel_access}
      scf.yield %parallel_loop3A_554 : i32
    }
    %scan3A_100 = arith.constant 16 : i32
    %add3A_101 = arith.constant 0.000000e+00 : f32
    %add3A_102 = arith.addf %add3A_101, %reduce_sum3A_90 : f32
    %mul3A_103 = arith.constant 4 : i32
    %mul3A_104 = arith.muli %add3A, %mul3A_103 : i32
    %add3A_105 = arith.constant 0 : i32
    %add3A_106 = arith.addi %mul3A_104, %add3A_105 : i32
    %dma_start3A_107 = arith.constant 0 : i32
    %dma_start3A_108 = tpu.memref_slice %arg3[%add3A_106, %dma_start3A_107] : memref<128x32768xf32, #tpu.memory_space<hbm>> -> memref<1x16384xf32, #tpu.memory_space<hbm>>
    %dma_start3A_109 = tpu.memref_squeeze %dma_start3A_108 : memref<1x16384xf32, #tpu.memory_space<hbm>> -> memref<16384xf32, #tpu.memory_space<hbm>>
    %dma_start3A_110 = arith.constant 0 : i32
    %dma_start3A_111 = tpu.memref_slice %arg3[%add3A_106, %dma_start3A_110] : memref<128x32768xf32, #tpu.memory_space<hbm>> -> memref<1x16384xf32, #tpu.memory_space<hbm>>
    %dma_start3A_112 = tpu.memref_squeeze %dma_start3A_111 : memref<1x16384xf32, #tpu.memory_space<hbm>> -> memref<16384xf32, #tpu.memory_space<hbm>>
    tpu.enqueue_dma source(%arg6 : memref<16384xf32, #tpu.memory_space<vmem>>) target(%dma_start3A_112 : memref<16384xf32, #tpu.memory_space<hbm>>) target_semaphore(%arg12 : memref<!tpu.dma_semaphore, #tpu.memory_space<semaphore_mem>>)
    %mul3A_113 = arith.constant 4 : i32
    %mul3A_114 = arith.muli %add3A, %mul3A_113 : i32
    %add3A_115 = arith.constant 1 : i32
    %add3A_116 = arith.addi %mul3A_114, %add3A_115 : i32
    %dma_start3A_117 = arith.constant 16384 : i32
    %dma_start3A_118 = tpu.memref_slice %arg2[%add3A_116, %dma_start3A_117] : memref<128x32768xf32, #tpu.memory_space<hbm>> -> memref<1x16384xf32, #tpu.memory_space<hbm>>
    %dma_start3A_119 = tpu.memref_squeeze %dma_start3A_118 : memref<1x16384xf32, #tpu.memory_space<hbm>> -> memref<16384xf32, #tpu.memory_space<hbm>>
    %dma_start3A_120 = arith.constant 16384 : i32
    %dma_start3A_121 = tpu.memref_slice %arg2[%add3A_116, %dma_start3A_120] : memref<128x32768xf32, #tpu.memory_space<hbm>> -> memref<1x16384xf32, #tpu.memory_space<hbm>>
    %dma_start3A_122 = tpu.memref_squeeze %dma_start3A_121 : memref<1x16384xf32, #tpu.memory_space<hbm>> -> memref<16384xf32, #tpu.memory_space<hbm>>
    tpu.enqueue_dma source(%dma_start3A_122 : memref<16384xf32, #tpu.memory_space<hbm>>) target(%arg4 : memref<16384xf32, #tpu.memory_space<vmem>>) target_semaphore(%arg10 : memref<!tpu.dma_semaphore, #tpu.memory_space<semaphore_mem>>)
    %dma_wait3A_123 = arith.constant 0 : i32
    %dma_wait3A_124 = tpu.memref_slice %arg2[%add3A_63, %dma_wait3A_123] : memref<128x32768xf32, #tpu.memory_space<hbm>> -> memref<1x16384xf32, #tpu.memory_space<hbm>>
    %dma_wait3A_125 = tpu.memref_squeeze %dma_wait3A_124 : memref<1x16384xf32, #tpu.memory_space<hbm>> -> memref<16384xf32, #tpu.memory_space<hbm>>
    %dma_wait3A_126 = arith.constant 0 : i32
    %dma_wait3A_127 = tpu.memref_slice %arg2[%add3A_63, %dma_wait3A_126] : memref<128x32768xf32, #tpu.memory_space<hbm>> -> memref<1x16384xf32, #tpu.memory_space<hbm>>
    %dma_wait3A_128 = tpu.memref_squeeze %dma_wait3A_127 : memref<1x16384xf32, #tpu.memory_space<hbm>> -> memref<16384xf32, #tpu.memory_space<hbm>>
    tpu.wait_dma2 semaphore(%arg11 : memref<!tpu.dma_semaphore, #tpu.memory_space<semaphore_mem>>) src(%dma_wait3A_128 : memref<16384xf32, #tpu.memory_space<hbm>>) dst(%arg5 : memref<16384xf32, #tpu.memory_space<vmem>>)
    %broadcast_in_dim3A_129 = arith.constant 0.000000e+00 : f32
    %broadcast_in_dim3A_130 = vector.broadcast %broadcast_in_dim3A_129 : f32 to vector<16xf32>
    %scan3A_131 = arith.constant 0 : i32
    %scan3A_132 = arith.constant 16 : i32
    %scan3A_133 = arith.addi %scan3A_131, %scan3A_132 : i32
    %scan3A_134 = arith.constant 1 : i32
    %scan3A_135 = scf.for %scan3A_549 = %scan3A_131 to %scan3A_133 step %scan3A_134 iter_args(%scan3A_550 = %broadcast_in_dim3A_130) -> (vector<16xf32>)  : i32 {
      %broadcast_in_dim3A_551 = arith.constant 0.000000e+00 : f32
      %broadcast_in_dim3A_552 = vector.broadcast %broadcast_in_dim3A_551 : f32 to vector<16xf32>
      %parallel_loop3A_553 = arith.constant 0 : i32
      %parallel_loop3A_554 = arith.constant 64 : i32
      %parallel_loop3A_555 = arith.constant 4 : i32
      %parallel_loop3A_556 = scf.for %parallel_loop3A_568 = %parallel_loop3A_553 to %parallel_loop3A_554 step %parallel_loop3A_555 iter_args(%parallel_loop3A_569 = %broadcast_in_dim3A_552) -> (vector<16xf32>)  : i32 {
        %parallel_loop3A_570 = arith.constant 16 : i32
        %parallel_loop3A_571 = arith.muli %parallel_loop3A_568, %parallel_loop3A_570 : i32
        %parallel_loop3A_572 = arith.constant 0 : i32
        %parallel_loop3A_573 = arith.addi %parallel_loop3A_571, %parallel_loop3A_572 : i32
        %parallel_loop3A_574 = arith.constant 1024 : i32
        %parallel_loop3A_575 = arith.muli %scan3A_549, %parallel_loop3A_574 : i32
        %parallel_loop3A_576 = arith.addi %parallel_loop3A_575, %parallel_loop3A_573 : i32
        %parallel_loop3A_577 = arith.index_cast %parallel_loop3A_576 : i32 to index
        %parallel_loop3A_578 = tpu.vector_load %arg5[%parallel_loop3A_577] {strides = array<i32>} : memref<16384xf32, #tpu.memory_space<vmem>>, vector<16xf32>,
        %parallel_loop3A_579 = arith.constant 1032 : i32
        %parallel_loop3A_580 = arith.muli %scan3A_549, %parallel_loop3A_579 : i32
        %parallel_loop3A_581 = arith.addi %parallel_loop3A_580, %parallel_loop3A_573 : i32
        %parallel_loop3A_582 = arith.index_cast %parallel_loop3A_581 : i32 to index
        %parallel_loop3A_583 = tpu.vector_load %arg8[%parallel_loop3A_582] {strides = array<i32>} : memref<16512xf32, #tpu.memory_space<vmem>>, vector<16xf32>,
        tpu.vector_store %arg8[%parallel_loop3A_582], %parallel_loop3A_578 {strides = array<i32>} : memref<16512xf32, #tpu.memory_space<vmem>>, vector<16xf32>,
        %parallel_loop3A_584 = arith.constant 16 : i32
        %parallel_loop3A_585 = arith.muli %parallel_loop3A_568, %parallel_loop3A_584 : i32
        %parallel_loop3A_586 = arith.constant 16 : i32
        %parallel_loop3A_587 = arith.addi %parallel_loop3A_585, %parallel_loop3A_586 : i32
        %parallel_loop3A_588 = arith.constant 1024 : i32
        %parallel_loop3A_589 = arith.muli %scan3A_549, %parallel_loop3A_588 : i32
        %parallel_loop3A_590 = arith.addi %parallel_loop3A_589, %parallel_loop3A_587 : i32
        %parallel_loop3A_591 = arith.index_cast %parallel_loop3A_590 : i32 to index
        %parallel_loop3A_592 = tpu.vector_load %arg5[%parallel_loop3A_591] {strides = array<i32>} : memref<16384xf32, #tpu.memory_space<vmem>>, vector<16xf32>,
        %parallel_loop3A_593 = arith.constant 1032 : i32
        %parallel_loop3A_594 = arith.muli %scan3A_549, %parallel_loop3A_593 : i32
        %parallel_loop3A_595 = arith.addi %parallel_loop3A_594, %parallel_loop3A_587 : i32
        %parallel_loop3A_596 = arith.index_cast %parallel_loop3A_595 : i32 to index
        %parallel_loop3A_597 = tpu.vector_load %arg8[%parallel_loop3A_596] {strides = array<i32>} : memref<16512xf32, #tpu.memory_space<vmem>>, vector<16xf32>,
        tpu.vector_store %arg8[%parallel_loop3A_596], %parallel_loop3A_592 {strides = array<i32>} : memref<16512xf32, #tpu.memory_space<vmem>>, vector<16xf32>,
        %parallel_loop3A_598 = arith.constant 16 : i32
        %parallel_loop3A_599 = arith.muli %parallel_loop3A_568, %parallel_loop3A_598 : i32
        %parallel_loop3A_600 = arith.constant 32 : i32
        %parallel_loop3A_601 = arith.addi %parallel_loop3A_599, %parallel_loop3A_600 : i32
        %parallel_loop3A_602 = arith.constant 1024 : i32
        %parallel_loop3A_603 = arith.muli %scan3A_549, %parallel_loop3A_602 : i32
        %parallel_loop3A_604 = arith.addi %parallel_loop3A_603, %parallel_loop3A_601 : i32
        %parallel_loop3A_605 = arith.index_cast %parallel_loop3A_604 : i32 to index
        %parallel_loop3A_606 = tpu.vector_load %arg5[%parallel_loop3A_605] {strides = array<i32>} : memref<16384xf32, #tpu.memory_space<vmem>>, vector<16xf32>,
        %parallel_loop3A_607 = arith.constant 1032 : i32
        %parallel_loop3A_608 = arith.muli %scan3A_549, %parallel_loop3A_607 : i32
        %parallel_loop3A_609 = arith.addi %parallel_loop3A_608, %parallel_loop3A_601 : i32
        %parallel_loop3A_610 = arith.index_cast %parallel_loop3A_609 : i32 to index
        %parallel_loop3A_611 = tpu.vector_load %arg8[%parallel_loop3A_610] {strides = array<i32>} : memref<16512xf32, #tpu.memory_space<vmem>>, vector<16xf32>,
        tpu.vector_store %arg8[%parallel_loop3A_610], %parallel_loop3A_606 {strides = array<i32>} : memref<16512xf32, #tpu.memory_space<vmem>>, vector<16xf32>,
        %parallel_loop3A_612 = arith.constant 16 : i32
        %parallel_loop3A_613 = arith.muli %parallel_loop3A_568, %parallel_loop3A_612 : i32
        %parallel_loop3A_614 = arith.constant 48 : i32
        %parallel_loop3A_615 = arith.addi %parallel_loop3A_613, %parallel_loop3A_614 : i32
        %parallel_loop3A_616 = arith.constant 1024 : i32
        %parallel_loop3A_617 = arith.muli %scan3A_549, %parallel_loop3A_616 : i32
        %parallel_loop3A_618 = arith.addi %parallel_loop3A_617, %parallel_loop3A_615 : i32
        %parallel_loop3A_619 = arith.index_cast %parallel_loop3A_618 : i32 to index
        %parallel_loop3A_620 = tpu.vector_load %arg5[%parallel_loop3A_619] {strides = array<i32>} : memref<16384xf32, #tpu.memory_space<vmem>>, vector<16xf32>,
        %parallel_loop3A_621 = arith.constant 1032 : i32
        %parallel_loop3A_622 = arith.muli %scan3A_549, %parallel_loop3A_621 : i32
        %parallel_loop3A_623 = arith.addi %parallel_loop3A_622, %parallel_loop3A_615 : i32
        %parallel_loop3A_624 = arith.index_cast %parallel_loop3A_623 : i32 to index
        %parallel_loop3A_625 = tpu.vector_load %arg8[%parallel_loop3A_624] {strides = array<i32>} : memref<16512xf32, #tpu.memory_space<vmem>>, vector<16xf32>,
        tpu.vector_store %arg8[%parallel_loop3A_624], %parallel_loop3A_620 {strides = array<i32>} : memref<16512xf32, #tpu.memory_space<vmem>>, vector<16xf32>,
        %parallel_loop3A_626 = arith.addf %parallel_loop3A_578, %parallel_loop3A_592 : vector<16xf32>
        %parallel_loop3A_627 = arith.addf %parallel_loop3A_606, %parallel_loop3A_620 : vector<16xf32>
        %parallel_loop3A_628 = arith.addf %parallel_loop3A_626, %parallel_loop3A_627 : vector<16xf32>
        %parallel_loop3A_629 = arith.addf %parallel_loop3A_569, %parallel_loop3A_628 : vector<16xf32>
        scf.yield %parallel_loop3A_629 : vector<16xf32>
      } {sc.loop_unroll_factor = 2 : i64, sc.parallel_access}
      %sub3A_557 = arith.constant 15 : i32
      %sub3A_558 = arith.subi %sub3A_557, %scan3A_549 : i32
      %eq3A = vector.broadcast %sub3A_558 : i32 to vector<16xi32>
      %eq3A_559 = arith.cmpi eq, %iota3A_4, %eq3A : vector<16xi32>
      %reduce_sum3A_560 = arith.constant true
      %reduce_sum3A_561 = vector.broadcast %reduce_sum3A_560 : i1 to vector<16xi1>
      %reduce_sum3A_562 = tpu.scan <sum>, %parallel_loop3A_556 masked %reduce_sum3A_561 : vector<16xf32>, vector<16xi1> -> vector<16xf32>
      %reduce_sum3A_563 = vector.extract %reduce_sum3A_562[15] : f32 from vector<16xf32>
      %broadcast_in_dim3A_564 = vector.broadcast %reduce_sum3A_563 : f32 to vector<16xf32>
      %broadcast_in_dim3A_565 = arith.constant 0.000000e+00 : f32
      %broadcast_in_dim3A_566 = vector.broadcast %broadcast_in_dim3A_565 : f32 to vector<16xf32>
      %select_n3A = arith.select %eq3A_559, %broadcast_in_dim3A_564, %broadcast_in_dim3A_566 : vector<16xi1>, vector<16xf32>
      %add3A_567 = arith.addf %scan3A_550, %select_n3A : vector<16xf32>
      scf.yield %add3A_567 : vector<16xf32>
    }
    %scan3A_136 = arith.constant 16 : i32
    %broadcast_in_dim3A_137 = arith.constant true
    %broadcast_in_dim3A_138 = vector.broadcast %broadcast_in_dim3A_137 : i1 to vector<16xi1>
    %masked_cumsum3A_139 = tpu.scan <sum>, %scan3A_135 masked %broadcast_in_dim3A_138 : vector<16xf32>, vector<16xi1> -> vector<16xf32>
    %sub3A_140 = arith.subf %masked_cumsum3A_139, %scan3A_135 : vector<16xf32>
    %add3A_141 = vector.broadcast %add3A_102 : f32 to vector<16xf32>
    %add3A_142 = arith.addf %sub3A_140, %add3A_141 : vector<16xf32>
    %reduce_sum3A_143 = arith.constant true
    %reduce_sum3A_144 = vector.broadcast %reduce_sum3A_143 : i1 to vector<16xi1>
    %reduce_sum3A_145 = tpu.scan <sum>, %scan3A_135 masked %reduce_sum3A_144 : vector<16xf32>, vector<16xi1> -> vector<16xf32>
    %reduce_sum3A_146 = vector.extract %reduce_sum3A_145[15] : f32 from vector<16xf32>
    %parallel_loop3A_147 = arith.constant 0 : i32
    %parallel_loop3A_148 = arith.constant 1024 : i32
    %parallel_loop3A_149 = arith.constant 8 : i32
    %parallel_loop3A_150 = scf.for %parallel_loop3A_549 = %parallel_loop3A_147 to %parallel_loop3A_148 step %parallel_loop3A_149 iter_args(%parallel_loop3A_550 = %add3A_142) -> (vector<16xf32>)  : i32 {
      %parallel_loop3A_551 = arith.constant 1016 : i32
      %parallel_loop3A_552 = arith.subi %parallel_loop3A_551, %parallel_loop3A_549 : i32
      %parallel_loop3A_553 = tpu.memref_slice %arg8[%parallel_loop3A_552] : memref<16512xf32, #tpu.memory_space<vmem>> -> memref<15488xf32, #tpu.memory_space<vmem>>
      %parallel_loop3A_554 = tpu.vector_load_idx %parallel_loop3A_553[%sub3A] : memref<15488xf32, #tpu.memory_space<vmem>>[vector<16xi32>], vector<16xf32>,
      %parallel_loop3A_555 = tpu.memref_slice %arg8[%parallel_loop3A_552] : memref<16512xf32, #tpu.memory_space<vmem>> -> memref<15488xf32, #tpu.memory_space<vmem>>
      %parallel_loop3A_556 = tpu.vector_load_idx %parallel_loop3A_555[%sub3A_8] : memref<15488xf32, #tpu.memory_space<vmem>>[vector<16xi32>], vector<16xf32>,
      %parallel_loop3A_557 = tpu.memref_slice %arg8[%parallel_loop3A_552] : memref<16512xf32, #tpu.memory_space<vmem>> -> memref<15488xf32, #tpu.memory_space<vmem>>
      %parallel_loop3A_558 = tpu.vector_load_idx %parallel_loop3A_557[%sub3A_11] : memref<15488xf32, #tpu.memory_space<vmem>>[vector<16xi32>], vector<16xf32>,
      %parallel_loop3A_559 = tpu.memref_slice %arg8[%parallel_loop3A_552] : memref<16512xf32, #tpu.memory_space<vmem>> -> memref<15488xf32, #tpu.memory_space<vmem>>
      %parallel_loop3A_560 = tpu.vector_load_idx %parallel_loop3A_559[%sub3A_14] : memref<15488xf32, #tpu.memory_space<vmem>>[vector<16xi32>], vector<16xf32>,
      %parallel_loop3A_561 = tpu.memref_slice %arg8[%parallel_loop3A_552] : memref<16512xf32, #tpu.memory_space<vmem>> -> memref<15488xf32, #tpu.memory_space<vmem>>
      %parallel_loop3A_562 = tpu.vector_load_idx %parallel_loop3A_561[%sub3A_17] : memref<15488xf32, #tpu.memory_space<vmem>>[vector<16xi32>], vector<16xf32>,
      %parallel_loop3A_563 = tpu.memref_slice %arg8[%parallel_loop3A_552] : memref<16512xf32, #tpu.memory_space<vmem>> -> memref<15488xf32, #tpu.memory_space<vmem>>
      %parallel_loop3A_564 = tpu.vector_load_idx %parallel_loop3A_563[%sub3A_20] : memref<15488xf32, #tpu.memory_space<vmem>>[vector<16xi32>], vector<16xf32>,
      %parallel_loop3A_565 = tpu.memref_slice %arg8[%parallel_loop3A_552] : memref<16512xf32, #tpu.memory_space<vmem>> -> memref<15488xf32, #tpu.memory_space<vmem>>
      %parallel_loop3A_566 = tpu.vector_load_idx %parallel_loop3A_565[%sub3A_23] : memref<15488xf32, #tpu.memory_space<vmem>>[vector<16xi32>], vector<16xf32>,
      %parallel_loop3A_567 = tpu.memref_slice %arg8[%parallel_loop3A_552] : memref<16512xf32, #tpu.memory_space<vmem>> -> memref<15488xf32, #tpu.memory_space<vmem>>
      %parallel_loop3A_568 = tpu.vector_load_idx %parallel_loop3A_567[%sub3A_26] : memref<15488xf32, #tpu.memory_space<vmem>>[vector<16xi32>], vector<16xf32>,
      %parallel_loop3A_569 = arith.addf %parallel_loop3A_554, %parallel_loop3A_556 : vector<16xf32>
      %parallel_loop3A_570 = arith.addf %parallel_loop3A_558, %parallel_loop3A_560 : vector<16xf32>
      %parallel_loop3A_571 = arith.addf %parallel_loop3A_562, %parallel_loop3A_564 : vector<16xf32>
      %parallel_loop3A_572 = arith.addf %parallel_loop3A_566, %parallel_loop3A_568 : vector<16xf32>
      %parallel_loop3A_573 = arith.addf %parallel_loop3A_569, %parallel_loop3A_570 : vector<16xf32>
      %parallel_loop3A_574 = arith.addf %parallel_loop3A_571, %parallel_loop3A_572 : vector<16xf32>
      %parallel_loop3A_575 = arith.addf %parallel_loop3A_569, %parallel_loop3A_558 : vector<16xf32>
      %parallel_loop3A_576 = arith.addf %parallel_loop3A_573, %parallel_loop3A_562 : vector<16xf32>
      %parallel_loop3A_577 = arith.addf %parallel_loop3A_573, %parallel_loop3A_571 : vector<16xf32>
      %parallel_loop3A_578 = arith.addf %parallel_loop3A_573, %parallel_loop3A_571 : vector<16xf32>
      %parallel_loop3A_579 = arith.addf %parallel_loop3A_578, %parallel_loop3A_566 : vector<16xf32>
      %parallel_loop3A_580 = arith.addf %parallel_loop3A_573, %parallel_loop3A_574 : vector<16xf32>
      %parallel_loop3A_581 = arith.addf %parallel_loop3A_550, %parallel_loop3A_554 : vector<16xf32>
      %parallel_loop3A_582 = arith.addf %parallel_loop3A_550, %parallel_loop3A_569 : vector<16xf32>
      %parallel_loop3A_583 = arith.addf %parallel_loop3A_550, %parallel_loop3A_575 : vector<16xf32>
      %parallel_loop3A_584 = arith.addf %parallel_loop3A_550, %parallel_loop3A_573 : vector<16xf32>
      %parallel_loop3A_585 = arith.addf %parallel_loop3A_550, %parallel_loop3A_576 : vector<16xf32>
      %parallel_loop3A_586 = arith.addf %parallel_loop3A_550, %parallel_loop3A_577 : vector<16xf32>
      %parallel_loop3A_587 = arith.addf %parallel_loop3A_550, %parallel_loop3A_579 : vector<16xf32>
      %parallel_loop3A_588 = arith.addf %parallel_loop3A_550, %parallel_loop3A_580 : vector<16xf32>
      %parallel_loop3A_589 = tpu.memref_slice %arg9[%parallel_loop3A_549] : memref<16512xf32, #tpu.memory_space<vmem>> -> memref<15488xf32, #tpu.memory_space<vmem>>
      tpu.vector_store_idx %parallel_loop3A_589[%add3A_29], %parallel_loop3A_581 : memref<15488xf32, #tpu.memory_space<vmem>>[vector<16xi32>], vector<16xf32>,
      %parallel_loop3A_590 = tpu.memref_slice %arg9[%parallel_loop3A_549] : memref<16512xf32, #tpu.memory_space<vmem>> -> memref<15488xf32, #tpu.memory_space<vmem>>
      tpu.vector_store_idx %parallel_loop3A_590[%add3A_32], %parallel_loop3A_582 : memref<15488xf32, #tpu.memory_space<vmem>>[vector<16xi32>], vector<16xf32>,
      %parallel_loop3A_591 = tpu.memref_slice %arg9[%parallel_loop3A_549] : memref<16512xf32, #tpu.memory_space<vmem>> -> memref<15488xf32, #tpu.memory_space<vmem>>
      tpu.vector_store_idx %parallel_loop3A_591[%add3A_35], %parallel_loop3A_583 : memref<15488xf32, #tpu.memory_space<vmem>>[vector<16xi32>], vector<16xf32>,
      %parallel_loop3A_592 = tpu.memref_slice %arg9[%parallel_loop3A_549] : memref<16512xf32, #tpu.memory_space<vmem>> -> memref<15488xf32, #tpu.memory_space<vmem>>
      tpu.vector_store_idx %parallel_loop3A_592[%add3A_38], %parallel_loop3A_584 : memref<15488xf32, #tpu.memory_space<vmem>>[vector<16xi32>], vector<16xf32>,
      %parallel_loop3A_593 = tpu.memref_slice %arg9[%parallel_loop3A_549] : memref<16512xf32, #tpu.memory_space<vmem>> -> memref<15488xf32, #tpu.memory_space<vmem>>
      tpu.vector_store_idx %parallel_loop3A_593[%add3A_41], %parallel_loop3A_585 : memref<15488xf32, #tpu.memory_space<vmem>>[vector<16xi32>], vector<16xf32>,
      %parallel_loop3A_594 = tpu.memref_slice %arg9[%parallel_loop3A_549] : memref<16512xf32, #tpu.memory_space<vmem>> -> memref<15488xf32, #tpu.memory_space<vmem>>
      tpu.vector_store_idx %parallel_loop3A_594[%add3A_44], %parallel_loop3A_586 : memref<15488xf32, #tpu.memory_space<vmem>>[vector<16xi32>], vector<16xf32>,
      %parallel_loop3A_595 = tpu.memref_slice %arg9[%parallel_loop3A_549] : memref<16512xf32, #tpu.memory_space<vmem>> -> memref<15488xf32, #tpu.memory_space<vmem>>
      tpu.vector_store_idx %parallel_loop3A_595[%add3A_47], %parallel_loop3A_587 : memref<15488xf32, #tpu.memory_space<vmem>>[vector<16xi32>], vector<16xf32>,
      %parallel_loop3A_596 = tpu.memref_slice %arg9[%parallel_loop3A_549] : memref<16512xf32, #tpu.memory_space<vmem>> -> memref<15488xf32, #tpu.memory_space<vmem>>
      tpu.vector_store_idx %parallel_loop3A_596[%add3A_50], %parallel_loop3A_588 : memref<15488xf32, #tpu.memory_space<vmem>>[vector<16xi32>], vector<16xf32>,
      scf.yield %parallel_loop3A_588 : vector<16xf32>
    } {sc.loop_unroll_factor = 2 : i64, sc.parallel_access}
    %scan3A_151 = arith.constant 0 : i32
    %scan3A_152 = arith.constant 0 : i32
    %scan3A_153 = arith.constant 16 : i32
    %scan3A_154 = arith.addi %scan3A_152, %scan3A_153 : i32
    %scan3A_155 = arith.constant 1 : i32
    %scan3A_156 = scf.for %scan3A_549 = %scan3A_152 to %scan3A_154 step %scan3A_155 iter_args(%scan3A_550 = %scan3A_151) -> (i32)  : i32 {
      %parallel_loop3A_551 = arith.constant 0 : i32
      %parallel_loop3A_552 = arith.constant 64 : i32
      %parallel_loop3A_553 = arith.constant 1 : i32
      %parallel_loop3A_554 = scf.for %parallel_loop3A_555 = %parallel_loop3A_551 to %parallel_loop3A_552 step %parallel_loop3A_553 iter_args(%parallel_loop3A_556 = %scan3A_550) -> (i32)  : i32 {
        %parallel_loop3A_557 = arith.constant 16 : i32
        %parallel_loop3A_558 = arith.muli %parallel_loop3A_555, %parallel_loop3A_557 : i32
        %parallel_loop3A_559 = arith.constant 1032 : i32
        %parallel_loop3A_560 = arith.muli %scan3A_549, %parallel_loop3A_559 : i32
        %parallel_loop3A_561 = arith.addi %parallel_loop3A_560, %parallel_loop3A_558 : i32
        %parallel_loop3A_562 = arith.index_cast %parallel_loop3A_561 : i32 to index
        %parallel_loop3A_563 = tpu.vector_load %arg9[%parallel_loop3A_562] {strides = array<i32>} : memref<16512xf32, #tpu.memory_space<vmem>>, vector<16xf32>,
        %parallel_loop3A_564 = arith.constant 1024 : i32
        %parallel_loop3A_565 = arith.muli %scan3A_549, %parallel_loop3A_564 : i32
        %parallel_loop3A_566 = arith.addi %parallel_loop3A_565, %parallel_loop3A_558 : i32
        %parallel_loop3A_567 = arith.index_cast %parallel_loop3A_566 : i32 to index
        %parallel_loop3A_568 = tpu.vector_load %arg7[%parallel_loop3A_567] {strides = array<i32>} : memref<16384xf32, #tpu.memory_space<vmem>>, vector<16xf32>,
        tpu.vector_store %arg7[%parallel_loop3A_567], %parallel_loop3A_563 {strides = array<i32>} : memref<16384xf32, #tpu.memory_space<vmem>>, vector<16xf32>,
        scf.yield %parallel_loop3A_556 : i32
      } {sc.loop_unroll_factor = 8 : i64, sc.parallel_access}
      scf.yield %parallel_loop3A_554 : i32
    }
    %scan3A_157 = arith.constant 16 : i32
    %add3A_158 = arith.addf %add3A_102, %reduce_sum3A_146 : f32
    %mul3A_159 = arith.constant 4 : i32
    %mul3A_160 = arith.muli %add3A, %mul3A_159 : i32
    %add3A_161 = arith.constant 0 : i32
    %add3A_162 = arith.addi %mul3A_160, %add3A_161 : i32
    %dma_start3A_163 = arith.constant 16384 : i32
    %dma_start3A_164 = tpu.memref_slice %arg3[%add3A_162, %dma_start3A_163] : memref<128x32768xf32, #tpu.memory_space<hbm>> -> memref<1x16384xf32, #tpu.memory_space<hbm>>
    %dma_start3A_165 = tpu.memref_squeeze %dma_start3A_164 : memref<1x16384xf32, #tpu.memory_space<hbm>> -> memref<16384xf32, #tpu.memory_space<hbm>>
    %dma_start3A_166 = arith.constant 16384 : i32
    %dma_start3A_167 = tpu.memref_slice %arg3[%add3A_162, %dma_start3A_166] : memref<128x32768xf32, #tpu.memory_space<hbm>> -> memref<1x16384xf32, #tpu.memory_space<hbm>>
    %dma_start3A_168 = tpu.memref_squeeze %dma_start3A_167 : memref<1x16384xf32, #tpu.memory_space<hbm>> -> memref<16384xf32, #tpu.memory_space<hbm>>
    tpu.enqueue_dma source(%arg7 : memref<16384xf32, #tpu.memory_space<vmem>>) target(%dma_start3A_168 : memref<16384xf32, #tpu.memory_space<hbm>>) target_semaphore(%arg13 : memref<!tpu.dma_semaphore, #tpu.memory_space<semaphore_mem>>)
    %mul3A_169 = arith.constant 4 : i32
    %mul3A_170 = arith.muli %add3A, %mul3A_169 : i32
    %add3A_171 = arith.constant 1 : i32
    %add3A_172 = arith.addi %mul3A_170, %add3A_171 : i32
    %dma_start3A_173 = arith.constant 0 : i32
    %dma_start3A_174 = tpu.memref_slice %arg2[%add3A_172, %dma_start3A_173] : memref<128x32768xf32, #tpu.memory_space<hbm>> -> memref<1x16384xf32, #tpu.memory_space<hbm>>
    %dma_start3A_175 = tpu.memref_squeeze %dma_start3A_174 : memref<1x16384xf32, #tpu.memory_space<hbm>> -> memref<16384xf32, #tpu.memory_space<hbm>>
    %dma_start3A_176 = arith.constant 0 : i32
    %dma_start3A_177 = tpu.memref_slice %arg2[%add3A_172, %dma_start3A_176] : memref<128x32768xf32, #tpu.memory_space<hbm>> -> memref<1x16384xf32, #tpu.memory_space<hbm>>
    %dma_start3A_178 = tpu.memref_squeeze %dma_start3A_177 : memref<1x16384xf32, #tpu.memory_space<hbm>> -> memref<16384xf32, #tpu.memory_space<hbm>>
    tpu.enqueue_dma source(%dma_start3A_178 : memref<16384xf32, #tpu.memory_space<hbm>>) target(%arg5 : memref<16384xf32, #tpu.memory_space<vmem>>) target_semaphore(%arg11 : memref<!tpu.dma_semaphore, #tpu.memory_space<semaphore_mem>>)
    %dma_wait3A_179 = arith.constant 16384 : i32
    %dma_wait3A_180 = tpu.memref_slice %arg2[%add3A_116, %dma_wait3A_179] : memref<128x32768xf32, #tpu.memory_space<hbm>> -> memref<1x16384xf32, #tpu.memory_space<hbm>>
    %dma_wait3A_181 = tpu.memref_squeeze %dma_wait3A_180 : memref<1x16384xf32, #tpu.memory_space<hbm>> -> memref<16384xf32, #tpu.memory_space<hbm>>
    %dma_wait3A_182 = arith.constant 16384 : i32
    %dma_wait3A_183 = tpu.memref_slice %arg2[%add3A_116, %dma_wait3A_182] : memref<128x32768xf32, #tpu.memory_space<hbm>> -> memref<1x16384xf32, #tpu.memory_space<hbm>>
    %dma_wait3A_184 = tpu.memref_squeeze %dma_wait3A_183 : memref<1x16384xf32, #tpu.memory_space<hbm>> -> memref<16384xf32, #tpu.memory_space<hbm>>
    tpu.wait_dma2 semaphore(%arg10 : memref<!tpu.dma_semaphore, #tpu.memory_space<semaphore_mem>>) src(%dma_wait3A_184 : memref<16384xf32, #tpu.memory_space<hbm>>) dst(%arg4 : memref<16384xf32, #tpu.memory_space<vmem>>)
    %dma_wait3A_185 = arith.constant 0 : i32
    %dma_wait3A_186 = tpu.memref_slice %arg3[%add3A_106, %dma_wait3A_185] : memref<128x32768xf32, #tpu.memory_space<hbm>> -> memref<1x16384xf32, #tpu.memory_space<hbm>>
    %dma_wait3A_187 = tpu.memref_squeeze %dma_wait3A_186 : memref<1x16384xf32, #tpu.memory_space<hbm>> -> memref<16384xf32, #tpu.memory_space<hbm>>
    %dma_wait3A_188 = arith.constant 0 : i32
    %dma_wait3A_189 = tpu.memref_slice %arg3[%add3A_106, %dma_wait3A_188] : memref<128x32768xf32, #tpu.memory_space<hbm>> -> memref<1x16384xf32, #tpu.memory_space<hbm>>
    %dma_wait3A_190 = tpu.memref_squeeze %dma_wait3A_189 : memref<1x16384xf32, #tpu.memory_space<hbm>> -> memref<16384xf32, #tpu.memory_space<hbm>>
    tpu.wait_dma2 semaphore(%arg12 : memref<!tpu.dma_semaphore, #tpu.memory_space<semaphore_mem>>) src(%arg6 : memref<16384xf32, #tpu.memory_space<vmem>>) dst(%dma_wait3A_190 : memref<16384xf32, #tpu.memory_space<hbm>>)
    %broadcast_in_dim3A_191 = arith.constant 0.000000e+00 : f32
    %broadcast_in_dim3A_192 = vector.broadcast %broadcast_in_dim3A_191 : f32 to vector<16xf32>
    %scan3A_193 = arith.constant 0 : i32
    %scan3A_194 = arith.constant 16 : i32
    %scan3A_195 = arith.addi %scan3A_193, %scan3A_194 : i32
    %scan3A_196 = arith.constant 1 : i32
    %scan3A_197 = scf.for %scan3A_549 = %scan3A_193 to %scan3A_195 step %scan3A_196 iter_args(%scan3A_550 = %broadcast_in_dim3A_192) -> (vector<16xf32>)  : i32 {
      %broadcast_in_dim3A_551 = arith.constant 0.000000e+00 : f32
      %broadcast_in_dim3A_552 = vector.broadcast %broadcast_in_dim3A_551 : f32 to vector<16xf32>
      %parallel_loop3A_553 = arith.constant 0 : i32
      %parallel_loop3A_554 = arith.constant 64 : i32
      %parallel_loop3A_555 = arith.constant 4 : i32
      %parallel_loop3A_556 = scf.for %parallel_loop3A_568 = %parallel_loop3A_553 to %parallel_loop3A_554 step %parallel_loop3A_555 iter_args(%parallel_loop3A_569 = %broadcast_in_dim3A_552) -> (vector<16xf32>)  : i32 {
        %parallel_loop3A_570 = arith.constant 16 : i32
        %parallel_loop3A_571 = arith.muli %parallel_loop3A_568, %parallel_loop3A_570 : i32
        %parallel_loop3A_572 = arith.constant 0 : i32
        %parallel_loop3A_573 = arith.addi %parallel_loop3A_571, %parallel_loop3A_572 : i32
        %parallel_loop3A_574 = arith.constant 1024 : i32
        %parallel_loop3A_575 = arith.muli %scan3A_549, %parallel_loop3A_574 : i32
        %parallel_loop3A_576 = arith.addi %parallel_loop3A_575, %parallel_loop3A_573 : i32
        %parallel_loop3A_577 = arith.index_cast %parallel_loop3A_576 : i32 to index
        %parallel_loop3A_578 = tpu.vector_load %arg4[%parallel_loop3A_577] {strides = array<i32>} : memref<16384xf32, #tpu.memory_space<vmem>>, vector<16xf32>,
        %parallel_loop3A_579 = arith.constant 1032 : i32
        %parallel_loop3A_580 = arith.muli %scan3A_549, %parallel_loop3A_579 : i32
        %parallel_loop3A_581 = arith.addi %parallel_loop3A_580, %parallel_loop3A_573 : i32
        %parallel_loop3A_582 = arith.index_cast %parallel_loop3A_581 : i32 to index
        %parallel_loop3A_583 = tpu.vector_load %arg8[%parallel_loop3A_582] {strides = array<i32>} : memref<16512xf32, #tpu.memory_space<vmem>>, vector<16xf32>,
        tpu.vector_store %arg8[%parallel_loop3A_582], %parallel_loop3A_578 {strides = array<i32>} : memref<16512xf32, #tpu.memory_space<vmem>>, vector<16xf32>,
        %parallel_loop3A_584 = arith.constant 16 : i32
        %parallel_loop3A_585 = arith.muli %parallel_loop3A_568, %parallel_loop3A_584 : i32
        %parallel_loop3A_586 = arith.constant 16 : i32
        %parallel_loop3A_587 = arith.addi %parallel_loop3A_585, %parallel_loop3A_586 : i32
        %parallel_loop3A_588 = arith.constant 1024 : i32
        %parallel_loop3A_589 = arith.muli %scan3A_549, %parallel_loop3A_588 : i32
        %parallel_loop3A_590 = arith.addi %parallel_loop3A_589, %parallel_loop3A_587 : i32
        %parallel_loop3A_591 = arith.index_cast %parallel_loop3A_590 : i32 to index
        %parallel_loop3A_592 = tpu.vector_load %arg4[%parallel_loop3A_591] {strides = array<i32>} : memref<16384xf32, #tpu.memory_space<vmem>>, vector<16xf32>,
        %parallel_loop3A_593 = arith.constant 1032 : i32
        %parallel_loop3A_594 = arith.muli %scan3A_549, %parallel_loop3A_593 : i32
        %parallel_loop3A_595 = arith.addi %parallel_loop3A_594, %parallel_loop3A_587 : i32
        %parallel_loop3A_596 = arith.index_cast %parallel_loop3A_595 : i32 to index
        %parallel_loop3A_597 = tpu.vector_load %arg8[%parallel_loop3A_596] {strides = array<i32>} : memref<16512xf32, #tpu.memory_space<vmem>>, vector<16xf32>,
        tpu.vector_store %arg8[%parallel_loop3A_596], %parallel_loop3A_592 {strides = array<i32>} : memref<16512xf32, #tpu.memory_space<vmem>>, vector<16xf32>,
        %parallel_loop3A_598 = arith.constant 16 : i32
        %parallel_loop3A_599 = arith.muli %parallel_loop3A_568, %parallel_loop3A_598 : i32
        %parallel_loop3A_600 = arith.constant 32 : i32
        %parallel_loop3A_601 = arith.addi %parallel_loop3A_599, %parallel_loop3A_600 : i32
        %parallel_loop3A_602 = arith.constant 1024 : i32
        %parallel_loop3A_603 = arith.muli %scan3A_549, %parallel_loop3A_602 : i32
        %parallel_loop3A_604 = arith.addi %parallel_loop3A_603, %parallel_loop3A_601 : i32
        %parallel_loop3A_605 = arith.index_cast %parallel_loop3A_604 : i32 to index
        %parallel_loop3A_606 = tpu.vector_load %arg4[%parallel_loop3A_605] {strides = array<i32>} : memref<16384xf32, #tpu.memory_space<vmem>>, vector<16xf32>,
        %parallel_loop3A_607 = arith.constant 1032 : i32
        %parallel_loop3A_608 = arith.muli %scan3A_549, %parallel_loop3A_607 : i32
        %parallel_loop3A_609 = arith.addi %parallel_loop3A_608, %parallel_loop3A_601 : i32
        %parallel_loop3A_610 = arith.index_cast %parallel_loop3A_609 : i32 to index
        %parallel_loop3A_611 = tpu.vector_load %arg8[%parallel_loop3A_610] {strides = array<i32>} : memref<16512xf32, #tpu.memory_space<vmem>>, vector<16xf32>,
        tpu.vector_store %arg8[%parallel_loop3A_610], %parallel_loop3A_606 {strides = array<i32>} : memref<16512xf32, #tpu.memory_space<vmem>>, vector<16xf32>,
        %parallel_loop3A_612 = arith.constant 16 : i32
        %parallel_loop3A_613 = arith.muli %parallel_loop3A_568, %parallel_loop3A_612 : i32
        %parallel_loop3A_614 = arith.constant 48 : i32
        %parallel_loop3A_615 = arith.addi %parallel_loop3A_613, %parallel_loop3A_614 : i32
        %parallel_loop3A_616 = arith.constant 1024 : i32
        %parallel_loop3A_617 = arith.muli %scan3A_549, %parallel_loop3A_616 : i32
        %parallel_loop3A_618 = arith.addi %parallel_loop3A_617, %parallel_loop3A_615 : i32
        %parallel_loop3A_619 = arith.index_cast %parallel_loop3A_618 : i32 to index
        %parallel_loop3A_620 = tpu.vector_load %arg4[%parallel_loop3A_619] {strides = array<i32>} : memref<16384xf32, #tpu.memory_space<vmem>>, vector<16xf32>,
        %parallel_loop3A_621 = arith.constant 1032 : i32
        %parallel_loop3A_622 = arith.muli %scan3A_549, %parallel_loop3A_621 : i32
        %parallel_loop3A_623 = arith.addi %parallel_loop3A_622, %parallel_loop3A_615 : i32
        %parallel_loop3A_624 = arith.index_cast %parallel_loop3A_623 : i32 to index
        %parallel_loop3A_625 = tpu.vector_load %arg8[%parallel_loop3A_624] {strides = array<i32>} : memref<16512xf32, #tpu.memory_space<vmem>>, vector<16xf32>,
        tpu.vector_store %arg8[%parallel_loop3A_624], %parallel_loop3A_620 {strides = array<i32>} : memref<16512xf32, #tpu.memory_space<vmem>>, vector<16xf32>,
        %parallel_loop3A_626 = arith.addf %parallel_loop3A_578, %parallel_loop3A_592 : vector<16xf32>
        %parallel_loop3A_627 = arith.addf %parallel_loop3A_606, %parallel_loop3A_620 : vector<16xf32>
        %parallel_loop3A_628 = arith.addf %parallel_loop3A_626, %parallel_loop3A_627 : vector<16xf32>
        %parallel_loop3A_629 = arith.addf %parallel_loop3A_569, %parallel_loop3A_628 : vector<16xf32>
        scf.yield %parallel_loop3A_629 : vector<16xf32>
      } {sc.loop_unroll_factor = 2 : i64, sc.parallel_access}
      %sub3A_557 = arith.constant 15 : i32
      %sub3A_558 = arith.subi %sub3A_557, %scan3A_549 : i32
      %eq3A = vector.broadcast %sub3A_558 : i32 to vector<16xi32>
      %eq3A_559 = arith.cmpi eq, %iota3A_4, %eq3A : vector<16xi32>
      %reduce_sum3A_560 = arith.constant true
      %reduce_sum3A_561 = vector.broadcast %reduce_sum3A_560 : i1 to vector<16xi1>
      %reduce_sum3A_562 = tpu.scan <sum>, %parallel_loop3A_556 masked %reduce_sum3A_561 : vector<16xf32>, vector<16xi1> -> vector<16xf32>
      %reduce_sum3A_563 = vector.extract %reduce_sum3A_562[15] : f32 from vector<16xf32>
      %broadcast_in_dim3A_564 = vector.broadcast %reduce_sum3A_563 : f32 to vector<16xf32>
      %broadcast_in_dim3A_565 = arith.constant 0.000000e+00 : f32
      %broadcast_in_dim3A_566 = vector.broadcast %broadcast_in_dim3A_565 : f32 to vector<16xf32>
      %select_n3A = arith.select %eq3A_559, %broadcast_in_dim3A_564, %broadcast_in_dim3A_566 : vector<16xi1>, vector<16xf32>
      %add3A_567 = arith.addf %scan3A_550, %select_n3A : vector<16xf32>
      scf.yield %add3A_567 : vector<16xf32>
    }
    %scan3A_198 = arith.constant 16 : i32
    %broadcast_in_dim3A_199 = arith.constant true
    %broadcast_in_dim3A_200 = vector.broadcast %broadcast_in_dim3A_199 : i1 to vector<16xi1>
    %masked_cumsum3A_201 = tpu.scan <sum>, %scan3A_197 masked %broadcast_in_dim3A_200 : vector<16xf32>, vector<16xi1> -> vector<16xf32>
    %sub3A_202 = arith.subf %masked_cumsum3A_201, %scan3A_197 : vector<16xf32>
    %add3A_203 = arith.constant 0.000000e+00 : f32
    %add3A_204 = vector.broadcast %add3A_203 : f32 to vector<16xf32>
    %add3A_205 = arith.addf %sub3A_202, %add3A_204 : vector<16xf32>
    %reduce_sum3A_206 = arith.constant true
    %reduce_sum3A_207 = vector.broadcast %reduce_sum3A_206 : i1 to vector<16xi1>
    %reduce_sum3A_208 = tpu.scan <sum>, %scan3A_197 masked %reduce_sum3A_207 : vector<16xf32>, vector<16xi1> -> vector<16xf32>
    %reduce_sum3A_209 = vector.extract %reduce_sum3A_208[15] : f32 from vector<16xf32>
    %parallel_loop3A_210 = arith.constant 0 : i32
    %parallel_loop3A_211 = arith.constant 1024 : i32
    %parallel_loop3A_212 = arith.constant 8 : i32
    %parallel_loop3A_213 = scf.for %parallel_loop3A_549 = %parallel_loop3A_210 to %parallel_loop3A_211 step %parallel_loop3A_212 iter_args(%parallel_loop3A_550 = %add3A_205) -> (vector<16xf32>)  : i32 {
      %parallel_loop3A_551 = arith.constant 1016 : i32
      %parallel_loop3A_552 = arith.subi %parallel_loop3A_551, %parallel_loop3A_549 : i32
      %parallel_loop3A_553 = tpu.memref_slice %arg8[%parallel_loop3A_552] : memref<16512xf32, #tpu.memory_space<vmem>> -> memref<15488xf32, #tpu.memory_space<vmem>>
      %parallel_loop3A_554 = tpu.vector_load_idx %parallel_loop3A_553[%sub3A] : memref<15488xf32, #tpu.memory_space<vmem>>[vector<16xi32>], vector<16xf32>,
      %parallel_loop3A_555 = tpu.memref_slice %arg8[%parallel_loop3A_552] : memref<16512xf32, #tpu.memory_space<vmem>> -> memref<15488xf32, #tpu.memory_space<vmem>>
      %parallel_loop3A_556 = tpu.vector_load_idx %parallel_loop3A_555[%sub3A_8] : memref<15488xf32, #tpu.memory_space<vmem>>[vector<16xi32>], vector<16xf32>,
      %parallel_loop3A_557 = tpu.memref_slice %arg8[%parallel_loop3A_552] : memref<16512xf32, #tpu.memory_space<vmem>> -> memref<15488xf32, #tpu.memory_space<vmem>>
      %parallel_loop3A_558 = tpu.vector_load_idx %parallel_loop3A_557[%sub3A_11] : memref<15488xf32, #tpu.memory_space<vmem>>[vector<16xi32>], vector<16xf32>,
      %parallel_loop3A_559 = tpu.memref_slice %arg8[%parallel_loop3A_552] : memref<16512xf32, #tpu.memory_space<vmem>> -> memref<15488xf32, #tpu.memory_space<vmem>>
      %parallel_loop3A_560 = tpu.vector_load_idx %parallel_loop3A_559[%sub3A_14] : memref<15488xf32, #tpu.memory_space<vmem>>[vector<16xi32>], vector<16xf32>,
      %parallel_loop3A_561 = tpu.memref_slice %arg8[%parallel_loop3A_552] : memref<16512xf32, #tpu.memory_space<vmem>> -> memref<15488xf32, #tpu.memory_space<vmem>>
      %parallel_loop3A_562 = tpu.vector_load_idx %parallel_loop3A_561[%sub3A_17] : memref<15488xf32, #tpu.memory_space<vmem>>[vector<16xi32>], vector<16xf32>,
      %parallel_loop3A_563 = tpu.memref_slice %arg8[%parallel_loop3A_552] : memref<16512xf32, #tpu.memory_space<vmem>> -> memref<15488xf32, #tpu.memory_space<vmem>>
      %parallel_loop3A_564 = tpu.vector_load_idx %parallel_loop3A_563[%sub3A_20] : memref<15488xf32, #tpu.memory_space<vmem>>[vector<16xi32>], vector<16xf32>,
      %parallel_loop3A_565 = tpu.memref_slice %arg8[%parallel_loop3A_552] : memref<16512xf32, #tpu.memory_space<vmem>> -> memref<15488xf32, #tpu.memory_space<vmem>>
      %parallel_loop3A_566 = tpu.vector_load_idx %parallel_loop3A_565[%sub3A_23] : memref<15488xf32, #tpu.memory_space<vmem>>[vector<16xi32>], vector<16xf32>,
      %parallel_loop3A_567 = tpu.memref_slice %arg8[%parallel_loop3A_552] : memref<16512xf32, #tpu.memory_space<vmem>> -> memref<15488xf32, #tpu.memory_space<vmem>>
      %parallel_loop3A_568 = tpu.vector_load_idx %parallel_loop3A_567[%sub3A_26] : memref<15488xf32, #tpu.memory_space<vmem>>[vector<16xi32>], vector<16xf32>,
      %parallel_loop3A_569 = arith.addf %parallel_loop3A_554, %parallel_loop3A_556 : vector<16xf32>
      %parallel_loop3A_570 = arith.addf %parallel_loop3A_558, %parallel_loop3A_560 : vector<16xf32>
      %parallel_loop3A_571 = arith.addf %parallel_loop3A_562, %parallel_loop3A_564 : vector<16xf32>
      %parallel_loop3A_572 = arith.addf %parallel_loop3A_566, %parallel_loop3A_568 : vector<16xf32>
      %parallel_loop3A_573 = arith.addf %parallel_loop3A_569, %parallel_loop3A_570 : vector<16xf32>
      %parallel_loop3A_574 = arith.addf %parallel_loop3A_571, %parallel_loop3A_572 : vector<16xf32>
      %parallel_loop3A_575 = arith.addf %parallel_loop3A_569, %parallel_loop3A_558 : vector<16xf32>
      %parallel_loop3A_576 = arith.addf %parallel_loop3A_573, %parallel_loop3A_562 : vector<16xf32>
      %parallel_loop3A_577 = arith.addf %parallel_loop3A_573, %parallel_loop3A_571 : vector<16xf32>
      %parallel_loop3A_578 = arith.addf %parallel_loop3A_573, %parallel_loop3A_571 : vector<16xf32>
      %parallel_loop3A_579 = arith.addf %parallel_loop3A_578, %parallel_loop3A_566 : vector<16xf32>
      %parallel_loop3A_580 = arith.addf %parallel_loop3A_573, %parallel_loop3A_574 : vector<16xf32>
      %parallel_loop3A_581 = arith.addf %parallel_loop3A_550, %parallel_loop3A_554 : vector<16xf32>
      %parallel_loop3A_582 = arith.addf %parallel_loop3A_550, %parallel_loop3A_569 : vector<16xf32>
      %parallel_loop3A_583 = arith.addf %parallel_loop3A_550, %parallel_loop3A_575 : vector<16xf32>
      %parallel_loop3A_584 = arith.addf %parallel_loop3A_550, %parallel_loop3A_573 : vector<16xf32>
      %parallel_loop3A_585 = arith.addf %parallel_loop3A_550, %parallel_loop3A_576 : vector<16xf32>
      %parallel_loop3A_586 = arith.addf %parallel_loop3A_550, %parallel_loop3A_577 : vector<16xf32>
      %parallel_loop3A_587 = arith.addf %parallel_loop3A_550, %parallel_loop3A_579 : vector<16xf32>
      %parallel_loop3A_588 = arith.addf %parallel_loop3A_550, %parallel_loop3A_580 : vector<16xf32>
      %parallel_loop3A_589 = tpu.memref_slice %arg9[%parallel_loop3A_549] : memref<16512xf32, #tpu.memory_space<vmem>> -> memref<15488xf32, #tpu.memory_space<vmem>>
      tpu.vector_store_idx %parallel_loop3A_589[%add3A_29], %parallel_loop3A_581 : memref<15488xf32, #tpu.memory_space<vmem>>[vector<16xi32>], vector<16xf32>,
      %parallel_loop3A_590 = tpu.memref_slice %arg9[%parallel_loop3A_549] : memref<16512xf32, #tpu.memory_space<vmem>> -> memref<15488xf32, #tpu.memory_space<vmem>>
      tpu.vector_store_idx %parallel_loop3A_590[%add3A_32], %parallel_loop3A_582 : memref<15488xf32, #tpu.memory_space<vmem>>[vector<16xi32>], vector<16xf32>,
      %parallel_loop3A_591 = tpu.memref_slice %arg9[%parallel_loop3A_549] : memref<16512xf32, #tpu.memory_space<vmem>> -> memref<15488xf32, #tpu.memory_space<vmem>>
      tpu.vector_store_idx %parallel_loop3A_591[%add3A_35], %parallel_loop3A_583 : memref<15488xf32, #tpu.memory_space<vmem>>[vector<16xi32>], vector<16xf32>,
      %parallel_loop3A_592 = tpu.memref_slice %arg9[%parallel_loop3A_549] : memref<16512xf32, #tpu.memory_space<vmem>> -> memref<15488xf32, #tpu.memory_space<vmem>>
      tpu.vector_store_idx %parallel_loop3A_592[%add3A_38], %parallel_loop3A_584 : memref<15488xf32, #tpu.memory_space<vmem>>[vector<16xi32>], vector<16xf32>,
      %parallel_loop3A_593 = tpu.memref_slice %arg9[%parallel_loop3A_549] : memref<16512xf32, #tpu.memory_space<vmem>> -> memref<15488xf32, #tpu.memory_space<vmem>>
      tpu.vector_store_idx %parallel_loop3A_593[%add3A_41], %parallel_loop3A_585 : memref<15488xf32, #tpu.memory_space<vmem>>[vector<16xi32>], vector<16xf32>,
      %parallel_loop3A_594 = tpu.memref_slice %arg9[%parallel_loop3A_549] : memref<16512xf32, #tpu.memory_space<vmem>> -> memref<15488xf32, #tpu.memory_space<vmem>>
      tpu.vector_store_idx %parallel_loop3A_594[%add3A_44], %parallel_loop3A_586 : memref<15488xf32, #tpu.memory_space<vmem>>[vector<16xi32>], vector<16xf32>,
      %parallel_loop3A_595 = tpu.memref_slice %arg9[%parallel_loop3A_549] : memref<16512xf32, #tpu.memory_space<vmem>> -> memref<15488xf32, #tpu.memory_space<vmem>>
      tpu.vector_store_idx %parallel_loop3A_595[%add3A_47], %parallel_loop3A_587 : memref<15488xf32, #tpu.memory_space<vmem>>[vector<16xi32>], vector<16xf32>,
      %parallel_loop3A_596 = tpu.memref_slice %arg9[%parallel_loop3A_549] : memref<16512xf32, #tpu.memory_space<vmem>> -> memref<15488xf32, #tpu.memory_space<vmem>>
      tpu.vector_store_idx %parallel_loop3A_596[%add3A_50], %parallel_loop3A_588 : memref<15488xf32, #tpu.memory_space<vmem>>[vector<16xi32>], vector<16xf32>,
      scf.yield %parallel_loop3A_588 : vector<16xf32>
    } {sc.loop_unroll_factor = 2 : i64, sc.parallel_access}
    %scan3A_214 = arith.constant 0 : i32
    %scan3A_215 = arith.constant 0 : i32
    %scan3A_216 = arith.constant 16 : i32
    %scan3A_217 = arith.addi %scan3A_215, %scan3A_216 : i32
    %scan3A_218 = arith.constant 1 : i32
    %scan3A_219 = scf.for %scan3A_549 = %scan3A_215 to %scan3A_217 step %scan3A_218 iter_args(%scan3A_550 = %scan3A_214) -> (i32)  : i32 {
      %parallel_loop3A_551 = arith.constant 0 : i32
      %parallel_loop3A_552 = arith.constant 64 : i32
      %parallel_loop3A_553 = arith.constant 1 : i32
      %parallel_loop3A_554 = scf.for %parallel_loop3A_555 = %parallel_loop3A_551 to %parallel_loop3A_552 step %parallel_loop3A_553 iter_args(%parallel_loop3A_556 = %scan3A_550) -> (i32)  : i32 {
        %parallel_loop3A_557 = arith.constant 16 : i32
        %parallel_loop3A_558 = arith.muli %parallel_loop3A_555, %parallel_loop3A_557 : i32
        %parallel_loop3A_559 = arith.constant 1032 : i32
        %parallel_loop3A_560 = arith.muli %scan3A_549, %parallel_loop3A_559 : i32
        %parallel_loop3A_561 = arith.addi %parallel_loop3A_560, %parallel_loop3A_558 : i32
        %parallel_loop3A_562 = arith.index_cast %parallel_loop3A_561 : i32 to index
        %parallel_loop3A_563 = tpu.vector_load %arg9[%parallel_loop3A_562] {strides = array<i32>} : memref<16512xf32, #tpu.memory_space<vmem>>, vector<16xf32>,
        %parallel_loop3A_564 = arith.constant 1024 : i32
        %parallel_loop3A_565 = arith.muli %scan3A_549, %parallel_loop3A_564 : i32
        %parallel_loop3A_566 = arith.addi %parallel_loop3A_565, %parallel_loop3A_558 : i32
        %parallel_loop3A_567 = arith.index_cast %parallel_loop3A_566 : i32 to index
        %parallel_loop3A_568 = tpu.vector_load %arg6[%parallel_loop3A_567] {strides = array<i32>} : memref<16384xf32, #tpu.memory_space<vmem>>, vector<16xf32>,
        tpu.vector_store %arg6[%parallel_loop3A_567], %parallel_loop3A_563 {strides = array<i32>} : memref<16384xf32, #tpu.memory_space<vmem>>, vector<16xf32>,
        scf.yield %parallel_loop3A_556 : i32
      } {sc.loop_unroll_factor = 8 : i64, sc.parallel_access}
      scf.yield %parallel_loop3A_554 : i32
    }
    %scan3A_220 = arith.constant 16 : i32
    %add3A_221 = arith.constant 0.000000e+00 : f32
    %add3A_222 = arith.addf %add3A_221, %reduce_sum3A_209 : f32
    %mul3A_223 = arith.constant 4 : i32
    %mul3A_224 = arith.muli %add3A, %mul3A_223 : i32
    %add3A_225 = arith.constant 1 : i32
    %add3A_226 = arith.addi %mul3A_224, %add3A_225 : i32
    %dma_start3A_227 = arith.constant 0 : i32
    %dma_start3A_228 = tpu.memref_slice %arg3[%add3A_226, %dma_start3A_227] : memref<128x32768xf32, #tpu.memory_space<hbm>> -> memref<1x16384xf32, #tpu.memory_space<hbm>>
    %dma_start3A_229 = tpu.memref_squeeze %dma_start3A_228 : memref<1x16384xf32, #tpu.memory_space<hbm>> -> memref<16384xf32, #tpu.memory_space<hbm>>
    %dma_start3A_230 = arith.constant 0 : i32
    %dma_start3A_231 = tpu.memref_slice %arg3[%add3A_226, %dma_start3A_230] : memref<128x32768xf32, #tpu.memory_space<hbm>> -> memref<1x16384xf32, #tpu.memory_space<hbm>>
    %dma_start3A_232 = tpu.memref_squeeze %dma_start3A_231 : memref<1x16384xf32, #tpu.memory_space<hbm>> -> memref<16384xf32, #tpu.memory_space<hbm>>
    tpu.enqueue_dma source(%arg6 : memref<16384xf32, #tpu.memory_space<vmem>>) target(%dma_start3A_232 : memref<16384xf32, #tpu.memory_space<hbm>>) target_semaphore(%arg12 : memref<!tpu.dma_semaphore, #tpu.memory_space<semaphore_mem>>)
    %mul3A_233 = arith.constant 4 : i32
    %mul3A_234 = arith.muli %add3A, %mul3A_233 : i32
    %add3A_235 = arith.constant 2 : i32
    %add3A_236 = arith.addi %mul3A_234, %add3A_235 : i32
    %dma_start3A_237 = arith.constant 16384 : i32
    %dma_start3A_238 = tpu.memref_slice %arg2[%add3A_236, %dma_start3A_237] : memref<128x32768xf32, #tpu.memory_space<hbm>> -> memref<1x16384xf32, #tpu.memory_space<hbm>>
    %dma_start3A_239 = tpu.memref_squeeze %dma_start3A_238 : memref<1x16384xf32, #tpu.memory_space<hbm>> -> memref<16384xf32, #tpu.memory_space<hbm>>
    %dma_start3A_240 = arith.constant 16384 : i32
    %dma_start3A_241 = tpu.memref_slice %arg2[%add3A_236, %dma_start3A_240] : memref<128x32768xf32, #tpu.memory_space<hbm>> -> memref<1x16384xf32, #tpu.memory_space<hbm>>
    %dma_start3A_242 = tpu.memref_squeeze %dma_start3A_241 : memref<1x16384xf32, #tpu.memory_space<hbm>> -> memref<16384xf32, #tpu.memory_space<hbm>>
    tpu.enqueue_dma source(%dma_start3A_242 : memref<16384xf32, #tpu.memory_space<hbm>>) target(%arg4 : memref<16384xf32, #tpu.memory_space<vmem>>) target_semaphore(%arg10 : memref<!tpu.dma_semaphore, #tpu.memory_space<semaphore_mem>>)
    %dma_wait3A_243 = arith.constant 0 : i32
    %dma_wait3A_244 = tpu.memref_slice %arg2[%add3A_172, %dma_wait3A_243] : memref<128x32768xf32, #tpu.memory_space<hbm>> -> memref<1x16384xf32, #tpu.memory_space<hbm>>
    %dma_wait3A_245 = tpu.memref_squeeze %dma_wait3A_244 : memref<1x16384xf32, #tpu.memory_space<hbm>> -> memref<16384xf32, #tpu.memory_space<hbm>>
    %dma_wait3A_246 = arith.constant 0 : i32
    %dma_wait3A_247 = tpu.memref_slice %arg2[%add3A_172, %dma_wait3A_246] : memref<128x32768xf32, #tpu.memory_space<hbm>> -> memref<1x16384xf32, #tpu.memory_space<hbm>>
    %dma_wait3A_248 = tpu.memref_squeeze %dma_wait3A_247 : memref<1x16384xf32, #tpu.memory_space<hbm>> -> memref<16384xf32, #tpu.memory_space<hbm>>
    tpu.wait_dma2 semaphore(%arg11 : memref<!tpu.dma_semaphore, #tpu.memory_space<semaphore_mem>>) src(%dma_wait3A_248 : memref<16384xf32, #tpu.memory_space<hbm>>) dst(%arg5 : memref<16384xf32, #tpu.memory_space<vmem>>)
    %dma_wait3A_249 = arith.constant 16384 : i32
    %dma_wait3A_250 = tpu.memref_slice %arg3[%add3A_162, %dma_wait3A_249] : memref<128x32768xf32, #tpu.memory_space<hbm>> -> memref<1x16384xf32, #tpu.memory_space<hbm>>
    %dma_wait3A_251 = tpu.memref_squeeze %dma_wait3A_250 : memref<1x16384xf32, #tpu.memory_space<hbm>> -> memref<16384xf32, #tpu.memory_space<hbm>>
    %dma_wait3A_252 = arith.constant 16384 : i32
    %dma_wait3A_253 = tpu.memref_slice %arg3[%add3A_162, %dma_wait3A_252] : memref<128x32768xf32, #tpu.memory_space<hbm>> -> memref<1x16384xf32, #tpu.memory_space<hbm>>
    %dma_wait3A_254 = tpu.memref_squeeze %dma_wait3A_253 : memref<1x16384xf32, #tpu.memory_space<hbm>> -> memref<16384xf32, #tpu.memory_space<hbm>>
    tpu.wait_dma2 semaphore(%arg13 : memref<!tpu.dma_semaphore, #tpu.memory_space<semaphore_mem>>) src(%arg7 : memref<16384xf32, #tpu.memory_space<vmem>>) dst(%dma_wait3A_254 : memref<16384xf32, #tpu.memory_space<hbm>>)
    %broadcast_in_dim3A_255 = arith.constant 0.000000e+00 : f32
    %broadcast_in_dim3A_256 = vector.broadcast %broadcast_in_dim3A_255 : f32 to vector<16xf32>
    %scan3A_257 = arith.constant 0 : i32
    %scan3A_258 = arith.constant 16 : i32
    %scan3A_259 = arith.addi %scan3A_257, %scan3A_258 : i32
    %scan3A_260 = arith.constant 1 : i32
    %scan3A_261 = scf.for %scan3A_549 = %scan3A_257 to %scan3A_259 step %scan3A_260 iter_args(%scan3A_550 = %broadcast_in_dim3A_256) -> (vector<16xf32>)  : i32 {
      %broadcast_in_dim3A_551 = arith.constant 0.000000e+00 : f32
      %broadcast_in_dim3A_552 = vector.broadcast %broadcast_in_dim3A_551 : f32 to vector<16xf32>
      %parallel_loop3A_553 = arith.constant 0 : i32
      %parallel_loop3A_554 = arith.constant 64 : i32
      %parallel_loop3A_555 = arith.constant 4 : i32
      %parallel_loop3A_556 = scf.for %parallel_loop3A_568 = %parallel_loop3A_553 to %parallel_loop3A_554 step %parallel_loop3A_555 iter_args(%parallel_loop3A_569 = %broadcast_in_dim3A_552) -> (vector<16xf32>)  : i32 {
        %parallel_loop3A_570 = arith.constant 16 : i32
        %parallel_loop3A_571 = arith.muli %parallel_loop3A_568, %parallel_loop3A_570 : i32
        %parallel_loop3A_572 = arith.constant 0 : i32
        %parallel_loop3A_573 = arith.addi %parallel_loop3A_571, %parallel_loop3A_572 : i32
        %parallel_loop3A_574 = arith.constant 1024 : i32
        %parallel_loop3A_575 = arith.muli %scan3A_549, %parallel_loop3A_574 : i32
        %parallel_loop3A_576 = arith.addi %parallel_loop3A_575, %parallel_loop3A_573 : i32
        %parallel_loop3A_577 = arith.index_cast %parallel_loop3A_576 : i32 to index
        %parallel_loop3A_578 = tpu.vector_load %arg5[%parallel_loop3A_577] {strides = array<i32>} : memref<16384xf32, #tpu.memory_space<vmem>>, vector<16xf32>,
        %parallel_loop3A_579 = arith.constant 1032 : i32
        %parallel_loop3A_580 = arith.muli %scan3A_549, %parallel_loop3A_579 : i32
        %parallel_loop3A_581 = arith.addi %parallel_loop3A_580, %parallel_loop3A_573 : i32
        %parallel_loop3A_582 = arith.index_cast %parallel_loop3A_581 : i32 to index
        %parallel_loop3A_583 = tpu.vector_load %arg8[%parallel_loop3A_582] {strides = array<i32>} : memref<16512xf32, #tpu.memory_space<vmem>>, vector<16xf32>,
        tpu.vector_store %arg8[%parallel_loop3A_582], %parallel_loop3A_578 {strides = array<i32>} : memref<16512xf32, #tpu.memory_space<vmem>>, vector<16xf32>,
        %parallel_loop3A_584 = arith.constant 16 : i32
        %parallel_loop3A_585 = arith.muli %parallel_loop3A_568, %parallel_loop3A_584 : i32
        %parallel_loop3A_586 = arith.constant 16 : i32
        %parallel_loop3A_587 = arith.addi %parallel_loop3A_585, %parallel_loop3A_586 : i32
        %parallel_loop3A_588 = arith.constant 1024 : i32
        %parallel_loop3A_589 = arith.muli %scan3A_549, %parallel_loop3A_588 : i32
        %parallel_loop3A_590 = arith.addi %parallel_loop3A_589, %parallel_loop3A_587 : i32
        %parallel_loop3A_591 = arith.index_cast %parallel_loop3A_590 : i32 to index
        %parallel_loop3A_592 = tpu.vector_load %arg5[%parallel_loop3A_591] {strides = array<i32>} : memref<16384xf32, #tpu.memory_space<vmem>>, vector<16xf32>,
        %parallel_loop3A_593 = arith.constant 1032 : i32
        %parallel_loop3A_594 = arith.muli %scan3A_549, %parallel_loop3A_593 : i32
        %parallel_loop3A_595 = arith.addi %parallel_loop3A_594, %parallel_loop3A_587 : i32
        %parallel_loop3A_596 = arith.index_cast %parallel_loop3A_595 : i32 to index
        %parallel_loop3A_597 = tpu.vector_load %arg8[%parallel_loop3A_596] {strides = array<i32>} : memref<16512xf32, #tpu.memory_space<vmem>>, vector<16xf32>,
        tpu.vector_store %arg8[%parallel_loop3A_596], %parallel_loop3A_592 {strides = array<i32>} : memref<16512xf32, #tpu.memory_space<vmem>>, vector<16xf32>,
        %parallel_loop3A_598 = arith.constant 16 : i32
        %parallel_loop3A_599 = arith.muli %parallel_loop3A_568, %parallel_loop3A_598 : i32
        %parallel_loop3A_600 = arith.constant 32 : i32
        %parallel_loop3A_601 = arith.addi %parallel_loop3A_599, %parallel_loop3A_600 : i32
        %parallel_loop3A_602 = arith.constant 1024 : i32
        %parallel_loop3A_603 = arith.muli %scan3A_549, %parallel_loop3A_602 : i32
        %parallel_loop3A_604 = arith.addi %parallel_loop3A_603, %parallel_loop3A_601 : i32
        %parallel_loop3A_605 = arith.index_cast %parallel_loop3A_604 : i32 to index
        %parallel_loop3A_606 = tpu.vector_load %arg5[%parallel_loop3A_605] {strides = array<i32>} : memref<16384xf32, #tpu.memory_space<vmem>>, vector<16xf32>,
        %parallel_loop3A_607 = arith.constant 1032 : i32
        %parallel_loop3A_608 = arith.muli %scan3A_549, %parallel_loop3A_607 : i32
        %parallel_loop3A_609 = arith.addi %parallel_loop3A_608, %parallel_loop3A_601 : i32
        %parallel_loop3A_610 = arith.index_cast %parallel_loop3A_609 : i32 to index
        %parallel_loop3A_611 = tpu.vector_load %arg8[%parallel_loop3A_610] {strides = array<i32>} : memref<16512xf32, #tpu.memory_space<vmem>>, vector<16xf32>,
        tpu.vector_store %arg8[%parallel_loop3A_610], %parallel_loop3A_606 {strides = array<i32>} : memref<16512xf32, #tpu.memory_space<vmem>>, vector<16xf32>,
        %parallel_loop3A_612 = arith.constant 16 : i32
        %parallel_loop3A_613 = arith.muli %parallel_loop3A_568, %parallel_loop3A_612 : i32
        %parallel_loop3A_614 = arith.constant 48 : i32
        %parallel_loop3A_615 = arith.addi %parallel_loop3A_613, %parallel_loop3A_614 : i32
        %parallel_loop3A_616 = arith.constant 1024 : i32
        %parallel_loop3A_617 = arith.muli %scan3A_549, %parallel_loop3A_616 : i32
        %parallel_loop3A_618 = arith.addi %parallel_loop3A_617, %parallel_loop3A_615 : i32
        %parallel_loop3A_619 = arith.index_cast %parallel_loop3A_618 : i32 to index
        %parallel_loop3A_620 = tpu.vector_load %arg5[%parallel_loop3A_619] {strides = array<i32>} : memref<16384xf32, #tpu.memory_space<vmem>>, vector<16xf32>,
        %parallel_loop3A_621 = arith.constant 1032 : i32
        %parallel_loop3A_622 = arith.muli %scan3A_549, %parallel_loop3A_621 : i32
        %parallel_loop3A_623 = arith.addi %parallel_loop3A_622, %parallel_loop3A_615 : i32
        %parallel_loop3A_624 = arith.index_cast %parallel_loop3A_623 : i32 to index
        %parallel_loop3A_625 = tpu.vector_load %arg8[%parallel_loop3A_624] {strides = array<i32>} : memref<16512xf32, #tpu.memory_space<vmem>>, vector<16xf32>,
        tpu.vector_store %arg8[%parallel_loop3A_624], %parallel_loop3A_620 {strides = array<i32>} : memref<16512xf32, #tpu.memory_space<vmem>>, vector<16xf32>,
        %parallel_loop3A_626 = arith.addf %parallel_loop3A_578, %parallel_loop3A_592 : vector<16xf32>
        %parallel_loop3A_627 = arith.addf %parallel_loop3A_606, %parallel_loop3A_620 : vector<16xf32>
        %parallel_loop3A_628 = arith.addf %parallel_loop3A_626, %parallel_loop3A_627 : vector<16xf32>
        %parallel_loop3A_629 = arith.addf %parallel_loop3A_569, %parallel_loop3A_628 : vector<16xf32>
        scf.yield %parallel_loop3A_629 : vector<16xf32>
      } {sc.loop_unroll_factor = 2 : i64, sc.parallel_access}
      %sub3A_557 = arith.constant 15 : i32
      %sub3A_558 = arith.subi %sub3A_557, %scan3A_549 : i32
      %eq3A = vector.broadcast %sub3A_558 : i32 to vector<16xi32>
      %eq3A_559 = arith.cmpi eq, %iota3A_4, %eq3A : vector<16xi32>
      %reduce_sum3A_560 = arith.constant true
      %reduce_sum3A_561 = vector.broadcast %reduce_sum3A_560 : i1 to vector<16xi1>
      %reduce_sum3A_562 = tpu.scan <sum>, %parallel_loop3A_556 masked %reduce_sum3A_561 : vector<16xf32>, vector<16xi1> -> vector<16xf32>
      %reduce_sum3A_563 = vector.extract %reduce_sum3A_562[15] : f32 from vector<16xf32>
      %broadcast_in_dim3A_564 = vector.broadcast %reduce_sum3A_563 : f32 to vector<16xf32>
      %broadcast_in_dim3A_565 = arith.constant 0.000000e+00 : f32
      %broadcast_in_dim3A_566 = vector.broadcast %broadcast_in_dim3A_565 : f32 to vector<16xf32>
      %select_n3A = arith.select %eq3A_559, %broadcast_in_dim3A_564, %broadcast_in_dim3A_566 : vector<16xi1>, vector<16xf32>
      %add3A_567 = arith.addf %scan3A_550, %select_n3A : vector<16xf32>
      scf.yield %add3A_567 : vector<16xf32>
    }
    %scan3A_262 = arith.constant 16 : i32
    %broadcast_in_dim3A_263 = arith.constant true
    %broadcast_in_dim3A_264 = vector.broadcast %broadcast_in_dim3A_263 : i1 to vector<16xi1>
    %masked_cumsum3A_265 = tpu.scan <sum>, %scan3A_261 masked %broadcast_in_dim3A_264 : vector<16xf32>, vector<16xi1> -> vector<16xf32>
    %sub3A_266 = arith.subf %masked_cumsum3A_265, %scan3A_261 : vector<16xf32>
    %add3A_267 = vector.broadcast %add3A_222 : f32 to vector<16xf32>
    %add3A_268 = arith.addf %sub3A_266, %add3A_267 : vector<16xf32>
    %reduce_sum3A_269 = arith.constant true
    %reduce_sum3A_270 = vector.broadcast %reduce_sum3A_269 : i1 to vector<16xi1>
    %reduce_sum3A_271 = tpu.scan <sum>, %scan3A_261 masked %reduce_sum3A_270 : vector<16xf32>, vector<16xi1> -> vector<16xf32>
    %reduce_sum3A_272 = vector.extract %reduce_sum3A_271[15] : f32 from vector<16xf32>
    %parallel_loop3A_273 = arith.constant 0 : i32
    %parallel_loop3A_274 = arith.constant 1024 : i32
    %parallel_loop3A_275 = arith.constant 8 : i32
    %parallel_loop3A_276 = scf.for %parallel_loop3A_549 = %parallel_loop3A_273 to %parallel_loop3A_274 step %parallel_loop3A_275 iter_args(%parallel_loop3A_550 = %add3A_268) -> (vector<16xf32>)  : i32 {
      %parallel_loop3A_551 = arith.constant 1016 : i32
      %parallel_loop3A_552 = arith.subi %parallel_loop3A_551, %parallel_loop3A_549 : i32
      %parallel_loop3A_553 = tpu.memref_slice %arg8[%parallel_loop3A_552] : memref<16512xf32, #tpu.memory_space<vmem>> -> memref<15488xf32, #tpu.memory_space<vmem>>
      %parallel_loop3A_554 = tpu.vector_load_idx %parallel_loop3A_553[%sub3A] : memref<15488xf32, #tpu.memory_space<vmem>>[vector<16xi32>], vector<16xf32>,
      %parallel_loop3A_555 = tpu.memref_slice %arg8[%parallel_loop3A_552] : memref<16512xf32, #tpu.memory_space<vmem>> -> memref<15488xf32, #tpu.memory_space<vmem>>
      %parallel_loop3A_556 = tpu.vector_load_idx %parallel_loop3A_555[%sub3A_8] : memref<15488xf32, #tpu.memory_space<vmem>>[vector<16xi32>], vector<16xf32>,
      %parallel_loop3A_557 = tpu.memref_slice %arg8[%parallel_loop3A_552] : memref<16512xf32, #tpu.memory_space<vmem>> -> memref<15488xf32, #tpu.memory_space<vmem>>
      %parallel_loop3A_558 = tpu.vector_load_idx %parallel_loop3A_557[%sub3A_11] : memref<15488xf32, #tpu.memory_space<vmem>>[vector<16xi32>], vector<16xf32>,
      %parallel_loop3A_559 = tpu.memref_slice %arg8[%parallel_loop3A_552] : memref<16512xf32, #tpu.memory_space<vmem>> -> memref<15488xf32, #tpu.memory_space<vmem>>
      %parallel_loop3A_560 = tpu.vector_load_idx %parallel_loop3A_559[%sub3A_14] : memref<15488xf32, #tpu.memory_space<vmem>>[vector<16xi32>], vector<16xf32>,
      %parallel_loop3A_561 = tpu.memref_slice %arg8[%parallel_loop3A_552] : memref<16512xf32, #tpu.memory_space<vmem>> -> memref<15488xf32, #tpu.memory_space<vmem>>
      %parallel_loop3A_562 = tpu.vector_load_idx %parallel_loop3A_561[%sub3A_17] : memref<15488xf32, #tpu.memory_space<vmem>>[vector<16xi32>], vector<16xf32>,
      %parallel_loop3A_563 = tpu.memref_slice %arg8[%parallel_loop3A_552] : memref<16512xf32, #tpu.memory_space<vmem>> -> memref<15488xf32, #tpu.memory_space<vmem>>
      %parallel_loop3A_564 = tpu.vector_load_idx %parallel_loop3A_563[%sub3A_20] : memref<15488xf32, #tpu.memory_space<vmem>>[vector<16xi32>], vector<16xf32>,
      %parallel_loop3A_565 = tpu.memref_slice %arg8[%parallel_loop3A_552] : memref<16512xf32, #tpu.memory_space<vmem>> -> memref<15488xf32, #tpu.memory_space<vmem>>
      %parallel_loop3A_566 = tpu.vector_load_idx %parallel_loop3A_565[%sub3A_23] : memref<15488xf32, #tpu.memory_space<vmem>>[vector<16xi32>], vector<16xf32>,
      %parallel_loop3A_567 = tpu.memref_slice %arg8[%parallel_loop3A_552] : memref<16512xf32, #tpu.memory_space<vmem>> -> memref<15488xf32, #tpu.memory_space<vmem>>
      %parallel_loop3A_568 = tpu.vector_load_idx %parallel_loop3A_567[%sub3A_26] : memref<15488xf32, #tpu.memory_space<vmem>>[vector<16xi32>], vector<16xf32>,
      %parallel_loop3A_569 = arith.addf %parallel_loop3A_554, %parallel_loop3A_556 : vector<16xf32>
      %parallel_loop3A_570 = arith.addf %parallel_loop3A_558, %parallel_loop3A_560 : vector<16xf32>
      %parallel_loop3A_571 = arith.addf %parallel_loop3A_562, %parallel_loop3A_564 : vector<16xf32>
      %parallel_loop3A_572 = arith.addf %parallel_loop3A_566, %parallel_loop3A_568 : vector<16xf32>
      %parallel_loop3A_573 = arith.addf %parallel_loop3A_569, %parallel_loop3A_570 : vector<16xf32>
      %parallel_loop3A_574 = arith.addf %parallel_loop3A_571, %parallel_loop3A_572 : vector<16xf32>
      %parallel_loop3A_575 = arith.addf %parallel_loop3A_569, %parallel_loop3A_558 : vector<16xf32>
      %parallel_loop3A_576 = arith.addf %parallel_loop3A_573, %parallel_loop3A_562 : vector<16xf32>
      %parallel_loop3A_577 = arith.addf %parallel_loop3A_573, %parallel_loop3A_571 : vector<16xf32>
      %parallel_loop3A_578 = arith.addf %parallel_loop3A_573, %parallel_loop3A_571 : vector<16xf32>
      %parallel_loop3A_579 = arith.addf %parallel_loop3A_578, %parallel_loop3A_566 : vector<16xf32>
      %parallel_loop3A_580 = arith.addf %parallel_loop3A_573, %parallel_loop3A_574 : vector<16xf32>
      %parallel_loop3A_581 = arith.addf %parallel_loop3A_550, %parallel_loop3A_554 : vector<16xf32>
      %parallel_loop3A_582 = arith.addf %parallel_loop3A_550, %parallel_loop3A_569 : vector<16xf32>
      %parallel_loop3A_583 = arith.addf %parallel_loop3A_550, %parallel_loop3A_575 : vector<16xf32>
      %parallel_loop3A_584 = arith.addf %parallel_loop3A_550, %parallel_loop3A_573 : vector<16xf32>
      %parallel_loop3A_585 = arith.addf %parallel_loop3A_550, %parallel_loop3A_576 : vector<16xf32>
      %parallel_loop3A_586 = arith.addf %parallel_loop3A_550, %parallel_loop3A_577 : vector<16xf32>
      %parallel_loop3A_587 = arith.addf %parallel_loop3A_550, %parallel_loop3A_579 : vector<16xf32>
      %parallel_loop3A_588 = arith.addf %parallel_loop3A_550, %parallel_loop3A_580 : vector<16xf32>
      %parallel_loop3A_589 = tpu.memref_slice %arg9[%parallel_loop3A_549] : memref<16512xf32, #tpu.memory_space<vmem>> -> memref<15488xf32, #tpu.memory_space<vmem>>
      tpu.vector_store_idx %parallel_loop3A_589[%add3A_29], %parallel_loop3A_581 : memref<15488xf32, #tpu.memory_space<vmem>>[vector<16xi32>], vector<16xf32>,
      %parallel_loop3A_590 = tpu.memref_slice %arg9[%parallel_loop3A_549] : memref<16512xf32, #tpu.memory_space<vmem>> -> memref<15488xf32, #tpu.memory_space<vmem>>
      tpu.vector_store_idx %parallel_loop3A_590[%add3A_32], %parallel_loop3A_582 : memref<15488xf32, #tpu.memory_space<vmem>>[vector<16xi32>], vector<16xf32>,
      %parallel_loop3A_591 = tpu.memref_slice %arg9[%parallel_loop3A_549] : memref<16512xf32, #tpu.memory_space<vmem>> -> memref<15488xf32, #tpu.memory_space<vmem>>
      tpu.vector_store_idx %parallel_loop3A_591[%add3A_35], %parallel_loop3A_583 : memref<15488xf32, #tpu.memory_space<vmem>>[vector<16xi32>], vector<16xf32>,
      %parallel_loop3A_592 = tpu.memref_slice %arg9[%parallel_loop3A_549] : memref<16512xf32, #tpu.memory_space<vmem>> -> memref<15488xf32, #tpu.memory_space<vmem>>
      tpu.vector_store_idx %parallel_loop3A_592[%add3A_38], %parallel_loop3A_584 : memref<15488xf32, #tpu.memory_space<vmem>>[vector<16xi32>], vector<16xf32>,
      %parallel_loop3A_593 = tpu.memref_slice %arg9[%parallel_loop3A_549] : memref<16512xf32, #tpu.memory_space<vmem>> -> memref<15488xf32, #tpu.memory_space<vmem>>
      tpu.vector_store_idx %parallel_loop3A_593[%add3A_41], %parallel_loop3A_585 : memref<15488xf32, #tpu.memory_space<vmem>>[vector<16xi32>], vector<16xf32>,
      %parallel_loop3A_594 = tpu.memref_slice %arg9[%parallel_loop3A_549] : memref<16512xf32, #tpu.memory_space<vmem>> -> memref<15488xf32, #tpu.memory_space<vmem>>
      tpu.vector_store_idx %parallel_loop3A_594[%add3A_44], %parallel_loop3A_586 : memref<15488xf32, #tpu.memory_space<vmem>>[vector<16xi32>], vector<16xf32>,
      %parallel_loop3A_595 = tpu.memref_slice %arg9[%parallel_loop3A_549] : memref<16512xf32, #tpu.memory_space<vmem>> -> memref<15488xf32, #tpu.memory_space<vmem>>
      tpu.vector_store_idx %parallel_loop3A_595[%add3A_47], %parallel_loop3A_587 : memref<15488xf32, #tpu.memory_space<vmem>>[vector<16xi32>], vector<16xf32>,
      %parallel_loop3A_596 = tpu.memref_slice %arg9[%parallel_loop3A_549] : memref<16512xf32, #tpu.memory_space<vmem>> -> memref<15488xf32, #tpu.memory_space<vmem>>
      tpu.vector_store_idx %parallel_loop3A_596[%add3A_50], %parallel_loop3A_588 : memref<15488xf32, #tpu.memory_space<vmem>>[vector<16xi32>], vector<16xf32>,
      scf.yield %parallel_loop3A_588 : vector<16xf32>
    } {sc.loop_unroll_factor = 2 : i64, sc.parallel_access}
    %scan3A_277 = arith.constant 0 : i32
    %scan3A_278 = arith.constant 0 : i32
    %scan3A_279 = arith.constant 16 : i32
    %scan3A_280 = arith.addi %scan3A_278, %scan3A_279 : i32
    %scan3A_281 = arith.constant 1 : i32
    %scan3A_282 = scf.for %scan3A_549 = %scan3A_278 to %scan3A_280 step %scan3A_281 iter_args(%scan3A_550 = %scan3A_277) -> (i32)  : i32 {
      %parallel_loop3A_551 = arith.constant 0 : i32
      %parallel_loop3A_552 = arith.constant 64 : i32
      %parallel_loop3A_553 = arith.constant 1 : i32
      %parallel_loop3A_554 = scf.for %parallel_loop3A_555 = %parallel_loop3A_551 to %parallel_loop3A_552 step %parallel_loop3A_553 iter_args(%parallel_loop3A_556 = %scan3A_550) -> (i32)  : i32 {
        %parallel_loop3A_557 = arith.constant 16 : i32
        %parallel_loop3A_558 = arith.muli %parallel_loop3A_555, %parallel_loop3A_557 : i32
        %parallel_loop3A_559 = arith.constant 1032 : i32
        %parallel_loop3A_560 = arith.muli %scan3A_549, %parallel_loop3A_559 : i32
        %parallel_loop3A_561 = arith.addi %parallel_loop3A_560, %parallel_loop3A_558 : i32
        %parallel_loop3A_562 = arith.index_cast %parallel_loop3A_561 : i32 to index
        %parallel_loop3A_563 = tpu.vector_load %arg9[%parallel_loop3A_562] {strides = array<i32>} : memref<16512xf32, #tpu.memory_space<vmem>>, vector<16xf32>,
        %parallel_loop3A_564 = arith.constant 1024 : i32
        %parallel_loop3A_565 = arith.muli %scan3A_549, %parallel_loop3A_564 : i32
        %parallel_loop3A_566 = arith.addi %parallel_loop3A_565, %parallel_loop3A_558 : i32
        %parallel_loop3A_567 = arith.index_cast %parallel_loop3A_566 : i32 to index
        %parallel_loop3A_568 = tpu.vector_load %arg7[%parallel_loop3A_567] {strides = array<i32>} : memref<16384xf32, #tpu.memory_space<vmem>>, vector<16xf32>,
        tpu.vector_store %arg7[%parallel_loop3A_567], %parallel_loop3A_563 {strides = array<i32>} : memref<16384xf32, #tpu.memory_space<vmem>>, vector<16xf32>,
        scf.yield %parallel_loop3A_556 : i32
      } {sc.loop_unroll_factor = 8 : i64, sc.parallel_access}
      scf.yield %parallel_loop3A_554 : i32
    }
    %scan3A_283 = arith.constant 16 : i32
    %add3A_284 = arith.addf %add3A_222, %reduce_sum3A_272 : f32
    %mul3A_285 = arith.constant 4 : i32
    %mul3A_286 = arith.muli %add3A, %mul3A_285 : i32
    %add3A_287 = arith.constant 1 : i32
    %add3A_288 = arith.addi %mul3A_286, %add3A_287 : i32
    %dma_start3A_289 = arith.constant 16384 : i32
    %dma_start3A_290 = tpu.memref_slice %arg3[%add3A_288, %dma_start3A_289] : memref<128x32768xf32, #tpu.memory_space<hbm>> -> memref<1x16384xf32, #tpu.memory_space<hbm>>
    %dma_start3A_291 = tpu.memref_squeeze %dma_start3A_290 : memref<1x16384xf32, #tpu.memory_space<hbm>> -> memref<16384xf32, #tpu.memory_space<hbm>>
    %dma_start3A_292 = arith.constant 16384 : i32
    %dma_start3A_293 = tpu.memref_slice %arg3[%add3A_288, %dma_start3A_292] : memref<128x32768xf32, #tpu.memory_space<hbm>> -> memref<1x16384xf32, #tpu.memory_space<hbm>>
    %dma_start3A_294 = tpu.memref_squeeze %dma_start3A_293 : memref<1x16384xf32, #tpu.memory_space<hbm>> -> memref<16384xf32, #tpu.memory_space<hbm>>
    tpu.enqueue_dma source(%arg7 : memref<16384xf32, #tpu.memory_space<vmem>>) target(%dma_start3A_294 : memref<16384xf32, #tpu.memory_space<hbm>>) target_semaphore(%arg13 : memref<!tpu.dma_semaphore, #tpu.memory_space<semaphore_mem>>)
    %mul3A_295 = arith.constant 4 : i32
    %mul3A_296 = arith.muli %add3A, %mul3A_295 : i32
    %add3A_297 = arith.constant 2 : i32
    %add3A_298 = arith.addi %mul3A_296, %add3A_297 : i32
    %dma_start3A_299 = arith.constant 0 : i32
    %dma_start3A_300 = tpu.memref_slice %arg2[%add3A_298, %dma_start3A_299] : memref<128x32768xf32, #tpu.memory_space<hbm>> -> memref<1x16384xf32, #tpu.memory_space<hbm>>
    %dma_start3A_301 = tpu.memref_squeeze %dma_start3A_300 : memref<1x16384xf32, #tpu.memory_space<hbm>> -> memref<16384xf32, #tpu.memory_space<hbm>>
    %dma_start3A_302 = arith.constant 0 : i32
    %dma_start3A_303 = tpu.memref_slice %arg2[%add3A_298, %dma_start3A_302] : memref<128x32768xf32, #tpu.memory_space<hbm>> -> memref<1x16384xf32, #tpu.memory_space<hbm>>
    %dma_start3A_304 = tpu.memref_squeeze %dma_start3A_303 : memref<1x16384xf32, #tpu.memory_space<hbm>> -> memref<16384xf32, #tpu.memory_space<hbm>>
    tpu.enqueue_dma source(%dma_start3A_304 : memref<16384xf32, #tpu.memory_space<hbm>>) target(%arg5 : memref<16384xf32, #tpu.memory_space<vmem>>) target_semaphore(%arg11 : memref<!tpu.dma_semaphore, #tpu.memory_space<semaphore_mem>>)
    %dma_wait3A_305 = arith.constant 16384 : i32
    %dma_wait3A_306 = tpu.memref_slice %arg2[%add3A_236, %dma_wait3A_305] : memref<128x32768xf32, #tpu.memory_space<hbm>> -> memref<1x16384xf32, #tpu.memory_space<hbm>>
    %dma_wait3A_307 = tpu.memref_squeeze %dma_wait3A_306 : memref<1x16384xf32, #tpu.memory_space<hbm>> -> memref<16384xf32, #tpu.memory_space<hbm>>
    %dma_wait3A_308 = arith.constant 16384 : i32
    %dma_wait3A_309 = tpu.memref_slice %arg2[%add3A_236, %dma_wait3A_308] : memref<128x32768xf32, #tpu.memory_space<hbm>> -> memref<1x16384xf32, #tpu.memory_space<hbm>>
    %dma_wait3A_310 = tpu.memref_squeeze %dma_wait3A_309 : memref<1x16384xf32, #tpu.memory_space<hbm>> -> memref<16384xf32, #tpu.memory_space<hbm>>
    tpu.wait_dma2 semaphore(%arg10 : memref<!tpu.dma_semaphore, #tpu.memory_space<semaphore_mem>>) src(%dma_wait3A_310 : memref<16384xf32, #tpu.memory_space<hbm>>) dst(%arg4 : memref<16384xf32, #tpu.memory_space<vmem>>)
    %dma_wait3A_311 = arith.constant 0 : i32
    %dma_wait3A_312 = tpu.memref_slice %arg3[%add3A_226, %dma_wait3A_311] : memref<128x32768xf32, #tpu.memory_space<hbm>> -> memref<1x16384xf32, #tpu.memory_space<hbm>>
    %dma_wait3A_313 = tpu.memref_squeeze %dma_wait3A_312 : memref<1x16384xf32, #tpu.memory_space<hbm>> -> memref<16384xf32, #tpu.memory_space<hbm>>
    %dma_wait3A_314 = arith.constant 0 : i32
    %dma_wait3A_315 = tpu.memref_slice %arg3[%add3A_226, %dma_wait3A_314] : memref<128x32768xf32, #tpu.memory_space<hbm>> -> memref<1x16384xf32, #tpu.memory_space<hbm>>
    %dma_wait3A_316 = tpu.memref_squeeze %dma_wait3A_315 : memref<1x16384xf32, #tpu.memory_space<hbm>> -> memref<16384xf32, #tpu.memory_space<hbm>>
    tpu.wait_dma2 semaphore(%arg12 : memref<!tpu.dma_semaphore, #tpu.memory_space<semaphore_mem>>) src(%arg6 : memref<16384xf32, #tpu.memory_space<vmem>>) dst(%dma_wait3A_316 : memref<16384xf32, #tpu.memory_space<hbm>>)
    %broadcast_in_dim3A_317 = arith.constant 0.000000e+00 : f32
    %broadcast_in_dim3A_318 = vector.broadcast %broadcast_in_dim3A_317 : f32 to vector<16xf32>
    %scan3A_319 = arith.constant 0 : i32
    %scan3A_320 = arith.constant 16 : i32
    %scan3A_321 = arith.addi %scan3A_319, %scan3A_320 : i32
    %scan3A_322 = arith.constant 1 : i32
    %scan3A_323 = scf.for %scan3A_549 = %scan3A_319 to %scan3A_321 step %scan3A_322 iter_args(%scan3A_550 = %broadcast_in_dim3A_318) -> (vector<16xf32>)  : i32 {
      %broadcast_in_dim3A_551 = arith.constant 0.000000e+00 : f32
      %broadcast_in_dim3A_552 = vector.broadcast %broadcast_in_dim3A_551 : f32 to vector<16xf32>
      %parallel_loop3A_553 = arith.constant 0 : i32
      %parallel_loop3A_554 = arith.constant 64 : i32
      %parallel_loop3A_555 = arith.constant 4 : i32
      %parallel_loop3A_556 = scf.for %parallel_loop3A_568 = %parallel_loop3A_553 to %parallel_loop3A_554 step %parallel_loop3A_555 iter_args(%parallel_loop3A_569 = %broadcast_in_dim3A_552) -> (vector<16xf32>)  : i32 {
        %parallel_loop3A_570 = arith.constant 16 : i32
        %parallel_loop3A_571 = arith.muli %parallel_loop3A_568, %parallel_loop3A_570 : i32
        %parallel_loop3A_572 = arith.constant 0 : i32
        %parallel_loop3A_573 = arith.addi %parallel_loop3A_571, %parallel_loop3A_572 : i32
        %parallel_loop3A_574 = arith.constant 1024 : i32
        %parallel_loop3A_575 = arith.muli %scan3A_549, %parallel_loop3A_574 : i32
        %parallel_loop3A_576 = arith.addi %parallel_loop3A_575, %parallel_loop3A_573 : i32
        %parallel_loop3A_577 = arith.index_cast %parallel_loop3A_576 : i32 to index
        %parallel_loop3A_578 = tpu.vector_load %arg4[%parallel_loop3A_577] {strides = array<i32>} : memref<16384xf32, #tpu.memory_space<vmem>>, vector<16xf32>,
        %parallel_loop3A_579 = arith.constant 1032 : i32
        %parallel_loop3A_580 = arith.muli %scan3A_549, %parallel_loop3A_579 : i32
        %parallel_loop3A_581 = arith.addi %parallel_loop3A_580, %parallel_loop3A_573 : i32
        %parallel_loop3A_582 = arith.index_cast %parallel_loop3A_581 : i32 to index
        %parallel_loop3A_583 = tpu.vector_load %arg8[%parallel_loop3A_582] {strides = array<i32>} : memref<16512xf32, #tpu.memory_space<vmem>>, vector<16xf32>,
        tpu.vector_store %arg8[%parallel_loop3A_582], %parallel_loop3A_578 {strides = array<i32>} : memref<16512xf32, #tpu.memory_space<vmem>>, vector<16xf32>,
        %parallel_loop3A_584 = arith.constant 16 : i32
        %parallel_loop3A_585 = arith.muli %parallel_loop3A_568, %parallel_loop3A_584 : i32
        %parallel_loop3A_586 = arith.constant 16 : i32
        %parallel_loop3A_587 = arith.addi %parallel_loop3A_585, %parallel_loop3A_586 : i32
        %parallel_loop3A_588 = arith.constant 1024 : i32
        %parallel_loop3A_589 = arith.muli %scan3A_549, %parallel_loop3A_588 : i32
        %parallel_loop3A_590 = arith.addi %parallel_loop3A_589, %parallel_loop3A_587 : i32
        %parallel_loop3A_591 = arith.index_cast %parallel_loop3A_590 : i32 to index
        %parallel_loop3A_592 = tpu.vector_load %arg4[%parallel_loop3A_591] {strides = array<i32>} : memref<16384xf32, #tpu.memory_space<vmem>>, vector<16xf32>,
        %parallel_loop3A_593 = arith.constant 1032 : i32
        %parallel_loop3A_594 = arith.muli %scan3A_549, %parallel_loop3A_593 : i32
        %parallel_loop3A_595 = arith.addi %parallel_loop3A_594, %parallel_loop3A_587 : i32
        %parallel_loop3A_596 = arith.index_cast %parallel_loop3A_595 : i32 to index
        %parallel_loop3A_597 = tpu.vector_load %arg8[%parallel_loop3A_596] {strides = array<i32>} : memref<16512xf32, #tpu.memory_space<vmem>>, vector<16xf32>,
        tpu.vector_store %arg8[%parallel_loop3A_596], %parallel_loop3A_592 {strides = array<i32>} : memref<16512xf32, #tpu.memory_space<vmem>>, vector<16xf32>,
        %parallel_loop3A_598 = arith.constant 16 : i32
        %parallel_loop3A_599 = arith.muli %parallel_loop3A_568, %parallel_loop3A_598 : i32
        %parallel_loop3A_600 = arith.constant 32 : i32
        %parallel_loop3A_601 = arith.addi %parallel_loop3A_599, %parallel_loop3A_600 : i32
        %parallel_loop3A_602 = arith.constant 1024 : i32
        %parallel_loop3A_603 = arith.muli %scan3A_549, %parallel_loop3A_602 : i32
        %parallel_loop3A_604 = arith.addi %parallel_loop3A_603, %parallel_loop3A_601 : i32
        %parallel_loop3A_605 = arith.index_cast %parallel_loop3A_604 : i32 to index
        %parallel_loop3A_606 = tpu.vector_load %arg4[%parallel_loop3A_605] {strides = array<i32>} : memref<16384xf32, #tpu.memory_space<vmem>>, vector<16xf32>,
        %parallel_loop3A_607 = arith.constant 1032 : i32
        %parallel_loop3A_608 = arith.muli %scan3A_549, %parallel_loop3A_607 : i32
        %parallel_loop3A_609 = arith.addi %parallel_loop3A_608, %parallel_loop3A_601 : i32
        %parallel_loop3A_610 = arith.index_cast %parallel_loop3A_609 : i32 to index
        %parallel_loop3A_611 = tpu.vector_load %arg8[%parallel_loop3A_610] {strides = array<i32>} : memref<16512xf32, #tpu.memory_space<vmem>>, vector<16xf32>,
        tpu.vector_store %arg8[%parallel_loop3A_610], %parallel_loop3A_606 {strides = array<i32>} : memref<16512xf32, #tpu.memory_space<vmem>>, vector<16xf32>,
        %parallel_loop3A_612 = arith.constant 16 : i32
        %parallel_loop3A_613 = arith.muli %parallel_loop3A_568, %parallel_loop3A_612 : i32
        %parallel_loop3A_614 = arith.constant 48 : i32
        %parallel_loop3A_615 = arith.addi %parallel_loop3A_613, %parallel_loop3A_614 : i32
        %parallel_loop3A_616 = arith.constant 1024 : i32
        %parallel_loop3A_617 = arith.muli %scan3A_549, %parallel_loop3A_616 : i32
        %parallel_loop3A_618 = arith.addi %parallel_loop3A_617, %parallel_loop3A_615 : i32
        %parallel_loop3A_619 = arith.index_cast %parallel_loop3A_618 : i32 to index
        %parallel_loop3A_620 = tpu.vector_load %arg4[%parallel_loop3A_619] {strides = array<i32>} : memref<16384xf32, #tpu.memory_space<vmem>>, vector<16xf32>,
        %parallel_loop3A_621 = arith.constant 1032 : i32
        %parallel_loop3A_622 = arith.muli %scan3A_549, %parallel_loop3A_621 : i32
        %parallel_loop3A_623 = arith.addi %parallel_loop3A_622, %parallel_loop3A_615 : i32
        %parallel_loop3A_624 = arith.index_cast %parallel_loop3A_623 : i32 to index
        %parallel_loop3A_625 = tpu.vector_load %arg8[%parallel_loop3A_624] {strides = array<i32>} : memref<16512xf32, #tpu.memory_space<vmem>>, vector<16xf32>,
        tpu.vector_store %arg8[%parallel_loop3A_624], %parallel_loop3A_620 {strides = array<i32>} : memref<16512xf32, #tpu.memory_space<vmem>>, vector<16xf32>,
        %parallel_loop3A_626 = arith.addf %parallel_loop3A_578, %parallel_loop3A_592 : vector<16xf32>
        %parallel_loop3A_627 = arith.addf %parallel_loop3A_606, %parallel_loop3A_620 : vector<16xf32>
        %parallel_loop3A_628 = arith.addf %parallel_loop3A_626, %parallel_loop3A_627 : vector<16xf32>
        %parallel_loop3A_629 = arith.addf %parallel_loop3A_569, %parallel_loop3A_628 : vector<16xf32>
        scf.yield %parallel_loop3A_629 : vector<16xf32>
      } {sc.loop_unroll_factor = 2 : i64, sc.parallel_access}
      %sub3A_557 = arith.constant 15 : i32
      %sub3A_558 = arith.subi %sub3A_557, %scan3A_549 : i32
      %eq3A = vector.broadcast %sub3A_558 : i32 to vector<16xi32>
      %eq3A_559 = arith.cmpi eq, %iota3A_4, %eq3A : vector<16xi32>
      %reduce_sum3A_560 = arith.constant true
      %reduce_sum3A_561 = vector.broadcast %reduce_sum3A_560 : i1 to vector<16xi1>
      %reduce_sum3A_562 = tpu.scan <sum>, %parallel_loop3A_556 masked %reduce_sum3A_561 : vector<16xf32>, vector<16xi1> -> vector<16xf32>
      %reduce_sum3A_563 = vector.extract %reduce_sum3A_562[15] : f32 from vector<16xf32>
      %broadcast_in_dim3A_564 = vector.broadcast %reduce_sum3A_563 : f32 to vector<16xf32>
      %broadcast_in_dim3A_565 = arith.constant 0.000000e+00 : f32
      %broadcast_in_dim3A_566 = vector.broadcast %broadcast_in_dim3A_565 : f32 to vector<16xf32>
      %select_n3A = arith.select %eq3A_559, %broadcast_in_dim3A_564, %broadcast_in_dim3A_566 : vector<16xi1>, vector<16xf32>
      %add3A_567 = arith.addf %scan3A_550, %select_n3A : vector<16xf32>
      scf.yield %add3A_567 : vector<16xf32>
    }
    %scan3A_324 = arith.constant 16 : i32
    %broadcast_in_dim3A_325 = arith.constant true
    %broadcast_in_dim3A_326 = vector.broadcast %broadcast_in_dim3A_325 : i1 to vector<16xi1>
    %masked_cumsum3A_327 = tpu.scan <sum>, %scan3A_323 masked %broadcast_in_dim3A_326 : vector<16xf32>, vector<16xi1> -> vector<16xf32>
    %sub3A_328 = arith.subf %masked_cumsum3A_327, %scan3A_323 : vector<16xf32>
    %add3A_329 = arith.constant 0.000000e+00 : f32
    %add3A_330 = vector.broadcast %add3A_329 : f32 to vector<16xf32>
    %add3A_331 = arith.addf %sub3A_328, %add3A_330 : vector<16xf32>
    %reduce_sum3A_332 = arith.constant true
    %reduce_sum3A_333 = vector.broadcast %reduce_sum3A_332 : i1 to vector<16xi1>
    %reduce_sum3A_334 = tpu.scan <sum>, %scan3A_323 masked %reduce_sum3A_333 : vector<16xf32>, vector<16xi1> -> vector<16xf32>
    %reduce_sum3A_335 = vector.extract %reduce_sum3A_334[15] : f32 from vector<16xf32>
    %parallel_loop3A_336 = arith.constant 0 : i32
    %parallel_loop3A_337 = arith.constant 1024 : i32
    %parallel_loop3A_338 = arith.constant 8 : i32
    %parallel_loop3A_339 = scf.for %parallel_loop3A_549 = %parallel_loop3A_336 to %parallel_loop3A_337 step %parallel_loop3A_338 iter_args(%parallel_loop3A_550 = %add3A_331) -> (vector<16xf32>)  : i32 {
      %parallel_loop3A_551 = arith.constant 1016 : i32
      %parallel_loop3A_552 = arith.subi %parallel_loop3A_551, %parallel_loop3A_549 : i32
      %parallel_loop3A_553 = tpu.memref_slice %arg8[%parallel_loop3A_552] : memref<16512xf32, #tpu.memory_space<vmem>> -> memref<15488xf32, #tpu.memory_space<vmem>>
      %parallel_loop3A_554 = tpu.vector_load_idx %parallel_loop3A_553[%sub3A] : memref<15488xf32, #tpu.memory_space<vmem>>[vector<16xi32>], vector<16xf32>,
      %parallel_loop3A_555 = tpu.memref_slice %arg8[%parallel_loop3A_552] : memref<16512xf32, #tpu.memory_space<vmem>> -> memref<15488xf32, #tpu.memory_space<vmem>>
      %parallel_loop3A_556 = tpu.vector_load_idx %parallel_loop3A_555[%sub3A_8] : memref<15488xf32, #tpu.memory_space<vmem>>[vector<16xi32>], vector<16xf32>,
      %parallel_loop3A_557 = tpu.memref_slice %arg8[%parallel_loop3A_552] : memref<16512xf32, #tpu.memory_space<vmem>> -> memref<15488xf32, #tpu.memory_space<vmem>>
      %parallel_loop3A_558 = tpu.vector_load_idx %parallel_loop3A_557[%sub3A_11] : memref<15488xf32, #tpu.memory_space<vmem>>[vector<16xi32>], vector<16xf32>,
      %parallel_loop3A_559 = tpu.memref_slice %arg8[%parallel_loop3A_552] : memref<16512xf32, #tpu.memory_space<vmem>> -> memref<15488xf32, #tpu.memory_space<vmem>>
      %parallel_loop3A_560 = tpu.vector_load_idx %parallel_loop3A_559[%sub3A_14] : memref<15488xf32, #tpu.memory_space<vmem>>[vector<16xi32>], vector<16xf32>,
      %parallel_loop3A_561 = tpu.memref_slice %arg8[%parallel_loop3A_552] : memref<16512xf32, #tpu.memory_space<vmem>> -> memref<15488xf32, #tpu.memory_space<vmem>>
      %parallel_loop3A_562 = tpu.vector_load_idx %parallel_loop3A_561[%sub3A_17] : memref<15488xf32, #tpu.memory_space<vmem>>[vector<16xi32>], vector<16xf32>,
      %parallel_loop3A_563 = tpu.memref_slice %arg8[%parallel_loop3A_552] : memref<16512xf32, #tpu.memory_space<vmem>> -> memref<15488xf32, #tpu.memory_space<vmem>>
      %parallel_loop3A_564 = tpu.vector_load_idx %parallel_loop3A_563[%sub3A_20] : memref<15488xf32, #tpu.memory_space<vmem>>[vector<16xi32>], vector<16xf32>,
      %parallel_loop3A_565 = tpu.memref_slice %arg8[%parallel_loop3A_552] : memref<16512xf32, #tpu.memory_space<vmem>> -> memref<15488xf32, #tpu.memory_space<vmem>>
      %parallel_loop3A_566 = tpu.vector_load_idx %parallel_loop3A_565[%sub3A_23] : memref<15488xf32, #tpu.memory_space<vmem>>[vector<16xi32>], vector<16xf32>,
      %parallel_loop3A_567 = tpu.memref_slice %arg8[%parallel_loop3A_552] : memref<16512xf32, #tpu.memory_space<vmem>> -> memref<15488xf32, #tpu.memory_space<vmem>>
      %parallel_loop3A_568 = tpu.vector_load_idx %parallel_loop3A_567[%sub3A_26] : memref<15488xf32, #tpu.memory_space<vmem>>[vector<16xi32>], vector<16xf32>,
      %parallel_loop3A_569 = arith.addf %parallel_loop3A_554, %parallel_loop3A_556 : vector<16xf32>
      %parallel_loop3A_570 = arith.addf %parallel_loop3A_558, %parallel_loop3A_560 : vector<16xf32>
      %parallel_loop3A_571 = arith.addf %parallel_loop3A_562, %parallel_loop3A_564 : vector<16xf32>
      %parallel_loop3A_572 = arith.addf %parallel_loop3A_566, %parallel_loop3A_568 : vector<16xf32>
      %parallel_loop3A_573 = arith.addf %parallel_loop3A_569, %parallel_loop3A_570 : vector<16xf32>
      %parallel_loop3A_574 = arith.addf %parallel_loop3A_571, %parallel_loop3A_572 : vector<16xf32>
      %parallel_loop3A_575 = arith.addf %parallel_loop3A_569, %parallel_loop3A_558 : vector<16xf32>
      %parallel_loop3A_576 = arith.addf %parallel_loop3A_573, %parallel_loop3A_562 : vector<16xf32>
      %parallel_loop3A_577 = arith.addf %parallel_loop3A_573, %parallel_loop3A_571 : vector<16xf32>
      %parallel_loop3A_578 = arith.addf %parallel_loop3A_573, %parallel_loop3A_571 : vector<16xf32>
      %parallel_loop3A_579 = arith.addf %parallel_loop3A_578, %parallel_loop3A_566 : vector<16xf32>
      %parallel_loop3A_580 = arith.addf %parallel_loop3A_573, %parallel_loop3A_574 : vector<16xf32>
      %parallel_loop3A_581 = arith.addf %parallel_loop3A_550, %parallel_loop3A_554 : vector<16xf32>
      %parallel_loop3A_582 = arith.addf %parallel_loop3A_550, %parallel_loop3A_569 : vector<16xf32>
      %parallel_loop3A_583 = arith.addf %parallel_loop3A_550, %parallel_loop3A_575 : vector<16xf32>
      %parallel_loop3A_584 = arith.addf %parallel_loop3A_550, %parallel_loop3A_573 : vector<16xf32>
      %parallel_loop3A_585 = arith.addf %parallel_loop3A_550, %parallel_loop3A_576 : vector<16xf32>
      %parallel_loop3A_586 = arith.addf %parallel_loop3A_550, %parallel_loop3A_577 : vector<16xf32>
      %parallel_loop3A_587 = arith.addf %parallel_loop3A_550, %parallel_loop3A_579 : vector<16xf32>
      %parallel_loop3A_588 = arith.addf %parallel_loop3A_550, %parallel_loop3A_580 : vector<16xf32>
      %parallel_loop3A_589 = tpu.memref_slice %arg9[%parallel_loop3A_549] : memref<16512xf32, #tpu.memory_space<vmem>> -> memref<15488xf32, #tpu.memory_space<vmem>>
      tpu.vector_store_idx %parallel_loop3A_589[%add3A_29], %parallel_loop3A_581 : memref<15488xf32, #tpu.memory_space<vmem>>[vector<16xi32>], vector<16xf32>,
      %parallel_loop3A_590 = tpu.memref_slice %arg9[%parallel_loop3A_549] : memref<16512xf32, #tpu.memory_space<vmem>> -> memref<15488xf32, #tpu.memory_space<vmem>>
      tpu.vector_store_idx %parallel_loop3A_590[%add3A_32], %parallel_loop3A_582 : memref<15488xf32, #tpu.memory_space<vmem>>[vector<16xi32>], vector<16xf32>,
      %parallel_loop3A_591 = tpu.memref_slice %arg9[%parallel_loop3A_549] : memref<16512xf32, #tpu.memory_space<vmem>> -> memref<15488xf32, #tpu.memory_space<vmem>>
      tpu.vector_store_idx %parallel_loop3A_591[%add3A_35], %parallel_loop3A_583 : memref<15488xf32, #tpu.memory_space<vmem>>[vector<16xi32>], vector<16xf32>,
      %parallel_loop3A_592 = tpu.memref_slice %arg9[%parallel_loop3A_549] : memref<16512xf32, #tpu.memory_space<vmem>> -> memref<15488xf32, #tpu.memory_space<vmem>>
      tpu.vector_store_idx %parallel_loop3A_592[%add3A_38], %parallel_loop3A_584 : memref<15488xf32, #tpu.memory_space<vmem>>[vector<16xi32>], vector<16xf32>,
      %parallel_loop3A_593 = tpu.memref_slice %arg9[%parallel_loop3A_549] : memref<16512xf32, #tpu.memory_space<vmem>> -> memref<15488xf32, #tpu.memory_space<vmem>>
      tpu.vector_store_idx %parallel_loop3A_593[%add3A_41], %parallel_loop3A_585 : memref<15488xf32, #tpu.memory_space<vmem>>[vector<16xi32>], vector<16xf32>,
      %parallel_loop3A_594 = tpu.memref_slice %arg9[%parallel_loop3A_549] : memref<16512xf32, #tpu.memory_space<vmem>> -> memref<15488xf32, #tpu.memory_space<vmem>>
      tpu.vector_store_idx %parallel_loop3A_594[%add3A_44], %parallel_loop3A_586 : memref<15488xf32, #tpu.memory_space<vmem>>[vector<16xi32>], vector<16xf32>,
      %parallel_loop3A_595 = tpu.memref_slice %arg9[%parallel_loop3A_549] : memref<16512xf32, #tpu.memory_space<vmem>> -> memref<15488xf32, #tpu.memory_space<vmem>>
      tpu.vector_store_idx %parallel_loop3A_595[%add3A_47], %parallel_loop3A_587 : memref<15488xf32, #tpu.memory_space<vmem>>[vector<16xi32>], vector<16xf32>,
      %parallel_loop3A_596 = tpu.memref_slice %arg9[%parallel_loop3A_549] : memref<16512xf32, #tpu.memory_space<vmem>> -> memref<15488xf32, #tpu.memory_space<vmem>>
      tpu.vector_store_idx %parallel_loop3A_596[%add3A_50], %parallel_loop3A_588 : memref<15488xf32, #tpu.memory_space<vmem>>[vector<16xi32>], vector<16xf32>,
      scf.yield %parallel_loop3A_588 : vector<16xf32>
    } {sc.loop_unroll_factor = 2 : i64, sc.parallel_access}
    %scan3A_340 = arith.constant 0 : i32
    %scan3A_341 = arith.constant 0 : i32
    %scan3A_342 = arith.constant 16 : i32
    %scan3A_343 = arith.addi %scan3A_341, %scan3A_342 : i32
    %scan3A_344 = arith.constant 1 : i32
    %scan3A_345 = scf.for %scan3A_549 = %scan3A_341 to %scan3A_343 step %scan3A_344 iter_args(%scan3A_550 = %scan3A_340) -> (i32)  : i32 {
      %parallel_loop3A_551 = arith.constant 0 : i32
      %parallel_loop3A_552 = arith.constant 64 : i32
      %parallel_loop3A_553 = arith.constant 1 : i32
      %parallel_loop3A_554 = scf.for %parallel_loop3A_555 = %parallel_loop3A_551 to %parallel_loop3A_552 step %parallel_loop3A_553 iter_args(%parallel_loop3A_556 = %scan3A_550) -> (i32)  : i32 {
        %parallel_loop3A_557 = arith.constant 16 : i32
        %parallel_loop3A_558 = arith.muli %parallel_loop3A_555, %parallel_loop3A_557 : i32
        %parallel_loop3A_559 = arith.constant 1032 : i32
        %parallel_loop3A_560 = arith.muli %scan3A_549, %parallel_loop3A_559 : i32
        %parallel_loop3A_561 = arith.addi %parallel_loop3A_560, %parallel_loop3A_558 : i32
        %parallel_loop3A_562 = arith.index_cast %parallel_loop3A_561 : i32 to index
        %parallel_loop3A_563 = tpu.vector_load %arg9[%parallel_loop3A_562] {strides = array<i32>} : memref<16512xf32, #tpu.memory_space<vmem>>, vector<16xf32>,
        %parallel_loop3A_564 = arith.constant 1024 : i32
        %parallel_loop3A_565 = arith.muli %scan3A_549, %parallel_loop3A_564 : i32
        %parallel_loop3A_566 = arith.addi %parallel_loop3A_565, %parallel_loop3A_558 : i32
        %parallel_loop3A_567 = arith.index_cast %parallel_loop3A_566 : i32 to index
        %parallel_loop3A_568 = tpu.vector_load %arg6[%parallel_loop3A_567] {strides = array<i32>} : memref<16384xf32, #tpu.memory_space<vmem>>, vector<16xf32>,
        tpu.vector_store %arg6[%parallel_loop3A_567], %parallel_loop3A_563 {strides = array<i32>} : memref<16384xf32, #tpu.memory_space<vmem>>, vector<16xf32>,
        scf.yield %parallel_loop3A_556 : i32
      } {sc.loop_unroll_factor = 8 : i64, sc.parallel_access}
      scf.yield %parallel_loop3A_554 : i32
    }
    %scan3A_346 = arith.constant 16 : i32
    %add3A_347 = arith.constant 0.000000e+00 : f32
    %add3A_348 = arith.addf %add3A_347, %reduce_sum3A_335 : f32
    %mul3A_349 = arith.constant 4 : i32
    %mul3A_350 = arith.muli %add3A, %mul3A_349 : i32
    %add3A_351 = arith.constant 2 : i32
    %add3A_352 = arith.addi %mul3A_350, %add3A_351 : i32
    %dma_start3A_353 = arith.constant 0 : i32
    %dma_start3A_354 = tpu.memref_slice %arg3[%add3A_352, %dma_start3A_353] : memref<128x32768xf32, #tpu.memory_space<hbm>> -> memref<1x16384xf32, #tpu.memory_space<hbm>>
    %dma_start3A_355 = tpu.memref_squeeze %dma_start3A_354 : memref<1x16384xf32, #tpu.memory_space<hbm>> -> memref<16384xf32, #tpu.memory_space<hbm>>
    %dma_start3A_356 = arith.constant 0 : i32
    %dma_start3A_357 = tpu.memref_slice %arg3[%add3A_352, %dma_start3A_356] : memref<128x32768xf32, #tpu.memory_space<hbm>> -> memref<1x16384xf32, #tpu.memory_space<hbm>>
    %dma_start3A_358 = tpu.memref_squeeze %dma_start3A_357 : memref<1x16384xf32, #tpu.memory_space<hbm>> -> memref<16384xf32, #tpu.memory_space<hbm>>
    tpu.enqueue_dma source(%arg6 : memref<16384xf32, #tpu.memory_space<vmem>>) target(%dma_start3A_358 : memref<16384xf32, #tpu.memory_space<hbm>>) target_semaphore(%arg12 : memref<!tpu.dma_semaphore, #tpu.memory_space<semaphore_mem>>)
    %mul3A_359 = arith.constant 4 : i32
    %mul3A_360 = arith.muli %add3A, %mul3A_359 : i32
    %add3A_361 = arith.constant 3 : i32
    %add3A_362 = arith.addi %mul3A_360, %add3A_361 : i32
    %dma_start3A_363 = arith.constant 16384 : i32
    %dma_start3A_364 = tpu.memref_slice %arg2[%add3A_362, %dma_start3A_363] : memref<128x32768xf32, #tpu.memory_space<hbm>> -> memref<1x16384xf32, #tpu.memory_space<hbm>>
    %dma_start3A_365 = tpu.memref_squeeze %dma_start3A_364 : memref<1x16384xf32, #tpu.memory_space<hbm>> -> memref<16384xf32, #tpu.memory_space<hbm>>
    %dma_start3A_366 = arith.constant 16384 : i32
    %dma_start3A_367 = tpu.memref_slice %arg2[%add3A_362, %dma_start3A_366] : memref<128x32768xf32, #tpu.memory_space<hbm>> -> memref<1x16384xf32, #tpu.memory_space<hbm>>
    %dma_start3A_368 = tpu.memref_squeeze %dma_start3A_367 : memref<1x16384xf32, #tpu.memory_space<hbm>> -> memref<16384xf32, #tpu.memory_space<hbm>>
    tpu.enqueue_dma source(%dma_start3A_368 : memref<16384xf32, #tpu.memory_space<hbm>>) target(%arg4 : memref<16384xf32, #tpu.memory_space<vmem>>) target_semaphore(%arg10 : memref<!tpu.dma_semaphore, #tpu.memory_space<semaphore_mem>>)
    %dma_wait3A_369 = arith.constant 0 : i32
    %dma_wait3A_370 = tpu.memref_slice %arg2[%add3A_298, %dma_wait3A_369] : memref<128x32768xf32, #tpu.memory_space<hbm>> -> memref<1x16384xf32, #tpu.memory_space<hbm>>
    %dma_wait3A_371 = tpu.memref_squeeze %dma_wait3A_370 : memref<1x16384xf32, #tpu.memory_space<hbm>> -> memref<16384xf32, #tpu.memory_space<hbm>>
    %dma_wait3A_372 = arith.constant 0 : i32
    %dma_wait3A_373 = tpu.memref_slice %arg2[%add3A_298, %dma_wait3A_372] : memref<128x32768xf32, #tpu.memory_space<hbm>> -> memref<1x16384xf32, #tpu.memory_space<hbm>>
    %dma_wait3A_374 = tpu.memref_squeeze %dma_wait3A_373 : memref<1x16384xf32, #tpu.memory_space<hbm>> -> memref<16384xf32, #tpu.memory_space<hbm>>
    tpu.wait_dma2 semaphore(%arg11 : memref<!tpu.dma_semaphore, #tpu.memory_space<semaphore_mem>>) src(%dma_wait3A_374 : memref<16384xf32, #tpu.memory_space<hbm>>) dst(%arg5 : memref<16384xf32, #tpu.memory_space<vmem>>)
    %dma_wait3A_375 = arith.constant 16384 : i32
    %dma_wait3A_376 = tpu.memref_slice %arg3[%add3A_288, %dma_wait3A_375] : memref<128x32768xf32, #tpu.memory_space<hbm>> -> memref<1x16384xf32, #tpu.memory_space<hbm>>
    %dma_wait3A_377 = tpu.memref_squeeze %dma_wait3A_376 : memref<1x16384xf32, #tpu.memory_space<hbm>> -> memref<16384xf32, #tpu.memory_space<hbm>>
    %dma_wait3A_378 = arith.constant 16384 : i32
    %dma_wait3A_379 = tpu.memref_slice %arg3[%add3A_288, %dma_wait3A_378] : memref<128x32768xf32, #tpu.memory_space<hbm>> -> memref<1x16384xf32, #tpu.memory_space<hbm>>
    %dma_wait3A_380 = tpu.memref_squeeze %dma_wait3A_379 : memref<1x16384xf32, #tpu.memory_space<hbm>> -> memref<16384xf32, #tpu.memory_space<hbm>>
    tpu.wait_dma2 semaphore(%arg13 : memref<!tpu.dma_semaphore, #tpu.memory_space<semaphore_mem>>) src(%arg7 : memref<16384xf32, #tpu.memory_space<vmem>>) dst(%dma_wait3A_380 : memref<16384xf32, #tpu.memory_space<hbm>>)
    %broadcast_in_dim3A_381 = arith.constant 0.000000e+00 : f32
    %broadcast_in_dim3A_382 = vector.broadcast %broadcast_in_dim3A_381 : f32 to vector<16xf32>
    %scan3A_383 = arith.constant 0 : i32
    %scan3A_384 = arith.constant 16 : i32
    %scan3A_385 = arith.addi %scan3A_383, %scan3A_384 : i32
    %scan3A_386 = arith.constant 1 : i32
    %scan3A_387 = scf.for %scan3A_549 = %scan3A_383 to %scan3A_385 step %scan3A_386 iter_args(%scan3A_550 = %broadcast_in_dim3A_382) -> (vector<16xf32>)  : i32 {
      %broadcast_in_dim3A_551 = arith.constant 0.000000e+00 : f32
      %broadcast_in_dim3A_552 = vector.broadcast %broadcast_in_dim3A_551 : f32 to vector<16xf32>
      %parallel_loop3A_553 = arith.constant 0 : i32
      %parallel_loop3A_554 = arith.constant 64 : i32
      %parallel_loop3A_555 = arith.constant 4 : i32
      %parallel_loop3A_556 = scf.for %parallel_loop3A_568 = %parallel_loop3A_553 to %parallel_loop3A_554 step %parallel_loop3A_555 iter_args(%parallel_loop3A_569 = %broadcast_in_dim3A_552) -> (vector<16xf32>)  : i32 {
        %parallel_loop3A_570 = arith.constant 16 : i32
        %parallel_loop3A_571 = arith.muli %parallel_loop3A_568, %parallel_loop3A_570 : i32
        %parallel_loop3A_572 = arith.constant 0 : i32
        %parallel_loop3A_573 = arith.addi %parallel_loop3A_571, %parallel_loop3A_572 : i32
        %parallel_loop3A_574 = arith.constant 1024 : i32
        %parallel_loop3A_575 = arith.muli %scan3A_549, %parallel_loop3A_574 : i32
        %parallel_loop3A_576 = arith.addi %parallel_loop3A_575, %parallel_loop3A_573 : i32
        %parallel_loop3A_577 = arith.index_cast %parallel_loop3A_576 : i32 to index
        %parallel_loop3A_578 = tpu.vector_load %arg5[%parallel_loop3A_577] {strides = array<i32>} : memref<16384xf32, #tpu.memory_space<vmem>>, vector<16xf32>,
        %parallel_loop3A_579 = arith.constant 1032 : i32
        %parallel_loop3A_580 = arith.muli %scan3A_549, %parallel_loop3A_579 : i32
        %parallel_loop3A_581 = arith.addi %parallel_loop3A_580, %parallel_loop3A_573 : i32
        %parallel_loop3A_582 = arith.index_cast %parallel_loop3A_581 : i32 to index
        %parallel_loop3A_583 = tpu.vector_load %arg8[%parallel_loop3A_582] {strides = array<i32>} : memref<16512xf32, #tpu.memory_space<vmem>>, vector<16xf32>,
        tpu.vector_store %arg8[%parallel_loop3A_582], %parallel_loop3A_578 {strides = array<i32>} : memref<16512xf32, #tpu.memory_space<vmem>>, vector<16xf32>,
        %parallel_loop3A_584 = arith.constant 16 : i32
        %parallel_loop3A_585 = arith.muli %parallel_loop3A_568, %parallel_loop3A_584 : i32
        %parallel_loop3A_586 = arith.constant 16 : i32
        %parallel_loop3A_587 = arith.addi %parallel_loop3A_585, %parallel_loop3A_586 : i32
        %parallel_loop3A_588 = arith.constant 1024 : i32
        %parallel_loop3A_589 = arith.muli %scan3A_549, %parallel_loop3A_588 : i32
        %parallel_loop3A_590 = arith.addi %parallel_loop3A_589, %parallel_loop3A_587 : i32
        %parallel_loop3A_591 = arith.index_cast %parallel_loop3A_590 : i32 to index
        %parallel_loop3A_592 = tpu.vector_load %arg5[%parallel_loop3A_591] {strides = array<i32>} : memref<16384xf32, #tpu.memory_space<vmem>>, vector<16xf32>,
        %parallel_loop3A_593 = arith.constant 1032 : i32
        %parallel_loop3A_594 = arith.muli %scan3A_549, %parallel_loop3A_593 : i32
        %parallel_loop3A_595 = arith.addi %parallel_loop3A_594, %parallel_loop3A_587 : i32
        %parallel_loop3A_596 = arith.index_cast %parallel_loop3A_595 : i32 to index
        %parallel_loop3A_597 = tpu.vector_load %arg8[%parallel_loop3A_596] {strides = array<i32>} : memref<16512xf32, #tpu.memory_space<vmem>>, vector<16xf32>,
        tpu.vector_store %arg8[%parallel_loop3A_596], %parallel_loop3A_592 {strides = array<i32>} : memref<16512xf32, #tpu.memory_space<vmem>>, vector<16xf32>,
        %parallel_loop3A_598 = arith.constant 16 : i32
        %parallel_loop3A_599 = arith.muli %parallel_loop3A_568, %parallel_loop3A_598 : i32
        %parallel_loop3A_600 = arith.constant 32 : i32
        %parallel_loop3A_601 = arith.addi %parallel_loop3A_599, %parallel_loop3A_600 : i32
        %parallel_loop3A_602 = arith.constant 1024 : i32
        %parallel_loop3A_603 = arith.muli %scan3A_549, %parallel_loop3A_602 : i32
        %parallel_loop3A_604 = arith.addi %parallel_loop3A_603, %parallel_loop3A_601 : i32
        %parallel_loop3A_605 = arith.index_cast %parallel_loop3A_604 : i32 to index
        %parallel_loop3A_606 = tpu.vector_load %arg5[%parallel_loop3A_605] {strides = array<i32>} : memref<16384xf32, #tpu.memory_space<vmem>>, vector<16xf32>,
        %parallel_loop3A_607 = arith.constant 1032 : i32
        %parallel_loop3A_608 = arith.muli %scan3A_549, %parallel_loop3A_607 : i32
        %parallel_loop3A_609 = arith.addi %parallel_loop3A_608, %parallel_loop3A_601 : i32
        %parallel_loop3A_610 = arith.index_cast %parallel_loop3A_609 : i32 to index
        %parallel_loop3A_611 = tpu.vector_load %arg8[%parallel_loop3A_610] {strides = array<i32>} : memref<16512xf32, #tpu.memory_space<vmem>>, vector<16xf32>,
        tpu.vector_store %arg8[%parallel_loop3A_610], %parallel_loop3A_606 {strides = array<i32>} : memref<16512xf32, #tpu.memory_space<vmem>>, vector<16xf32>,
        %parallel_loop3A_612 = arith.constant 16 : i32
        %parallel_loop3A_613 = arith.muli %parallel_loop3A_568, %parallel_loop3A_612 : i32
        %parallel_loop3A_614 = arith.constant 48 : i32
        %parallel_loop3A_615 = arith.addi %parallel_loop3A_613, %parallel_loop3A_614 : i32
        %parallel_loop3A_616 = arith.constant 1024 : i32
        %parallel_loop3A_617 = arith.muli %scan3A_549, %parallel_loop3A_616 : i32
        %parallel_loop3A_618 = arith.addi %parallel_loop3A_617, %parallel_loop3A_615 : i32
        %parallel_loop3A_619 = arith.index_cast %parallel_loop3A_618 : i32 to index
        %parallel_loop3A_620 = tpu.vector_load %arg5[%parallel_loop3A_619] {strides = array<i32>} : memref<16384xf32, #tpu.memory_space<vmem>>, vector<16xf32>,
        %parallel_loop3A_621 = arith.constant 1032 : i32
        %parallel_loop3A_622 = arith.muli %scan3A_549, %parallel_loop3A_621 : i32
        %parallel_loop3A_623 = arith.addi %parallel_loop3A_622, %parallel_loop3A_615 : i32
        %parallel_loop3A_624 = arith.index_cast %parallel_loop3A_623 : i32 to index
        %parallel_loop3A_625 = tpu.vector_load %arg8[%parallel_loop3A_624] {strides = array<i32>} : memref<16512xf32, #tpu.memory_space<vmem>>, vector<16xf32>,
        tpu.vector_store %arg8[%parallel_loop3A_624], %parallel_loop3A_620 {strides = array<i32>} : memref<16512xf32, #tpu.memory_space<vmem>>, vector<16xf32>,
        %parallel_loop3A_626 = arith.addf %parallel_loop3A_578, %parallel_loop3A_592 : vector<16xf32>
        %parallel_loop3A_627 = arith.addf %parallel_loop3A_606, %parallel_loop3A_620 : vector<16xf32>
        %parallel_loop3A_628 = arith.addf %parallel_loop3A_626, %parallel_loop3A_627 : vector<16xf32>
        %parallel_loop3A_629 = arith.addf %parallel_loop3A_569, %parallel_loop3A_628 : vector<16xf32>
        scf.yield %parallel_loop3A_629 : vector<16xf32>
      } {sc.loop_unroll_factor = 2 : i64, sc.parallel_access}
      %sub3A_557 = arith.constant 15 : i32
      %sub3A_558 = arith.subi %sub3A_557, %scan3A_549 : i32
      %eq3A = vector.broadcast %sub3A_558 : i32 to vector<16xi32>
      %eq3A_559 = arith.cmpi eq, %iota3A_4, %eq3A : vector<16xi32>
      %reduce_sum3A_560 = arith.constant true
      %reduce_sum3A_561 = vector.broadcast %reduce_sum3A_560 : i1 to vector<16xi1>
      %reduce_sum3A_562 = tpu.scan <sum>, %parallel_loop3A_556 masked %reduce_sum3A_561 : vector<16xf32>, vector<16xi1> -> vector<16xf32>
      %reduce_sum3A_563 = vector.extract %reduce_sum3A_562[15] : f32 from vector<16xf32>
      %broadcast_in_dim3A_564 = vector.broadcast %reduce_sum3A_563 : f32 to vector<16xf32>
      %broadcast_in_dim3A_565 = arith.constant 0.000000e+00 : f32
      %broadcast_in_dim3A_566 = vector.broadcast %broadcast_in_dim3A_565 : f32 to vector<16xf32>
      %select_n3A = arith.select %eq3A_559, %broadcast_in_dim3A_564, %broadcast_in_dim3A_566 : vector<16xi1>, vector<16xf32>
      %add3A_567 = arith.addf %scan3A_550, %select_n3A : vector<16xf32>
      scf.yield %add3A_567 : vector<16xf32>
    }
    %scan3A_388 = arith.constant 16 : i32
    %broadcast_in_dim3A_389 = arith.constant true
    %broadcast_in_dim3A_390 = vector.broadcast %broadcast_in_dim3A_389 : i1 to vector<16xi1>
    %masked_cumsum3A_391 = tpu.scan <sum>, %scan3A_387 masked %broadcast_in_dim3A_390 : vector<16xf32>, vector<16xi1> -> vector<16xf32>
    %sub3A_392 = arith.subf %masked_cumsum3A_391, %scan3A_387 : vector<16xf32>
    %add3A_393 = vector.broadcast %add3A_348 : f32 to vector<16xf32>
    %add3A_394 = arith.addf %sub3A_392, %add3A_393 : vector<16xf32>
    %reduce_sum3A_395 = arith.constant true
    %reduce_sum3A_396 = vector.broadcast %reduce_sum3A_395 : i1 to vector<16xi1>
    %reduce_sum3A_397 = tpu.scan <sum>, %scan3A_387 masked %reduce_sum3A_396 : vector<16xf32>, vector<16xi1> -> vector<16xf32>
    %reduce_sum3A_398 = vector.extract %reduce_sum3A_397[15] : f32 from vector<16xf32>
    %parallel_loop3A_399 = arith.constant 0 : i32
    %parallel_loop3A_400 = arith.constant 1024 : i32
    %parallel_loop3A_401 = arith.constant 8 : i32
    %parallel_loop3A_402 = scf.for %parallel_loop3A_549 = %parallel_loop3A_399 to %parallel_loop3A_400 step %parallel_loop3A_401 iter_args(%parallel_loop3A_550 = %add3A_394) -> (vector<16xf32>)  : i32 {
      %parallel_loop3A_551 = arith.constant 1016 : i32
      %parallel_loop3A_552 = arith.subi %parallel_loop3A_551, %parallel_loop3A_549 : i32
      %parallel_loop3A_553 = tpu.memref_slice %arg8[%parallel_loop3A_552] : memref<16512xf32, #tpu.memory_space<vmem>> -> memref<15488xf32, #tpu.memory_space<vmem>>
      %parallel_loop3A_554 = tpu.vector_load_idx %parallel_loop3A_553[%sub3A] : memref<15488xf32, #tpu.memory_space<vmem>>[vector<16xi32>], vector<16xf32>,
      %parallel_loop3A_555 = tpu.memref_slice %arg8[%parallel_loop3A_552] : memref<16512xf32, #tpu.memory_space<vmem>> -> memref<15488xf32, #tpu.memory_space<vmem>>
      %parallel_loop3A_556 = tpu.vector_load_idx %parallel_loop3A_555[%sub3A_8] : memref<15488xf32, #tpu.memory_space<vmem>>[vector<16xi32>], vector<16xf32>,
      %parallel_loop3A_557 = tpu.memref_slice %arg8[%parallel_loop3A_552] : memref<16512xf32, #tpu.memory_space<vmem>> -> memref<15488xf32, #tpu.memory_space<vmem>>
      %parallel_loop3A_558 = tpu.vector_load_idx %parallel_loop3A_557[%sub3A_11] : memref<15488xf32, #tpu.memory_space<vmem>>[vector<16xi32>], vector<16xf32>,
      %parallel_loop3A_559 = tpu.memref_slice %arg8[%parallel_loop3A_552] : memref<16512xf32, #tpu.memory_space<vmem>> -> memref<15488xf32, #tpu.memory_space<vmem>>
      %parallel_loop3A_560 = tpu.vector_load_idx %parallel_loop3A_559[%sub3A_14] : memref<15488xf32, #tpu.memory_space<vmem>>[vector<16xi32>], vector<16xf32>,
      %parallel_loop3A_561 = tpu.memref_slice %arg8[%parallel_loop3A_552] : memref<16512xf32, #tpu.memory_space<vmem>> -> memref<15488xf32, #tpu.memory_space<vmem>>
      %parallel_loop3A_562 = tpu.vector_load_idx %parallel_loop3A_561[%sub3A_17] : memref<15488xf32, #tpu.memory_space<vmem>>[vector<16xi32>], vector<16xf32>,
      %parallel_loop3A_563 = tpu.memref_slice %arg8[%parallel_loop3A_552] : memref<16512xf32, #tpu.memory_space<vmem>> -> memref<15488xf32, #tpu.memory_space<vmem>>
      %parallel_loop3A_564 = tpu.vector_load_idx %parallel_loop3A_563[%sub3A_20] : memref<15488xf32, #tpu.memory_space<vmem>>[vector<16xi32>], vector<16xf32>,
      %parallel_loop3A_565 = tpu.memref_slice %arg8[%parallel_loop3A_552] : memref<16512xf32, #tpu.memory_space<vmem>> -> memref<15488xf32, #tpu.memory_space<vmem>>
      %parallel_loop3A_566 = tpu.vector_load_idx %parallel_loop3A_565[%sub3A_23] : memref<15488xf32, #tpu.memory_space<vmem>>[vector<16xi32>], vector<16xf32>,
      %parallel_loop3A_567 = tpu.memref_slice %arg8[%parallel_loop3A_552] : memref<16512xf32, #tpu.memory_space<vmem>> -> memref<15488xf32, #tpu.memory_space<vmem>>
      %parallel_loop3A_568 = tpu.vector_load_idx %parallel_loop3A_567[%sub3A_26] : memref<15488xf32, #tpu.memory_space<vmem>>[vector<16xi32>], vector<16xf32>,
      %parallel_loop3A_569 = arith.addf %parallel_loop3A_554, %parallel_loop3A_556 : vector<16xf32>
      %parallel_loop3A_570 = arith.addf %parallel_loop3A_558, %parallel_loop3A_560 : vector<16xf32>
      %parallel_loop3A_571 = arith.addf %parallel_loop3A_562, %parallel_loop3A_564 : vector<16xf32>
      %parallel_loop3A_572 = arith.addf %parallel_loop3A_566, %parallel_loop3A_568 : vector<16xf32>
      %parallel_loop3A_573 = arith.addf %parallel_loop3A_569, %parallel_loop3A_570 : vector<16xf32>
      %parallel_loop3A_574 = arith.addf %parallel_loop3A_571, %parallel_loop3A_572 : vector<16xf32>
      %parallel_loop3A_575 = arith.addf %parallel_loop3A_569, %parallel_loop3A_558 : vector<16xf32>
      %parallel_loop3A_576 = arith.addf %parallel_loop3A_573, %parallel_loop3A_562 : vector<16xf32>
      %parallel_loop3A_577 = arith.addf %parallel_loop3A_573, %parallel_loop3A_571 : vector<16xf32>
      %parallel_loop3A_578 = arith.addf %parallel_loop3A_573, %parallel_loop3A_571 : vector<16xf32>
      %parallel_loop3A_579 = arith.addf %parallel_loop3A_578, %parallel_loop3A_566 : vector<16xf32>
      %parallel_loop3A_580 = arith.addf %parallel_loop3A_573, %parallel_loop3A_574 : vector<16xf32>
      %parallel_loop3A_581 = arith.addf %parallel_loop3A_550, %parallel_loop3A_554 : vector<16xf32>
      %parallel_loop3A_582 = arith.addf %parallel_loop3A_550, %parallel_loop3A_569 : vector<16xf32>
      %parallel_loop3A_583 = arith.addf %parallel_loop3A_550, %parallel_loop3A_575 : vector<16xf32>
      %parallel_loop3A_584 = arith.addf %parallel_loop3A_550, %parallel_loop3A_573 : vector<16xf32>
      %parallel_loop3A_585 = arith.addf %parallel_loop3A_550, %parallel_loop3A_576 : vector<16xf32>
      %parallel_loop3A_586 = arith.addf %parallel_loop3A_550, %parallel_loop3A_577 : vector<16xf32>
      %parallel_loop3A_587 = arith.addf %parallel_loop3A_550, %parallel_loop3A_579 : vector<16xf32>
      %parallel_loop3A_588 = arith.addf %parallel_loop3A_550, %parallel_loop3A_580 : vector<16xf32>
      %parallel_loop3A_589 = tpu.memref_slice %arg9[%parallel_loop3A_549] : memref<16512xf32, #tpu.memory_space<vmem>> -> memref<15488xf32, #tpu.memory_space<vmem>>
      tpu.vector_store_idx %parallel_loop3A_589[%add3A_29], %parallel_loop3A_581 : memref<15488xf32, #tpu.memory_space<vmem>>[vector<16xi32>], vector<16xf32>,
      %parallel_loop3A_590 = tpu.memref_slice %arg9[%parallel_loop3A_549] : memref<16512xf32, #tpu.memory_space<vmem>> -> memref<15488xf32, #tpu.memory_space<vmem>>
      tpu.vector_store_idx %parallel_loop3A_590[%add3A_32], %parallel_loop3A_582 : memref<15488xf32, #tpu.memory_space<vmem>>[vector<16xi32>], vector<16xf32>,
      %parallel_loop3A_591 = tpu.memref_slice %arg9[%parallel_loop3A_549] : memref<16512xf32, #tpu.memory_space<vmem>> -> memref<15488xf32, #tpu.memory_space<vmem>>
      tpu.vector_store_idx %parallel_loop3A_591[%add3A_35], %parallel_loop3A_583 : memref<15488xf32, #tpu.memory_space<vmem>>[vector<16xi32>], vector<16xf32>,
      %parallel_loop3A_592 = tpu.memref_slice %arg9[%parallel_loop3A_549] : memref<16512xf32, #tpu.memory_space<vmem>> -> memref<15488xf32, #tpu.memory_space<vmem>>
      tpu.vector_store_idx %parallel_loop3A_592[%add3A_38], %parallel_loop3A_584 : memref<15488xf32, #tpu.memory_space<vmem>>[vector<16xi32>], vector<16xf32>,
      %parallel_loop3A_593 = tpu.memref_slice %arg9[%parallel_loop3A_549] : memref<16512xf32, #tpu.memory_space<vmem>> -> memref<15488xf32, #tpu.memory_space<vmem>>
      tpu.vector_store_idx %parallel_loop3A_593[%add3A_41], %parallel_loop3A_585 : memref<15488xf32, #tpu.memory_space<vmem>>[vector<16xi32>], vector<16xf32>,
      %parallel_loop3A_594 = tpu.memref_slice %arg9[%parallel_loop3A_549] : memref<16512xf32, #tpu.memory_space<vmem>> -> memref<15488xf32, #tpu.memory_space<vmem>>
      tpu.vector_store_idx %parallel_loop3A_594[%add3A_44], %parallel_loop3A_586 : memref<15488xf32, #tpu.memory_space<vmem>>[vector<16xi32>], vector<16xf32>,
      %parallel_loop3A_595 = tpu.memref_slice %arg9[%parallel_loop3A_549] : memref<16512xf32, #tpu.memory_space<vmem>> -> memref<15488xf32, #tpu.memory_space<vmem>>
      tpu.vector_store_idx %parallel_loop3A_595[%add3A_47], %parallel_loop3A_587 : memref<15488xf32, #tpu.memory_space<vmem>>[vector<16xi32>], vector<16xf32>,
      %parallel_loop3A_596 = tpu.memref_slice %arg9[%parallel_loop3A_549] : memref<16512xf32, #tpu.memory_space<vmem>> -> memref<15488xf32, #tpu.memory_space<vmem>>
      tpu.vector_store_idx %parallel_loop3A_596[%add3A_50], %parallel_loop3A_588 : memref<15488xf32, #tpu.memory_space<vmem>>[vector<16xi32>], vector<16xf32>,
      scf.yield %parallel_loop3A_588 : vector<16xf32>
    } {sc.loop_unroll_factor = 2 : i64, sc.parallel_access}
    %scan3A_403 = arith.constant 0 : i32
    %scan3A_404 = arith.constant 0 : i32
    %scan3A_405 = arith.constant 16 : i32
    %scan3A_406 = arith.addi %scan3A_404, %scan3A_405 : i32
    %scan3A_407 = arith.constant 1 : i32
    %scan3A_408 = scf.for %scan3A_549 = %scan3A_404 to %scan3A_406 step %scan3A_407 iter_args(%scan3A_550 = %scan3A_403) -> (i32)  : i32 {
      %parallel_loop3A_551 = arith.constant 0 : i32
      %parallel_loop3A_552 = arith.constant 64 : i32
      %parallel_loop3A_553 = arith.constant 1 : i32
      %parallel_loop3A_554 = scf.for %parallel_loop3A_555 = %parallel_loop3A_551 to %parallel_loop3A_552 step %parallel_loop3A_553 iter_args(%parallel_loop3A_556 = %scan3A_550) -> (i32)  : i32 {
        %parallel_loop3A_557 = arith.constant 16 : i32
        %parallel_loop3A_558 = arith.muli %parallel_loop3A_555, %parallel_loop3A_557 : i32
        %parallel_loop3A_559 = arith.constant 1032 : i32
        %parallel_loop3A_560 = arith.muli %scan3A_549, %parallel_loop3A_559 : i32
        %parallel_loop3A_561 = arith.addi %parallel_loop3A_560, %parallel_loop3A_558 : i32
        %parallel_loop3A_562 = arith.index_cast %parallel_loop3A_561 : i32 to index
        %parallel_loop3A_563 = tpu.vector_load %arg9[%parallel_loop3A_562] {strides = array<i32>} : memref<16512xf32, #tpu.memory_space<vmem>>, vector<16xf32>,
        %parallel_loop3A_564 = arith.constant 1024 : i32
        %parallel_loop3A_565 = arith.muli %scan3A_549, %parallel_loop3A_564 : i32
        %parallel_loop3A_566 = arith.addi %parallel_loop3A_565, %parallel_loop3A_558 : i32
        %parallel_loop3A_567 = arith.index_cast %parallel_loop3A_566 : i32 to index
        %parallel_loop3A_568 = tpu.vector_load %arg7[%parallel_loop3A_567] {strides = array<i32>} : memref<16384xf32, #tpu.memory_space<vmem>>, vector<16xf32>,
        tpu.vector_store %arg7[%parallel_loop3A_567], %parallel_loop3A_563 {strides = array<i32>} : memref<16384xf32, #tpu.memory_space<vmem>>, vector<16xf32>,
        scf.yield %parallel_loop3A_556 : i32
      } {sc.loop_unroll_factor = 8 : i64, sc.parallel_access}
      scf.yield %parallel_loop3A_554 : i32
    }
    %scan3A_409 = arith.constant 16 : i32
    %add3A_410 = arith.addf %add3A_348, %reduce_sum3A_398 : f32
    %mul3A_411 = arith.constant 4 : i32
    %mul3A_412 = arith.muli %add3A, %mul3A_411 : i32
    %add3A_413 = arith.constant 2 : i32
    %add3A_414 = arith.addi %mul3A_412, %add3A_413 : i32
    %dma_start3A_415 = arith.constant 16384 : i32
    %dma_start3A_416 = tpu.memref_slice %arg3[%add3A_414, %dma_start3A_415] : memref<128x32768xf32, #tpu.memory_space<hbm>> -> memref<1x16384xf32, #tpu.memory_space<hbm>>
    %dma_start3A_417 = tpu.memref_squeeze %dma_start3A_416 : memref<1x16384xf32, #tpu.memory_space<hbm>> -> memref<16384xf32, #tpu.memory_space<hbm>>
    %dma_start3A_418 = arith.constant 16384 : i32
    %dma_start3A_419 = tpu.memref_slice %arg3[%add3A_414, %dma_start3A_418] : memref<128x32768xf32, #tpu.memory_space<hbm>> -> memref<1x16384xf32, #tpu.memory_space<hbm>>
    %dma_start3A_420 = tpu.memref_squeeze %dma_start3A_419 : memref<1x16384xf32, #tpu.memory_space<hbm>> -> memref<16384xf32, #tpu.memory_space<hbm>>
    tpu.enqueue_dma source(%arg7 : memref<16384xf32, #tpu.memory_space<vmem>>) target(%dma_start3A_420 : memref<16384xf32, #tpu.memory_space<hbm>>) target_semaphore(%arg13 : memref<!tpu.dma_semaphore, #tpu.memory_space<semaphore_mem>>)
    %mul3A_421 = arith.constant 4 : i32
    %mul3A_422 = arith.muli %add3A, %mul3A_421 : i32
    %add3A_423 = arith.constant 3 : i32
    %add3A_424 = arith.addi %mul3A_422, %add3A_423 : i32
    %dma_start3A_425 = arith.constant 0 : i32
    %dma_start3A_426 = tpu.memref_slice %arg2[%add3A_424, %dma_start3A_425] : memref<128x32768xf32, #tpu.memory_space<hbm>> -> memref<1x16384xf32, #tpu.memory_space<hbm>>
    %dma_start3A_427 = tpu.memref_squeeze %dma_start3A_426 : memref<1x16384xf32, #tpu.memory_space<hbm>> -> memref<16384xf32, #tpu.memory_space<hbm>>
    %dma_start3A_428 = arith.constant 0 : i32
    %dma_start3A_429 = tpu.memref_slice %arg2[%add3A_424, %dma_start3A_428] : memref<128x32768xf32, #tpu.memory_space<hbm>> -> memref<1x16384xf32, #tpu.memory_space<hbm>>
    %dma_start3A_430 = tpu.memref_squeeze %dma_start3A_429 : memref<1x16384xf32, #tpu.memory_space<hbm>> -> memref<16384xf32, #tpu.memory_space<hbm>>
    tpu.enqueue_dma source(%dma_start3A_430 : memref<16384xf32, #tpu.memory_space<hbm>>) target(%arg5 : memref<16384xf32, #tpu.memory_space<vmem>>) target_semaphore(%arg11 : memref<!tpu.dma_semaphore, #tpu.memory_space<semaphore_mem>>)
    %dma_wait3A_431 = arith.constant 16384 : i32
    %dma_wait3A_432 = tpu.memref_slice %arg2[%add3A_362, %dma_wait3A_431] : memref<128x32768xf32, #tpu.memory_space<hbm>> -> memref<1x16384xf32, #tpu.memory_space<hbm>>
    %dma_wait3A_433 = tpu.memref_squeeze %dma_wait3A_432 : memref<1x16384xf32, #tpu.memory_space<hbm>> -> memref<16384xf32, #tpu.memory_space<hbm>>
    %dma_wait3A_434 = arith.constant 16384 : i32
    %dma_wait3A_435 = tpu.memref_slice %arg2[%add3A_362, %dma_wait3A_434] : memref<128x32768xf32, #tpu.memory_space<hbm>> -> memref<1x16384xf32, #tpu.memory_space<hbm>>
    %dma_wait3A_436 = tpu.memref_squeeze %dma_wait3A_435 : memref<1x16384xf32, #tpu.memory_space<hbm>> -> memref<16384xf32, #tpu.memory_space<hbm>>
    tpu.wait_dma2 semaphore(%arg10 : memref<!tpu.dma_semaphore, #tpu.memory_space<semaphore_mem>>) src(%dma_wait3A_436 : memref<16384xf32, #tpu.memory_space<hbm>>) dst(%arg4 : memref<16384xf32, #tpu.memory_space<vmem>>)
    %dma_wait3A_437 = arith.constant 0 : i32
    %dma_wait3A_438 = tpu.memref_slice %arg3[%add3A_352, %dma_wait3A_437] : memref<128x32768xf32, #tpu.memory_space<hbm>> -> memref<1x16384xf32, #tpu.memory_space<hbm>>
    %dma_wait3A_439 = tpu.memref_squeeze %dma_wait3A_438 : memref<1x16384xf32, #tpu.memory_space<hbm>> -> memref<16384xf32, #tpu.memory_space<hbm>>
    %dma_wait3A_440 = arith.constant 0 : i32
    %dma_wait3A_441 = tpu.memref_slice %arg3[%add3A_352, %dma_wait3A_440] : memref<128x32768xf32, #tpu.memory_space<hbm>> -> memref<1x16384xf32, #tpu.memory_space<hbm>>
    %dma_wait3A_442 = tpu.memref_squeeze %dma_wait3A_441 : memref<1x16384xf32, #tpu.memory_space<hbm>> -> memref<16384xf32, #tpu.memory_space<hbm>>
    tpu.wait_dma2 semaphore(%arg12 : memref<!tpu.dma_semaphore, #tpu.memory_space<semaphore_mem>>) src(%arg6 : memref<16384xf32, #tpu.memory_space<vmem>>) dst(%dma_wait3A_442 : memref<16384xf32, #tpu.memory_space<hbm>>)
    %broadcast_in_dim3A_443 = arith.constant 0.000000e+00 : f32
    %broadcast_in_dim3A_444 = vector.broadcast %broadcast_in_dim3A_443 : f32 to vector<16xf32>
    %scan3A_445 = arith.constant 0 : i32
    %scan3A_446 = arith.constant 16 : i32
    %scan3A_447 = arith.addi %scan3A_445, %scan3A_446 : i32
    %scan3A_448 = arith.constant 1 : i32
    %scan3A_449 = scf.for %scan3A_549 = %scan3A_445 to %scan3A_447 step %scan3A_448 iter_args(%scan3A_550 = %broadcast_in_dim3A_444) -> (vector<16xf32>)  : i32 {
      %broadcast_in_dim3A_551 = arith.constant 0.000000e+00 : f32
      %broadcast_in_dim3A_552 = vector.broadcast %broadcast_in_dim3A_551 : f32 to vector<16xf32>
      %parallel_loop3A_553 = arith.constant 0 : i32
      %parallel_loop3A_554 = arith.constant 64 : i32
      %parallel_loop3A_555 = arith.constant 4 : i32
      %parallel_loop3A_556 = scf.for %parallel_loop3A_568 = %parallel_loop3A_553 to %parallel_loop3A_554 step %parallel_loop3A_555 iter_args(%parallel_loop3A_569 = %broadcast_in_dim3A_552) -> (vector<16xf32>)  : i32 {
        %parallel_loop3A_570 = arith.constant 16 : i32
        %parallel_loop3A_571 = arith.muli %parallel_loop3A_568, %parallel_loop3A_570 : i32
        %parallel_loop3A_572 = arith.constant 0 : i32
        %parallel_loop3A_573 = arith.addi %parallel_loop3A_571, %parallel_loop3A_572 : i32
        %parallel_loop3A_574 = arith.constant 1024 : i32
        %parallel_loop3A_575 = arith.muli %scan3A_549, %parallel_loop3A_574 : i32
        %parallel_loop3A_576 = arith.addi %parallel_loop3A_575, %parallel_loop3A_573 : i32
        %parallel_loop3A_577 = arith.index_cast %parallel_loop3A_576 : i32 to index
        %parallel_loop3A_578 = tpu.vector_load %arg4[%parallel_loop3A_577] {strides = array<i32>} : memref<16384xf32, #tpu.memory_space<vmem>>, vector<16xf32>,
        %parallel_loop3A_579 = arith.constant 1032 : i32
        %parallel_loop3A_580 = arith.muli %scan3A_549, %parallel_loop3A_579 : i32
        %parallel_loop3A_581 = arith.addi %parallel_loop3A_580, %parallel_loop3A_573 : i32
        %parallel_loop3A_582 = arith.index_cast %parallel_loop3A_581 : i32 to index
        %parallel_loop3A_583 = tpu.vector_load %arg8[%parallel_loop3A_582] {strides = array<i32>} : memref<16512xf32, #tpu.memory_space<vmem>>, vector<16xf32>,
        tpu.vector_store %arg8[%parallel_loop3A_582], %parallel_loop3A_578 {strides = array<i32>} : memref<16512xf32, #tpu.memory_space<vmem>>, vector<16xf32>,
        %parallel_loop3A_584 = arith.constant 16 : i32
        %parallel_loop3A_585 = arith.muli %parallel_loop3A_568, %parallel_loop3A_584 : i32
        %parallel_loop3A_586 = arith.constant 16 : i32
        %parallel_loop3A_587 = arith.addi %parallel_loop3A_585, %parallel_loop3A_586 : i32
        %parallel_loop3A_588 = arith.constant 1024 : i32
        %parallel_loop3A_589 = arith.muli %scan3A_549, %parallel_loop3A_588 : i32
        %parallel_loop3A_590 = arith.addi %parallel_loop3A_589, %parallel_loop3A_587 : i32
        %parallel_loop3A_591 = arith.index_cast %parallel_loop3A_590 : i32 to index
        %parallel_loop3A_592 = tpu.vector_load %arg4[%parallel_loop3A_591] {strides = array<i32>} : memref<16384xf32, #tpu.memory_space<vmem>>, vector<16xf32>,
        %parallel_loop3A_593 = arith.constant 1032 : i32
        %parallel_loop3A_594 = arith.muli %scan3A_549, %parallel_loop3A_593 : i32
        %parallel_loop3A_595 = arith.addi %parallel_loop3A_594, %parallel_loop3A_587 : i32
        %parallel_loop3A_596 = arith.index_cast %parallel_loop3A_595 : i32 to index
        %parallel_loop3A_597 = tpu.vector_load %arg8[%parallel_loop3A_596] {strides = array<i32>} : memref<16512xf32, #tpu.memory_space<vmem>>, vector<16xf32>,
        tpu.vector_store %arg8[%parallel_loop3A_596], %parallel_loop3A_592 {strides = array<i32>} : memref<16512xf32, #tpu.memory_space<vmem>>, vector<16xf32>,
        %parallel_loop3A_598 = arith.constant 16 : i32
        %parallel_loop3A_599 = arith.muli %parallel_loop3A_568, %parallel_loop3A_598 : i32
        %parallel_loop3A_600 = arith.constant 32 : i32
        %parallel_loop3A_601 = arith.addi %parallel_loop3A_599, %parallel_loop3A_600 : i32
        %parallel_loop3A_602 = arith.constant 1024 : i32
        %parallel_loop3A_603 = arith.muli %scan3A_549, %parallel_loop3A_602 : i32
        %parallel_loop3A_604 = arith.addi %parallel_loop3A_603, %parallel_loop3A_601 : i32
        %parallel_loop3A_605 = arith.index_cast %parallel_loop3A_604 : i32 to index
        %parallel_loop3A_606 = tpu.vector_load %arg4[%parallel_loop3A_605] {strides = array<i32>} : memref<16384xf32, #tpu.memory_space<vmem>>, vector<16xf32>,
        %parallel_loop3A_607 = arith.constant 1032 : i32
        %parallel_loop3A_608 = arith.muli %scan3A_549, %parallel_loop3A_607 : i32
        %parallel_loop3A_609 = arith.addi %parallel_loop3A_608, %parallel_loop3A_601 : i32
        %parallel_loop3A_610 = arith.index_cast %parallel_loop3A_609 : i32 to index
        %parallel_loop3A_611 = tpu.vector_load %arg8[%parallel_loop3A_610] {strides = array<i32>} : memref<16512xf32, #tpu.memory_space<vmem>>, vector<16xf32>,
        tpu.vector_store %arg8[%parallel_loop3A_610], %parallel_loop3A_606 {strides = array<i32>} : memref<16512xf32, #tpu.memory_space<vmem>>, vector<16xf32>,
        %parallel_loop3A_612 = arith.constant 16 : i32
        %parallel_loop3A_613 = arith.muli %parallel_loop3A_568, %parallel_loop3A_612 : i32
        %parallel_loop3A_614 = arith.constant 48 : i32
        %parallel_loop3A_615 = arith.addi %parallel_loop3A_613, %parallel_loop3A_614 : i32
        %parallel_loop3A_616 = arith.constant 1024 : i32
        %parallel_loop3A_617 = arith.muli %scan3A_549, %parallel_loop3A_616 : i32
        %parallel_loop3A_618 = arith.addi %parallel_loop3A_617, %parallel_loop3A_615 : i32
        %parallel_loop3A_619 = arith.index_cast %parallel_loop3A_618 : i32 to index
        %parallel_loop3A_620 = tpu.vector_load %arg4[%parallel_loop3A_619] {strides = array<i32>} : memref<16384xf32, #tpu.memory_space<vmem>>, vector<16xf32>,
        %parallel_loop3A_621 = arith.constant 1032 : i32
        %parallel_loop3A_622 = arith.muli %scan3A_549, %parallel_loop3A_621 : i32
        %parallel_loop3A_623 = arith.addi %parallel_loop3A_622, %parallel_loop3A_615 : i32
        %parallel_loop3A_624 = arith.index_cast %parallel_loop3A_623 : i32 to index
        %parallel_loop3A_625 = tpu.vector_load %arg8[%parallel_loop3A_624] {strides = array<i32>} : memref<16512xf32, #tpu.memory_space<vmem>>, vector<16xf32>,
        tpu.vector_store %arg8[%parallel_loop3A_624], %parallel_loop3A_620 {strides = array<i32>} : memref<16512xf32, #tpu.memory_space<vmem>>, vector<16xf32>,
        %parallel_loop3A_626 = arith.addf %parallel_loop3A_578, %parallel_loop3A_592 : vector<16xf32>
        %parallel_loop3A_627 = arith.addf %parallel_loop3A_606, %parallel_loop3A_620 : vector<16xf32>
        %parallel_loop3A_628 = arith.addf %parallel_loop3A_626, %parallel_loop3A_627 : vector<16xf32>
        %parallel_loop3A_629 = arith.addf %parallel_loop3A_569, %parallel_loop3A_628 : vector<16xf32>
        scf.yield %parallel_loop3A_629 : vector<16xf32>
      } {sc.loop_unroll_factor = 2 : i64, sc.parallel_access}
      %sub3A_557 = arith.constant 15 : i32
      %sub3A_558 = arith.subi %sub3A_557, %scan3A_549 : i32
      %eq3A = vector.broadcast %sub3A_558 : i32 to vector<16xi32>
      %eq3A_559 = arith.cmpi eq, %iota3A_4, %eq3A : vector<16xi32>
      %reduce_sum3A_560 = arith.constant true
      %reduce_sum3A_561 = vector.broadcast %reduce_sum3A_560 : i1 to vector<16xi1>
      %reduce_sum3A_562 = tpu.scan <sum>, %parallel_loop3A_556 masked %reduce_sum3A_561 : vector<16xf32>, vector<16xi1> -> vector<16xf32>
      %reduce_sum3A_563 = vector.extract %reduce_sum3A_562[15] : f32 from vector<16xf32>
      %broadcast_in_dim3A_564 = vector.broadcast %reduce_sum3A_563 : f32 to vector<16xf32>
      %broadcast_in_dim3A_565 = arith.constant 0.000000e+00 : f32
      %broadcast_in_dim3A_566 = vector.broadcast %broadcast_in_dim3A_565 : f32 to vector<16xf32>
      %select_n3A = arith.select %eq3A_559, %broadcast_in_dim3A_564, %broadcast_in_dim3A_566 : vector<16xi1>, vector<16xf32>
      %add3A_567 = arith.addf %scan3A_550, %select_n3A : vector<16xf32>
      scf.yield %add3A_567 : vector<16xf32>
    }
    %scan3A_450 = arith.constant 16 : i32
    %broadcast_in_dim3A_451 = arith.constant true
    %broadcast_in_dim3A_452 = vector.broadcast %broadcast_in_dim3A_451 : i1 to vector<16xi1>
    %masked_cumsum3A_453 = tpu.scan <sum>, %scan3A_449 masked %broadcast_in_dim3A_452 : vector<16xf32>, vector<16xi1> -> vector<16xf32>
    %sub3A_454 = arith.subf %masked_cumsum3A_453, %scan3A_449 : vector<16xf32>
    %add3A_455 = arith.constant 0.000000e+00 : f32
    %add3A_456 = vector.broadcast %add3A_455 : f32 to vector<16xf32>
    %add3A_457 = arith.addf %sub3A_454, %add3A_456 : vector<16xf32>
    %reduce_sum3A_458 = arith.constant true
    %reduce_sum3A_459 = vector.broadcast %reduce_sum3A_458 : i1 to vector<16xi1>
    %reduce_sum3A_460 = tpu.scan <sum>, %scan3A_449 masked %reduce_sum3A_459 : vector<16xf32>, vector<16xi1> -> vector<16xf32>
    %reduce_sum3A_461 = vector.extract %reduce_sum3A_460[15] : f32 from vector<16xf32>
    %parallel_loop3A_462 = arith.constant 0 : i32
    %parallel_loop3A_463 = arith.constant 1024 : i32
    %parallel_loop3A_464 = arith.constant 8 : i32
    %parallel_loop3A_465 = scf.for %parallel_loop3A_549 = %parallel_loop3A_462 to %parallel_loop3A_463 step %parallel_loop3A_464 iter_args(%parallel_loop3A_550 = %add3A_457) -> (vector<16xf32>)  : i32 {
      %parallel_loop3A_551 = arith.constant 1016 : i32
      %parallel_loop3A_552 = arith.subi %parallel_loop3A_551, %parallel_loop3A_549 : i32
      %parallel_loop3A_553 = tpu.memref_slice %arg8[%parallel_loop3A_552] : memref<16512xf32, #tpu.memory_space<vmem>> -> memref<15488xf32, #tpu.memory_space<vmem>>
      %parallel_loop3A_554 = tpu.vector_load_idx %parallel_loop3A_553[%sub3A] : memref<15488xf32, #tpu.memory_space<vmem>>[vector<16xi32>], vector<16xf32>,
      %parallel_loop3A_555 = tpu.memref_slice %arg8[%parallel_loop3A_552] : memref<16512xf32, #tpu.memory_space<vmem>> -> memref<15488xf32, #tpu.memory_space<vmem>>
      %parallel_loop3A_556 = tpu.vector_load_idx %parallel_loop3A_555[%sub3A_8] : memref<15488xf32, #tpu.memory_space<vmem>>[vector<16xi32>], vector<16xf32>,
      %parallel_loop3A_557 = tpu.memref_slice %arg8[%parallel_loop3A_552] : memref<16512xf32, #tpu.memory_space<vmem>> -> memref<15488xf32, #tpu.memory_space<vmem>>
      %parallel_loop3A_558 = tpu.vector_load_idx %parallel_loop3A_557[%sub3A_11] : memref<15488xf32, #tpu.memory_space<vmem>>[vector<16xi32>], vector<16xf32>,
      %parallel_loop3A_559 = tpu.memref_slice %arg8[%parallel_loop3A_552] : memref<16512xf32, #tpu.memory_space<vmem>> -> memref<15488xf32, #tpu.memory_space<vmem>>
      %parallel_loop3A_560 = tpu.vector_load_idx %parallel_loop3A_559[%sub3A_14] : memref<15488xf32, #tpu.memory_space<vmem>>[vector<16xi32>], vector<16xf32>,
      %parallel_loop3A_561 = tpu.memref_slice %arg8[%parallel_loop3A_552] : memref<16512xf32, #tpu.memory_space<vmem>> -> memref<15488xf32, #tpu.memory_space<vmem>>
      %parallel_loop3A_562 = tpu.vector_load_idx %parallel_loop3A_561[%sub3A_17] : memref<15488xf32, #tpu.memory_space<vmem>>[vector<16xi32>], vector<16xf32>,
      %parallel_loop3A_563 = tpu.memref_slice %arg8[%parallel_loop3A_552] : memref<16512xf32, #tpu.memory_space<vmem>> -> memref<15488xf32, #tpu.memory_space<vmem>>
      %parallel_loop3A_564 = tpu.vector_load_idx %parallel_loop3A_563[%sub3A_20] : memref<15488xf32, #tpu.memory_space<vmem>>[vector<16xi32>], vector<16xf32>,
      %parallel_loop3A_565 = tpu.memref_slice %arg8[%parallel_loop3A_552] : memref<16512xf32, #tpu.memory_space<vmem>> -> memref<15488xf32, #tpu.memory_space<vmem>>
      %parallel_loop3A_566 = tpu.vector_load_idx %parallel_loop3A_565[%sub3A_23] : memref<15488xf32, #tpu.memory_space<vmem>>[vector<16xi32>], vector<16xf32>,
      %parallel_loop3A_567 = tpu.memref_slice %arg8[%parallel_loop3A_552] : memref<16512xf32, #tpu.memory_space<vmem>> -> memref<15488xf32, #tpu.memory_space<vmem>>
      %parallel_loop3A_568 = tpu.vector_load_idx %parallel_loop3A_567[%sub3A_26] : memref<15488xf32, #tpu.memory_space<vmem>>[vector<16xi32>], vector<16xf32>,
      %parallel_loop3A_569 = arith.addf %parallel_loop3A_554, %parallel_loop3A_556 : vector<16xf32>
      %parallel_loop3A_570 = arith.addf %parallel_loop3A_558, %parallel_loop3A_560 : vector<16xf32>
      %parallel_loop3A_571 = arith.addf %parallel_loop3A_562, %parallel_loop3A_564 : vector<16xf32>
      %parallel_loop3A_572 = arith.addf %parallel_loop3A_566, %parallel_loop3A_568 : vector<16xf32>
      %parallel_loop3A_573 = arith.addf %parallel_loop3A_569, %parallel_loop3A_570 : vector<16xf32>
      %parallel_loop3A_574 = arith.addf %parallel_loop3A_571, %parallel_loop3A_572 : vector<16xf32>
      %parallel_loop3A_575 = arith.addf %parallel_loop3A_569, %parallel_loop3A_558 : vector<16xf32>
      %parallel_loop3A_576 = arith.addf %parallel_loop3A_573, %parallel_loop3A_562 : vector<16xf32>
      %parallel_loop3A_577 = arith.addf %parallel_loop3A_573, %parallel_loop3A_571 : vector<16xf32>
      %parallel_loop3A_578 = arith.addf %parallel_loop3A_573, %parallel_loop3A_571 : vector<16xf32>
      %parallel_loop3A_579 = arith.addf %parallel_loop3A_578, %parallel_loop3A_566 : vector<16xf32>
      %parallel_loop3A_580 = arith.addf %parallel_loop3A_573, %parallel_loop3A_574 : vector<16xf32>
      %parallel_loop3A_581 = arith.addf %parallel_loop3A_550, %parallel_loop3A_554 : vector<16xf32>
      %parallel_loop3A_582 = arith.addf %parallel_loop3A_550, %parallel_loop3A_569 : vector<16xf32>
      %parallel_loop3A_583 = arith.addf %parallel_loop3A_550, %parallel_loop3A_575 : vector<16xf32>
      %parallel_loop3A_584 = arith.addf %parallel_loop3A_550, %parallel_loop3A_573 : vector<16xf32>
      %parallel_loop3A_585 = arith.addf %parallel_loop3A_550, %parallel_loop3A_576 : vector<16xf32>
      %parallel_loop3A_586 = arith.addf %parallel_loop3A_550, %parallel_loop3A_577 : vector<16xf32>
      %parallel_loop3A_587 = arith.addf %parallel_loop3A_550, %parallel_loop3A_579 : vector<16xf32>
      %parallel_loop3A_588 = arith.addf %parallel_loop3A_550, %parallel_loop3A_580 : vector<16xf32>
      %parallel_loop3A_589 = tpu.memref_slice %arg9[%parallel_loop3A_549] : memref<16512xf32, #tpu.memory_space<vmem>> -> memref<15488xf32, #tpu.memory_space<vmem>>
      tpu.vector_store_idx %parallel_loop3A_589[%add3A_29], %parallel_loop3A_581 : memref<15488xf32, #tpu.memory_space<vmem>>[vector<16xi32>], vector<16xf32>,
      %parallel_loop3A_590 = tpu.memref_slice %arg9[%parallel_loop3A_549] : memref<16512xf32, #tpu.memory_space<vmem>> -> memref<15488xf32, #tpu.memory_space<vmem>>
      tpu.vector_store_idx %parallel_loop3A_590[%add3A_32], %parallel_loop3A_582 : memref<15488xf32, #tpu.memory_space<vmem>>[vector<16xi32>], vector<16xf32>,
      %parallel_loop3A_591 = tpu.memref_slice %arg9[%parallel_loop3A_549] : memref<16512xf32, #tpu.memory_space<vmem>> -> memref<15488xf32, #tpu.memory_space<vmem>>
      tpu.vector_store_idx %parallel_loop3A_591[%add3A_35], %parallel_loop3A_583 : memref<15488xf32, #tpu.memory_space<vmem>>[vector<16xi32>], vector<16xf32>,
      %parallel_loop3A_592 = tpu.memref_slice %arg9[%parallel_loop3A_549] : memref<16512xf32, #tpu.memory_space<vmem>> -> memref<15488xf32, #tpu.memory_space<vmem>>
      tpu.vector_store_idx %parallel_loop3A_592[%add3A_38], %parallel_loop3A_584 : memref<15488xf32, #tpu.memory_space<vmem>>[vector<16xi32>], vector<16xf32>,
      %parallel_loop3A_593 = tpu.memref_slice %arg9[%parallel_loop3A_549] : memref<16512xf32, #tpu.memory_space<vmem>> -> memref<15488xf32, #tpu.memory_space<vmem>>
      tpu.vector_store_idx %parallel_loop3A_593[%add3A_41], %parallel_loop3A_585 : memref<15488xf32, #tpu.memory_space<vmem>>[vector<16xi32>], vector<16xf32>,
      %parallel_loop3A_594 = tpu.memref_slice %arg9[%parallel_loop3A_549] : memref<16512xf32, #tpu.memory_space<vmem>> -> memref<15488xf32, #tpu.memory_space<vmem>>
      tpu.vector_store_idx %parallel_loop3A_594[%add3A_44], %parallel_loop3A_586 : memref<15488xf32, #tpu.memory_space<vmem>>[vector<16xi32>], vector<16xf32>,
      %parallel_loop3A_595 = tpu.memref_slice %arg9[%parallel_loop3A_549] : memref<16512xf32, #tpu.memory_space<vmem>> -> memref<15488xf32, #tpu.memory_space<vmem>>
      tpu.vector_store_idx %parallel_loop3A_595[%add3A_47], %parallel_loop3A_587 : memref<15488xf32, #tpu.memory_space<vmem>>[vector<16xi32>], vector<16xf32>,
      %parallel_loop3A_596 = tpu.memref_slice %arg9[%parallel_loop3A_549] : memref<16512xf32, #tpu.memory_space<vmem>> -> memref<15488xf32, #tpu.memory_space<vmem>>
      tpu.vector_store_idx %parallel_loop3A_596[%add3A_50], %parallel_loop3A_588 : memref<15488xf32, #tpu.memory_space<vmem>>[vector<16xi32>], vector<16xf32>,
      scf.yield %parallel_loop3A_588 : vector<16xf32>
    } {sc.loop_unroll_factor = 2 : i64, sc.parallel_access}
    %scan3A_466 = arith.constant 0 : i32
    %scan3A_467 = arith.constant 0 : i32
    %scan3A_468 = arith.constant 16 : i32
    %scan3A_469 = arith.addi %scan3A_467, %scan3A_468 : i32
    %scan3A_470 = arith.constant 1 : i32
    %scan3A_471 = scf.for %scan3A_549 = %scan3A_467 to %scan3A_469 step %scan3A_470 iter_args(%scan3A_550 = %scan3A_466) -> (i32)  : i32 {
      %parallel_loop3A_551 = arith.constant 0 : i32
      %parallel_loop3A_552 = arith.constant 64 : i32
      %parallel_loop3A_553 = arith.constant 1 : i32
      %parallel_loop3A_554 = scf.for %parallel_loop3A_555 = %parallel_loop3A_551 to %parallel_loop3A_552 step %parallel_loop3A_553 iter_args(%parallel_loop3A_556 = %scan3A_550) -> (i32)  : i32 {
        %parallel_loop3A_557 = arith.constant 16 : i32
        %parallel_loop3A_558 = arith.muli %parallel_loop3A_555, %parallel_loop3A_557 : i32
        %parallel_loop3A_559 = arith.constant 1032 : i32
        %parallel_loop3A_560 = arith.muli %scan3A_549, %parallel_loop3A_559 : i32
        %parallel_loop3A_561 = arith.addi %parallel_loop3A_560, %parallel_loop3A_558 : i32
        %parallel_loop3A_562 = arith.index_cast %parallel_loop3A_561 : i32 to index
        %parallel_loop3A_563 = tpu.vector_load %arg9[%parallel_loop3A_562] {strides = array<i32>} : memref<16512xf32, #tpu.memory_space<vmem>>, vector<16xf32>,
        %parallel_loop3A_564 = arith.constant 1024 : i32
        %parallel_loop3A_565 = arith.muli %scan3A_549, %parallel_loop3A_564 : i32
        %parallel_loop3A_566 = arith.addi %parallel_loop3A_565, %parallel_loop3A_558 : i32
        %parallel_loop3A_567 = arith.index_cast %parallel_loop3A_566 : i32 to index
        %parallel_loop3A_568 = tpu.vector_load %arg6[%parallel_loop3A_567] {strides = array<i32>} : memref<16384xf32, #tpu.memory_space<vmem>>, vector<16xf32>,
        tpu.vector_store %arg6[%parallel_loop3A_567], %parallel_loop3A_563 {strides = array<i32>} : memref<16384xf32, #tpu.memory_space<vmem>>, vector<16xf32>,
        scf.yield %parallel_loop3A_556 : i32
      } {sc.loop_unroll_factor = 8 : i64, sc.parallel_access}
      scf.yield %parallel_loop3A_554 : i32
    }
    %scan3A_472 = arith.constant 16 : i32
    %add3A_473 = arith.constant 0.000000e+00 : f32
    %add3A_474 = arith.addf %add3A_473, %reduce_sum3A_461 : f32
    %mul3A_475 = arith.constant 4 : i32
    %mul3A_476 = arith.muli %add3A, %mul3A_475 : i32
    %add3A_477 = arith.constant 3 : i32
    %add3A_478 = arith.addi %mul3A_476, %add3A_477 : i32
    %dma_start3A_479 = arith.constant 0 : i32
    %dma_start3A_480 = tpu.memref_slice %arg3[%add3A_478, %dma_start3A_479] : memref<128x32768xf32, #tpu.memory_space<hbm>> -> memref<1x16384xf32, #tpu.memory_space<hbm>>
    %dma_start3A_481 = tpu.memref_squeeze %dma_start3A_480 : memref<1x16384xf32, #tpu.memory_space<hbm>> -> memref<16384xf32, #tpu.memory_space<hbm>>
    %dma_start3A_482 = arith.constant 0 : i32
    %dma_start3A_483 = tpu.memref_slice %arg3[%add3A_478, %dma_start3A_482] : memref<128x32768xf32, #tpu.memory_space<hbm>> -> memref<1x16384xf32, #tpu.memory_space<hbm>>
    %dma_start3A_484 = tpu.memref_squeeze %dma_start3A_483 : memref<1x16384xf32, #tpu.memory_space<hbm>> -> memref<16384xf32, #tpu.memory_space<hbm>>
    tpu.enqueue_dma source(%arg6 : memref<16384xf32, #tpu.memory_space<vmem>>) target(%dma_start3A_484 : memref<16384xf32, #tpu.memory_space<hbm>>) target_semaphore(%arg12 : memref<!tpu.dma_semaphore, #tpu.memory_space<semaphore_mem>>)
    %dma_wait3A_485 = arith.constant 0 : i32
    %dma_wait3A_486 = tpu.memref_slice %arg2[%add3A_424, %dma_wait3A_485] : memref<128x32768xf32, #tpu.memory_space<hbm>> -> memref<1x16384xf32, #tpu.memory_space<hbm>>
    %dma_wait3A_487 = tpu.memref_squeeze %dma_wait3A_486 : memref<1x16384xf32, #tpu.memory_space<hbm>> -> memref<16384xf32, #tpu.memory_space<hbm>>
    %dma_wait3A_488 = arith.constant 0 : i32
    %dma_wait3A_489 = tpu.memref_slice %arg2[%add3A_424, %dma_wait3A_488] : memref<128x32768xf32, #tpu.memory_space<hbm>> -> memref<1x16384xf32, #tpu.memory_space<hbm>>
    %dma_wait3A_490 = tpu.memref_squeeze %dma_wait3A_489 : memref<1x16384xf32, #tpu.memory_space<hbm>> -> memref<16384xf32, #tpu.memory_space<hbm>>
    tpu.wait_dma2 semaphore(%arg11 : memref<!tpu.dma_semaphore, #tpu.memory_space<semaphore_mem>>) src(%dma_wait3A_490 : memref<16384xf32, #tpu.memory_space<hbm>>) dst(%arg5 : memref<16384xf32, #tpu.memory_space<vmem>>)
    %dma_wait3A_491 = arith.constant 16384 : i32
    %dma_wait3A_492 = tpu.memref_slice %arg3[%add3A_414, %dma_wait3A_491] : memref<128x32768xf32, #tpu.memory_space<hbm>> -> memref<1x16384xf32, #tpu.memory_space<hbm>>
    %dma_wait3A_493 = tpu.memref_squeeze %dma_wait3A_492 : memref<1x16384xf32, #tpu.memory_space<hbm>> -> memref<16384xf32, #tpu.memory_space<hbm>>
    %dma_wait3A_494 = arith.constant 16384 : i32
    %dma_wait3A_495 = tpu.memref_slice %arg3[%add3A_414, %dma_wait3A_494] : memref<128x32768xf32, #tpu.memory_space<hbm>> -> memref<1x16384xf32, #tpu.memory_space<hbm>>
    %dma_wait3A_496 = tpu.memref_squeeze %dma_wait3A_495 : memref<1x16384xf32, #tpu.memory_space<hbm>> -> memref<16384xf32, #tpu.memory_space<hbm>>
    tpu.wait_dma2 semaphore(%arg13 : memref<!tpu.dma_semaphore, #tpu.memory_space<semaphore_mem>>) src(%arg7 : memref<16384xf32, #tpu.memory_space<vmem>>) dst(%dma_wait3A_496 : memref<16384xf32, #tpu.memory_space<hbm>>)
    %broadcast_in_dim3A_497 = arith.constant 0.000000e+00 : f32
    %broadcast_in_dim3A_498 = vector.broadcast %broadcast_in_dim3A_497 : f32 to vector<16xf32>
    %scan3A_499 = arith.constant 0 : i32
    %scan3A_500 = arith.constant 16 : i32
    %scan3A_501 = arith.addi %scan3A_499, %scan3A_500 : i32
    %scan3A_502 = arith.constant 1 : i32
    %scan3A_503 = scf.for %scan3A_549 = %scan3A_499 to %scan3A_501 step %scan3A_502 iter_args(%scan3A_550 = %broadcast_in_dim3A_498) -> (vector<16xf32>)  : i32 {
      %broadcast_in_dim3A_551 = arith.constant 0.000000e+00 : f32
      %broadcast_in_dim3A_552 = vector.broadcast %broadcast_in_dim3A_551 : f32 to vector<16xf32>
      %parallel_loop3A_553 = arith.constant 0 : i32
      %parallel_loop3A_554 = arith.constant 64 : i32
      %parallel_loop3A_555 = arith.constant 4 : i32
      %parallel_loop3A_556 = scf.for %parallel_loop3A_568 = %parallel_loop3A_553 to %parallel_loop3A_554 step %parallel_loop3A_555 iter_args(%parallel_loop3A_569 = %broadcast_in_dim3A_552) -> (vector<16xf32>)  : i32 {
        %parallel_loop3A_570 = arith.constant 16 : i32
        %parallel_loop3A_571 = arith.muli %parallel_loop3A_568, %parallel_loop3A_570 : i32
        %parallel_loop3A_572 = arith.constant 0 : i32
        %parallel_loop3A_573 = arith.addi %parallel_loop3A_571, %parallel_loop3A_572 : i32
        %parallel_loop3A_574 = arith.constant 1024 : i32
        %parallel_loop3A_575 = arith.muli %scan3A_549, %parallel_loop3A_574 : i32
        %parallel_loop3A_576 = arith.addi %parallel_loop3A_575, %parallel_loop3A_573 : i32
        %parallel_loop3A_577 = arith.index_cast %parallel_loop3A_576 : i32 to index
        %parallel_loop3A_578 = tpu.vector_load %arg5[%parallel_loop3A_577] {strides = array<i32>} : memref<16384xf32, #tpu.memory_space<vmem>>, vector<16xf32>,
        %parallel_loop3A_579 = arith.constant 1032 : i32
        %parallel_loop3A_580 = arith.muli %scan3A_549, %parallel_loop3A_579 : i32
        %parallel_loop3A_581 = arith.addi %parallel_loop3A_580, %parallel_loop3A_573 : i32
        %parallel_loop3A_582 = arith.index_cast %parallel_loop3A_581 : i32 to index
        %parallel_loop3A_583 = tpu.vector_load %arg8[%parallel_loop3A_582] {strides = array<i32>} : memref<16512xf32, #tpu.memory_space<vmem>>, vector<16xf32>,
        tpu.vector_store %arg8[%parallel_loop3A_582], %parallel_loop3A_578 {strides = array<i32>} : memref<16512xf32, #tpu.memory_space<vmem>>, vector<16xf32>,
        %parallel_loop3A_584 = arith.constant 16 : i32
        %parallel_loop3A_585 = arith.muli %parallel_loop3A_568, %parallel_loop3A_584 : i32
        %parallel_loop3A_586 = arith.constant 16 : i32
        %parallel_loop3A_587 = arith.addi %parallel_loop3A_585, %parallel_loop3A_586 : i32
        %parallel_loop3A_588 = arith.constant 1024 : i32
        %parallel_loop3A_589 = arith.muli %scan3A_549, %parallel_loop3A_588 : i32
        %parallel_loop3A_590 = arith.addi %parallel_loop3A_589, %parallel_loop3A_587 : i32
        %parallel_loop3A_591 = arith.index_cast %parallel_loop3A_590 : i32 to index
        %parallel_loop3A_592 = tpu.vector_load %arg5[%parallel_loop3A_591] {strides = array<i32>} : memref<16384xf32, #tpu.memory_space<vmem>>, vector<16xf32>,
        %parallel_loop3A_593 = arith.constant 1032 : i32
        %parallel_loop3A_594 = arith.muli %scan3A_549, %parallel_loop3A_593 : i32
        %parallel_loop3A_595 = arith.addi %parallel_loop3A_594, %parallel_loop3A_587 : i32
        %parallel_loop3A_596 = arith.index_cast %parallel_loop3A_595 : i32 to index
        %parallel_loop3A_597 = tpu.vector_load %arg8[%parallel_loop3A_596] {strides = array<i32>} : memref<16512xf32, #tpu.memory_space<vmem>>, vector<16xf32>,
        tpu.vector_store %arg8[%parallel_loop3A_596], %parallel_loop3A_592 {strides = array<i32>} : memref<16512xf32, #tpu.memory_space<vmem>>, vector<16xf32>,
        %parallel_loop3A_598 = arith.constant 16 : i32
        %parallel_loop3A_599 = arith.muli %parallel_loop3A_568, %parallel_loop3A_598 : i32
        %parallel_loop3A_600 = arith.constant 32 : i32
        %parallel_loop3A_601 = arith.addi %parallel_loop3A_599, %parallel_loop3A_600 : i32
        %parallel_loop3A_602 = arith.constant 1024 : i32
        %parallel_loop3A_603 = arith.muli %scan3A_549, %parallel_loop3A_602 : i32
        %parallel_loop3A_604 = arith.addi %parallel_loop3A_603, %parallel_loop3A_601 : i32
        %parallel_loop3A_605 = arith.index_cast %parallel_loop3A_604 : i32 to index
        %parallel_loop3A_606 = tpu.vector_load %arg5[%parallel_loop3A_605] {strides = array<i32>} : memref<16384xf32, #tpu.memory_space<vmem>>, vector<16xf32>,
        %parallel_loop3A_607 = arith.constant 1032 : i32
        %parallel_loop3A_608 = arith.muli %scan3A_549, %parallel_loop3A_607 : i32
        %parallel_loop3A_609 = arith.addi %parallel_loop3A_608, %parallel_loop3A_601 : i32
        %parallel_loop3A_610 = arith.index_cast %parallel_loop3A_609 : i32 to index
        %parallel_loop3A_611 = tpu.vector_load %arg8[%parallel_loop3A_610] {strides = array<i32>} : memref<16512xf32, #tpu.memory_space<vmem>>, vector<16xf32>,
        tpu.vector_store %arg8[%parallel_loop3A_610], %parallel_loop3A_606 {strides = array<i32>} : memref<16512xf32, #tpu.memory_space<vmem>>, vector<16xf32>,
        %parallel_loop3A_612 = arith.constant 16 : i32
        %parallel_loop3A_613 = arith.muli %parallel_loop3A_568, %parallel_loop3A_612 : i32
        %parallel_loop3A_614 = arith.constant 48 : i32
        %parallel_loop3A_615 = arith.addi %parallel_loop3A_613, %parallel_loop3A_614 : i32
        %parallel_loop3A_616 = arith.constant 1024 : i32
        %parallel_loop3A_617 = arith.muli %scan3A_549, %parallel_loop3A_616 : i32
        %parallel_loop3A_618 = arith.addi %parallel_loop3A_617, %parallel_loop3A_615 : i32
        %parallel_loop3A_619 = arith.index_cast %parallel_loop3A_618 : i32 to index
        %parallel_loop3A_620 = tpu.vector_load %arg5[%parallel_loop3A_619] {strides = array<i32>} : memref<16384xf32, #tpu.memory_space<vmem>>, vector<16xf32>,
        %parallel_loop3A_621 = arith.constant 1032 : i32
        %parallel_loop3A_622 = arith.muli %scan3A_549, %parallel_loop3A_621 : i32
        %parallel_loop3A_623 = arith.addi %parallel_loop3A_622, %parallel_loop3A_615 : i32
        %parallel_loop3A_624 = arith.index_cast %parallel_loop3A_623 : i32 to index
        %parallel_loop3A_625 = tpu.vector_load %arg8[%parallel_loop3A_624] {strides = array<i32>} : memref<16512xf32, #tpu.memory_space<vmem>>, vector<16xf32>,
        tpu.vector_store %arg8[%parallel_loop3A_624], %parallel_loop3A_620 {strides = array<i32>} : memref<16512xf32, #tpu.memory_space<vmem>>, vector<16xf32>,
        %parallel_loop3A_626 = arith.addf %parallel_loop3A_578, %parallel_loop3A_592 : vector<16xf32>
        %parallel_loop3A_627 = arith.addf %parallel_loop3A_606, %parallel_loop3A_620 : vector<16xf32>
        %parallel_loop3A_628 = arith.addf %parallel_loop3A_626, %parallel_loop3A_627 : vector<16xf32>
        %parallel_loop3A_629 = arith.addf %parallel_loop3A_569, %parallel_loop3A_628 : vector<16xf32>
        scf.yield %parallel_loop3A_629 : vector<16xf32>
      } {sc.loop_unroll_factor = 2 : i64, sc.parallel_access}
      %sub3A_557 = arith.constant 15 : i32
      %sub3A_558 = arith.subi %sub3A_557, %scan3A_549 : i32
      %eq3A = vector.broadcast %sub3A_558 : i32 to vector<16xi32>
      %eq3A_559 = arith.cmpi eq, %iota3A_4, %eq3A : vector<16xi32>
      %reduce_sum3A_560 = arith.constant true
      %reduce_sum3A_561 = vector.broadcast %reduce_sum3A_560 : i1 to vector<16xi1>
      %reduce_sum3A_562 = tpu.scan <sum>, %parallel_loop3A_556 masked %reduce_sum3A_561 : vector<16xf32>, vector<16xi1> -> vector<16xf32>
      %reduce_sum3A_563 = vector.extract %reduce_sum3A_562[15] : f32 from vector<16xf32>
      %broadcast_in_dim3A_564 = vector.broadcast %reduce_sum3A_563 : f32 to vector<16xf32>
      %broadcast_in_dim3A_565 = arith.constant 0.000000e+00 : f32
      %broadcast_in_dim3A_566 = vector.broadcast %broadcast_in_dim3A_565 : f32 to vector<16xf32>
      %select_n3A = arith.select %eq3A_559, %broadcast_in_dim3A_564, %broadcast_in_dim3A_566 : vector<16xi1>, vector<16xf32>
      %add3A_567 = arith.addf %scan3A_550, %select_n3A : vector<16xf32>
      scf.yield %add3A_567 : vector<16xf32>
    }
    %scan3A_504 = arith.constant 16 : i32
    %broadcast_in_dim3A_505 = arith.constant true
    %broadcast_in_dim3A_506 = vector.broadcast %broadcast_in_dim3A_505 : i1 to vector<16xi1>
    %masked_cumsum3A_507 = tpu.scan <sum>, %scan3A_503 masked %broadcast_in_dim3A_506 : vector<16xf32>, vector<16xi1> -> vector<16xf32>
    %sub3A_508 = arith.subf %masked_cumsum3A_507, %scan3A_503 : vector<16xf32>
    %add3A_509 = vector.broadcast %add3A_474 : f32 to vector<16xf32>
    %add3A_510 = arith.addf %sub3A_508, %add3A_509 : vector<16xf32>
    %reduce_sum3A_511 = arith.constant true
    %reduce_sum3A_512 = vector.broadcast %reduce_sum3A_511 : i1 to vector<16xi1>
    %reduce_sum3A_513 = tpu.scan <sum>, %scan3A_503 masked %reduce_sum3A_512 : vector<16xf32>, vector<16xi1> -> vector<16xf32>
    %reduce_sum3A_514 = vector.extract %reduce_sum3A_513[15] : f32 from vector<16xf32>
    %parallel_loop3A_515 = arith.constant 0 : i32
    %parallel_loop3A_516 = arith.constant 1024 : i32
    %parallel_loop3A_517 = arith.constant 8 : i32
    %parallel_loop3A_518 = scf.for %parallel_loop3A_549 = %parallel_loop3A_515 to %parallel_loop3A_516 step %parallel_loop3A_517 iter_args(%parallel_loop3A_550 = %add3A_510) -> (vector<16xf32>)  : i32 {
      %parallel_loop3A_551 = arith.constant 1016 : i32
      %parallel_loop3A_552 = arith.subi %parallel_loop3A_551, %parallel_loop3A_549 : i32
      %parallel_loop3A_553 = tpu.memref_slice %arg8[%parallel_loop3A_552] : memref<16512xf32, #tpu.memory_space<vmem>> -> memref<15488xf32, #tpu.memory_space<vmem>>
      %parallel_loop3A_554 = tpu.vector_load_idx %parallel_loop3A_553[%sub3A] : memref<15488xf32, #tpu.memory_space<vmem>>[vector<16xi32>], vector<16xf32>,
      %parallel_loop3A_555 = tpu.memref_slice %arg8[%parallel_loop3A_552] : memref<16512xf32, #tpu.memory_space<vmem>> -> memref<15488xf32, #tpu.memory_space<vmem>>
      %parallel_loop3A_556 = tpu.vector_load_idx %parallel_loop3A_555[%sub3A_8] : memref<15488xf32, #tpu.memory_space<vmem>>[vector<16xi32>], vector<16xf32>,
      %parallel_loop3A_557 = tpu.memref_slice %arg8[%parallel_loop3A_552] : memref<16512xf32, #tpu.memory_space<vmem>> -> memref<15488xf32, #tpu.memory_space<vmem>>
      %parallel_loop3A_558 = tpu.vector_load_idx %parallel_loop3A_557[%sub3A_11] : memref<15488xf32, #tpu.memory_space<vmem>>[vector<16xi32>], vector<16xf32>,
      %parallel_loop3A_559 = tpu.memref_slice %arg8[%parallel_loop3A_552] : memref<16512xf32, #tpu.memory_space<vmem>> -> memref<15488xf32, #tpu.memory_space<vmem>>
      %parallel_loop3A_560 = tpu.vector_load_idx %parallel_loop3A_559[%sub3A_14] : memref<15488xf32, #tpu.memory_space<vmem>>[vector<16xi32>], vector<16xf32>,
      %parallel_loop3A_561 = tpu.memref_slice %arg8[%parallel_loop3A_552] : memref<16512xf32, #tpu.memory_space<vmem>> -> memref<15488xf32, #tpu.memory_space<vmem>>
      %parallel_loop3A_562 = tpu.vector_load_idx %parallel_loop3A_561[%sub3A_17] : memref<15488xf32, #tpu.memory_space<vmem>>[vector<16xi32>], vector<16xf32>,
      %parallel_loop3A_563 = tpu.memref_slice %arg8[%parallel_loop3A_552] : memref<16512xf32, #tpu.memory_space<vmem>> -> memref<15488xf32, #tpu.memory_space<vmem>>
      %parallel_loop3A_564 = tpu.vector_load_idx %parallel_loop3A_563[%sub3A_20] : memref<15488xf32, #tpu.memory_space<vmem>>[vector<16xi32>], vector<16xf32>,
      %parallel_loop3A_565 = tpu.memref_slice %arg8[%parallel_loop3A_552] : memref<16512xf32, #tpu.memory_space<vmem>> -> memref<15488xf32, #tpu.memory_space<vmem>>
      %parallel_loop3A_566 = tpu.vector_load_idx %parallel_loop3A_565[%sub3A_23] : memref<15488xf32, #tpu.memory_space<vmem>>[vector<16xi32>], vector<16xf32>,
      %parallel_loop3A_567 = tpu.memref_slice %arg8[%parallel_loop3A_552] : memref<16512xf32, #tpu.memory_space<vmem>> -> memref<15488xf32, #tpu.memory_space<vmem>>
      %parallel_loop3A_568 = tpu.vector_load_idx %parallel_loop3A_567[%sub3A_26] : memref<15488xf32, #tpu.memory_space<vmem>>[vector<16xi32>], vector<16xf32>,
      %parallel_loop3A_569 = arith.addf %parallel_loop3A_554, %parallel_loop3A_556 : vector<16xf32>
      %parallel_loop3A_570 = arith.addf %parallel_loop3A_558, %parallel_loop3A_560 : vector<16xf32>
      %parallel_loop3A_571 = arith.addf %parallel_loop3A_562, %parallel_loop3A_564 : vector<16xf32>
      %parallel_loop3A_572 = arith.addf %parallel_loop3A_566, %parallel_loop3A_568 : vector<16xf32>
      %parallel_loop3A_573 = arith.addf %parallel_loop3A_569, %parallel_loop3A_570 : vector<16xf32>
      %parallel_loop3A_574 = arith.addf %parallel_loop3A_571, %parallel_loop3A_572 : vector<16xf32>
      %parallel_loop3A_575 = arith.addf %parallel_loop3A_569, %parallel_loop3A_558 : vector<16xf32>
      %parallel_loop3A_576 = arith.addf %parallel_loop3A_573, %parallel_loop3A_562 : vector<16xf32>
      %parallel_loop3A_577 = arith.addf %parallel_loop3A_573, %parallel_loop3A_571 : vector<16xf32>
      %parallel_loop3A_578 = arith.addf %parallel_loop3A_573, %parallel_loop3A_571 : vector<16xf32>
      %parallel_loop3A_579 = arith.addf %parallel_loop3A_578, %parallel_loop3A_566 : vector<16xf32>
      %parallel_loop3A_580 = arith.addf %parallel_loop3A_573, %parallel_loop3A_574 : vector<16xf32>
      %parallel_loop3A_581 = arith.addf %parallel_loop3A_550, %parallel_loop3A_554 : vector<16xf32>
      %parallel_loop3A_582 = arith.addf %parallel_loop3A_550, %parallel_loop3A_569 : vector<16xf32>
      %parallel_loop3A_583 = arith.addf %parallel_loop3A_550, %parallel_loop3A_575 : vector<16xf32>
      %parallel_loop3A_584 = arith.addf %parallel_loop3A_550, %parallel_loop3A_573 : vector<16xf32>
      %parallel_loop3A_585 = arith.addf %parallel_loop3A_550, %parallel_loop3A_576 : vector<16xf32>
      %parallel_loop3A_586 = arith.addf %parallel_loop3A_550, %parallel_loop3A_577 : vector<16xf32>
      %parallel_loop3A_587 = arith.addf %parallel_loop3A_550, %parallel_loop3A_579 : vector<16xf32>
      %parallel_loop3A_588 = arith.addf %parallel_loop3A_550, %parallel_loop3A_580 : vector<16xf32>
      %parallel_loop3A_589 = tpu.memref_slice %arg9[%parallel_loop3A_549] : memref<16512xf32, #tpu.memory_space<vmem>> -> memref<15488xf32, #tpu.memory_space<vmem>>
      tpu.vector_store_idx %parallel_loop3A_589[%add3A_29], %parallel_loop3A_581 : memref<15488xf32, #tpu.memory_space<vmem>>[vector<16xi32>], vector<16xf32>,
      %parallel_loop3A_590 = tpu.memref_slice %arg9[%parallel_loop3A_549] : memref<16512xf32, #tpu.memory_space<vmem>> -> memref<15488xf32, #tpu.memory_space<vmem>>
      tpu.vector_store_idx %parallel_loop3A_590[%add3A_32], %parallel_loop3A_582 : memref<15488xf32, #tpu.memory_space<vmem>>[vector<16xi32>], vector<16xf32>,
      %parallel_loop3A_591 = tpu.memref_slice %arg9[%parallel_loop3A_549] : memref<16512xf32, #tpu.memory_space<vmem>> -> memref<15488xf32, #tpu.memory_space<vmem>>
      tpu.vector_store_idx %parallel_loop3A_591[%add3A_35], %parallel_loop3A_583 : memref<15488xf32, #tpu.memory_space<vmem>>[vector<16xi32>], vector<16xf32>,
      %parallel_loop3A_592 = tpu.memref_slice %arg9[%parallel_loop3A_549] : memref<16512xf32, #tpu.memory_space<vmem>> -> memref<15488xf32, #tpu.memory_space<vmem>>
      tpu.vector_store_idx %parallel_loop3A_592[%add3A_38], %parallel_loop3A_584 : memref<15488xf32, #tpu.memory_space<vmem>>[vector<16xi32>], vector<16xf32>,
      %parallel_loop3A_593 = tpu.memref_slice %arg9[%parallel_loop3A_549] : memref<16512xf32, #tpu.memory_space<vmem>> -> memref<15488xf32, #tpu.memory_space<vmem>>
      tpu.vector_store_idx %parallel_loop3A_593[%add3A_41], %parallel_loop3A_585 : memref<15488xf32, #tpu.memory_space<vmem>>[vector<16xi32>], vector<16xf32>,
      %parallel_loop3A_594 = tpu.memref_slice %arg9[%parallel_loop3A_549] : memref<16512xf32, #tpu.memory_space<vmem>> -> memref<15488xf32, #tpu.memory_space<vmem>>
      tpu.vector_store_idx %parallel_loop3A_594[%add3A_44], %parallel_loop3A_586 : memref<15488xf32, #tpu.memory_space<vmem>>[vector<16xi32>], vector<16xf32>,
      %parallel_loop3A_595 = tpu.memref_slice %arg9[%parallel_loop3A_549] : memref<16512xf32, #tpu.memory_space<vmem>> -> memref<15488xf32, #tpu.memory_space<vmem>>
      tpu.vector_store_idx %parallel_loop3A_595[%add3A_47], %parallel_loop3A_587 : memref<15488xf32, #tpu.memory_space<vmem>>[vector<16xi32>], vector<16xf32>,
      %parallel_loop3A_596 = tpu.memref_slice %arg9[%parallel_loop3A_549] : memref<16512xf32, #tpu.memory_space<vmem>> -> memref<15488xf32, #tpu.memory_space<vmem>>
      tpu.vector_store_idx %parallel_loop3A_596[%add3A_50], %parallel_loop3A_588 : memref<15488xf32, #tpu.memory_space<vmem>>[vector<16xi32>], vector<16xf32>,
      scf.yield %parallel_loop3A_588 : vector<16xf32>
    } {sc.loop_unroll_factor = 2 : i64, sc.parallel_access}
    %scan3A_519 = arith.constant 0 : i32
    %scan3A_520 = arith.constant 0 : i32
    %scan3A_521 = arith.constant 16 : i32
    %scan3A_522 = arith.addi %scan3A_520, %scan3A_521 : i32
    %scan3A_523 = arith.constant 1 : i32
    %scan3A_524 = scf.for %scan3A_549 = %scan3A_520 to %scan3A_522 step %scan3A_523 iter_args(%scan3A_550 = %scan3A_519) -> (i32)  : i32 {
      %parallel_loop3A_551 = arith.constant 0 : i32
      %parallel_loop3A_552 = arith.constant 64 : i32
      %parallel_loop3A_553 = arith.constant 1 : i32
      %parallel_loop3A_554 = scf.for %parallel_loop3A_555 = %parallel_loop3A_551 to %parallel_loop3A_552 step %parallel_loop3A_553 iter_args(%parallel_loop3A_556 = %scan3A_550) -> (i32)  : i32 {
        %parallel_loop3A_557 = arith.constant 16 : i32
        %parallel_loop3A_558 = arith.muli %parallel_loop3A_555, %parallel_loop3A_557 : i32
        %parallel_loop3A_559 = arith.constant 1032 : i32
        %parallel_loop3A_560 = arith.muli %scan3A_549, %parallel_loop3A_559 : i32
        %parallel_loop3A_561 = arith.addi %parallel_loop3A_560, %parallel_loop3A_558 : i32
        %parallel_loop3A_562 = arith.index_cast %parallel_loop3A_561 : i32 to index
        %parallel_loop3A_563 = tpu.vector_load %arg9[%parallel_loop3A_562] {strides = array<i32>} : memref<16512xf32, #tpu.memory_space<vmem>>, vector<16xf32>,
        %parallel_loop3A_564 = arith.constant 1024 : i32
        %parallel_loop3A_565 = arith.muli %scan3A_549, %parallel_loop3A_564 : i32
        %parallel_loop3A_566 = arith.addi %parallel_loop3A_565, %parallel_loop3A_558 : i32
        %parallel_loop3A_567 = arith.index_cast %parallel_loop3A_566 : i32 to index
        %parallel_loop3A_568 = tpu.vector_load %arg7[%parallel_loop3A_567] {strides = array<i32>} : memref<16384xf32, #tpu.memory_space<vmem>>, vector<16xf32>,
        tpu.vector_store %arg7[%parallel_loop3A_567], %parallel_loop3A_563 {strides = array<i32>} : memref<16384xf32, #tpu.memory_space<vmem>>, vector<16xf32>,
        scf.yield %parallel_loop3A_556 : i32
      } {sc.loop_unroll_factor = 8 : i64, sc.parallel_access}
      scf.yield %parallel_loop3A_554 : i32
    }
    %scan3A_525 = arith.constant 16 : i32
    %add3A_526 = arith.addf %add3A_474, %reduce_sum3A_514 : f32
    %mul3A_527 = arith.constant 4 : i32
    %mul3A_528 = arith.muli %add3A, %mul3A_527 : i32
    %add3A_529 = arith.constant 3 : i32
    %add3A_530 = arith.addi %mul3A_528, %add3A_529 : i32
    %dma_start3A_531 = arith.constant 16384 : i32
    %dma_start3A_532 = tpu.memref_slice %arg3[%add3A_530, %dma_start3A_531] : memref<128x32768xf32, #tpu.memory_space<hbm>> -> memref<1x16384xf32, #tpu.memory_space<hbm>>
    %dma_start3A_533 = tpu.memref_squeeze %dma_start3A_532 : memref<1x16384xf32, #tpu.memory_space<hbm>> -> memref<16384xf32, #tpu.memory_space<hbm>>
    %dma_start3A_534 = arith.constant 16384 : i32
    %dma_start3A_535 = tpu.memref_slice %arg3[%add3A_530, %dma_start3A_534] : memref<128x32768xf32, #tpu.memory_space<hbm>> -> memref<1x16384xf32, #tpu.memory_space<hbm>>
    %dma_start3A_536 = tpu.memref_squeeze %dma_start3A_535 : memref<1x16384xf32, #tpu.memory_space<hbm>> -> memref<16384xf32, #tpu.memory_space<hbm>>
    tpu.enqueue_dma source(%arg7 : memref<16384xf32, #tpu.memory_space<vmem>>) target(%dma_start3A_536 : memref<16384xf32, #tpu.memory_space<hbm>>) target_semaphore(%arg13 : memref<!tpu.dma_semaphore, #tpu.memory_space<semaphore_mem>>)
    %dma_wait3A_537 = arith.constant 0 : i32
    %dma_wait3A_538 = tpu.memref_slice %arg3[%add3A_478, %dma_wait3A_537] : memref<128x32768xf32, #tpu.memory_space<hbm>> -> memref<1x16384xf32, #tpu.memory_space<hbm>>
    %dma_wait3A_539 = tpu.memref_squeeze %dma_wait3A_538 : memref<1x16384xf32, #tpu.memory_space<hbm>> -> memref<16384xf32, #tpu.memory_space<hbm>>
    %dma_wait3A_540 = arith.constant 0 : i32
    %dma_wait3A_541 = tpu.memref_slice %arg3[%add3A_478, %dma_wait3A_540] : memref<128x32768xf32, #tpu.memory_space<hbm>> -> memref<1x16384xf32, #tpu.memory_space<hbm>>
    %dma_wait3A_542 = tpu.memref_squeeze %dma_wait3A_541 : memref<1x16384xf32, #tpu.memory_space<hbm>> -> memref<16384xf32, #tpu.memory_space<hbm>>
    tpu.wait_dma2 semaphore(%arg12 : memref<!tpu.dma_semaphore, #tpu.memory_space<semaphore_mem>>) src(%arg6 : memref<16384xf32, #tpu.memory_space<vmem>>) dst(%dma_wait3A_542 : memref<16384xf32, #tpu.memory_space<hbm>>)
    %dma_wait3A_543 = arith.constant 16384 : i32
    %dma_wait3A_544 = tpu.memref_slice %arg3[%add3A_530, %dma_wait3A_543] : memref<128x32768xf32, #tpu.memory_space<hbm>> -> memref<1x16384xf32, #tpu.memory_space<hbm>>
    %dma_wait3A_545 = tpu.memref_squeeze %dma_wait3A_544 : memref<1x16384xf32, #tpu.memory_space<hbm>> -> memref<16384xf32, #tpu.memory_space<hbm>>
    %dma_wait3A_546 = arith.constant 16384 : i32
    %dma_wait3A_547 = tpu.memref_slice %arg3[%add3A_530, %dma_wait3A_546] : memref<128x32768xf32, #tpu.memory_space<hbm>> -> memref<1x16384xf32, #tpu.memory_space<hbm>>
    %dma_wait3A_548 = tpu.memref_squeeze %dma_wait3A_547 : memref<1x16384xf32, #tpu.memory_space<hbm>> -> memref<16384xf32, #tpu.memory_space<hbm>>
    tpu.wait_dma2 semaphore(%arg13 : memref<!tpu.dma_semaphore, #tpu.memory_space<semaphore_mem>>) src(%arg7 : memref<16384xf32, #tpu.memory_space<vmem>>) dst(%dma_wait3A_548 : memref<16384xf32, #tpu.memory_space<hbm>>)
    return
  }
}

</mosaic_0001>

<sc_bundles>
// kernel: kernel.3.cloned.1.call-start
scs
__scs_entry_jumppad:
0x0: {  	(pc) =	sbr.rel $0x88, $3  }
0x1: {  	(tag) =	ssettag $0x0;
	lr =	simm.s32 $0x1  }
0x2: {  	[smem:$0x3FA0] =	sst lr;
	_ =	strace $0xD0000000  }
0x3: {  	_ = 	snop  }
0x4: {  	_ = 	snop  }
0x5: {  	_ = 	snop  }
0x6: {  	_ = 	snop  }
0x7: {  	_ = 	snop  }
__scs_overlays_trampoline_lowered:
0x8: {  	[smem:$0x3FAF] =	sst s0  }
0x9: {  	[smem:$0x3FB0] =	sst s1  }
0xa: {  	[smem:$0x3FB1] =	sst s2  }
0xb: {  	[smem:$0x3FB2] =	sst s3  }
0xc: {  	[smem:$0x3FB3] =	sst s4  }
0xd: {  	[smem:$0x3FB4] =	sst s5  }
0xe: {  	[smem:$0x3FB5] =	sst s6  }
0xf: {  	[smem:$0x3FB6] =	sst s7  }
0x10: {  	[smem:$0x3FB7] =	sst s8  }
0x11: {  	[smem:$0x3FB8] =	sst s9;
	s0 =	simm.s32 @!p0 $0x0  }
0x12: {  	s1 =	sld [smem:$0x3F9E];
	s0 =	simm.s32 @p0 $0x1  }
0x13: {  	[smem:$0x3FB9] =	sst s0;
	s0 =	simm.s32 @!p1 $0x0  }
0x14: {  	s2 =	sld [smem:$0x3F9D];
	s0 =	simm.s32 @p1 $0x1  }
0x15: {  	[smem:$0x3FBA] =	sst s0;
	s0 =	simm.s32 @!p2 $0x0  }
0x16: {  	s3 =	sld [smem:$0x3FDB];
	s0 =	simm.s32 @p2 $0x1  }
0x17: {  	s4 =	simm.s32 $0x1BF5;
	[smem:$0x3FBC] =	sst s0  }
0x18: {  	s0 =	sld [smem:$0x3F9F];
	_ =	swait.ge [sflag:s4], $0x0  }
0x19: {  	s7 =	sld [smem:$0x3FA0]  }
0x1a: {  	s8 =	sadd.s32 $0xFFFFE003, lr  }
0x1b: {  	s9 =	sadd.s32 $0xFFFFFEF7, lr;
	s5 =	simm.s32 $0xFFFFFFFF;
	p2 =	slt.u32 s8, $0xFFFFF086  }
0x1c: {  	p1 =	slt.u32 s9, $0xF7A;
	s5 =	simm.s32 @!p2 $0x0  }
0x1d: {  	s5 =	simm.s32 @p1 $0x1;
	p0 =	seq.s32 s7, s2  }
0x1e: {  	s7 =	smul.u32 @!p0 $0xF7A, s2;
	p2 =	seq.s32 @!p0 s5, $0x0  }
0x1f: {  	s9 =	smul.u32 $0xF7A, s1;
	s8 =	simm.s32 @!p0 $0x1BF5;
	p2 =	por !p2, p0  }
0x20: {  	[sflag:s8] =	ssyncset.s32 @!p0 $0xFFFFF086;
	s6 =	sadd.s32 @!p0 s3, s7;
	s7 =	simm.s32 @!p0 $0x108  }
0x21: {  	s3 =	sadd.s32 s3, s9;
	s6 =	sadd.s32 @!p0 $0x88, s6;
	s7 =	simm.s32 @p2 $0x1082  }
0x22: {  	[simem:s7], [sflag:s8] =	dma.local @!p0 [hbm:s6], $0xF7A  }
0x23: {  	s9 =	sor.u32 $0xD0000000, s2;
	s6 =	simm.s32 $0x108;
	_ =	swait.ge @!p0 [sflag:s8], $0x0  }
0x24: {  	s3 =	sadd.s32 $0x88, s3;
	s6 =	simm.s32 @!p1 $0x1082;
	[sflag:s4] =	ssyncset.s32 $0xFFFFF086  }
0x25: {  	[simem:s6], [sflag:s4] =	dma.local [hbm:s3], $0xF7A  }
0x26: {  	[smem:$0x3FA0] =	sst s1;
	(tag) =	ssettag s2;
	_ =	strace s9  }
0x27: {  	s1 =	sld [smem:$0x3FB0]  }
0x28: {  	s2 =	sld [smem:$0x3FB1]  }
0x29: {  	s4 =	sld [smem:$0x3FB3]  }
0x2a: {  	p0 =	seq.s32 s5, $0x0;
	s5 =	sld [smem:$0x3FB4]  }
0x2b: {  	s6 =	sld [smem:$0x3FB5]  }
0x2c: {  	s7 =	sld [smem:$0x3FB6]  }
0x2d: {  	s3 =	simm.s32 $0x108;
	s8 =	sld [smem:$0x3FB7]  }
0x2e: {  	s3 =	simm.s32 @!p0 $0x1082;
	s9 =	sld [smem:$0x3FB8]  }
0x2f: {  	lr =	sadd.s32 s0, s3;
	s0 =	sld [smem:$0x3FAF]  }
0x30: {  	s3 =	sld [smem:$0x3FB2]  }
0x31: {  	[smem:$0x3FBB] =	sst s10  }
0x32: {  	s10 =	sld [smem:$0x3FB9];
	_ =	sdelay $0x3  }
0x33: {  	p0 =	seq.s32 s10, $0x1;
	s10 =	sld [smem:$0x3FBB];
	_ =	sdelay $0x3  }
0x34: {  	[smem:$0x3FBB] =	sst s10  }
0x35: {  	s10 =	sld [smem:$0x3FBA];
	_ =	sdelay $0x3  }
0x36: {  	p1 =	seq.s32 s10, $0x1;
	s10 =	sld [smem:$0x3FBB];
	_ =	sdelay $0x3  }
0x37: {  	[smem:$0x3FBB] =	sst s10  }
0x38: {  	s10 =	sld [smem:$0x3FBC]  }
0x39: {  	_ = 	snop;
	(pc) =	sbr.ind lr, $3  }
0x3a: {  	_ = 	snop  }
0x3b: {  	_ = 	snop  }
0x3c: {  	p2 =	seq.s32 s10, $0x1;
	s10 =	sld [smem:$0x3FBB]  }
0x3d: {  	_ =	shalt  }
0x3e: {  	_ =	shalt  }
0x3f: {  	_ =	shalt  }
0x40: {  	_ =	shalt  }
0x41: {  	_ =	shalt  }
0x42: {  	_ =	shalt  }
0x43: {  	_ =	shalt  }
0x44: {  	_ =	shalt  }
0x45: {  	_ =	shalt  }
0x46: {  	_ =	shalt  }
0x47: {  	_ =	shalt  }
0x48: {  	_ =	shalt  }
0x49: {  	_ =	shalt  }
0x4a: {  	_ =	shalt  }
0x4b: {  	_ =	shalt  }
0x4c: {  	_ =	shalt  }
0x4d: {  	_ =	shalt  }
0x4e: {  	_ =	shalt  }
0x4f: {  	_ =	shalt  }
0x50: {  	_ =	shalt  }
0x51: {  	_ =	shalt  }
0x52: {  	_ =	shalt  }
0x53: {  	_ =	shalt  }
0x54: {  	_ =	shalt  }
0x55: {  	_ =	shalt  }
0x56: {  	_ =	shalt  }
0x57: {  	_ =	shalt  }
0x58: {  	_ =	shalt  }
0x59: {  	_ =	shalt  }
0x5a: {  	_ =	shalt  }
0x5b: {  	_ =	shalt  }
0x5c: {  	_ =	shalt  }
0x5d: {  	_ =	shalt  }
0x5e: {  	_ =	shalt  }
0x5f: {  	_ =	shalt  }
0x60: {  	_ =	shalt  }
0x61: {  	_ =	shalt  }
0x62: {  	_ =	shalt  }
0x63: {  	_ =	shalt  }
0x64: {  	_ =	shalt  }
0x65: {  	_ =	shalt  }
0x66: {  	_ =	shalt  }
0x67: {  	_ =	shalt  }
0x68: {  	_ =	shalt  }
0x69: {  	_ =	shalt  }
0x6a: {  	_ =	shalt  }
0x6b: {  	_ =	shalt  }
0x6c: {  	_ =	shalt  }
0x6d: {  	_ =	shalt  }
0x6e: {  	_ =	shalt  }
0x6f: {  	_ =	shalt  }
0x70: {  	_ =	shalt  }
0x71: {  	_ =	shalt  }
0x72: {  	_ =	shalt  }
0x73: {  	_ =	shalt  }
0x74: {  	_ =	shalt  }
0x75: {  	_ =	shalt  }
0x76: {  	_ =	shalt  }
0x77: {  	_ =	shalt  }
0x78: {  	_ =	shalt  }
0x79: {  	_ =	shalt  }
0x7a: {  	_ =	shalt  }
0x7b: {  	_ =	shalt  }
0x7c: {  	_ =	shalt  }
0x7d: {  	_ =	shalt  }
0x7e: {  	_ =	shalt  }
0x7f: {  	_ =	shalt  }
0x80: {  	_ =	shalt  }
0x81: {  	_ =	shalt  }
0x82: {  	_ =	shalt  }
0x83: {  	_ =	shalt  }
0x84: {  	_ =	shalt  }
0x85: {  	_ =	shalt  }
0x86: {  	_ =	shalt  }
0x87: {  	_ =	shalt  }
.Lfunc_end0:
.L_simem_size_0:
called_computation_lowered:
.L_overlay_start_0:
0x88: {  	s2 =	sld [smem:$0x3FD9]  }
0x89: {  	s3 =	sld [smem:$0x3FFE];
	_ =	sdelay $0x1  }
0x8a: {  	s1 =	srdreg.scid  }
0x8b: {  	s0 =	sand.u32 $0x1, s1  }
0x8c: {  	s18 =	sshll.u32 s0, $0xA;
	s2 =	sadd.s32 s3, s2  }
0x8d: {  	s2 =	sadd.s32 s2, s18  }
0x8e: {  	[smem:$0x3FC7] =	sst s2  }
0x8f: {  	_ = 	snop  }
0x90: {  	s2 =	sld [smem:$0x3FC9]  }
0x91: {  	s19 =	sld [smem:$0x3FD0];
	(tm) =	ssettm $0x1  }
0x92: {  	s4 =	sld [smem:$0x3FFB];
	_ =	sdelay $0x3  }
0x93: {  	_ =	strace s4  }
0x94: {  	s4 =	sld [smem:$0x3FFC];
	_ =	sdelay $0x3  }
0x95: {  	_ =	strace s4  }
0x96: {  	s4 =	sld [smem:$0x3FFD];
	_ =	sdelay $0x3  }
0x97: {  	_ =	strace s4  }
0x98: {  	_ =	strace $0x8FFFFFFF  }
0x99: {  	s20 =	sld [smem:$0x3FDB];
	_ =	sdelay $0x1  }
0x9a: {  	s5 =	simm.s32 $_scs_section_size  }
0x9b: {  	s6 =	simm.s32 $_size__tile_overlayer_lowered;
	s7 =	simm.s32 $_tile_overlayer_lowered  }
0x9c: {  	s23 =	simm.s32 $0x1BFF;
	s22 =	sshll.u32 s7, $0x1;
	s4 =	sadd.s32 s5, s20  }
0x9d: {  	s8 =	simm.s32 $0x0;
	s21 =	sshll.u32 s6, $0x1;
	s6 =	sadd.s32 s22, s4  }
0x9e: {  	[timem:s8], [sflag:s23] =	dma.local [hbm:s6], s21  }
0x9f: {  	_ =	swait.ge [sflag:s23], s21  }
0xa0: {  	s5 =	ssub.s32 $0x0, s21;
	[sflag:s23] =	ssyncset.done $0x0  }
0xa1: {  	[sflag:s23] =	ssyncadd.s32 s5;
	_ =	sdelay $0x1  }
0xa2: {  	s24 =	simm.s32 $0x1B8B  }
0xa3: {  	_ =	swait.ge [sflag:s24], $0x1  }
0xa4: {  	[sflag:s24] =	ssyncset.done $0x0  }
0xa5: {  	s25 =	simm.s32 $0x1B8E;
	[sflag:s24] =	ssyncadd.s32 $0xFFFFFFFF  }
0xa6: {  	s26 =	simm.s32 $execute0_lowered;
	[smem:$0x3FD2] =	sst s25  }
0xa7: {  	s5 =	sshll.u32 s26, $0x1;
	_ =	strace $0x80000046;
	[dreg:$0x1] =	wrdreg $0xFFFFFFFF  }
0xa8: {  	s28 =	simm.s32 $_size_execute0_lowered;
	s4 =	sadd.s32 s4, s5;
	[dreg:$0x0] =	wrdreg $0x0  }
0xa9: {  	s5 =	sshll.u32 s28, $0x1;
	[dreg:$0x2] =	wrdreg s4  }
0xaa: {  	[dreg:$0x3] =	wrdreg s5  }
0xab: {  	[dreg:$0x4] =	wrdreg $0xC0  }
0xac: {  	_ =	task [dreg:s8], $0x5FFFF  }
0xad: {  	[dreg:$0x1] =	wrdreg $0xFFFFFFFF  }
0xae: {  	[dreg:$0x0] =	wrdreg $0x60  }
0xaf: {  	[dreg:$0x2] =	wrdreg s2  }
0xb0: {  	[dreg:$0x3] =	wrdreg s19  }
0xb1: {  	[dreg:$0x4] =	wrdreg $0x9  }
0xb2: {  	_ =	task.clear_ibuf [dreg:s8], $0x5FFFF;
	_ =	strace $0x90000046  }
0xb3: {  	s29 =	simm.s32 $0x9;
	_ =	strace $0x80000048  }
0xb4: {  	_ =	swait.ge [sflag:s29], $0x1  }
0xb5: {  	[sflag:s29] =	ssyncadd.s32 $0xFFFFFFFF  }
0xb6: {  	_ =	strace $0x90000048  }
0xb7: {  	_ =	sfence  }
0xb8: {  	s30 =	sld [smem:$0x0];
	_ =	sdelay $0x2  }
0xb9: {  	s31 =	sshll.u32 s1, $0xD;
	s1 =	sshrl.u32 s1, $0x2  }
0xba: {  	s3 =	sand.u32 $0x4000, s31;
	s1 =	sadd.s32 s1, s30  }
0xbb: {  	s0 =	sor.u32 s3, s0;
	s1 =	sshll.u32 s1, $0x11  }
0xbc: {  	s0 =	sor.u32 s1, s0  }
0xbd: {  	s0 =	sadd.s32 $0x8F2B, s0  }
0xbe: {  	[sflag:s0] =	ssyncadd.remote.s32 $0x1  }
0xbf: {  	_ =	sfence.sel $0xFFFF  }
0xc0: {  	[dreg:$0x0] =	wrdreg $0xFFFFFFFF;
	(pc) =	sbr.abs _section_cstart, $3  }
0xc1: {  	[dreg:$0x1] =	wrdreg $0xFFFFFFFF  }
0xc2: {  	_ =	task.clear_ibuf [dreg:s8], $0x2FFFF;
	_ =	strace $0x9FFFFFFF  }
0xc3: {  	(tm) =	ssettm $0x7FFFFFFF  }
tec
execute0_lowered:
.L_overlay_start_1:
0x0: {  	(tag) =	ssettag $0x1  }
0x1: {  	s0 =	rddreg [dreg:$0x0]  }
0x2: {  	s1 =	rddreg [dreg:$0x1];
	s2 =	srdreg.scid;
	s5 =	simm.s32 $0x0  }
0x3: {  	s4 =	stileid.u32;
	s28 =	simm.s32 $0x3;
	s29 =	simm.s32 $0x4  }
0x4: {  	s30 =	simm.s32 $0x0;
	s2 =	sand.u32 $0x1, s2;
	s4 =	sshll.u32 s4, $0xF  }
0x5: {  	[smem:$0x7FF] =	sst s5;
	s3 =	ssub.s32 $0x2, s2;
	s2 =	sshll.u32 s2, $0x6  }
0x6: {  	_ =	strace $0x80000047;
	s17 =	sshrl.u32 s3, $0x1;
	s2 =	sor.u32 s2, s4  }
0x7: {  	s3 =	ssub.s32 s3, s17;
	s4 =	sor.u32 $0x4000, s2;
	s19 =	sadd.s32 s0, s2  }
0x8: {  	s20 =	sor.u32 $0x4010, s2;
	s6 =	sadd.s32 s1, s2;
	s21 =	sor.u32 $0x10, s2  }
0x9: {  	s23 =	sor.u32 $0x4020, s2;
	s24 =	sor.u32 $0x20, s2;
	s31 =	sor.u32 $0x4030, s2  }
0xa: {  	s2 =	sor.u32 $0x30, s2;
	s18 =	sadd.s32 s0, s4;
	[dreg:$0x4] =	wrdreg s19  }
0xb: {  	[dreg:$0x5] =	wrdreg s6;
	s7 =	sadd.s32 s0, s20;
	s4 =	sadd.s32 s1, s4  }
0xc: {  	s22 =	sadd.s32 s0, s21;
	s6 =	sadd.s32 s1, s21;
	[dreg:$0x3] =	wrdreg s18  }
0xd: {  	v0 =	vlaneseq.u32;
	s25 =	sadd.s32 s0, s23;
	s5 =	sadd.s32 s1, s20;
	[dreg:$0x6] =	wrdreg s7  }
0xe: {  	v9 =	vmul.u32 $0xFFFFFBF8, v0;
	v4 =	vmul.u32 $0x408, v0;
	s26 =	sadd.s32 s0, s24;
	s13 =	sadd.s32 s1, s24;
	[dreg:$0x7] =	wrdreg s4  }
0xf: {  	s14 =	sadd.s32 s0, s31;
	s15 =	sadd.s32 s1, s23;
	[dreg:$0x8] =	wrdreg s22  }
0x10: {  	v1 =	vadd.s32 $0x3C7F, v9;
	v2 =	vadd.s32 $0x3C7E, v9;
	v14 =	vor.u32 $0x5, v4;
	s16 =	sadd.s32 s0, s2;
	s17 =	sadd.s32 s1, s2;
	[dreg:$0x9] =	wrdreg s6  }
0x11: {  	v3 =	vadd.s32 $0x3C7D, v9;
	v5 =	vadd.s32 $0x3C7C, v9;
	v6 =	vadd.s32 $0x3C7B, v9;
	s19 =	smax.u32 s3, $0x1;
	s20 =	simm.s32 $0x80;
	[dreg:$0xa] =	wrdreg s25  }
0x12: {  	v7 =	vadd.s32 $0x3C7A, v9;
	v8 =	vadd.s32 $0x3C79, v9;
	v15 =	vor.u32 $0x6, v4;
	s21 =	simm.s32 $0x400;
	s23 =	simm.s32 $0x1;
	[dreg:$0xb] =	wrdreg s5  }
0x13: {  	v9 =	vadd.s32 $0x3C78, v9;
	v10 =	vor.u32 $0x1, v4;
	v16 =	vor.u32 $0x7, v4;
	s24 =	simm.s32 $0x8000;
	[dreg:$0xc] =	wrdreg s26;
	s18 =	sadd.s32 s1, s31  }
0x14: {  	v11 =	vor.u32 $0x2, v4;
	v12 =	vor.u32 $0x3, v4;
	v13 =	vor.u32 $0x4, v4;
	s22 =	simm.s32 $0x4000;
	s25 =	simm.s32 $0x2;
	s26 =	simm.s32 $0xC000  }
.LBB2_1:
0x15: {  	s0 =	simm.s32 $0x0;
	s1 =	rddreg [dreg:$0x3]  }
0x16: {  	[tilespmem:s0], [sflag:$0x1] =	stream.strided.gather [hbm4b:s1+s20], $0x4000, s21, s20, $0x38;
	[tilespmem:$0x18100] =	vst v63  }
0x17: {  	s12 =	rddreg [dreg:$0x4]  }
0x18: {  	[tilespmem:s22], [sflag:$0x2] =	stream.strided.gather [hbm4b:s12+s20], $0x4000, s21, s20, $0x38;
	[tilespmem:$0x18100] =	vst v63  }
0x19: {  	s31 =	simm.s32 $0x40;
	_ =	swait.ge [sflag:s23], $0x4000  }
0x1a: {  	s8 =	simm.s32 $0x10040;
	s2 =	simm.s32 $0x0;
	[sflag:s23] =	ssyncset.done $0x0  }
0x1b: {  	v18 =	vimm.f32 $0.0e+00;
	s3 =	simm.s32 $0x0;
	s0 =	simm.s32 $0x10000;
	[sflag:s23] =	ssyncadd.s32 $0xFFFFC000  }
.LBB2_2:
0x1c: {  	v23 =	vld [tilespmem:s31+$0xFFFFFFC0];
	_ =	sdelay $0x1  }
0x1d: {  	v22 =	vld [tilespmem:s31+$0x0]  }
0x1e: {  	s1 =	sand.u32 $0x3FFFFF80, s2  }
0x1f: {  	s1 =	sadd.s32 s1, s0  }
0x20: {  	[tilespmem:s1+$0x0] =	vst v23  }
0x21: {  	s7 =	sadd.s32 $0x80, s31;
	v33 =	vld [tilespmem:s31+$0xFFFFFFD0]  }
0x22: {  	v19 =	vld [tilespmem:s7+$0xFFFFFFC0];
	[tilespmem:s8+$0x0] =	vst v22  }
0x23: {  	v24 =	vld [tilespmem:s31+$0x10];
	_ =	sdelay $0x1  }
0x24: {  	v17 =	vld [tilespmem:s7+$0x0]  }
0x25: {  	s1 =	sadd.s32 $0x80, s1;
	[tilespmem:s8+$0xFFFFFFD0] =	vst v33  }
0x26: {  	[tilespmem:s1+$0x0] =	vst v19;
	v31 =	vld [tilespmem:s31+$0xFFFFFFE0]  }
0x27: {  	v25 =	vld [tilespmem:s7+$0xFFFFFFD0];
	[tilespmem:s8+$0x10] =	vst v24  }
0x28: {  	s4 =	sadd.s32 $0x80, s8;
	s6 =	sadd.s32 $0x80, s7;
	v30 =	vld [tilespmem:s31+$0x20]  }
0x29: {  	v20 =	vld [tilespmem:s6+$0xFFFFFFC0];
	[tilespmem:s4+$0x0] =	vst v17  }
0x2a: {  	v26 =	vld [tilespmem:s7+$0x10]  }
0x2b: {  	v21 =	vld [tilespmem:s6+$0x0];
	[tilespmem:s8+$0xFFFFFFE0] =	vst v31  }
0x2c: {  	[tilespmem:s4+$0xFFFFFFD0] =	vst v25;
	v27 =	vld [tilespmem:s31+$0xFFFFFFF0]  }
0x2d: {  	s9 =	sadd.s32 $0x80, s1;
	v32 =	vld [tilespmem:s7+$0xFFFFFFE0];
	[tilespmem:s8+$0x20] =	vst v30  }
0x2e: {  	[tilespmem:s9+$0x0] =	vst v20;
	v28 =	vld [tilespmem:s31+$0x30]  }
0x2f: {  	s10 =	simm.s32 $0x10;
	v29 =	vld [tilespmem:s6+$0xFFFFFFD0];
	[tilespmem:s4+$0x10] =	vst v26  }
0x30: {  	v35 =	vimm.f32 $0.0e+00;
	s5 =	sadd.s32 $0x80, s4;
	s11 =	sadd.s32 $0x80, s6;
	s1 =	smov.u32 s8;
	v34 =	vld [tilespmem:s7+$0x20]  }
.LBB2_3:
0x31: {  	[tilespmem:s5+$0x0] =	vst v21;
	v39 =	vadd.f32 v33, v23;
	v36 =	vadd.f32 v27, v31;
	v23 =	vmovc v19;
	v19 =	vmov v20;
	v20 =	vld [tilespmem:s11+$0xFFFFFFC0];
	s12 =	smov.u32 s4;
	s4 =	smov.u32 s5  }
0x32: {  	s10 =	sadd.s32 $0x8, s10;
	v37 =	vadd.f32 v24, v22;
	v24 =	vmovc v26;
	v22 =	vmovc v17;
	v17 =	vmov v21;
	[tilespmem:s1+$0xFFFFFFF0] =	vst v27;
	v26 =	vld [tilespmem:s6+$0x10];
	v31 =	vmov v32  }
0x33: {  	v33 =	vmovc v25;
	p0 =	slt.u32 s10, $0x38;
	v21 =	vld [tilespmem:s11+$0x0];
	[tilespmem:s12+$0xFFFFFFE0] =	vst v31;
	v36 =	vadd.f32 v36, v39;
	v39 =	vadd.f32 v28, v30;
	v38 =	vmov v28  }
.Ltmp0:
0x34: {  	[tilespmem:s5+$0xFFFFFFD0] =	vst v29;
	v27 =	vld [tilespmem:s7+$0xFFFFFFF0];
	v25 =	vmov v29;
	(pc) =	sbr.rel @p0 .LBB2_3-.Ltmp0, $4  }
0x35: {  	s9 =	sadd.s32 $0x80, s9;
	v32 =	vld [tilespmem:s6+$0xFFFFFFE0];
	[tilespmem:s12+$0x20] =	vst v34;
	v35 =	vadd.f32 v36, v35;
	v36 =	vadd.f32 v39, v37;
	v30 =	vmov v34  }
0x36: {  	[tilespmem:s9+$0x0] =	vst v20;
	v28 =	vld [tilespmem:s7+$0x30];
	s7 =	smov.u32 s6;
	s6 =	smov.u32 s11  }
0x37: {  	v29 =	vld [tilespmem:s11+$0xFFFFFFD0];
	[tilespmem:s5+$0x10] =	vst v26;
	v35 =	vadd.f32 v36, v35  }
0x38: {  	s11 =	sadd.s32 $0x80, s11;
	s5 =	sadd.s32 $0x80, s5;
	v34 =	vld [tilespmem:s7+$0x20];
	[tilespmem:s1+$0x30] =	vst v38;
	s1 =	smov.u32 s12  }
0x39: {  	[tilespmem:s5+$0x0] =	vst v21  }
0x3a: {  	v36 =	vld [tilespmem:s6+$0x10];
	_ =	sdelay $0x2  }
0x3b: {  	[tilespmem:s5+$0xFFFFFFD0] =	vst v29  }
0x3c: {  	[tilespmem:s4+$0xFFFFFFE0] =	vst v32;
	v37 =	vld [tilespmem:s6+$0xFFFFFFE0]  }
0x3d: {  	v23 =	vadd.f32 v33, v23;
	v31 =	vadd.f32 v27, v31;
	v55 =	vld [tilespmem:s7+$0xFFFFFFF0];
	[tilespmem:s5+$0x10] =	vst v36  }
0x3e: {  	v22 =	vadd.f32 v24, v22;
	[tilespmem:s4+$0x20] =	vst v34;
	v56 =	vld [tilespmem:s6+$0x20]  }
0x3f: {  	v23 =	vadd.f32 v31, v23;
	v30 =	vadd.f32 v28, v30;
	v57 =	vld [tilespmem:s7+$0x30];
	_ =	sdelay $0x1  }
0x40: {  	v23 =	vadd.f32 v23, v35;
	v22 =	vadd.f32 v30, v22;
	[tilespmem:s5+$0xFFFFFFE0] =	vst v37  }
0x41: {  	v19 =	vadd.f32 v25, v19;
	v58 =	vadd.f32 v55, v32;
	v59 =	vld [tilespmem:s6+$0xFFFFFFF0]  }
0x42: {  	v17 =	vadd.f32 v26, v17;
	v22 =	vadd.f32 v22, v23;
	[tilespmem:s5+$0x20] =	vst v56  }
0x43: {  	v19 =	vadd.f32 v58, v19;
	v60 =	vadd.f32 v57, v34;
	v61 =	vld [tilespmem:s6+$0x30];
	_ =	sdelay $0x1  }
0x44: {  	v19 =	vadd.f32 v19, v22;
	v17 =	vadd.f32 v60, v17  }
0x45: {  	v20 =	vadd.f32 v29, v20;
	v62 =	vadd.f32 v59, v37  }
0x46: {  	v17 =	vadd.f32 v17, v19;
	v19 =	vadd.f32 v36, v21  }
0x47: {  	v20 =	vadd.f32 v62, v20;
	v63 =	vadd.f32 v61, v56;
	_ =	sdelay $0x1  }
0x48: {  	v17 =	vadd.f32 v20, v17;
	v19 =	vadd.f32 v63, v19;
	_ =	sdelay $0x1  }
0x49: {  	v17 =	vadd.f32 v19, v17;
	_ =	sdelay $0x1  }
0x4a: {  	(xrf2) =	vadd.scan.msk.f32 $0xffff, v17;
	_ =	sdelay $0x7  }
0x4b: {  	s12 =	sxor.u32 $0xF, s3;
	s3 =	sadd.s32 $0x1, s3  }
0x4c: {  	[tilespmem:s1+$0xFFFFFFF0] =	vst v27;
	p0 =	sne.s32 s3, $0x10  }
.Ltmp1:
0x4d: {  	[tilespmem:s1+$0x30] =	vst v28;
	v17, _, _ =	vpop (xrf2);
	(pc) =	sbr.rel @p0 .LBB2_2-.Ltmp1, $4  }
0x4e: {  	[tilespmem:s4+$0xFFFFFFF0] =	vst v55;
	v19 =	vmov s12;
	v17 =	vbroadcast v17, $0xF  }
0x4f: {  	[tilespmem:s4+$0x30] =	vst v57;
	vm0 =	veq.s32 v19, v0  }
0x50: {  	s0 =	sadd.s32 $0x8, s0;
	[tilespmem:s5+$0xFFFFFFF0] =	vst v59;
	v17 =	vnsel vm0, $0x0, v17  }
0x51: {  	s2 =	sadd.s32 $0x408, s2;
	s31 =	sadd.s32 $0x400, s31;
	s8 =	sadd.s32 $0x408, s8;
	[tilespmem:s5+$0x30] =	vst v61;
	v18 =	vadd.f32 v17, v18  }
0x52: {  	_ =	sdelay $0x2  }
0x53: {  	s0 =	simm.s32 $0x103F0  }
0x54: {  	v20 =	vld.idx.msk [tilespmem:v6+s0+$0x0], $0xffff  }
0x55: {  	v21 =	vld.idx.msk [tilespmem:v7+s0+$0x0], $0xffff  }
0x56: {  	v23 =	vld.idx.msk [tilespmem:v3+s0+$0x0], $0xffff  }
0x57: {  	v22 =	vld.idx.msk [tilespmem:v9+s0+$0x0], $0xffff  }
0x58: {  	v17 =	vld.idx.msk [tilespmem:v5+s0+$0x0], $0xffff  }
0x59: {  	v25 =	vld.idx.msk [tilespmem:v1+s0+$0x0], $0xffff  }
0x5a: {  	(xrf2) =	vadd.scan.msk.f32 $0xffff, v18;
	v24 =	vld.idx.msk [tilespmem:v2+s0+$0x0], $0xffff  }
0x5b: {  	v26 =	vld.idx.msk [tilespmem:v8+s0+$0x0], $0xffff  }
0x5c: {  	v33 =	vld.idx.msk [tilespmem:v7+s0+$0x8], $0xffff  }
0x5d: {  	v35 =	vld.idx.msk [tilespmem:v6+s0+$0x8], $0xffff  }
0x5e: {  	v28 =	vld.idx.msk [tilespmem:v9+s0+$0x8], $0xffff  }
0x5f: {  	v29 =	vld.idx.msk [tilespmem:v8+s0+$0x8], $0xffff;
	v31 =	vadd.f32 v24, v25;
	v30 =	vadd.f32 v17, v23  }
0x60: {  	v19 =	vld.idx.msk [tilespmem:v2+s0+$0x8], $0xffff  }
0x61: {  	v27 =	vld.idx.msk [tilespmem:v1+s0+$0x8], $0xffff;
	v34 =	vadd.f32 v30, v31;
	v30 =	vadd.f32 v21, v20  }
0x62: {  	v32 =	vld.idx.msk [tilespmem:v3+s0+$0x8], $0xffff;
	v61 =	vadd.f32 v33, v35  }
0x63: {  	v24 =	vld.idx.msk [tilespmem:v5+s0+$0x8], $0xffff;
	v38 =	vadd.f32 v34, v20;
	v41 =	vadd.f32 v30, v34  }
0x64: {  	v20 =	vadd.f32 v28, v29;
	v28 =	vadd.f32 v22, v26;
	v17, _, _ =	vpop (xrf2)  }
0x65: {  	s1 =	simm.s32 $0x103E0;
	v23 =	vadd.f32 v23, v31;
	v18 =	vsub.f32 v17, v18  }
0x66: {  	v45 =	vld.idx.msk [tilespmem:v6+s1+$0x0], $0xffff;
	v44 =	vadd.f32 v41, v26;
	v28 =	vadd.f32 v28, v30  }
0x67: {  	v39 =	vld.idx.msk [tilespmem:v7+s1+$0x0], $0xffff;
	v21 =	vadd.f32 $0.0e+00, v18;
	v18 =	vadd.f32 v19, v27  }
0x68: {  	v22 =	vld.idx.msk [tilespmem:v3+s1+$0x0], $0xffff;
	v19 =	vadd.f32 v24, v32;
	v46 =	vadd.f32 v28, v34  }
0x69: {  	v28 =	vld.idx.msk [tilespmem:v5+s1+$0x0], $0xffff;
	v24 =	vadd.f32 v32, v18;
	v26 =	vadd.f32 v18, v21  }
0x6a: {  	v43 =	vld.idx.msk [tilespmem:v2+s1+$0x8], $0xffff;
	v18 =	vadd.f32 v19, v18;
	v19 =	vadd.f32 v20, v61  }
0x6b: {  	v62 =	vld.idx.msk [tilespmem:v2+s1+$0x0], $0xffff;
	v27 =	vadd.f32 v27, v21;
	v37 =	vadd.f32 v24, v21  }
0x6c: {  	v42 =	vld.idx.msk [tilespmem:v7+s1+$0x8], $0xffff;
	v36 =	vadd.f32 v61, v18;
	v19 =	vadd.f32 v19, v18  }
0x6d: {  	v24 =	vld.idx.msk [tilespmem:v1+s1+$0x0], $0xffff;
	v35 =	vadd.f32 v18, v35;
	v40 =	vadd.f32 v18, v21  }
0x6e: {  	s0 =	simm.s32 $0x14088;
	v33 =	vld.idx.msk [tilespmem:v9+s1+$0x8], $0xffff;
	v63 =	vadd.f32 v28, v22;
	v28 =	vadd.f32 v39, v45  }
0x6f: {  	v20 =	vld.idx.msk [tilespmem:v8+s1+$0x0], $0xffff;
	[tilespmem:v4+s0+$0xFFFFFFF8] =	vst.idx.msk $0xffff, v27;
	v32 =	vadd.f32 v36, v29;
	v30 =	vadd.f32 v19, v21  }
0x70: {  	v27 =	vld.idx.msk [tilespmem:v1+s1+$0x8], $0xffff;
	[tilespmem:v10+s0+$0xFFFFFFF8] =	vst.idx.msk $0xffff, v26;
	v29 =	vadd.f32 v35, v21;
	v36 =	vadd.f32 v36, v21  }
0x71: {  	v39 =	vld.idx.msk [tilespmem:v3+s1+$0x8], $0xffff;
	[tilespmem:v11+s0+$0xFFFFFFF8] =	vst.idx.msk $0xffff, v37;
	v19 =	vadd.f32 v25, v30;
	v31 =	vadd.f32 v31, v30  }
0x72: {  	[tilespmem:v12+s0+$0xFFFFFFF8] =	vst.idx.msk $0xffff, v40;
	v40 =	vld.idx.msk [tilespmem:v5+s1+$0x8], $0xffff;
	v23 =	vadd.f32 v23, v30;
	v26 =	vadd.f32 v62, v24  }
0x73: {  	v25 =	vld.idx.msk [tilespmem:v8+s1+$0x8], $0xffff;
	v37 =	vadd.f32 v34, v30;
	v38 =	vadd.f32 v38, v30;
	[tilespmem:v13+s0+$0xFFFFFFF8] =	vst.idx.msk $0xffff, v29  }
0x74: {  	v18 =	vld.idx.msk [tilespmem:v9+s1+$0x0], $0xffff;
	v34 =	vadd.f32 v41, v30;
	[tilespmem:v4+s0+$0x0] =	vst.idx.msk $0xffff, v19;
	v19 =	vadd.f32 v63, v26  }
0x75: {  	v35 =	vadd.f32 v44, v30;
	v29 =	vadd.f32 v46, v30;
	[tilespmem:v10+s0+$0x0] =	vst.idx.msk $0xffff, v31;
	v31 =	vld.idx.msk [tilespmem:v6+s1+$0x8], $0xffff  }
0x76: {  	s2 =	simm.s32 $0x10;
	s3 =	simm.s32 $0x103D0;
	v41 =	vadd.f32 v43, v27;
	s1 =	simm.s32 $0x14088;
	[tilespmem:v11+s0+$0x0] =	vst.idx.msk $0xffff, v23;
	v23 =	vadd.f32 v19, v45  }
.LBB2_6:
0x77: {  	v43 =	vld.idx.msk [tilespmem:v2+s3+$0x8], $0xffff;
	s2 =	sadd.s32 $0x10, s2;
	v44 =	vadd.f32 v28, v19;
	v32 =	vadd.f32 v32, v21;
	[tilespmem:v14+s0+$0xFFFFFFF8] =	vst.idx.msk $0xffff, v36;
	s1 =	sadd.s32 $0x10, s1;
	s31 =	simm.s32 $0x14080  }
0x78: {  	v36 =	vadd.f32 v40, v39;
	v33 =	vadd.f32 v33, v25;
	v45 =	vld.idx.msk [tilespmem:v6+s3+$0x0], $0xffff;
	p0 =	slt.u32 s2, $0x3F0;
	v21 =	vmov v29  }
0x79: {  	v40 =	vadd.f32 v18, v20;
	v39 =	vadd.f32 v39, v41;
	v46 =	vld.idx.msk [tilespmem:v7+s3+$0x0], $0xffff;
	[tilespmem:v15+s0+$0xFFFFFFF8] =	vst.idx.msk $0xffff, v32  }
0x7a: {  	v42 =	vadd.f32 v42, v31;
	v47 =	vadd.f32 v44, v20;
	v32 =	vld.idx.msk [tilespmem:v3+s3+$0x0], $0xffff;
	[tilespmem:v16+s0+$0xFFFFFFF8] =	vst.idx.msk $0xffff, v30  }
0x7b: {  	v48 =	vadd.f32 v41, v29;
	v39 =	vadd.f32 v39, v29;
	v18 =	vld.idx.msk [tilespmem:v9+s3+$0x0], $0xffff  }
0x7c: {  	v30 =	vadd.f32 v27, v29;
	v49 =	vld.idx.msk [tilespmem:v5+s3+$0x0], $0xffff  }
0x7d: {  	v51 =	vadd.f32 v22, v26;
	v27 =	vadd.f32 v40, v28;
	v50 =	vld.idx.msk [tilespmem:v1+s3+$0x0], $0xffff;
	[tilespmem:v12+s0+$0x0] =	vst.idx.msk $0xffff, v37  }
0x7e: {  	v36 =	vadd.f32 v36, v41;
	v33 =	vadd.f32 v33, v42;
	v28 =	vld.idx.msk [tilespmem:v2+s3+$0x0], $0xffff;
	[tilespmem:v13+s0+$0x0] =	vst.idx.msk $0xffff, v38  }
0x7f: {  	v52 =	vadd.f32 v27, v19;
	v20 =	vld.idx.msk [tilespmem:v8+s3+$0x0], $0xffff;
	[tilespmem:v14+s0+$0x0] =	vst.idx.msk $0xffff, v34  }
0x80: {  	v33 =	vadd.f32 v33, v36;
	v34 =	vadd.f32 v42, v36;
	v27 =	vld.idx.msk [tilespmem:v1+s3+$0x8], $0xffff;
	[tilespmem:v15+s0+$0x0] =	vst.idx.msk $0xffff, v35  }
0x81: {  	v31 =	vadd.f32 v36, v31;
	v22 =	vmov v32;
	v35 =	vadd.f32 v36, v29;
	[tilespmem:v4+s1+$0xFFFFFFF8] =	vst.idx.msk $0xffff, v30  }
0x82: {  	v32 =	vadd.f32 v34, v25;
	v30 =	vadd.f32 v33, v29;
	[tilespmem:v10+s1+$0xFFFFFFF8] =	vst.idx.msk $0xffff, v48  }
0x83: {  	v41 =	vadd.f32 v31, v29;
	v36 =	vadd.f32 v34, v29;
	v33 =	vld.idx.msk [tilespmem:v9+s3+$0x8], $0xffff;
	[tilespmem:v11+s1+$0xFFFFFFF8] =	vst.idx.msk $0xffff, v39  }
0x84: {  	v48 =	vadd.f32 v28, v50;
	v24 =	vadd.f32 v24, v30;
	v25 =	vld.idx.msk [tilespmem:v8+s3+$0x8], $0xffff;
	[tilespmem:v16+s0+$0x0] =	vst.idx.msk $0xffff, v29;
	s0 =	smov.u32 s1  }
0x85: {  	v26 =	vadd.f32 v26, v30;
	v29 =	vadd.f32 v49, v22;
	v40 =	vld.idx.msk [tilespmem:v5+s3+$0x8], $0xffff;
	[tilespmem:v12+s1+$0xFFFFFFF8] =	vst.idx.msk $0xffff, v35  }
.Ltmp2:
0x86: {  	v28 =	vadd.f32 v46, v45;
	v35 =	vadd.f32 v51, v30;
	v39 =	vld.idx.msk [tilespmem:v3+s3+$0x8], $0xffff;
	[tilespmem:v4+s1+$0x0] =	vst.idx.msk $0xffff, v24;
	(pc) =	sbr.rel @p0 .LBB2_6-.Ltmp2, $4  }
0x87: {  	v37 =	vadd.f32 v19, v30;
	v19 =	vadd.f32 v29, v48;
	v42 =	vld.idx.msk [tilespmem:v7+s3+$0x8], $0xffff;
	[tilespmem:v10+s1+$0x0] =	vst.idx.msk $0xffff, v26  }
0x88: {  	v38 =	vadd.f32 v23, v30;
	v34 =	vadd.f32 v44, v30;
	v31 =	vld.idx.msk [tilespmem:v6+s3+$0x8], $0xffff;
	[tilespmem:v11+s1+$0x0] =	vst.idx.msk $0xffff, v35  }
0x89: {  	v24 =	vmov v50;
	v23 =	vadd.f32 v19, v45;
	v35 =	vadd.f32 v47, v30;
	[tilespmem:v13+s1+$0xFFFFFFF8] =	vst.idx.msk $0xffff, v41  }
0x8a: {  	v29 =	vadd.f32 v52, v30;
	v26 =	vmov v48;
	s3 =	sadd.s32 $0xFFFFFFF0, s3;
	v41 =	vadd.f32 v43, v27  }
0x8b: {  	_ =	sdelay $0x3  }
0x8c: {  	[tilespmem:v14+s0+$0xFFFFFFF8] =	vst.idx.msk $0xffff, v36  }
0x8d: {  	v21 =	vadd.f32 v32, v21;
	[tilespmem:v12+s0+$0x0] =	vst.idx.msk $0xffff, v37  }
0x8e: {  	[tilespmem:v13+s0+$0x0] =	vst.idx.msk $0xffff, v38  }
0x8f: {  	v47 =	vadd.f32 v40, v39;
	[tilespmem:v15+s0+$0xFFFFFFF8] =	vst.idx.msk $0xffff, v21  }
0x90: {  	v48 =	vadd.f32 v33, v25;
	v51 =	vadd.f32 v39, v41;
	[tilespmem:v14+s0+$0x0] =	vst.idx.msk $0xffff, v34  }
0x91: {  	v27 =	vadd.f32 v27, v29;
	v49 =	vadd.f32 v42, v31;
	[tilespmem:v16+s0+$0xFFFFFFF8] =	vst.idx.msk $0xffff, v30  }
0x92: {  	s3 =	sadd.s32 $0x10, s1;
	v52 =	vadd.f32 v41, v29;
	v50 =	vadd.f32 v47, v41;
	[tilespmem:v15+s0+$0x0] =	vst.idx.msk $0xffff, v35  }
0x93: {  	v32 =	vadd.f32 v51, v29;
	[tilespmem:v4+s3+$0xFFFFFFF8] =	vst.idx.msk $0xffff, v27;
	v21 =	vadd.f32 v48, v49  }
0x94: {  	[tilespmem:v10+s3+$0xFFFFFFF8] =	vst.idx.msk $0xffff, v52;
	v54 =	vadd.f32 v49, v50;
	v30 =	vadd.f32 v50, v31  }
0x95: {  	v53 =	vadd.f32 v50, v29;
	[tilespmem:v16+s0+$0x0] =	vst.idx.msk $0xffff, v29;
	v21 =	vadd.f32 v21, v50  }
0x96: {  	[tilespmem:v11+s3+$0xFFFFFFF8] =	vst.idx.msk $0xffff, v32;
	v56 =	vadd.f32 v54, v25;
	v57 =	vadd.f32 v30, v29  }
0x97: {  	[tilespmem:v12+s3+$0xFFFFFFF8] =	vst.idx.msk $0xffff, v53;
	v58 =	vadd.f32 v54, v29  }
0x98: {  	v21 =	vadd.f32 v21, v29;
	[tilespmem:v13+s3+$0xFFFFFFF8] =	vst.idx.msk $0xffff, v57;
	v59 =	vadd.f32 v56, v29  }
0x99: {  	[tilespmem:v14+s3+$0xFFFFFFF8] =	vst.idx.msk $0xffff, v58  }
0x9a: {  	v22 =	vadd.f32 v22, v26;
	v24 =	vadd.f32 v24, v21;
	[tilespmem:v15+s3+$0xFFFFFFF8] =	vst.idx.msk $0xffff, v59  }
0x9b: {  	v18 =	vadd.f32 v18, v20;
	v55 =	vadd.f32 v26, v21;
	[tilespmem:v16+s3+$0xFFFFFFF8] =	vst.idx.msk $0xffff, v21  }
0x9c: {  	v60 =	vadd.f32 v28, v19;
	v22 =	vadd.f32 v22, v21;
	[tilespmem:v4+s3+$0x0] =	vst.idx.msk $0xffff, v24  }
0x9d: {  	v18 =	vadd.f32 v18, v28;
	v61 =	vadd.f32 v19, v21;
	[tilespmem:v10+s3+$0x0] =	vst.idx.msk $0xffff, v55  }
0x9e: {  	v62 =	vadd.f32 v60, v20;
	v63 =	vadd.f32 v23, v21;
	[tilespmem:v11+s3+$0x0] =	vst.idx.msk $0xffff, v22  }
0x9f: {  	v18 =	vadd.f32 v18, v19;
	v19 =	vadd.f32 v60, v21;
	[tilespmem:v12+s3+$0x0] =	vst.idx.msk $0xffff, v61  }
0xa0: {  	v20 =	vadd.f32 v62, v21;
	[tilespmem:v13+s3+$0x0] =	vst.idx.msk $0xffff, v63  }
0xa1: {  	v18 =	vadd.f32 v18, v21;
	[tilespmem:v14+s3+$0x0] =	vst.idx.msk $0xffff, v19  }
0xa2: {  	s1 =	simm.s32 $0x0;
	[tilespmem:v15+s3+$0x0] =	vst.idx.msk $0xffff, v20  }
0xa3: {  	s2 =	simm.s32 $0x140C0;
	s0 =	simm.s32 $0x8040;
	[tilespmem:v16+s3+$0x0] =	vst.idx.msk $0xffff, v18;
	s3 =	simm.s32 $0x0  }
.LBB2_8:
0xa4: {  	s4 =	sand.u32 $0x3FFFFF80, s1;
	v24 =	vld [tilespmem:s2+$0x30]  }
0xa5: {  	v22 =	vld [tilespmem:s2+$0xFFFFFFD0];
	s4 =	sadd.s32 s4, s31  }
0xa6: {  	v23 =	vld [tilespmem:s4+$0x0]  }
0xa7: {  	v21 =	vld [tilespmem:s2+$0xFFFFFFE0]  }
0xa8: {  	v18 =	vld [tilespmem:s2+$0xFFFFFFF0]  }
0xa9: {  	v19 =	vld [tilespmem:s2+$0x0]  }
0xaa: {  	v20 =	vld [tilespmem:s2+$0x10];
	s5 =	simm.s32 $0x0;
	[tilespmem:s0+$0x30] =	vst v24  }
0xab: {  	s7 =	smov.u32 s2;
	s6 =	sadd.s32 $0x80, s4;
	s4 =	smov.u32 s0;
	[tilespmem:s0+$0xFFFFFFC0] =	vst v23;
	v23 =	vld [tilespmem:s2+$0x20]  }
.LBB2_9:
0xac: {  	v24 =	vld [tilespmem:s6+$0x0];
	[tilespmem:s4+$0xFFFFFFD0] =	vst v22;
	s7 =	sadd.s32 $0x80, s7  }
0xad: {  	s5 =	sadd.s32 $0x8, s5;
	v25 =	vld [tilespmem:s7+$0x30];
	[tilespmem:s4+$0xFFFFFFE0] =	vst v21  }
0xae: {  	p0 =	slt.u32 s5, $0x38;
	v22 =	vld [tilespmem:s7+$0xFFFFFFD0];
	[tilespmem:s4+$0xFFFFFFF0] =	vst v18  }
.Ltmp3:
0xaf: {  	v21 =	vld [tilespmem:s7+$0xFFFFFFE0];
	[tilespmem:s4+$0x0] =	vst v19;
	(pc) =	sbr.rel @p0 .LBB2_9-.Ltmp3, $4  }
0xb0: {  	v18 =	vld [tilespmem:s7+$0xFFFFFFF0];
	[tilespmem:s4+$0x10] =	vst v20  }
0xb1: {  	v19 =	vld [tilespmem:s7+$0x0];
	[tilespmem:s4+$0x20] =	vst v23;
	s4 =	sadd.s32 $0x80, s4  }
0xb2: {  	v20 =	vld [tilespmem:s7+$0x10];
	[tilespmem:s4+$0x30] =	vst v25  }
0xb3: {  	s6 =	sadd.s32 $0x80, s6;
	[tilespmem:s4+$0xFFFFFFC0] =	vst v24;
	v23 =	vld [tilespmem:s7+$0x20]  }
0xb4: {  	s3 =	sadd.s32 $0x1, s3  }
0xb5: {  	[tilespmem:s4+$0xFFFFFFD0] =	vst v22;
	p0 =	sne.s32 s3, $0x10  }
.Ltmp4:
0xb6: {  	[tilespmem:s4+$0xFFFFFFE0] =	vst v21;
	(pc) =	sbr.rel @p0 .LBB2_8-.Ltmp4, $4  }
0xb7: {  	[tilespmem:s4+$0xFFFFFFF0] =	vst v18  }
0xb8: {  	[tilespmem:s4+$0x0] =	vst v19  }
0xb9: {  	s31 =	sadd.s32 $0x8, s31;
	[tilespmem:s4+$0x10] =	vst v20  }
0xba: {  	s1 =	sadd.s32 $0x408, s1;
	s2 =	sadd.s32 $0x408, s2;
	s0 =	sadd.s32 $0x400, s0;
	[tilespmem:s4+$0x20] =	vst v23  }
0xbb: {  	s0 =	rddreg [dreg:$0x5]  }
0xbc: {  	[hbm4b:s0+s20] =	stream.strided.scatter [tilespmem:s24], [sflag:$0x3], $0x4000, s21, s20, $0x38;
	[tilespmem:$0x18100] =	vst v63  }
0xbd: {  	s1 =	rddreg [dreg:$0x6];
	s0 =	simm.s32 $0x0  }
0xbe: {  	[tilespmem:s0], [sflag:$0x1] =	stream.strided.gather [hbm4b:s1+s20], $0x4000, s21, s20, $0x38;
	[tilespmem:$0x18100] =	vst v63  }
0xbf: {  	_ =	swait.ge [sflag:s25], $0x4000  }
0xc0: {  	s31 =	simm.s32 $0x10000;
	s2 =	simm.s32 $0x10040;
	[sflag:s25] =	ssyncset.done $0x0  }
0xc1: {  	v18 =	vimm.f32 $0.0e+00;
	s3 =	simm.s32 $0x0;
	s1 =	simm.s32 $0x4040;
	[sflag:s25] =	ssyncadd.s32 $0xFFFFC000  }
.LBB2_12:
0xc2: {  	v24 =	vld [tilespmem:s1+$0xFFFFFFC0];
	_ =	sdelay $0x1  }
0xc3: {  	v23 =	vld [tilespmem:s1+$0x0]  }
0xc4: {  	s4 =	sand.u32 $0x3FFFFF80, s0  }
0xc5: {  	s4 =	sadd.s32 s4, s31  }
0xc6: {  	[tilespmem:s4+$0x0] =	vst v24  }
0xc7: {  	s7 =	sadd.s32 $0x80, s1;
	v34 =	vld [tilespmem:s1+$0xFFFFFFD0]  }
0xc8: {  	v20 =	vld [tilespmem:s7+$0xFFFFFFC0];
	[tilespmem:s2+$0x0] =	vst v23  }
0xc9: {  	v25 =	vld [tilespmem:s1+$0x10];
	_ =	sdelay $0x1  }
0xca: {  	v19 =	vld [tilespmem:s7+$0x0]  }
0xcb: {  	s5 =	sadd.s32 $0x80, s4;
	[tilespmem:s2+$0xFFFFFFD0] =	vst v34  }
0xcc: {  	[tilespmem:s5+$0x0] =	vst v20;
	v32 =	vld [tilespmem:s1+$0xFFFFFFE0]  }
0xcd: {  	v26 =	vld [tilespmem:s7+$0xFFFFFFD0];
	[tilespmem:s2+$0x10] =	vst v25  }
0xce: {  	s6 =	sadd.s32 $0x80, s7;
	s4 =	sadd.s32 $0x80, s2;
	v31 =	vld [tilespmem:s1+$0x20]  }
0xcf: {  	v21 =	vld [tilespmem:s6+$0xFFFFFFC0];
	[tilespmem:s4+$0x0] =	vst v19  }
0xd0: {  	v27 =	vld [tilespmem:s7+$0x10]  }
0xd1: {  	v22 =	vld [tilespmem:s6+$0x0];
	[tilespmem:s2+$0xFFFFFFE0] =	vst v32  }
0xd2: {  	[tilespmem:s4+$0xFFFFFFD0] =	vst v26;
	v28 =	vld [tilespmem:s1+$0xFFFFFFF0]  }
0xd3: {  	s9 =	sadd.s32 $0x80, s5;
	v33 =	vld [tilespmem:s7+$0xFFFFFFE0];
	[tilespmem:s2+$0x20] =	vst v31  }
0xd4: {  	[tilespmem:s9+$0x0] =	vst v21;
	v29 =	vld [tilespmem:s1+$0x30]  }
0xd5: {  	s10 =	simm.s32 $0x10;
	v30 =	vld [tilespmem:s6+$0xFFFFFFD0];
	[tilespmem:s4+$0x10] =	vst v27  }
0xd6: {  	s8 =	smov.u32 s2;
	v36 =	vimm.f32 $0.0e+00;
	s11 =	sadd.s32 $0x80, s6;
	s5 =	sadd.s32 $0x80, s4;
	v35 =	vld [tilespmem:s7+$0x20]  }
.LBB2_13:
0xd7: {  	[tilespmem:s5+$0x0] =	vst v22;
	v40 =	vadd.f32 v34, v24;
	v37 =	vadd.f32 v28, v32;
	v24 =	vmovc v20;
	v20 =	vmov v21;
	v21 =	vld [tilespmem:s11+$0xFFFFFFC0];
	s12 =	smov.u32 s4;
	s4 =	smov.u32 s5  }
0xd8: {  	s10 =	sadd.s32 $0x8, s10;
	v38 =	vadd.f32 v25, v23;
	v25 =	vmovc v27;
	v23 =	vmovc v19;
	v19 =	vmov v22;
	[tilespmem:s8+$0xFFFFFFF0] =	vst v28;
	v27 =	vld [tilespmem:s6+$0x10];
	v32 =	vmov v33  }
0xd9: {  	v34 =	vmovc v26;
	p0 =	slt.u32 s10, $0x38;
	v22 =	vld [tilespmem:s11+$0x0];
	[tilespmem:s12+$0xFFFFFFE0] =	vst v32;
	v37 =	vadd.f32 v37, v40;
	v40 =	vadd.f32 v29, v31;
	v39 =	vmov v29  }
.Ltmp5:
0xda: {  	[tilespmem:s5+$0xFFFFFFD0] =	vst v30;
	v28 =	vld [tilespmem:s7+$0xFFFFFFF0];
	v26 =	vmov v30;
	(pc) =	sbr.rel @p0 .LBB2_13-.Ltmp5, $4  }
0xdb: {  	s9 =	sadd.s32 $0x80, s9;
	v33 =	vld [tilespmem:s6+$0xFFFFFFE0];
	[tilespmem:s12+$0x20] =	vst v35;
	v36 =	vadd.f32 v37, v36;
	v37 =	vadd.f32 v40, v38;
	v31 =	vmov v35  }
0xdc: {  	[tilespmem:s9+$0x0] =	vst v21;
	v29 =	vld [tilespmem:s7+$0x30];
	s7 =	smov.u32 s6;
	s6 =	smov.u32 s11  }
0xdd: {  	v30 =	vld [tilespmem:s11+$0xFFFFFFD0];
	[tilespmem:s5+$0x10] =	vst v27;
	v36 =	vadd.f32 v37, v36  }
0xde: {  	s11 =	sadd.s32 $0x80, s11;
	s5 =	sadd.s32 $0x80, s5;
	v35 =	vld [tilespmem:s7+$0x20];
	[tilespmem:s8+$0x30] =	vst v39;
	s8 =	smov.u32 s12  }
0xdf: {  	[tilespmem:s5+$0x0] =	vst v22  }
0xe0: {  	v37 =	vld [tilespmem:s6+$0x10];
	_ =	sdelay $0x2  }
0xe1: {  	[tilespmem:s5+$0xFFFFFFD0] =	vst v30  }
0xe2: {  	[tilespmem:s4+$0xFFFFFFE0] =	vst v33;
	v38 =	vld [tilespmem:s6+$0xFFFFFFE0]  }
0xe3: {  	v24 =	vadd.f32 v34, v24;
	v32 =	vadd.f32 v28, v32;
	v55 =	vld [tilespmem:s7+$0xFFFFFFF0];
	[tilespmem:s5+$0x10] =	vst v37  }
0xe4: {  	v23 =	vadd.f32 v25, v23;
	[tilespmem:s4+$0x20] =	vst v35;
	v56 =	vld [tilespmem:s6+$0x20]  }
0xe5: {  	v24 =	vadd.f32 v32, v24;
	v31 =	vadd.f32 v29, v31;
	v57 =	vld [tilespmem:s7+$0x30];
	_ =	sdelay $0x1  }
0xe6: {  	v24 =	vadd.f32 v24, v36;
	v23 =	vadd.f32 v31, v23;
	[tilespmem:s5+$0xFFFFFFE0] =	vst v38  }
0xe7: {  	v20 =	vadd.f32 v26, v20;
	v58 =	vadd.f32 v55, v33;
	v59 =	vld [tilespmem:s6+$0xFFFFFFF0]  }
0xe8: {  	v19 =	vadd.f32 v27, v19;
	v23 =	vadd.f32 v23, v24;
	[tilespmem:s5+$0x20] =	vst v56  }
0xe9: {  	v20 =	vadd.f32 v58, v20;
	v60 =	vadd.f32 v57, v35;
	v61 =	vld [tilespmem:s6+$0x30];
	_ =	sdelay $0x1  }
0xea: {  	v20 =	vadd.f32 v20, v23;
	v19 =	vadd.f32 v60, v19  }
0xeb: {  	v21 =	vadd.f32 v30, v21;
	v62 =	vadd.f32 v59, v38  }
0xec: {  	v19 =	vadd.f32 v19, v20;
	v20 =	vadd.f32 v37, v22  }
0xed: {  	v21 =	vadd.f32 v62, v21;
	v63 =	vadd.f32 v61, v56;
	_ =	sdelay $0x1  }
0xee: {  	v19 =	vadd.f32 v21, v19;
	v20 =	vadd.f32 v63, v20;
	_ =	sdelay $0x1  }
0xef: {  	v19 =	vadd.f32 v20, v19;
	_ =	sdelay $0x1  }
0xf0: {  	(xrf2) =	vadd.scan.msk.f32 $0xffff, v19;
	_ =	sdelay $0x7  }
0xf1: {  	s12 =	sxor.u32 $0xF, s3;
	s3 =	sadd.s32 $0x1, s3  }
0xf2: {  	[tilespmem:s8+$0xFFFFFFF0] =	vst v28;
	p0 =	sne.s32 s3, $0x10  }
.Ltmp6:
0xf3: {  	[tilespmem:s8+$0x30] =	vst v29;
	v19, _, _ =	vpop (xrf2);
	(pc) =	sbr.rel @p0 .LBB2_12-.Ltmp6, $4  }
0xf4: {  	[tilespmem:s4+$0xFFFFFFF0] =	vst v55;
	v20 =	vmov s12;
	v19 =	vbroadcast v19, $0xF  }
0xf5: {  	[tilespmem:s4+$0x30] =	vst v57;
	vm0 =	veq.s32 v20, v0  }
0xf6: {  	s31 =	sadd.s32 $0x8, s31;
	[tilespmem:s5+$0xFFFFFFF0] =	vst v59;
	v19 =	vnsel vm0, $0x0, v19  }
0xf7: {  	s0 =	sadd.s32 $0x408, s0;
	s1 =	sadd.s32 $0x400, s1;
	s2 =	sadd.s32 $0x408, s2;
	[tilespmem:s5+$0x30] =	vst v61;
	v18 =	vadd.f32 v19, v18  }
0xf8: {  	_ =	sdelay $0x2  }
0xf9: {  	s0 =	simm.s32 $0x103F0  }
0xfa: {  	(v2sf) =	vpush v17, $0xF;
	v20 =	vld.idx.msk [tilespmem:v6+s0+$0x0], $0xffff  }
0xfb: {  	v22 =	vld.idx.msk [tilespmem:v3+s0+$0x0], $0xffff  }
0xfc: {  	v23 =	vld.idx.msk [tilespmem:v5+s0+$0x0], $0xffff  }
0xfd: {  	v24 =	vld.idx.msk [tilespmem:v1+s0+$0x0], $0xffff  }
0xfe: {  	(xrf2) =	vadd.scan.msk.f32 $0xffff, v18;
	v25 =	vld.idx.msk [tilespmem:v2+s0+$0x0], $0xffff  }
0xff: {  	v19 =	vld.idx.msk [tilespmem:v7+s0+$0x0], $0xffff  }
0x100: {  	v21 =	vld.idx.msk [tilespmem:v9+s0+$0x0], $0xffff  }
0x101: {  	v26 =	vld.idx.msk [tilespmem:v8+s0+$0x0], $0xffff  }
0x102: {  	v28 =	vld.idx.msk [tilespmem:v9+s0+$0x8], $0xffff  }
0x103: {  	v29 =	vld.idx.msk [tilespmem:v8+s0+$0x8], $0xffff;
	v30 =	vadd.f32 v25, v24;
	v23 =	vadd.f32 v23, v22  }
0x104: {  	v17 =	vld.idx.msk [tilespmem:v2+s0+$0x8], $0xffff  }
0x105: {  	v27 =	vld.idx.msk [tilespmem:v1+s0+$0x8], $0xffff;
	v33 =	vadd.f32 v23, v30;
	v23 =	vadd.f32 v19, v20  }
0x106: {  	v32 =	vld.idx.msk [tilespmem:v3+s0+$0x8], $0xffff  }
0x107: {  	v34 =	vld.idx.msk [tilespmem:v6+s0+$0x8], $0xffff;
	v37 =	vadd.f32 v33, v20;
	v40 =	vadd.f32 v23, v33  }
0x108: {  	v25 =	vld.idx.msk [tilespmem:v5+s0+$0x8], $0xffff;
	v20 =	vadd.f32 v28, v29;
	v28 =	vadd.f32 v21, v26;
	v31, _, _ =	vpop (xrf2)  }
0x109: {  	v18 =	vsub.f32 v31, v18;
	v31 =	vld.idx.msk [tilespmem:v7+s0+$0x8], $0xffff;
	s1 =	spop (v2sf)  }
0x10a: {  	s31 =	simm.s32 $0x103E0;
	v43 =	vadd.f32 v40, v26;
	v26 =	vadd.f32 v28, v23;
	s1 =	sadd.f32 $0.0e+00, s1  }
0x10b: {  	v38 =	vld.idx.msk [tilespmem:v5+s31+$0x0], $0xffff;
	v17 =	vadd.f32 v17, v27;
	v22 =	vadd.f32 v22, v30  }
0x10c: {  	v21 =	vld.idx.msk [tilespmem:v3+s31+$0x0], $0xffff;
	v28 =	vadd.f32 v26, v33;
	v19 =	vadd.f32 s1, v18  }
0x10d: {  	v42 =	vld.idx.msk [tilespmem:v2+s31+$0x8], $0xffff;
	v18 =	vadd.f32 v25, v32;
	v25 =	vadd.f32 v32, v17  }
0x10e: {  	v44 =	vld.idx.msk [tilespmem:v6+s31+$0x0], $0xffff;
	v31 =	vadd.f32 v31, v34;
	v62 =	vadd.f32 v17, v19  }
0x10f: {  	v23 =	vld.idx.msk [tilespmem:v1+s31+$0x0], $0xffff;
	v36 =	vadd.f32 v25, v19;
	v17 =	vadd.f32 v18, v17  }
0x110: {  	v25 =	vadd.f32 v27, v19;
	v18 =	vadd.f32 v20, v31;
	v27 =	vld.idx.msk [tilespmem:v2+s31+$0x0], $0xffff  }
0x111: {  	v39 =	vld.idx.msk [tilespmem:v7+s31+$0x0], $0xffff;
	v63 =	vadd.f32 v38, v21;
	v26 =	vadd.f32 v31, v17  }
0x112: {  	v38 =	vld.idx.msk [tilespmem:v3+s31+$0x8], $0xffff;
	v18 =	vadd.f32 v18, v17;
	v34 =	vadd.f32 v17, v34  }
0x113: {  	s0 =	simm.s32 $0x14088;
	v32 =	vld.idx.msk [tilespmem:v9+s31+$0x8], $0xffff;
	v41 =	vadd.f32 v17, v19;
	v31 =	vadd.f32 v26, v29  }
0x114: {  	v20 =	vld.idx.msk [tilespmem:v8+s31+$0x0], $0xffff;
	[tilespmem:v4+s0+$0xFFFFFFF8] =	vst.idx.msk $0xffff, v25;
	v29 =	vadd.f32 v18, v19;
	v45 =	vadd.f32 v34, v19  }
0x115: {  	v17 =	vld.idx.msk [tilespmem:v9+s31+$0x0], $0xffff;
	[tilespmem:v10+s0+$0xFFFFFFF8] =	vst.idx.msk $0xffff, v62;
	v35 =	vadd.f32 v26, v19;
	v25 =	vadd.f32 v27, v23  }
0x116: {  	v26 =	vld.idx.msk [tilespmem:v1+s31+$0x8], $0xffff;
	[tilespmem:v11+s0+$0xFFFFFFF8] =	vst.idx.msk $0xffff, v36;
	v27 =	vadd.f32 v39, v44;
	v18 =	vadd.f32 v24, v29  }
0x117: {  	[tilespmem:v12+s0+$0xFFFFFFF8] =	vst.idx.msk $0xffff, v41;
	v39 =	vld.idx.msk [tilespmem:v5+s31+$0x8], $0xffff;
	v30 =	vadd.f32 v30, v29;
	v22 =	vadd.f32 v22, v29  }
0x118: {  	v24 =	vld.idx.msk [tilespmem:v8+s31+$0x8], $0xffff;
	v36 =	vadd.f32 v33, v29;
	v37 =	vadd.f32 v37, v29;
	[tilespmem:v13+s0+$0xFFFFFFF8] =	vst.idx.msk $0xffff, v45  }
0x119: {  	v41 =	vld.idx.msk [tilespmem:v7+s31+$0x8], $0xffff;
	v33 =	vadd.f32 v40, v29;
	[tilespmem:v4+s0+$0x0] =	vst.idx.msk $0xffff, v18;
	v18 =	vadd.f32 v63, v25  }
0x11a: {  	v34 =	vadd.f32 v43, v29;
	v28 =	vadd.f32 v28, v29;
	[tilespmem:v10+s0+$0x0] =	vst.idx.msk $0xffff, v30;
	v30 =	vld.idx.msk [tilespmem:v6+s31+$0x8], $0xffff  }
0x11b: {  	s2 =	simm.s32 $0x10;
	s3 =	simm.s32 $0x103D0;
	s1 =	simm.s32 $0x14088;
	v40 =	vadd.f32 v42, v26;
	[tilespmem:v11+s0+$0x0] =	vst.idx.msk $0xffff, v22;
	v22 =	vadd.f32 v18, v44  }
.LBB2_16:
0x11c: {  	v42 =	vld.idx.msk [tilespmem:v2+s3+$0x8], $0xffff;
	s2 =	sadd.s32 $0x10, s2;
	v43 =	vadd.f32 v27, v18;
	v31 =	vadd.f32 v31, v19;
	[tilespmem:v14+s0+$0xFFFFFFF8] =	vst.idx.msk $0xffff, v35;
	s1 =	sadd.s32 $0x10, s1  }
0x11d: {  	v35 =	vadd.f32 v39, v38;
	v32 =	vadd.f32 v32, v24;
	v44 =	vld.idx.msk [tilespmem:v6+s3+$0x0], $0xffff;
	p0 =	slt.u32 s2, $0x3F0;
	v19 =	vmov v28  }
0x11e: {  	v39 =	vadd.f32 v17, v20;
	v38 =	vadd.f32 v38, v40;
	v45 =	vld.idx.msk [tilespmem:v7+s3+$0x0], $0xffff;
	[tilespmem:v15+s0+$0xFFFFFFF8] =	vst.idx.msk $0xffff, v31  }
0x11f: {  	v41 =	vadd.f32 v41, v30;
	v46 =	vadd.f32 v43, v20;
	v31 =	vld.idx.msk [tilespmem:v3+s3+$0x0], $0xffff;
	[tilespmem:v16+s0+$0xFFFFFFF8] =	vst.idx.msk $0xffff, v29  }
0x120: {  	v47 =	vadd.f32 v40, v28;
	v38 =	vadd.f32 v38, v28;
	v17 =	vld.idx.msk [tilespmem:v9+s3+$0x0], $0xffff  }
0x121: {  	v29 =	vadd.f32 v26, v28;
	v48 =	vld.idx.msk [tilespmem:v5+s3+$0x0], $0xffff  }
0x122: {  	v50 =	vadd.f32 v21, v25;
	v26 =	vadd.f32 v39, v27;
	v49 =	vld.idx.msk [tilespmem:v1+s3+$0x0], $0xffff;
	[tilespmem:v12+s0+$0x0] =	vst.idx.msk $0xffff, v36  }
0x123: {  	v35 =	vadd.f32 v35, v40;
	v32 =	vadd.f32 v32, v41;
	v27 =	vld.idx.msk [tilespmem:v2+s3+$0x0], $0xffff;
	[tilespmem:v13+s0+$0x0] =	vst.idx.msk $0xffff, v37  }
0x124: {  	v51 =	vadd.f32 v26, v18;
	v20 =	vld.idx.msk [tilespmem:v8+s3+$0x0], $0xffff;
	[tilespmem:v14+s0+$0x0] =	vst.idx.msk $0xffff, v33  }
0x125: {  	v32 =	vadd.f32 v32, v35;
	v33 =	vadd.f32 v41, v35;
	v26 =	vld.idx.msk [tilespmem:v1+s3+$0x8], $0xffff;
	[tilespmem:v15+s0+$0x0] =	vst.idx.msk $0xffff, v34  }
0x126: {  	v30 =	vadd.f32 v35, v30;
	v21 =	vmov v31;
	v34 =	vadd.f32 v35, v28;
	[tilespmem:v4+s1+$0xFFFFFFF8] =	vst.idx.msk $0xffff, v29  }
0x127: {  	v31 =	vadd.f32 v33, v24;
	v29 =	vadd.f32 v32, v28;
	[tilespmem:v10+s1+$0xFFFFFFF8] =	vst.idx.msk $0xffff, v47  }
0x128: {  	v40 =	vadd.f32 v30, v28;
	v35 =	vadd.f32 v33, v28;
	v32 =	vld.idx.msk [tilespmem:v9+s3+$0x8], $0xffff;
	[tilespmem:v11+s1+$0xFFFFFFF8] =	vst.idx.msk $0xffff, v38  }
0x129: {  	v47 =	vadd.f32 v27, v49;
	v23 =	vadd.f32 v23, v29;
	v24 =	vld.idx.msk [tilespmem:v8+s3+$0x8], $0xffff;
	[tilespmem:v16+s0+$0x0] =	vst.idx.msk $0xffff, v28;
	s0 =	smov.u32 s1  }
0x12a: {  	v25 =	vadd.f32 v25, v29;
	v28 =	vadd.f32 v48, v21;
	v39 =	vld.idx.msk [tilespmem:v5+s3+$0x8], $0xffff;
	[tilespmem:v12+s1+$0xFFFFFFF8] =	vst.idx.msk $0xffff, v34  }
.Ltmp7:
0x12b: {  	v27 =	vadd.f32 v45, v44;
	v34 =	vadd.f32 v50, v29;
	v38 =	vld.idx.msk [tilespmem:v3+s3+$0x8], $0xffff;
	[tilespmem:v4+s1+$0x0] =	vst.idx.msk $0xffff, v23;
	(pc) =	sbr.rel @p0 .LBB2_16-.Ltmp7, $4  }
0x12c: {  	v36 =	vadd.f32 v18, v29;
	v18 =	vadd.f32 v28, v47;
	v41 =	vld.idx.msk [tilespmem:v7+s3+$0x8], $0xffff;
	[tilespmem:v10+s1+$0x0] =	vst.idx.msk $0xffff, v25  }
0x12d: {  	v37 =	vadd.f32 v22, v29;
	v33 =	vadd.f32 v43, v29;
	v30 =	vld.idx.msk [tilespmem:v6+s3+$0x8], $0xffff;
	[tilespmem:v11+s1+$0x0] =	vst.idx.msk $0xffff, v34  }
0x12e: {  	v23 =	vmov v49;
	v22 =	vadd.f32 v18, v44;
	v34 =	vadd.f32 v46, v29;
	[tilespmem:v13+s1+$0xFFFFFFF8] =	vst.idx.msk $0xffff, v40  }
0x12f: {  	v28 =	vadd.f32 v51, v29;
	v25 =	vmov v47;
	s3 =	sadd.s32 $0xFFFFFFF0, s3;
	v40 =	vadd.f32 v42, v26  }
0x130: {  	_ =	sdelay $0x3  }
0x131: {  	[tilespmem:v14+s0+$0xFFFFFFF8] =	vst.idx.msk $0xffff, v35  }
0x132: {  	v19 =	vadd.f32 v31, v19;
	[tilespmem:v12+s0+$0x0] =	vst.idx.msk $0xffff, v36  }
0x133: {  	[tilespmem:v13+s0+$0x0] =	vst.idx.msk $0xffff, v37  }
0x134: {  	v48 =	vadd.f32 v39, v38;
	[tilespmem:v15+s0+$0xFFFFFFF8] =	vst.idx.msk $0xffff, v19  }
0x135: {  	v51 =	vadd.f32 v38, v40;
	v26 =	vadd.f32 v26, v28;
	[tilespmem:v14+s0+$0x0] =	vst.idx.msk $0xffff, v33  }
0x136: {  	v19 =	vadd.f32 v32, v24;
	v49 =	vadd.f32 v41, v30;
	[tilespmem:v16+s0+$0xFFFFFFF8] =	vst.idx.msk $0xffff, v29  }
0x137: {  	s4 =	sadd.s32 $0x10, s1;
	v52 =	vadd.f32 v40, v28;
	v50 =	vadd.f32 v48, v40;
	[tilespmem:v15+s0+$0x0] =	vst.idx.msk $0xffff, v34  }
0x138: {  	v31 =	vadd.f32 v51, v28;
	[tilespmem:v4+s4+$0xFFFFFFF8] =	vst.idx.msk $0xffff, v26;
	v19 =	vadd.f32 v19, v49  }
0x139: {  	[tilespmem:v10+s4+$0xFFFFFFF8] =	vst.idx.msk $0xffff, v52;
	v54 =	vadd.f32 v49, v50;
	v29 =	vadd.f32 v50, v30  }
0x13a: {  	v53 =	vadd.f32 v50, v28;
	[tilespmem:v16+s0+$0x0] =	vst.idx.msk $0xffff, v28;
	v19 =	vadd.f32 v19, v50  }
0x13b: {  	[tilespmem:v11+s4+$0xFFFFFFF8] =	vst.idx.msk $0xffff, v31;
	v56 =	vadd.f32 v54, v24;
	v57 =	vadd.f32 v29, v28  }
0x13c: {  	[tilespmem:v12+s4+$0xFFFFFFF8] =	vst.idx.msk $0xffff, v53;
	v58 =	vadd.f32 v54, v28  }
0x13d: {  	v19 =	vadd.f32 v19, v28;
	[tilespmem:v13+s4+$0xFFFFFFF8] =	vst.idx.msk $0xffff, v57;
	v59 =	vadd.f32 v56, v28  }
0x13e: {  	[tilespmem:v14+s4+$0xFFFFFFF8] =	vst.idx.msk $0xffff, v58  }
0x13f: {  	v21 =	vadd.f32 v21, v25;
	v23 =	vadd.f32 v23, v19;
	[tilespmem:v15+s4+$0xFFFFFFF8] =	vst.idx.msk $0xffff, v59  }
0x140: {  	v17 =	vadd.f32 v17, v20;
	v55 =	vadd.f32 v25, v19;
	[tilespmem:v16+s4+$0xFFFFFFF8] =	vst.idx.msk $0xffff, v19  }
0x141: {  	v60 =	vadd.f32 v27, v18;
	v21 =	vadd.f32 v21, v19;
	[tilespmem:v4+s4+$0x0] =	vst.idx.msk $0xffff, v23  }
0x142: {  	v17 =	vadd.f32 v17, v27;
	v61 =	vadd.f32 v18, v19;
	[tilespmem:v10+s4+$0x0] =	vst.idx.msk $0xffff, v55  }
0x143: {  	v62 =	vadd.f32 v60, v20;
	v63 =	vadd.f32 v22, v19;
	[tilespmem:v11+s4+$0x0] =	vst.idx.msk $0xffff, v21  }
0x144: {  	v17 =	vadd.f32 v17, v18;
	v18 =	vadd.f32 v60, v19;
	[tilespmem:v12+s4+$0x0] =	vst.idx.msk $0xffff, v61  }
0x145: {  	v20 =	vadd.f32 v62, v19;
	[tilespmem:v13+s4+$0x0] =	vst.idx.msk $0xffff, v63  }
0x146: {  	v17 =	vadd.f32 v17, v19;
	[tilespmem:v14+s4+$0x0] =	vst.idx.msk $0xffff, v18  }
0x147: {  	s1 =	simm.s32 $0x0;
	s2 =	simm.s32 $0x140C0;
	[tilespmem:v15+s4+$0x0] =	vst.idx.msk $0xffff, v20  }
0x148: {  	s3 =	simm.s32 $0x14080;
	s0 =	simm.s32 $0xC040;
	[tilespmem:v16+s4+$0x0] =	vst.idx.msk $0xffff, v17;
	s4 =	simm.s32 $0x0  }
.LBB2_18:
0x149: {  	s5 =	sand.u32 $0x3FFFFF80, s1;
	v23 =	vld [tilespmem:s2+$0x30]  }
0x14a: {  	v21 =	vld [tilespmem:s2+$0xFFFFFFD0];
	s5 =	sadd.s32 s5, s3  }
0x14b: {  	v22 =	vld [tilespmem:s5+$0x0]  }
0x14c: {  	v20 =	vld [tilespmem:s2+$0xFFFFFFE0]  }
0x14d: {  	v17 =	vld [tilespmem:s2+$0xFFFFFFF0]  }
0x14e: {  	v18 =	vld [tilespmem:s2+$0x0]  }
0x14f: {  	v19 =	vld [tilespmem:s2+$0x10];
	s6 =	simm.s32 $0x0;
	[tilespmem:s0+$0x30] =	vst v23  }
0x150: {  	s8 =	smov.u32 s2;
	s7 =	sadd.s32 $0x80, s5;
	s5 =	smov.u32 s0;
	[tilespmem:s0+$0xFFFFFFC0] =	vst v22;
	v22 =	vld [tilespmem:s2+$0x20]  }
.LBB2_19:
0x151: {  	v23 =	vld [tilespmem:s7+$0x0];
	[tilespmem:s5+$0xFFFFFFD0] =	vst v21;
	s8 =	sadd.s32 $0x80, s8  }
0x152: {  	s6 =	sadd.s32 $0x8, s6;
	v24 =	vld [tilespmem:s8+$0x30];
	[tilespmem:s5+$0xFFFFFFE0] =	vst v20  }
0x153: {  	p0 =	slt.u32 s6, $0x38;
	v21 =	vld [tilespmem:s8+$0xFFFFFFD0];
	[tilespmem:s5+$0xFFFFFFF0] =	vst v17  }
.Ltmp8:
0x154: {  	v20 =	vld [tilespmem:s8+$0xFFFFFFE0];
	[tilespmem:s5+$0x0] =	vst v18;
	(pc) =	sbr.rel @p0 .LBB2_19-.Ltmp8, $4  }
0x155: {  	v17 =	vld [tilespmem:s8+$0xFFFFFFF0];
	[tilespmem:s5+$0x10] =	vst v19  }
0x156: {  	v18 =	vld [tilespmem:s8+$0x0];
	[tilespmem:s5+$0x20] =	vst v22;
	s5 =	sadd.s32 $0x80, s5  }
0x157: {  	v19 =	vld [tilespmem:s8+$0x10];
	[tilespmem:s5+$0x30] =	vst v24  }
0x158: {  	s7 =	sadd.s32 $0x80, s7;
	[tilespmem:s5+$0xFFFFFFC0] =	vst v23;
	v22 =	vld [tilespmem:s8+$0x20]  }
0x159: {  	s4 =	sadd.s32 $0x1, s4  }
0x15a: {  	[tilespmem:s5+$0xFFFFFFD0] =	vst v21;
	p0 =	sne.s32 s4, $0x10  }
.Ltmp9:
0x15b: {  	[tilespmem:s5+$0xFFFFFFE0] =	vst v20;
	(pc) =	sbr.rel @p0 .LBB2_18-.Ltmp9, $4  }
0x15c: {  	[tilespmem:s5+$0xFFFFFFF0] =	vst v17  }
0x15d: {  	[tilespmem:s5+$0x0] =	vst v18  }
0x15e: {  	s3 =	sadd.s32 $0x8, s3;
	[tilespmem:s5+$0x10] =	vst v19  }
0x15f: {  	s1 =	sadd.s32 $0x408, s1;
	s2 =	sadd.s32 $0x408, s2;
	s0 =	sadd.s32 $0x400, s0;
	[tilespmem:s5+$0x20] =	vst v22  }
0x160: {  	s0 =	rddreg [dreg:$0x7]  }
0x161: {  	[hbm4b:s0+s20] =	stream.strided.scatter [tilespmem:s26], [sflag:$0x4], $0x4000, s21, s20, $0x38;
	[tilespmem:$0x18100] =	vst v63  }
0x162: {  	s12 =	rddreg [dreg:$0x8]  }
0x163: {  	[tilespmem:s22], [sflag:$0x2] =	stream.strided.gather [hbm4b:s12+s20], $0x4000, s21, s20, $0x38;
	[tilespmem:$0x18100] =	vst v63  }
0x164: {  	_ =	swait.ge [sflag:s23], $0x4000  }
0x165: {  	[sflag:s23] =	ssyncset.done $0x0  }
0x166: {  	[sflag:s23] =	ssyncadd.s32 $0xFFFFC000  }
0x167: {  	s31 =	simm.s32 $0x0;
	_ =	swait.ge [sflag:s28], $0x4000  }
0x168: {  	s1 =	simm.s32 $0x40;
	s2 =	simm.s32 $0x10040;
	[sflag:s28] =	ssyncset.done $0x0  }
0x169: {  	v18 =	vimm.f32 $0.0e+00;
	s3 =	simm.s32 $0x0;
	s0 =	simm.s32 $0x10000;
	[sflag:s28] =	ssyncadd.s32 $0xFFFFC000  }
.LBB2_22:
0x16a: {  	v23 =	vld [tilespmem:s1+$0xFFFFFFC0];
	_ =	sdelay $0x1  }
0x16b: {  	v22 =	vld [tilespmem:s1+$0x0]  }
0x16c: {  	s4 =	sand.u32 $0x3FFFFF80, s31  }
0x16d: {  	s4 =	sadd.s32 s4, s0  }
0x16e: {  	[tilespmem:s4+$0x0] =	vst v23  }
0x16f: {  	s7 =	sadd.s32 $0x80, s1;
	v33 =	vld [tilespmem:s1+$0xFFFFFFD0]  }
0x170: {  	v19 =	vld [tilespmem:s7+$0xFFFFFFC0];
	[tilespmem:s2+$0x0] =	vst v22  }
0x171: {  	v24 =	vld [tilespmem:s1+$0x10];
	_ =	sdelay $0x1  }
0x172: {  	v17 =	vld [tilespmem:s7+$0x0]  }
0x173: {  	s5 =	sadd.s32 $0x80, s4;
	[tilespmem:s2+$0xFFFFFFD0] =	vst v33  }
0x174: {  	[tilespmem:s5+$0x0] =	vst v19;
	v31 =	vld [tilespmem:s1+$0xFFFFFFE0]  }
0x175: {  	v25 =	vld [tilespmem:s7+$0xFFFFFFD0];
	[tilespmem:s2+$0x10] =	vst v24  }
0x176: {  	s6 =	sadd.s32 $0x80, s7;
	s4 =	sadd.s32 $0x80, s2;
	v30 =	vld [tilespmem:s1+$0x20]  }
0x177: {  	v20 =	vld [tilespmem:s6+$0xFFFFFFC0];
	[tilespmem:s4+$0x0] =	vst v17  }
0x178: {  	v26 =	vld [tilespmem:s7+$0x10]  }
0x179: {  	v21 =	vld [tilespmem:s6+$0x0];
	[tilespmem:s2+$0xFFFFFFE0] =	vst v31  }
0x17a: {  	[tilespmem:s4+$0xFFFFFFD0] =	vst v25;
	v27 =	vld [tilespmem:s1+$0xFFFFFFF0]  }
0x17b: {  	s9 =	sadd.s32 $0x80, s5;
	v32 =	vld [tilespmem:s7+$0xFFFFFFE0];
	[tilespmem:s2+$0x20] =	vst v30  }
0x17c: {  	[tilespmem:s9+$0x0] =	vst v20;
	v28 =	vld [tilespmem:s1+$0x30]  }
0x17d: {  	s10 =	simm.s32 $0x10;
	v29 =	vld [tilespmem:s6+$0xFFFFFFD0];
	[tilespmem:s4+$0x10] =	vst v26  }
0x17e: {  	s8 =	smov.u32 s2;
	v35 =	vimm.f32 $0.0e+00;
	s11 =	sadd.s32 $0x80, s6;
	s5 =	sadd.s32 $0x80, s4;
	v34 =	vld [tilespmem:s7+$0x20]  }
.LBB2_23:
0x17f: {  	[tilespmem:s5+$0x0] =	vst v21;
	v39 =	vadd.f32 v33, v23;
	v36 =	vadd.f32 v27, v31;
	v23 =	vmovc v19;
	v19 =	vmov v20;
	v20 =	vld [tilespmem:s11+$0xFFFFFFC0];
	s12 =	smov.u32 s4;
	s4 =	smov.u32 s5  }
0x180: {  	s10 =	sadd.s32 $0x8, s10;
	v37 =	vadd.f32 v24, v22;
	v24 =	vmovc v26;
	v22 =	vmovc v17;
	v17 =	vmov v21;
	[tilespmem:s8+$0xFFFFFFF0] =	vst v27;
	v26 =	vld [tilespmem:s6+$0x10];
	v31 =	vmov v32  }
0x181: {  	v33 =	vmovc v25;
	p0 =	slt.u32 s10, $0x38;
	v21 =	vld [tilespmem:s11+$0x0];
	[tilespmem:s12+$0xFFFFFFE0] =	vst v31;
	v36 =	vadd.f32 v36, v39;
	v39 =	vadd.f32 v28, v30;
	v38 =	vmov v28  }
.Ltmp10:
0x182: {  	[tilespmem:s5+$0xFFFFFFD0] =	vst v29;
	v27 =	vld [tilespmem:s7+$0xFFFFFFF0];
	v25 =	vmov v29;
	(pc) =	sbr.rel @p0 .LBB2_23-.Ltmp10, $4  }
0x183: {  	s9 =	sadd.s32 $0x80, s9;
	v32 =	vld [tilespmem:s6+$0xFFFFFFE0];
	[tilespmem:s12+$0x20] =	vst v34;
	v35 =	vadd.f32 v36, v35;
	v36 =	vadd.f32 v39, v37;
	v30 =	vmov v34  }
0x184: {  	[tilespmem:s9+$0x0] =	vst v20;
	v28 =	vld [tilespmem:s7+$0x30];
	s7 =	smov.u32 s6;
	s6 =	smov.u32 s11  }
0x185: {  	v29 =	vld [tilespmem:s11+$0xFFFFFFD0];
	[tilespmem:s5+$0x10] =	vst v26;
	v35 =	vadd.f32 v36, v35  }
0x186: {  	s11 =	sadd.s32 $0x80, s11;
	s5 =	sadd.s32 $0x80, s5;
	v34 =	vld [tilespmem:s7+$0x20];
	[tilespmem:s8+$0x30] =	vst v38;
	s8 =	smov.u32 s12  }
0x187: {  	[tilespmem:s5+$0x0] =	vst v21  }
0x188: {  	v36 =	vld [tilespmem:s6+$0x10];
	_ =	sdelay $0x2  }
0x189: {  	[tilespmem:s5+$0xFFFFFFD0] =	vst v29  }
0x18a: {  	[tilespmem:s4+$0xFFFFFFE0] =	vst v32;
	v37 =	vld [tilespmem:s6+$0xFFFFFFE0]  }
0x18b: {  	v23 =	vadd.f32 v33, v23;
	v31 =	vadd.f32 v27, v31;
	v55 =	vld [tilespmem:s7+$0xFFFFFFF0];
	[tilespmem:s5+$0x10] =	vst v36  }
0x18c: {  	v22 =	vadd.f32 v24, v22;
	[tilespmem:s4+$0x20] =	vst v34;
	v56 =	vld [tilespmem:s6+$0x20]  }
0x18d: {  	v23 =	vadd.f32 v31, v23;
	v30 =	vadd.f32 v28, v30;
	v57 =	vld [tilespmem:s7+$0x30];
	_ =	sdelay $0x1  }
0x18e: {  	v23 =	vadd.f32 v23, v35;
	v22 =	vadd.f32 v30, v22;
	[tilespmem:s5+$0xFFFFFFE0] =	vst v37  }
0x18f: {  	v19 =	vadd.f32 v25, v19;
	v58 =	vadd.f32 v55, v32;
	v59 =	vld [tilespmem:s6+$0xFFFFFFF0]  }
0x190: {  	v17 =	vadd.f32 v26, v17;
	v22 =	vadd.f32 v22, v23;
	[tilespmem:s5+$0x20] =	vst v56  }
0x191: {  	v19 =	vadd.f32 v58, v19;
	v60 =	vadd.f32 v57, v34;
	v61 =	vld [tilespmem:s6+$0x30];
	_ =	sdelay $0x1  }
0x192: {  	v19 =	vadd.f32 v19, v22;
	v17 =	vadd.f32 v60, v17  }
0x193: {  	v20 =	vadd.f32 v29, v20;
	v62 =	vadd.f32 v59, v37  }
0x194: {  	v17 =	vadd.f32 v17, v19;
	v19 =	vadd.f32 v36, v21  }
0x195: {  	v20 =	vadd.f32 v62, v20;
	v63 =	vadd.f32 v61, v56;
	_ =	sdelay $0x1  }
0x196: {  	v17 =	vadd.f32 v20, v17;
	v19 =	vadd.f32 v63, v19;
	_ =	sdelay $0x1  }
0x197: {  	v17 =	vadd.f32 v19, v17;
	_ =	sdelay $0x1  }
0x198: {  	(xrf2) =	vadd.scan.msk.f32 $0xffff, v17;
	_ =	sdelay $0x7  }
0x199: {  	s12 =	sxor.u32 $0xF, s3;
	s3 =	sadd.s32 $0x1, s3  }
0x19a: {  	[tilespmem:s8+$0xFFFFFFF0] =	vst v27;
	p0 =	sne.s32 s3, $0x10  }
.Ltmp11:
0x19b: {  	[tilespmem:s8+$0x30] =	vst v28;
	v17, _, _ =	vpop (xrf2);
	(pc) =	sbr.rel @p0 .LBB2_22-.Ltmp11, $4  }
0x19c: {  	[tilespmem:s4+$0xFFFFFFF0] =	vst v55;
	v19 =	vmov s12;
	v17 =	vbroadcast v17, $0xF  }
0x19d: {  	[tilespmem:s4+$0x30] =	vst v57;
	vm0 =	veq.s32 v19, v0  }
0x19e: {  	s0 =	sadd.s32 $0x8, s0;
	[tilespmem:s5+$0xFFFFFFF0] =	vst v59;
	v17 =	vnsel vm0, $0x0, v17  }
0x19f: {  	s31 =	sadd.s32 $0x408, s31;
	s1 =	sadd.s32 $0x400, s1;
	s2 =	sadd.s32 $0x408, s2;
	[tilespmem:s5+$0x30] =	vst v61;
	v18 =	vadd.f32 v17, v18  }
0x1a0: {  	_ =	sdelay $0x2  }
0x1a1: {  	s0 =	simm.s32 $0x103F0  }
0x1a2: {  	v21 =	vld.idx.msk [tilespmem:v6+s0+$0x0], $0xffff  }
0x1a3: {  	v20 =	vld.idx.msk [tilespmem:v7+s0+$0x0], $0xffff  }
0x1a4: {  	v23 =	vld.idx.msk [tilespmem:v3+s0+$0x0], $0xffff  }
0x1a5: {  	v22 =	vld.idx.msk [tilespmem:v9+s0+$0x0], $0xffff  }
0x1a6: {  	v17 =	vld.idx.msk [tilespmem:v5+s0+$0x0], $0xffff  }
0x1a7: {  	v25 =	vld.idx.msk [tilespmem:v1+s0+$0x0], $0xffff  }
0x1a8: {  	(xrf2) =	vadd.scan.msk.f32 $0xffff, v18;
	v24 =	vld.idx.msk [tilespmem:v2+s0+$0x0], $0xffff  }
0x1a9: {  	v26 =	vld.idx.msk [tilespmem:v8+s0+$0x0], $0xffff  }
0x1aa: {  	v33 =	vld.idx.msk [tilespmem:v7+s0+$0x8], $0xffff  }
0x1ab: {  	v35 =	vld.idx.msk [tilespmem:v6+s0+$0x8], $0xffff  }
0x1ac: {  	v28 =	vld.idx.msk [tilespmem:v9+s0+$0x8], $0xffff  }
0x1ad: {  	v29 =	vld.idx.msk [tilespmem:v8+s0+$0x8], $0xffff;
	v31 =	vadd.f32 v24, v25;
	v30 =	vadd.f32 v17, v23  }
0x1ae: {  	v19 =	vld.idx.msk [tilespmem:v2+s0+$0x8], $0xffff  }
0x1af: {  	v27 =	vld.idx.msk [tilespmem:v1+s0+$0x8], $0xffff;
	v34 =	vadd.f32 v30, v31;
	v30 =	vadd.f32 v20, v21  }
0x1b0: {  	v32 =	vld.idx.msk [tilespmem:v3+s0+$0x8], $0xffff;
	v61 =	vadd.f32 v33, v35  }
0x1b1: {  	v24 =	vld.idx.msk [tilespmem:v5+s0+$0x8], $0xffff;
	v38 =	vadd.f32 v34, v21;
	v41 =	vadd.f32 v30, v34  }
0x1b2: {  	v21 =	vadd.f32 v28, v29;
	v28 =	vadd.f32 v22, v26;
	v17, _, _ =	vpop (xrf2)  }
0x1b3: {  	s1 =	simm.s32 $0x103E0;
	v23 =	vadd.f32 v23, v31;
	v18 =	vsub.f32 v17, v18  }
0x1b4: {  	v45 =	vld.idx.msk [tilespmem:v6+s1+$0x0], $0xffff;
	v44 =	vadd.f32 v41, v26;
	v28 =	vadd.f32 v28, v30  }
0x1b5: {  	v39 =	vld.idx.msk [tilespmem:v7+s1+$0x0], $0xffff;
	v20 =	vadd.f32 $0.0e+00, v18;
	v18 =	vadd.f32 v19, v27  }
0x1b6: {  	v22 =	vld.idx.msk [tilespmem:v3+s1+$0x0], $0xffff;
	v19 =	vadd.f32 v24, v32;
	v46 =	vadd.f32 v28, v34  }
0x1b7: {  	v28 =	vld.idx.msk [tilespmem:v5+s1+$0x0], $0xffff;
	v24 =	vadd.f32 v32, v18;
	v26 =	vadd.f32 v18, v20  }
0x1b8: {  	v43 =	vld.idx.msk [tilespmem:v2+s1+$0x8], $0xffff;
	v18 =	vadd.f32 v19, v18;
	v19 =	vadd.f32 v21, v61  }
0x1b9: {  	v62 =	vld.idx.msk [tilespmem:v2+s1+$0x0], $0xffff;
	v27 =	vadd.f32 v27, v20;
	v37 =	vadd.f32 v24, v20  }
0x1ba: {  	v42 =	vld.idx.msk [tilespmem:v7+s1+$0x8], $0xffff;
	v36 =	vadd.f32 v61, v18;
	v19 =	vadd.f32 v19, v18  }
0x1bb: {  	v24 =	vld.idx.msk [tilespmem:v1+s1+$0x0], $0xffff;
	v35 =	vadd.f32 v18, v35;
	v40 =	vadd.f32 v18, v20  }
0x1bc: {  	s0 =	simm.s32 $0x14088;
	v33 =	vld.idx.msk [tilespmem:v9+s1+$0x8], $0xffff;
	v63 =	vadd.f32 v28, v22;
	v28 =	vadd.f32 v39, v45  }
0x1bd: {  	v21 =	vld.idx.msk [tilespmem:v8+s1+$0x0], $0xffff;
	[tilespmem:v4+s0+$0xFFFFFFF8] =	vst.idx.msk $0xffff, v27;
	v32 =	vadd.f32 v36, v29;
	v30 =	vadd.f32 v19, v20  }
0x1be: {  	v27 =	vld.idx.msk [tilespmem:v1+s1+$0x8], $0xffff;
	[tilespmem:v10+s0+$0xFFFFFFF8] =	vst.idx.msk $0xffff, v26;
	v29 =	vadd.f32 v35, v20;
	v36 =	vadd.f32 v36, v20  }
0x1bf: {  	v39 =	vld.idx.msk [tilespmem:v3+s1+$0x8], $0xffff;
	[tilespmem:v11+s0+$0xFFFFFFF8] =	vst.idx.msk $0xffff, v37;
	v19 =	vadd.f32 v25, v30;
	v31 =	vadd.f32 v31, v30  }
0x1c0: {  	[tilespmem:v12+s0+$0xFFFFFFF8] =	vst.idx.msk $0xffff, v40;
	v40 =	vld.idx.msk [tilespmem:v5+s1+$0x8], $0xffff;
	v23 =	vadd.f32 v23, v30;
	v26 =	vadd.f32 v62, v24  }
0x1c1: {  	v25 =	vld.idx.msk [tilespmem:v8+s1+$0x8], $0xffff;
	v37 =	vadd.f32 v34, v30;
	v38 =	vadd.f32 v38, v30;
	[tilespmem:v13+s0+$0xFFFFFFF8] =	vst.idx.msk $0xffff, v29  }
0x1c2: {  	v18 =	vld.idx.msk [tilespmem:v9+s1+$0x0], $0xffff;
	v34 =	vadd.f32 v41, v30;
	[tilespmem:v4+s0+$0x0] =	vst.idx.msk $0xffff, v19;
	v19 =	vadd.f32 v63, v26  }
0x1c3: {  	v35 =	vadd.f32 v44, v30;
	v29 =	vadd.f32 v46, v30;
	[tilespmem:v10+s0+$0x0] =	vst.idx.msk $0xffff, v31;
	v31 =	vld.idx.msk [tilespmem:v6+s1+$0x8], $0xffff  }
0x1c4: {  	s2 =	simm.s32 $0x10;
	s3 =	simm.s32 $0x103D0;
	v41 =	vadd.f32 v43, v27;
	s1 =	simm.s32 $0x14088;
	[tilespmem:v11+s0+$0x0] =	vst.idx.msk $0xffff, v23;
	v23 =	vadd.f32 v19, v45  }
.LBB2_26:
0x1c5: {  	v43 =	vld.idx.msk [tilespmem:v2+s3+$0x8], $0xffff;
	s2 =	sadd.s32 $0x10, s2;
	v44 =	vadd.f32 v28, v19;
	v32 =	vadd.f32 v32, v20;
	[tilespmem:v14+s0+$0xFFFFFFF8] =	vst.idx.msk $0xffff, v36;
	s1 =	sadd.s32 $0x10, s1  }
0x1c6: {  	v36 =	vadd.f32 v40, v39;
	v33 =	vadd.f32 v33, v25;
	v45 =	vld.idx.msk [tilespmem:v6+s3+$0x0], $0xffff;
	p0 =	slt.u32 s2, $0x3F0;
	v20 =	vmov v29  }
0x1c7: {  	v40 =	vadd.f32 v18, v21;
	v39 =	vadd.f32 v39, v41;
	v46 =	vld.idx.msk [tilespmem:v7+s3+$0x0], $0xffff;
	[tilespmem:v15+s0+$0xFFFFFFF8] =	vst.idx.msk $0xffff, v32  }
0x1c8: {  	v42 =	vadd.f32 v42, v31;
	v47 =	vadd.f32 v44, v21;
	v32 =	vld.idx.msk [tilespmem:v3+s3+$0x0], $0xffff;
	[tilespmem:v16+s0+$0xFFFFFFF8] =	vst.idx.msk $0xffff, v30  }
0x1c9: {  	v48 =	vadd.f32 v41, v29;
	v39 =	vadd.f32 v39, v29;
	v18 =	vld.idx.msk [tilespmem:v9+s3+$0x0], $0xffff  }
0x1ca: {  	v30 =	vadd.f32 v27, v29;
	v49 =	vld.idx.msk [tilespmem:v5+s3+$0x0], $0xffff  }
0x1cb: {  	v51 =	vadd.f32 v22, v26;
	v27 =	vadd.f32 v40, v28;
	v50 =	vld.idx.msk [tilespmem:v1+s3+$0x0], $0xffff;
	[tilespmem:v12+s0+$0x0] =	vst.idx.msk $0xffff, v37  }
0x1cc: {  	v36 =	vadd.f32 v36, v41;
	v33 =	vadd.f32 v33, v42;
	v28 =	vld.idx.msk [tilespmem:v2+s3+$0x0], $0xffff;
	[tilespmem:v13+s0+$0x0] =	vst.idx.msk $0xffff, v38  }
0x1cd: {  	v52 =	vadd.f32 v27, v19;
	v21 =	vld.idx.msk [tilespmem:v8+s3+$0x0], $0xffff;
	[tilespmem:v14+s0+$0x0] =	vst.idx.msk $0xffff, v34  }
0x1ce: {  	v33 =	vadd.f32 v33, v36;
	v34 =	vadd.f32 v42, v36;
	v27 =	vld.idx.msk [tilespmem:v1+s3+$0x8], $0xffff;
	[tilespmem:v15+s0+$0x0] =	vst.idx.msk $0xffff, v35  }
0x1cf: {  	v31 =	vadd.f32 v36, v31;
	v22 =	vmov v32;
	v35 =	vadd.f32 v36, v29;
	[tilespmem:v4+s1+$0xFFFFFFF8] =	vst.idx.msk $0xffff, v30  }
0x1d0: {  	v32 =	vadd.f32 v34, v25;
	v30 =	vadd.f32 v33, v29;
	[tilespmem:v10+s1+$0xFFFFFFF8] =	vst.idx.msk $0xffff, v48  }
0x1d1: {  	v41 =	vadd.f32 v31, v29;
	v36 =	vadd.f32 v34, v29;
	v33 =	vld.idx.msk [tilespmem:v9+s3+$0x8], $0xffff;
	[tilespmem:v11+s1+$0xFFFFFFF8] =	vst.idx.msk $0xffff, v39  }
0x1d2: {  	v48 =	vadd.f32 v28, v50;
	v24 =	vadd.f32 v24, v30;
	v25 =	vld.idx.msk [tilespmem:v8+s3+$0x8], $0xffff;
	[tilespmem:v16+s0+$0x0] =	vst.idx.msk $0xffff, v29;
	s0 =	smov.u32 s1  }
0x1d3: {  	v26 =	vadd.f32 v26, v30;
	v29 =	vadd.f32 v49, v22;
	v40 =	vld.idx.msk [tilespmem:v5+s3+$0x8], $0xffff;
	[tilespmem:v12+s1+$0xFFFFFFF8] =	vst.idx.msk $0xffff, v35  }
.Ltmp12:
0x1d4: {  	v28 =	vadd.f32 v46, v45;
	v35 =	vadd.f32 v51, v30;
	v39 =	vld.idx.msk [tilespmem:v3+s3+$0x8], $0xffff;
	[tilespmem:v4+s1+$0x0] =	vst.idx.msk $0xffff, v24;
	(pc) =	sbr.rel @p0 .LBB2_26-.Ltmp12, $4  }
0x1d5: {  	v37 =	vadd.f32 v19, v30;
	v19 =	vadd.f32 v29, v48;
	v42 =	vld.idx.msk [tilespmem:v7+s3+$0x8], $0xffff;
	[tilespmem:v10+s1+$0x0] =	vst.idx.msk $0xffff, v26  }
0x1d6: {  	v38 =	vadd.f32 v23, v30;
	v34 =	vadd.f32 v44, v30;
	v31 =	vld.idx.msk [tilespmem:v6+s3+$0x8], $0xffff;
	[tilespmem:v11+s1+$0x0] =	vst.idx.msk $0xffff, v35  }
0x1d7: {  	v24 =	vmov v50;
	v23 =	vadd.f32 v19, v45;
	v35 =	vadd.f32 v47, v30;
	[tilespmem:v13+s1+$0xFFFFFFF8] =	vst.idx.msk $0xffff, v41  }
0x1d8: {  	v29 =	vadd.f32 v52, v30;
	v26 =	vmov v48;
	s3 =	sadd.s32 $0xFFFFFFF0, s3;
	v41 =	vadd.f32 v43, v27  }
0x1d9: {  	_ =	sdelay $0x3  }
0x1da: {  	[tilespmem:v14+s0+$0xFFFFFFF8] =	vst.idx.msk $0xffff, v36  }
0x1db: {  	v20 =	vadd.f32 v32, v20;
	[tilespmem:v12+s0+$0x0] =	vst.idx.msk $0xffff, v37  }
0x1dc: {  	[tilespmem:v13+s0+$0x0] =	vst.idx.msk $0xffff, v38  }
0x1dd: {  	v47 =	vadd.f32 v40, v39;
	[tilespmem:v15+s0+$0xFFFFFFF8] =	vst.idx.msk $0xffff, v20  }
0x1de: {  	v48 =	vadd.f32 v33, v25;
	v51 =	vadd.f32 v39, v41;
	[tilespmem:v14+s0+$0x0] =	vst.idx.msk $0xffff, v34  }
0x1df: {  	v27 =	vadd.f32 v27, v29;
	v49 =	vadd.f32 v42, v31;
	[tilespmem:v16+s0+$0xFFFFFFF8] =	vst.idx.msk $0xffff, v30  }
0x1e0: {  	s4 =	sadd.s32 $0x10, s1;
	v52 =	vadd.f32 v41, v29;
	v50 =	vadd.f32 v47, v41;
	[tilespmem:v15+s0+$0x0] =	vst.idx.msk $0xffff, v35  }
0x1e1: {  	v32 =	vadd.f32 v51, v29;
	[tilespmem:v4+s4+$0xFFFFFFF8] =	vst.idx.msk $0xffff, v27;
	v20 =	vadd.f32 v48, v49  }
0x1e2: {  	[tilespmem:v10+s4+$0xFFFFFFF8] =	vst.idx.msk $0xffff, v52;
	v54 =	vadd.f32 v49, v50;
	v30 =	vadd.f32 v50, v31  }
0x1e3: {  	v53 =	vadd.f32 v50, v29;
	[tilespmem:v16+s0+$0x0] =	vst.idx.msk $0xffff, v29;
	v20 =	vadd.f32 v20, v50  }
0x1e4: {  	[tilespmem:v11+s4+$0xFFFFFFF8] =	vst.idx.msk $0xffff, v32;
	v56 =	vadd.f32 v54, v25;
	v57 =	vadd.f32 v30, v29  }
0x1e5: {  	[tilespmem:v12+s4+$0xFFFFFFF8] =	vst.idx.msk $0xffff, v53;
	v58 =	vadd.f32 v54, v29  }
0x1e6: {  	v20 =	vadd.f32 v20, v29;
	[tilespmem:v13+s4+$0xFFFFFFF8] =	vst.idx.msk $0xffff, v57;
	v59 =	vadd.f32 v56, v29  }
0x1e7: {  	[tilespmem:v14+s4+$0xFFFFFFF8] =	vst.idx.msk $0xffff, v58  }
0x1e8: {  	v22 =	vadd.f32 v22, v26;
	v24 =	vadd.f32 v24, v20;
	[tilespmem:v15+s4+$0xFFFFFFF8] =	vst.idx.msk $0xffff, v59  }
0x1e9: {  	v18 =	vadd.f32 v18, v21;
	v55 =	vadd.f32 v26, v20;
	[tilespmem:v16+s4+$0xFFFFFFF8] =	vst.idx.msk $0xffff, v20  }
0x1ea: {  	v60 =	vadd.f32 v28, v19;
	v22 =	vadd.f32 v22, v20;
	[tilespmem:v4+s4+$0x0] =	vst.idx.msk $0xffff, v24  }
0x1eb: {  	v18 =	vadd.f32 v18, v28;
	v61 =	vadd.f32 v19, v20;
	[tilespmem:v10+s4+$0x0] =	vst.idx.msk $0xffff, v55  }
0x1ec: {  	v62 =	vadd.f32 v60, v21;
	v63 =	vadd.f32 v23, v20;
	[tilespmem:v11+s4+$0x0] =	vst.idx.msk $0xffff, v22  }
0x1ed: {  	v18 =	vadd.f32 v18, v19;
	v19 =	vadd.f32 v60, v20;
	[tilespmem:v12+s4+$0x0] =	vst.idx.msk $0xffff, v61  }
0x1ee: {  	v21 =	vadd.f32 v62, v20;
	[tilespmem:v13+s4+$0x0] =	vst.idx.msk $0xffff, v63  }
0x1ef: {  	v18 =	vadd.f32 v18, v20;
	[tilespmem:v14+s4+$0x0] =	vst.idx.msk $0xffff, v19  }
0x1f0: {  	s1 =	simm.s32 $0x0;
	s2 =	simm.s32 $0x140C0;
	[tilespmem:v15+s4+$0x0] =	vst.idx.msk $0xffff, v21  }
0x1f1: {  	s3 =	simm.s32 $0x14080;
	s0 =	simm.s32 $0x8040;
	[tilespmem:v16+s4+$0x0] =	vst.idx.msk $0xffff, v18;
	s4 =	simm.s32 $0x0  }
.LBB2_28:
0x1f2: {  	s5 =	sand.u32 $0x3FFFFF80, s1;
	v24 =	vld [tilespmem:s2+$0x30]  }
0x1f3: {  	v22 =	vld [tilespmem:s2+$0xFFFFFFD0];
	s5 =	sadd.s32 s5, s3  }
0x1f4: {  	v23 =	vld [tilespmem:s5+$0x0]  }
0x1f5: {  	v21 =	vld [tilespmem:s2+$0xFFFFFFE0]  }
0x1f6: {  	v18 =	vld [tilespmem:s2+$0xFFFFFFF0]  }
0x1f7: {  	v19 =	vld [tilespmem:s2+$0x0]  }
0x1f8: {  	v20 =	vld [tilespmem:s2+$0x10];
	s6 =	simm.s32 $0x0;
	[tilespmem:s0+$0x30] =	vst v24  }
0x1f9: {  	s8 =	smov.u32 s2;
	s7 =	sadd.s32 $0x80, s5;
	s5 =	smov.u32 s0;
	[tilespmem:s0+$0xFFFFFFC0] =	vst v23;
	v23 =	vld [tilespmem:s2+$0x20]  }
.LBB2_29:
0x1fa: {  	v24 =	vld [tilespmem:s7+$0x0];
	[tilespmem:s5+$0xFFFFFFD0] =	vst v22;
	s8 =	sadd.s32 $0x80, s8  }
0x1fb: {  	s6 =	sadd.s32 $0x8, s6;
	v25 =	vld [tilespmem:s8+$0x30];
	[tilespmem:s5+$0xFFFFFFE0] =	vst v21  }
0x1fc: {  	p0 =	slt.u32 s6, $0x38;
	v22 =	vld [tilespmem:s8+$0xFFFFFFD0];
	[tilespmem:s5+$0xFFFFFFF0] =	vst v18  }
.Ltmp13:
0x1fd: {  	v21 =	vld [tilespmem:s8+$0xFFFFFFE0];
	[tilespmem:s5+$0x0] =	vst v19;
	(pc) =	sbr.rel @p0 .LBB2_29-.Ltmp13, $4  }
0x1fe: {  	v18 =	vld [tilespmem:s8+$0xFFFFFFF0];
	[tilespmem:s5+$0x10] =	vst v20  }
0x1ff: {  	v19 =	vld [tilespmem:s8+$0x0];
	[tilespmem:s5+$0x20] =	vst v23;
	s5 =	sadd.s32 $0x80, s5  }
0x200: {  	v20 =	vld [tilespmem:s8+$0x10];
	[tilespmem:s5+$0x30] =	vst v25  }
0x201: {  	s7 =	sadd.s32 $0x80, s7;
	[tilespmem:s5+$0xFFFFFFC0] =	vst v24;
	v23 =	vld [tilespmem:s8+$0x20]  }
0x202: {  	s4 =	sadd.s32 $0x1, s4  }
0x203: {  	[tilespmem:s5+$0xFFFFFFD0] =	vst v22;
	p0 =	sne.s32 s4, $0x10  }
.Ltmp14:
0x204: {  	[tilespmem:s5+$0xFFFFFFE0] =	vst v21;
	(pc) =	sbr.rel @p0 .LBB2_28-.Ltmp14, $4  }
0x205: {  	[tilespmem:s5+$0xFFFFFFF0] =	vst v18  }
0x206: {  	[tilespmem:s5+$0x0] =	vst v19  }
0x207: {  	s3 =	sadd.s32 $0x8, s3;
	[tilespmem:s5+$0x10] =	vst v20  }
0x208: {  	s1 =	sadd.s32 $0x408, s1;
	s2 =	sadd.s32 $0x408, s2;
	s0 =	sadd.s32 $0x400, s0;
	[tilespmem:s5+$0x20] =	vst v23  }
0x209: {  	s0 =	rddreg [dreg:$0x9]  }
0x20a: {  	[hbm4b:s0+s20] =	stream.strided.scatter [tilespmem:s24], [sflag:$0x3], $0x4000, s21, s20, $0x38;
	[tilespmem:$0x18100] =	vst v63  }
0x20b: {  	s31 =	simm.s32 $0x0;
	s12 =	rddreg [dreg:$0xa]  }
0x20c: {  	[tilespmem:s31], [sflag:$0x1] =	stream.strided.gather [hbm4b:s12+s20], $0x4000, s21, s20, $0x38;
	[tilespmem:$0x18100] =	vst v63  }
0x20d: {  	_ =	swait.ge [sflag:s25], $0x4000  }
0x20e: {  	[sflag:s25] =	ssyncset.done $0x0  }
0x20f: {  	[sflag:s25] =	ssyncadd.s32 $0xFFFFC000  }
0x210: {  	_ =	swait.ge [sflag:s29], $0x4000  }
0x211: {  	s1 =	simm.s32 $0x4040;
	s2 =	simm.s32 $0x10040;
	[sflag:s29] =	ssyncset.done $0x0  }
0x212: {  	v18 =	vimm.f32 $0.0e+00;
	s3 =	simm.s32 $0x0;
	s0 =	simm.s32 $0x10000;
	[sflag:s29] =	ssyncadd.s32 $0xFFFFC000  }
.LBB2_32:
0x213: {  	v24 =	vld [tilespmem:s1+$0xFFFFFFC0];
	_ =	sdelay $0x1  }
0x214: {  	v23 =	vld [tilespmem:s1+$0x0]  }
0x215: {  	s4 =	sand.u32 $0x3FFFFF80, s31  }
0x216: {  	s4 =	sadd.s32 s4, s0  }
0x217: {  	[tilespmem:s4+$0x0] =	vst v24  }
0x218: {  	s7 =	sadd.s32 $0x80, s1;
	v34 =	vld [tilespmem:s1+$0xFFFFFFD0]  }
0x219: {  	v20 =	vld [tilespmem:s7+$0xFFFFFFC0];
	[tilespmem:s2+$0x0] =	vst v23  }
0x21a: {  	v25 =	vld [tilespmem:s1+$0x10];
	_ =	sdelay $0x1  }
0x21b: {  	v19 =	vld [tilespmem:s7+$0x0]  }
0x21c: {  	s5 =	sadd.s32 $0x80, s4;
	[tilespmem:s2+$0xFFFFFFD0] =	vst v34  }
0x21d: {  	[tilespmem:s5+$0x0] =	vst v20;
	v32 =	vld [tilespmem:s1+$0xFFFFFFE0]  }
0x21e: {  	v26 =	vld [tilespmem:s7+$0xFFFFFFD0];
	[tilespmem:s2+$0x10] =	vst v25  }
0x21f: {  	s6 =	sadd.s32 $0x80, s7;
	s4 =	sadd.s32 $0x80, s2;
	v31 =	vld [tilespmem:s1+$0x20]  }
0x220: {  	v21 =	vld [tilespmem:s6+$0xFFFFFFC0];
	[tilespmem:s4+$0x0] =	vst v19  }
0x221: {  	v27 =	vld [tilespmem:s7+$0x10]  }
0x222: {  	v22 =	vld [tilespmem:s6+$0x0];
	[tilespmem:s2+$0xFFFFFFE0] =	vst v32  }
0x223: {  	[tilespmem:s4+$0xFFFFFFD0] =	vst v26;
	v28 =	vld [tilespmem:s1+$0xFFFFFFF0]  }
0x224: {  	s9 =	sadd.s32 $0x80, s5;
	v33 =	vld [tilespmem:s7+$0xFFFFFFE0];
	[tilespmem:s2+$0x20] =	vst v31  }
0x225: {  	[tilespmem:s9+$0x0] =	vst v21;
	v29 =	vld [tilespmem:s1+$0x30]  }
0x226: {  	s10 =	simm.s32 $0x10;
	v30 =	vld [tilespmem:s6+$0xFFFFFFD0];
	[tilespmem:s4+$0x10] =	vst v27  }
0x227: {  	s8 =	smov.u32 s2;
	v36 =	vimm.f32 $0.0e+00;
	s11 =	sadd.s32 $0x80, s6;
	s5 =	sadd.s32 $0x80, s4;
	v35 =	vld [tilespmem:s7+$0x20]  }
.LBB2_33:
0x228: {  	[tilespmem:s5+$0x0] =	vst v22;
	v40 =	vadd.f32 v34, v24;
	v37 =	vadd.f32 v28, v32;
	v24 =	vmovc v20;
	v20 =	vmov v21;
	v21 =	vld [tilespmem:s11+$0xFFFFFFC0];
	s12 =	smov.u32 s4;
	s4 =	smov.u32 s5  }
0x229: {  	s10 =	sadd.s32 $0x8, s10;
	v38 =	vadd.f32 v25, v23;
	v25 =	vmovc v27;
	v23 =	vmovc v19;
	v19 =	vmov v22;
	[tilespmem:s8+$0xFFFFFFF0] =	vst v28;
	v27 =	vld [tilespmem:s6+$0x10];
	v32 =	vmov v33  }
0x22a: {  	v34 =	vmovc v26;
	p0 =	slt.u32 s10, $0x38;
	v22 =	vld [tilespmem:s11+$0x0];
	[tilespmem:s12+$0xFFFFFFE0] =	vst v32;
	v37 =	vadd.f32 v37, v40;
	v40 =	vadd.f32 v29, v31;
	v39 =	vmov v29  }
.Ltmp15:
0x22b: {  	[tilespmem:s5+$0xFFFFFFD0] =	vst v30;
	v28 =	vld [tilespmem:s7+$0xFFFFFFF0];
	v26 =	vmov v30;
	(pc) =	sbr.rel @p0 .LBB2_33-.Ltmp15, $4  }
0x22c: {  	s9 =	sadd.s32 $0x80, s9;
	v33 =	vld [tilespmem:s6+$0xFFFFFFE0];
	[tilespmem:s12+$0x20] =	vst v35;
	v36 =	vadd.f32 v37, v36;
	v37 =	vadd.f32 v40, v38;
	v31 =	vmov v35  }
0x22d: {  	[tilespmem:s9+$0x0] =	vst v21;
	v29 =	vld [tilespmem:s7+$0x30];
	s7 =	smov.u32 s6;
	s6 =	smov.u32 s11  }
0x22e: {  	v30 =	vld [tilespmem:s11+$0xFFFFFFD0];
	[tilespmem:s5+$0x10] =	vst v27;
	v36 =	vadd.f32 v37, v36  }
0x22f: {  	s11 =	sadd.s32 $0x80, s11;
	s5 =	sadd.s32 $0x80, s5;
	v35 =	vld [tilespmem:s7+$0x20];
	[tilespmem:s8+$0x30] =	vst v39;
	s8 =	smov.u32 s12  }
0x230: {  	[tilespmem:s5+$0x0] =	vst v22  }
0x231: {  	v37 =	vld [tilespmem:s6+$0x10];
	_ =	sdelay $0x2  }
0x232: {  	[tilespmem:s5+$0xFFFFFFD0] =	vst v30  }
0x233: {  	[tilespmem:s4+$0xFFFFFFE0] =	vst v33;
	v38 =	vld [tilespmem:s6+$0xFFFFFFE0]  }
0x234: {  	v24 =	vadd.f32 v34, v24;
	v32 =	vadd.f32 v28, v32;
	v55 =	vld [tilespmem:s7+$0xFFFFFFF0];
	[tilespmem:s5+$0x10] =	vst v37  }
0x235: {  	v23 =	vadd.f32 v25, v23;
	[tilespmem:s4+$0x20] =	vst v35;
	v56 =	vld [tilespmem:s6+$0x20]  }
0x236: {  	v24 =	vadd.f32 v32, v24;
	v31 =	vadd.f32 v29, v31;
	v57 =	vld [tilespmem:s7+$0x30];
	_ =	sdelay $0x1  }
0x237: {  	v24 =	vadd.f32 v24, v36;
	v23 =	vadd.f32 v31, v23;
	[tilespmem:s5+$0xFFFFFFE0] =	vst v38  }
0x238: {  	v20 =	vadd.f32 v26, v20;
	v58 =	vadd.f32 v55, v33;
	v59 =	vld [tilespmem:s6+$0xFFFFFFF0]  }
0x239: {  	v19 =	vadd.f32 v27, v19;
	v23 =	vadd.f32 v23, v24;
	[tilespmem:s5+$0x20] =	vst v56  }
0x23a: {  	v20 =	vadd.f32 v58, v20;
	v60 =	vadd.f32 v57, v35;
	v61 =	vld [tilespmem:s6+$0x30];
	_ =	sdelay $0x1  }
0x23b: {  	v20 =	vadd.f32 v20, v23;
	v19 =	vadd.f32 v60, v19  }
0x23c: {  	v21 =	vadd.f32 v30, v21;
	v62 =	vadd.f32 v59, v38  }
0x23d: {  	v19 =	vadd.f32 v19, v20;
	v20 =	vadd.f32 v37, v22  }
0x23e: {  	v21 =	vadd.f32 v62, v21;
	v63 =	vadd.f32 v61, v56;
	_ =	sdelay $0x1  }
0x23f: {  	v19 =	vadd.f32 v21, v19;
	v20 =	vadd.f32 v63, v20;
	_ =	sdelay $0x1  }
0x240: {  	v19 =	vadd.f32 v20, v19;
	_ =	sdelay $0x1  }
0x241: {  	(xrf2) =	vadd.scan.msk.f32 $0xffff, v19;
	_ =	sdelay $0x7  }
0x242: {  	s12 =	sxor.u32 $0xF, s3;
	s3 =	sadd.s32 $0x1, s3  }
0x243: {  	[tilespmem:s8+$0xFFFFFFF0] =	vst v28;
	p0 =	sne.s32 s3, $0x10  }
.Ltmp16:
0x244: {  	[tilespmem:s8+$0x30] =	vst v29;
	v19, _, _ =	vpop (xrf2);
	(pc) =	sbr.rel @p0 .LBB2_32-.Ltmp16, $4  }
0x245: {  	[tilespmem:s4+$0xFFFFFFF0] =	vst v55;
	v20 =	vmov s12;
	v19 =	vbroadcast v19, $0xF  }
0x246: {  	[tilespmem:s4+$0x30] =	vst v57;
	vm0 =	veq.s32 v20, v0  }
0x247: {  	s0 =	sadd.s32 $0x8, s0;
	[tilespmem:s5+$0xFFFFFFF0] =	vst v59;
	v19 =	vnsel vm0, $0x0, v19  }
0x248: {  	s31 =	sadd.s32 $0x408, s31;
	s1 =	sadd.s32 $0x400, s1;
	s2 =	sadd.s32 $0x408, s2;
	[tilespmem:s5+$0x30] =	vst v61;
	v18 =	vadd.f32 v19, v18  }
0x249: {  	_ =	sdelay $0x2  }
0x24a: {  	s0 =	simm.s32 $0x103F0  }
0x24b: {  	(v2sf) =	vpush v17, $0xF;
	v20 =	vld.idx.msk [tilespmem:v6+s0+$0x0], $0xffff  }
0x24c: {  	v22 =	vld.idx.msk [tilespmem:v3+s0+$0x0], $0xffff  }
0x24d: {  	v23 =	vld.idx.msk [tilespmem:v5+s0+$0x0], $0xffff  }
0x24e: {  	v24 =	vld.idx.msk [tilespmem:v1+s0+$0x0], $0xffff  }
0x24f: {  	(xrf2) =	vadd.scan.msk.f32 $0xffff, v18;
	v25 =	vld.idx.msk [tilespmem:v2+s0+$0x0], $0xffff  }
0x250: {  	v19 =	vld.idx.msk [tilespmem:v7+s0+$0x0], $0xffff  }
0x251: {  	v21 =	vld.idx.msk [tilespmem:v9+s0+$0x0], $0xffff  }
0x252: {  	v26 =	vld.idx.msk [tilespmem:v8+s0+$0x0], $0xffff  }
0x253: {  	v28 =	vld.idx.msk [tilespmem:v9+s0+$0x8], $0xffff  }
0x254: {  	v29 =	vld.idx.msk [tilespmem:v8+s0+$0x8], $0xffff;
	v30 =	vadd.f32 v25, v24;
	v23 =	vadd.f32 v23, v22  }
0x255: {  	v17 =	vld.idx.msk [tilespmem:v2+s0+$0x8], $0xffff  }
0x256: {  	v27 =	vld.idx.msk [tilespmem:v1+s0+$0x8], $0xffff;
	v33 =	vadd.f32 v23, v30;
	v23 =	vadd.f32 v19, v20  }
0x257: {  	v32 =	vld.idx.msk [tilespmem:v3+s0+$0x8], $0xffff  }
0x258: {  	v34 =	vld.idx.msk [tilespmem:v6+s0+$0x8], $0xffff;
	v37 =	vadd.f32 v33, v20;
	v40 =	vadd.f32 v23, v33  }
0x259: {  	v25 =	vld.idx.msk [tilespmem:v5+s0+$0x8], $0xffff;
	v20 =	vadd.f32 v28, v29;
	v28 =	vadd.f32 v21, v26;
	v31, _, _ =	vpop (xrf2)  }
0x25a: {  	v18 =	vsub.f32 v31, v18;
	v31 =	vld.idx.msk [tilespmem:v7+s0+$0x8], $0xffff;
	s1 =	spop (v2sf)  }
0x25b: {  	s31 =	simm.s32 $0x103E0;
	v43 =	vadd.f32 v40, v26;
	v26 =	vadd.f32 v28, v23;
	s1 =	sadd.f32 $0.0e+00, s1  }
0x25c: {  	v38 =	vld.idx.msk [tilespmem:v5+s31+$0x0], $0xffff;
	v17 =	vadd.f32 v17, v27;
	v22 =	vadd.f32 v22, v30  }
0x25d: {  	v21 =	vld.idx.msk [tilespmem:v3+s31+$0x0], $0xffff;
	v28 =	vadd.f32 v26, v33;
	v19 =	vadd.f32 s1, v18  }
0x25e: {  	v42 =	vld.idx.msk [tilespmem:v2+s31+$0x8], $0xffff;
	v18 =	vadd.f32 v25, v32;
	v25 =	vadd.f32 v32, v17  }
0x25f: {  	v44 =	vld.idx.msk [tilespmem:v6+s31+$0x0], $0xffff;
	v31 =	vadd.f32 v31, v34;
	v62 =	vadd.f32 v17, v19  }
0x260: {  	v23 =	vld.idx.msk [tilespmem:v1+s31+$0x0], $0xffff;
	v36 =	vadd.f32 v25, v19;
	v17 =	vadd.f32 v18, v17  }
0x261: {  	v25 =	vadd.f32 v27, v19;
	v18 =	vadd.f32 v20, v31;
	v27 =	vld.idx.msk [tilespmem:v2+s31+$0x0], $0xffff  }
0x262: {  	v39 =	vld.idx.msk [tilespmem:v7+s31+$0x0], $0xffff;
	v63 =	vadd.f32 v38, v21;
	v26 =	vadd.f32 v31, v17  }
0x263: {  	v38 =	vld.idx.msk [tilespmem:v3+s31+$0x8], $0xffff;
	v18 =	vadd.f32 v18, v17;
	v34 =	vadd.f32 v17, v34  }
0x264: {  	s0 =	simm.s32 $0x14088;
	v32 =	vld.idx.msk [tilespmem:v9+s31+$0x8], $0xffff;
	v41 =	vadd.f32 v17, v19;
	v31 =	vadd.f32 v26, v29  }
0x265: {  	v20 =	vld.idx.msk [tilespmem:v8+s31+$0x0], $0xffff;
	[tilespmem:v4+s0+$0xFFFFFFF8] =	vst.idx.msk $0xffff, v25;
	v29 =	vadd.f32 v18, v19;
	v45 =	vadd.f32 v34, v19  }
0x266: {  	v17 =	vld.idx.msk [tilespmem:v9+s31+$0x0], $0xffff;
	[tilespmem:v10+s0+$0xFFFFFFF8] =	vst.idx.msk $0xffff, v62;
	v35 =	vadd.f32 v26, v19;
	v25 =	vadd.f32 v27, v23  }
0x267: {  	v26 =	vld.idx.msk [tilespmem:v1+s31+$0x8], $0xffff;
	[tilespmem:v11+s0+$0xFFFFFFF8] =	vst.idx.msk $0xffff, v36;
	v27 =	vadd.f32 v39, v44;
	v18 =	vadd.f32 v24, v29  }
0x268: {  	[tilespmem:v12+s0+$0xFFFFFFF8] =	vst.idx.msk $0xffff, v41;
	v39 =	vld.idx.msk [tilespmem:v5+s31+$0x8], $0xffff;
	v30 =	vadd.f32 v30, v29;
	v22 =	vadd.f32 v22, v29  }
0x269: {  	v24 =	vld.idx.msk [tilespmem:v8+s31+$0x8], $0xffff;
	v36 =	vadd.f32 v33, v29;
	v37 =	vadd.f32 v37, v29;
	[tilespmem:v13+s0+$0xFFFFFFF8] =	vst.idx.msk $0xffff, v45  }
0x26a: {  	v41 =	vld.idx.msk [tilespmem:v7+s31+$0x8], $0xffff;
	v33 =	vadd.f32 v40, v29;
	[tilespmem:v4+s0+$0x0] =	vst.idx.msk $0xffff, v18;
	v18 =	vadd.f32 v63, v25  }
0x26b: {  	v34 =	vadd.f32 v43, v29;
	v28 =	vadd.f32 v28, v29;
	[tilespmem:v10+s0+$0x0] =	vst.idx.msk $0xffff, v30;
	v30 =	vld.idx.msk [tilespmem:v6+s31+$0x8], $0xffff  }
0x26c: {  	s2 =	simm.s32 $0x10;
	s3 =	simm.s32 $0x103D0;
	s1 =	simm.s32 $0x14088;
	v40 =	vadd.f32 v42, v26;
	[tilespmem:v11+s0+$0x0] =	vst.idx.msk $0xffff, v22;
	v22 =	vadd.f32 v18, v44  }
.LBB2_36:
0x26d: {  	v42 =	vld.idx.msk [tilespmem:v2+s3+$0x8], $0xffff;
	s2 =	sadd.s32 $0x10, s2;
	v43 =	vadd.f32 v27, v18;
	v31 =	vadd.f32 v31, v19;
	[tilespmem:v14+s0+$0xFFFFFFF8] =	vst.idx.msk $0xffff, v35;
	s1 =	sadd.s32 $0x10, s1  }
0x26e: {  	v35 =	vadd.f32 v39, v38;
	v32 =	vadd.f32 v32, v24;
	v44 =	vld.idx.msk [tilespmem:v6+s3+$0x0], $0xffff;
	p0 =	slt.u32 s2, $0x3F0;
	v19 =	vmov v28  }
0x26f: {  	v39 =	vadd.f32 v17, v20;
	v38 =	vadd.f32 v38, v40;
	v45 =	vld.idx.msk [tilespmem:v7+s3+$0x0], $0xffff;
	[tilespmem:v15+s0+$0xFFFFFFF8] =	vst.idx.msk $0xffff, v31  }
0x270: {  	v41 =	vadd.f32 v41, v30;
	v46 =	vadd.f32 v43, v20;
	v31 =	vld.idx.msk [tilespmem:v3+s3+$0x0], $0xffff;
	[tilespmem:v16+s0+$0xFFFFFFF8] =	vst.idx.msk $0xffff, v29  }
0x271: {  	v47 =	vadd.f32 v40, v28;
	v38 =	vadd.f32 v38, v28;
	v17 =	vld.idx.msk [tilespmem:v9+s3+$0x0], $0xffff  }
0x272: {  	v29 =	vadd.f32 v26, v28;
	v48 =	vld.idx.msk [tilespmem:v5+s3+$0x0], $0xffff  }
0x273: {  	v50 =	vadd.f32 v21, v25;
	v26 =	vadd.f32 v39, v27;
	v49 =	vld.idx.msk [tilespmem:v1+s3+$0x0], $0xffff;
	[tilespmem:v12+s0+$0x0] =	vst.idx.msk $0xffff, v36  }
0x274: {  	v35 =	vadd.f32 v35, v40;
	v32 =	vadd.f32 v32, v41;
	v27 =	vld.idx.msk [tilespmem:v2+s3+$0x0], $0xffff;
	[tilespmem:v13+s0+$0x0] =	vst.idx.msk $0xffff, v37  }
0x275: {  	v51 =	vadd.f32 v26, v18;
	v20 =	vld.idx.msk [tilespmem:v8+s3+$0x0], $0xffff;
	[tilespmem:v14+s0+$0x0] =	vst.idx.msk $0xffff, v33  }
0x276: {  	v32 =	vadd.f32 v32, v35;
	v33 =	vadd.f32 v41, v35;
	v26 =	vld.idx.msk [tilespmem:v1+s3+$0x8], $0xffff;
	[tilespmem:v15+s0+$0x0] =	vst.idx.msk $0xffff, v34  }
0x277: {  	v30 =	vadd.f32 v35, v30;
	v21 =	vmov v31;
	v34 =	vadd.f32 v35, v28;
	[tilespmem:v4+s1+$0xFFFFFFF8] =	vst.idx.msk $0xffff, v29  }
0x278: {  	v31 =	vadd.f32 v33, v24;
	v29 =	vadd.f32 v32, v28;
	[tilespmem:v10+s1+$0xFFFFFFF8] =	vst.idx.msk $0xffff, v47  }
0x279: {  	v40 =	vadd.f32 v30, v28;
	v35 =	vadd.f32 v33, v28;
	v32 =	vld.idx.msk [tilespmem:v9+s3+$0x8], $0xffff;
	[tilespmem:v11+s1+$0xFFFFFFF8] =	vst.idx.msk $0xffff, v38  }
0x27a: {  	v47 =	vadd.f32 v27, v49;
	v23 =	vadd.f32 v23, v29;
	v24 =	vld.idx.msk [tilespmem:v8+s3+$0x8], $0xffff;
	[tilespmem:v16+s0+$0x0] =	vst.idx.msk $0xffff, v28;
	s0 =	smov.u32 s1  }
0x27b: {  	v25 =	vadd.f32 v25, v29;
	v28 =	vadd.f32 v48, v21;
	v39 =	vld.idx.msk [tilespmem:v5+s3+$0x8], $0xffff;
	[tilespmem:v12+s1+$0xFFFFFFF8] =	vst.idx.msk $0xffff, v34  }
.Ltmp17:
0x27c: {  	v27 =	vadd.f32 v45, v44;
	v34 =	vadd.f32 v50, v29;
	v38 =	vld.idx.msk [tilespmem:v3+s3+$0x8], $0xffff;
	[tilespmem:v4+s1+$0x0] =	vst.idx.msk $0xffff, v23;
	(pc) =	sbr.rel @p0 .LBB2_36-.Ltmp17, $4  }
0x27d: {  	v36 =	vadd.f32 v18, v29;
	v18 =	vadd.f32 v28, v47;
	v41 =	vld.idx.msk [tilespmem:v7+s3+$0x8], $0xffff;
	[tilespmem:v10+s1+$0x0] =	vst.idx.msk $0xffff, v25  }
0x27e: {  	v37 =	vadd.f32 v22, v29;
	v33 =	vadd.f32 v43, v29;
	v30 =	vld.idx.msk [tilespmem:v6+s3+$0x8], $0xffff;
	[tilespmem:v11+s1+$0x0] =	vst.idx.msk $0xffff, v34  }
0x27f: {  	v23 =	vmov v49;
	v22 =	vadd.f32 v18, v44;
	v34 =	vadd.f32 v46, v29;
	[tilespmem:v13+s1+$0xFFFFFFF8] =	vst.idx.msk $0xffff, v40  }
0x280: {  	v28 =	vadd.f32 v51, v29;
	v25 =	vmov v47;
	s3 =	sadd.s32 $0xFFFFFFF0, s3;
	v40 =	vadd.f32 v42, v26  }
0x281: {  	_ =	sdelay $0x3  }
0x282: {  	[tilespmem:v14+s0+$0xFFFFFFF8] =	vst.idx.msk $0xffff, v35  }
0x283: {  	v19 =	vadd.f32 v31, v19;
	[tilespmem:v12+s0+$0x0] =	vst.idx.msk $0xffff, v36  }
0x284: {  	[tilespmem:v13+s0+$0x0] =	vst.idx.msk $0xffff, v37  }
0x285: {  	v48 =	vadd.f32 v39, v38;
	[tilespmem:v15+s0+$0xFFFFFFF8] =	vst.idx.msk $0xffff, v19  }
0x286: {  	v51 =	vadd.f32 v38, v40;
	v26 =	vadd.f32 v26, v28;
	[tilespmem:v14+s0+$0x0] =	vst.idx.msk $0xffff, v33  }
0x287: {  	v19 =	vadd.f32 v32, v24;
	v49 =	vadd.f32 v41, v30;
	[tilespmem:v16+s0+$0xFFFFFFF8] =	vst.idx.msk $0xffff, v29  }
0x288: {  	s4 =	sadd.s32 $0x10, s1;
	v52 =	vadd.f32 v40, v28;
	v50 =	vadd.f32 v48, v40;
	[tilespmem:v15+s0+$0x0] =	vst.idx.msk $0xffff, v34  }
0x289: {  	v31 =	vadd.f32 v51, v28;
	[tilespmem:v4+s4+$0xFFFFFFF8] =	vst.idx.msk $0xffff, v26;
	v19 =	vadd.f32 v19, v49  }
0x28a: {  	[tilespmem:v10+s4+$0xFFFFFFF8] =	vst.idx.msk $0xffff, v52;
	v54 =	vadd.f32 v49, v50;
	v29 =	vadd.f32 v50, v30  }
0x28b: {  	v53 =	vadd.f32 v50, v28;
	[tilespmem:v16+s0+$0x0] =	vst.idx.msk $0xffff, v28;
	v19 =	vadd.f32 v19, v50  }
0x28c: {  	[tilespmem:v11+s4+$0xFFFFFFF8] =	vst.idx.msk $0xffff, v31;
	v56 =	vadd.f32 v54, v24;
	v57 =	vadd.f32 v29, v28  }
0x28d: {  	[tilespmem:v12+s4+$0xFFFFFFF8] =	vst.idx.msk $0xffff, v53;
	v58 =	vadd.f32 v54, v28  }
0x28e: {  	v19 =	vadd.f32 v19, v28;
	[tilespmem:v13+s4+$0xFFFFFFF8] =	vst.idx.msk $0xffff, v57;
	v59 =	vadd.f32 v56, v28  }
0x28f: {  	[tilespmem:v14+s4+$0xFFFFFFF8] =	vst.idx.msk $0xffff, v58  }
0x290: {  	v21 =	vadd.f32 v21, v25;
	v23 =	vadd.f32 v23, v19;
	[tilespmem:v15+s4+$0xFFFFFFF8] =	vst.idx.msk $0xffff, v59  }
0x291: {  	v17 =	vadd.f32 v17, v20;
	v55 =	vadd.f32 v25, v19;
	[tilespmem:v16+s4+$0xFFFFFFF8] =	vst.idx.msk $0xffff, v19  }
0x292: {  	v60 =	vadd.f32 v27, v18;
	v21 =	vadd.f32 v21, v19;
	[tilespmem:v4+s4+$0x0] =	vst.idx.msk $0xffff, v23  }
0x293: {  	v17 =	vadd.f32 v17, v27;
	v61 =	vadd.f32 v18, v19;
	[tilespmem:v10+s4+$0x0] =	vst.idx.msk $0xffff, v55  }
0x294: {  	v62 =	vadd.f32 v60, v20;
	v63 =	vadd.f32 v22, v19;
	[tilespmem:v11+s4+$0x0] =	vst.idx.msk $0xffff, v21  }
0x295: {  	v17 =	vadd.f32 v17, v18;
	v18 =	vadd.f32 v60, v19;
	[tilespmem:v12+s4+$0x0] =	vst.idx.msk $0xffff, v61  }
0x296: {  	v20 =	vadd.f32 v62, v19;
	[tilespmem:v13+s4+$0x0] =	vst.idx.msk $0xffff, v63  }
0x297: {  	v17 =	vadd.f32 v17, v19;
	[tilespmem:v14+s4+$0x0] =	vst.idx.msk $0xffff, v18  }
0x298: {  	s1 =	simm.s32 $0x0;
	s2 =	simm.s32 $0x140C0;
	[tilespmem:v15+s4+$0x0] =	vst.idx.msk $0xffff, v20  }
0x299: {  	s3 =	simm.s32 $0x14080;
	s0 =	simm.s32 $0xC040;
	[tilespmem:v16+s4+$0x0] =	vst.idx.msk $0xffff, v17;
	s4 =	simm.s32 $0x0  }
.LBB2_38:
0x29a: {  	s5 =	sand.u32 $0x3FFFFF80, s1;
	v23 =	vld [tilespmem:s2+$0x30]  }
0x29b: {  	v21 =	vld [tilespmem:s2+$0xFFFFFFD0];
	s5 =	sadd.s32 s5, s3  }
0x29c: {  	v22 =	vld [tilespmem:s5+$0x0]  }
0x29d: {  	v20 =	vld [tilespmem:s2+$0xFFFFFFE0]  }
0x29e: {  	v17 =	vld [tilespmem:s2+$0xFFFFFFF0]  }
0x29f: {  	v18 =	vld [tilespmem:s2+$0x0]  }
0x2a0: {  	v19 =	vld [tilespmem:s2+$0x10];
	s6 =	simm.s32 $0x0;
	[tilespmem:s0+$0x30] =	vst v23  }
0x2a1: {  	s8 =	smov.u32 s2;
	s7 =	sadd.s32 $0x80, s5;
	s5 =	smov.u32 s0;
	[tilespmem:s0+$0xFFFFFFC0] =	vst v22;
	v22 =	vld [tilespmem:s2+$0x20]  }
.LBB2_39:
0x2a2: {  	v23 =	vld [tilespmem:s7+$0x0];
	[tilespmem:s5+$0xFFFFFFD0] =	vst v21;
	s8 =	sadd.s32 $0x80, s8  }
0x2a3: {  	s6 =	sadd.s32 $0x8, s6;
	v24 =	vld [tilespmem:s8+$0x30];
	[tilespmem:s5+$0xFFFFFFE0] =	vst v20  }
0x2a4: {  	p0 =	slt.u32 s6, $0x38;
	v21 =	vld [tilespmem:s8+$0xFFFFFFD0];
	[tilespmem:s5+$0xFFFFFFF0] =	vst v17  }
.Ltmp18:
0x2a5: {  	v20 =	vld [tilespmem:s8+$0xFFFFFFE0];
	[tilespmem:s5+$0x0] =	vst v18;
	(pc) =	sbr.rel @p0 .LBB2_39-.Ltmp18, $4  }
0x2a6: {  	v17 =	vld [tilespmem:s8+$0xFFFFFFF0];
	[tilespmem:s5+$0x10] =	vst v19  }
0x2a7: {  	v18 =	vld [tilespmem:s8+$0x0];
	[tilespmem:s5+$0x20] =	vst v22;
	s5 =	sadd.s32 $0x80, s5  }
0x2a8: {  	v19 =	vld [tilespmem:s8+$0x10];
	[tilespmem:s5+$0x30] =	vst v24  }
0x2a9: {  	s7 =	sadd.s32 $0x80, s7;
	[tilespmem:s5+$0xFFFFFFC0] =	vst v23;
	v22 =	vld [tilespmem:s8+$0x20]  }
0x2aa: {  	s4 =	sadd.s32 $0x1, s4  }
0x2ab: {  	[tilespmem:s5+$0xFFFFFFD0] =	vst v21;
	p0 =	sne.s32 s4, $0x10  }
.Ltmp19:
0x2ac: {  	[tilespmem:s5+$0xFFFFFFE0] =	vst v20;
	(pc) =	sbr.rel @p0 .LBB2_38-.Ltmp19, $4  }
0x2ad: {  	[tilespmem:s5+$0xFFFFFFF0] =	vst v17  }
0x2ae: {  	[tilespmem:s5+$0x0] =	vst v18  }
0x2af: {  	s3 =	sadd.s32 $0x8, s3;
	[tilespmem:s5+$0x10] =	vst v19  }
0x2b0: {  	s1 =	sadd.s32 $0x408, s1;
	s2 =	sadd.s32 $0x408, s2;
	s0 =	sadd.s32 $0x400, s0;
	[tilespmem:s5+$0x20] =	vst v22  }
0x2b1: {  	s0 =	rddreg [dreg:$0xb]  }
0x2b2: {  	[hbm4b:s0+s20] =	stream.strided.scatter [tilespmem:s26], [sflag:$0x4], $0x4000, s21, s20, $0x38;
	[tilespmem:$0x18100] =	vst v63  }
0x2b3: {  	s12 =	rddreg [dreg:$0xc]  }
0x2b4: {  	[tilespmem:s22], [sflag:$0x2] =	stream.strided.gather [hbm4b:s12+s20], $0x4000, s21, s20, $0x38;
	[tilespmem:$0x18100] =	vst v63  }
0x2b5: {  	_ =	swait.ge [sflag:s23], $0x4000  }
0x2b6: {  	[sflag:s23] =	ssyncset.done $0x0  }
0x2b7: {  	[sflag:s23] =	ssyncadd.s32 $0xFFFFC000  }
0x2b8: {  	s31 =	simm.s32 $0x0;
	_ =	swait.ge [sflag:s28], $0x4000  }
0x2b9: {  	s1 =	simm.s32 $0x40;
	s2 =	simm.s32 $0x10040;
	[sflag:s28] =	ssyncset.done $0x0  }
0x2ba: {  	v18 =	vimm.f32 $0.0e+00;
	s3 =	simm.s32 $0x0;
	s0 =	simm.s32 $0x10000;
	[sflag:s28] =	ssyncadd.s32 $0xFFFFC000  }
.LBB2_42:
0x2bb: {  	v23 =	vld [tilespmem:s1+$0xFFFFFFC0];
	_ =	sdelay $0x1  }
0x2bc: {  	v22 =	vld [tilespmem:s1+$0x0]  }
0x2bd: {  	s4 =	sand.u32 $0x3FFFFF80, s31  }
0x2be: {  	s4 =	sadd.s32 s4, s0  }
0x2bf: {  	[tilespmem:s4+$0x0] =	vst v23  }
0x2c0: {  	s7 =	sadd.s32 $0x80, s1;
	v33 =	vld [tilespmem:s1+$0xFFFFFFD0]  }
0x2c1: {  	v19 =	vld [tilespmem:s7+$0xFFFFFFC0];
	[tilespmem:s2+$0x0] =	vst v22  }
0x2c2: {  	v24 =	vld [tilespmem:s1+$0x10];
	_ =	sdelay $0x1  }
0x2c3: {  	v17 =	vld [tilespmem:s7+$0x0]  }
0x2c4: {  	s5 =	sadd.s32 $0x80, s4;
	[tilespmem:s2+$0xFFFFFFD0] =	vst v33  }
0x2c5: {  	[tilespmem:s5+$0x0] =	vst v19;
	v31 =	vld [tilespmem:s1+$0xFFFFFFE0]  }
0x2c6: {  	v25 =	vld [tilespmem:s7+$0xFFFFFFD0];
	[tilespmem:s2+$0x10] =	vst v24  }
0x2c7: {  	s6 =	sadd.s32 $0x80, s7;
	s4 =	sadd.s32 $0x80, s2;
	v30 =	vld [tilespmem:s1+$0x20]  }
0x2c8: {  	v20 =	vld [tilespmem:s6+$0xFFFFFFC0];
	[tilespmem:s4+$0x0] =	vst v17  }
0x2c9: {  	v26 =	vld [tilespmem:s7+$0x10]  }
0x2ca: {  	v21 =	vld [tilespmem:s6+$0x0];
	[tilespmem:s2+$0xFFFFFFE0] =	vst v31  }
0x2cb: {  	[tilespmem:s4+$0xFFFFFFD0] =	vst v25;
	v27 =	vld [tilespmem:s1+$0xFFFFFFF0]  }
0x2cc: {  	s9 =	sadd.s32 $0x80, s5;
	v32 =	vld [tilespmem:s7+$0xFFFFFFE0];
	[tilespmem:s2+$0x20] =	vst v30  }
0x2cd: {  	[tilespmem:s9+$0x0] =	vst v20;
	v28 =	vld [tilespmem:s1+$0x30]  }
0x2ce: {  	s10 =	simm.s32 $0x10;
	v29 =	vld [tilespmem:s6+$0xFFFFFFD0];
	[tilespmem:s4+$0x10] =	vst v26  }
0x2cf: {  	s8 =	smov.u32 s2;
	v35 =	vimm.f32 $0.0e+00;
	s11 =	sadd.s32 $0x80, s6;
	s5 =	sadd.s32 $0x80, s4;
	v34 =	vld [tilespmem:s7+$0x20]  }
.LBB2_43:
0x2d0: {  	[tilespmem:s5+$0x0] =	vst v21;
	v39 =	vadd.f32 v33, v23;
	v36 =	vadd.f32 v27, v31;
	v23 =	vmovc v19;
	v19 =	vmov v20;
	v20 =	vld [tilespmem:s11+$0xFFFFFFC0];
	s12 =	smov.u32 s4;
	s4 =	smov.u32 s5  }
0x2d1: {  	s10 =	sadd.s32 $0x8, s10;
	v37 =	vadd.f32 v24, v22;
	v24 =	vmovc v26;
	v22 =	vmovc v17;
	v17 =	vmov v21;
	[tilespmem:s8+$0xFFFFFFF0] =	vst v27;
	v26 =	vld [tilespmem:s6+$0x10];
	v31 =	vmov v32  }
0x2d2: {  	v33 =	vmovc v25;
	p0 =	slt.u32 s10, $0x38;
	v21 =	vld [tilespmem:s11+$0x0];
	[tilespmem:s12+$0xFFFFFFE0] =	vst v31;
	v36 =	vadd.f32 v36, v39;
	v39 =	vadd.f32 v28, v30;
	v38 =	vmov v28  }
.Ltmp20:
0x2d3: {  	[tilespmem:s5+$0xFFFFFFD0] =	vst v29;
	v27 =	vld [tilespmem:s7+$0xFFFFFFF0];
	v25 =	vmov v29;
	(pc) =	sbr.rel @p0 .LBB2_43-.Ltmp20, $4  }
0x2d4: {  	s9 =	sadd.s32 $0x80, s9;
	v32 =	vld [tilespmem:s6+$0xFFFFFFE0];
	[tilespmem:s12+$0x20] =	vst v34;
	v35 =	vadd.f32 v36, v35;
	v36 =	vadd.f32 v39, v37;
	v30 =	vmov v34  }
0x2d5: {  	[tilespmem:s9+$0x0] =	vst v20;
	v28 =	vld [tilespmem:s7+$0x30];
	s7 =	smov.u32 s6;
	s6 =	smov.u32 s11  }
0x2d6: {  	v29 =	vld [tilespmem:s11+$0xFFFFFFD0];
	[tilespmem:s5+$0x10] =	vst v26;
	v35 =	vadd.f32 v36, v35  }
0x2d7: {  	s11 =	sadd.s32 $0x80, s11;
	s5 =	sadd.s32 $0x80, s5;
	v34 =	vld [tilespmem:s7+$0x20];
	[tilespmem:s8+$0x30] =	vst v38;
	s8 =	smov.u32 s12  }
0x2d8: {  	[tilespmem:s5+$0x0] =	vst v21  }
0x2d9: {  	v36 =	vld [tilespmem:s6+$0x10];
	_ =	sdelay $0x2  }
0x2da: {  	[tilespmem:s5+$0xFFFFFFD0] =	vst v29  }
0x2db: {  	[tilespmem:s4+$0xFFFFFFE0] =	vst v32;
	v37 =	vld [tilespmem:s6+$0xFFFFFFE0]  }
0x2dc: {  	v23 =	vadd.f32 v33, v23;
	v31 =	vadd.f32 v27, v31;
	v55 =	vld [tilespmem:s7+$0xFFFFFFF0];
	[tilespmem:s5+$0x10] =	vst v36  }
0x2dd: {  	v22 =	vadd.f32 v24, v22;
	[tilespmem:s4+$0x20] =	vst v34;
	v56 =	vld [tilespmem:s6+$0x20]  }
0x2de: {  	v23 =	vadd.f32 v31, v23;
	v30 =	vadd.f32 v28, v30;
	v57 =	vld [tilespmem:s7+$0x30];
	_ =	sdelay $0x1  }
0x2df: {  	v23 =	vadd.f32 v23, v35;
	v22 =	vadd.f32 v30, v22;
	[tilespmem:s5+$0xFFFFFFE0] =	vst v37  }
0x2e0: {  	v19 =	vadd.f32 v25, v19;
	v58 =	vadd.f32 v55, v32;
	v59 =	vld [tilespmem:s6+$0xFFFFFFF0]  }
0x2e1: {  	v17 =	vadd.f32 v26, v17;
	v22 =	vadd.f32 v22, v23;
	[tilespmem:s5+$0x20] =	vst v56  }
0x2e2: {  	v19 =	vadd.f32 v58, v19;
	v60 =	vadd.f32 v57, v34;
	v61 =	vld [tilespmem:s6+$0x30];
	_ =	sdelay $0x1  }
0x2e3: {  	v19 =	vadd.f32 v19, v22;
	v17 =	vadd.f32 v60, v17  }
0x2e4: {  	v20 =	vadd.f32 v29, v20;
	v62 =	vadd.f32 v59, v37  }
0x2e5: {  	v17 =	vadd.f32 v17, v19;
	v19 =	vadd.f32 v36, v21  }
0x2e6: {  	v20 =	vadd.f32 v62, v20;
	v63 =	vadd.f32 v61, v56;
	_ =	sdelay $0x1  }
0x2e7: {  	v17 =	vadd.f32 v20, v17;
	v19 =	vadd.f32 v63, v19;
	_ =	sdelay $0x1  }
0x2e8: {  	v17 =	vadd.f32 v19, v17;
	_ =	sdelay $0x1  }
0x2e9: {  	(xrf2) =	vadd.scan.msk.f32 $0xffff, v17;
	_ =	sdelay $0x7  }
0x2ea: {  	s12 =	sxor.u32 $0xF, s3;
	s3 =	sadd.s32 $0x1, s3  }
0x2eb: {  	[tilespmem:s8+$0xFFFFFFF0] =	vst v27;
	p0 =	sne.s32 s3, $0x10  }
.Ltmp21:
0x2ec: {  	[tilespmem:s8+$0x30] =	vst v28;
	v17, _, _ =	vpop (xrf2);
	(pc) =	sbr.rel @p0 .LBB2_42-.Ltmp21, $4  }
0x2ed: {  	[tilespmem:s4+$0xFFFFFFF0] =	vst v55;
	v19 =	vmov s12;
	v17 =	vbroadcast v17, $0xF  }
0x2ee: {  	[tilespmem:s4+$0x30] =	vst v57;
	vm0 =	veq.s32 v19, v0  }
0x2ef: {  	s0 =	sadd.s32 $0x8, s0;
	[tilespmem:s5+$0xFFFFFFF0] =	vst v59;
	v17 =	vnsel vm0, $0x0, v17  }
0x2f0: {  	s31 =	sadd.s32 $0x408, s31;
	s1 =	sadd.s32 $0x400, s1;
	s2 =	sadd.s32 $0x408, s2;
	[tilespmem:s5+$0x30] =	vst v61;
	v18 =	vadd.f32 v17, v18  }
0x2f1: {  	_ =	sdelay $0x2  }
0x2f2: {  	s0 =	simm.s32 $0x103F0  }
0x2f3: {  	v21 =	vld.idx.msk [tilespmem:v6+s0+$0x0], $0xffff  }
0x2f4: {  	v20 =	vld.idx.msk [tilespmem:v7+s0+$0x0], $0xffff  }
0x2f5: {  	v23 =	vld.idx.msk [tilespmem:v3+s0+$0x0], $0xffff  }
0x2f6: {  	v22 =	vld.idx.msk [tilespmem:v9+s0+$0x0], $0xffff  }
0x2f7: {  	v17 =	vld.idx.msk [tilespmem:v5+s0+$0x0], $0xffff  }
0x2f8: {  	v25 =	vld.idx.msk [tilespmem:v1+s0+$0x0], $0xffff  }
0x2f9: {  	(xrf2) =	vadd.scan.msk.f32 $0xffff, v18;
	v24 =	vld.idx.msk [tilespmem:v2+s0+$0x0], $0xffff  }
0x2fa: {  	v26 =	vld.idx.msk [tilespmem:v8+s0+$0x0], $0xffff  }
0x2fb: {  	v33 =	vld.idx.msk [tilespmem:v7+s0+$0x8], $0xffff  }
0x2fc: {  	v35 =	vld.idx.msk [tilespmem:v6+s0+$0x8], $0xffff  }
0x2fd: {  	v28 =	vld.idx.msk [tilespmem:v9+s0+$0x8], $0xffff  }
0x2fe: {  	v29 =	vld.idx.msk [tilespmem:v8+s0+$0x8], $0xffff;
	v31 =	vadd.f32 v24, v25;
	v30 =	vadd.f32 v17, v23  }
0x2ff: {  	v19 =	vld.idx.msk [tilespmem:v2+s0+$0x8], $0xffff  }
0x300: {  	v27 =	vld.idx.msk [tilespmem:v1+s0+$0x8], $0xffff;
	v34 =	vadd.f32 v30, v31;
	v30 =	vadd.f32 v20, v21  }
0x301: {  	v32 =	vld.idx.msk [tilespmem:v3+s0+$0x8], $0xffff;
	v61 =	vadd.f32 v33, v35  }
0x302: {  	v24 =	vld.idx.msk [tilespmem:v5+s0+$0x8], $0xffff;
	v38 =	vadd.f32 v34, v21;
	v41 =	vadd.f32 v30, v34  }
0x303: {  	v21 =	vadd.f32 v28, v29;
	v28 =	vadd.f32 v22, v26;
	v17, _, _ =	vpop (xrf2)  }
0x304: {  	s1 =	simm.s32 $0x103E0;
	v23 =	vadd.f32 v23, v31;
	v18 =	vsub.f32 v17, v18  }
0x305: {  	v45 =	vld.idx.msk [tilespmem:v6+s1+$0x0], $0xffff;
	v44 =	vadd.f32 v41, v26;
	v28 =	vadd.f32 v28, v30  }
0x306: {  	v39 =	vld.idx.msk [tilespmem:v7+s1+$0x0], $0xffff;
	v20 =	vadd.f32 $0.0e+00, v18;
	v18 =	vadd.f32 v19, v27  }
0x307: {  	v22 =	vld.idx.msk [tilespmem:v3+s1+$0x0], $0xffff;
	v19 =	vadd.f32 v24, v32;
	v46 =	vadd.f32 v28, v34  }
0x308: {  	v28 =	vld.idx.msk [tilespmem:v5+s1+$0x0], $0xffff;
	v24 =	vadd.f32 v32, v18;
	v26 =	vadd.f32 v18, v20  }
0x309: {  	v43 =	vld.idx.msk [tilespmem:v2+s1+$0x8], $0xffff;
	v18 =	vadd.f32 v19, v18;
	v19 =	vadd.f32 v21, v61  }
0x30a: {  	v62 =	vld.idx.msk [tilespmem:v2+s1+$0x0], $0xffff;
	v27 =	vadd.f32 v27, v20;
	v37 =	vadd.f32 v24, v20  }
0x30b: {  	v42 =	vld.idx.msk [tilespmem:v7+s1+$0x8], $0xffff;
	v36 =	vadd.f32 v61, v18;
	v19 =	vadd.f32 v19, v18  }
0x30c: {  	v24 =	vld.idx.msk [tilespmem:v1+s1+$0x0], $0xffff;
	v35 =	vadd.f32 v18, v35;
	v40 =	vadd.f32 v18, v20  }
0x30d: {  	s0 =	simm.s32 $0x14088;
	v33 =	vld.idx.msk [tilespmem:v9+s1+$0x8], $0xffff;
	v63 =	vadd.f32 v28, v22;
	v28 =	vadd.f32 v39, v45  }
0x30e: {  	v21 =	vld.idx.msk [tilespmem:v8+s1+$0x0], $0xffff;
	[tilespmem:v4+s0+$0xFFFFFFF8] =	vst.idx.msk $0xffff, v27;
	v32 =	vadd.f32 v36, v29;
	v30 =	vadd.f32 v19, v20  }
0x30f: {  	v27 =	vld.idx.msk [tilespmem:v1+s1+$0x8], $0xffff;
	[tilespmem:v10+s0+$0xFFFFFFF8] =	vst.idx.msk $0xffff, v26;
	v29 =	vadd.f32 v35, v20;
	v36 =	vadd.f32 v36, v20  }
0x310: {  	v39 =	vld.idx.msk [tilespmem:v3+s1+$0x8], $0xffff;
	[tilespmem:v11+s0+$0xFFFFFFF8] =	vst.idx.msk $0xffff, v37;
	v19 =	vadd.f32 v25, v30;
	v31 =	vadd.f32 v31, v30  }
0x311: {  	[tilespmem:v12+s0+$0xFFFFFFF8] =	vst.idx.msk $0xffff, v40;
	v40 =	vld.idx.msk [tilespmem:v5+s1+$0x8], $0xffff;
	v23 =	vadd.f32 v23, v30;
	v26 =	vadd.f32 v62, v24  }
0x312: {  	v25 =	vld.idx.msk [tilespmem:v8+s1+$0x8], $0xffff;
	v37 =	vadd.f32 v34, v30;
	v38 =	vadd.f32 v38, v30;
	[tilespmem:v13+s0+$0xFFFFFFF8] =	vst.idx.msk $0xffff, v29  }
0x313: {  	v18 =	vld.idx.msk [tilespmem:v9+s1+$0x0], $0xffff;
	v34 =	vadd.f32 v41, v30;
	[tilespmem:v4+s0+$0x0] =	vst.idx.msk $0xffff, v19;
	v19 =	vadd.f32 v63, v26  }
0x314: {  	v35 =	vadd.f32 v44, v30;
	v29 =	vadd.f32 v46, v30;
	[tilespmem:v10+s0+$0x0] =	vst.idx.msk $0xffff, v31;
	v31 =	vld.idx.msk [tilespmem:v6+s1+$0x8], $0xffff  }
0x315: {  	s2 =	simm.s32 $0x10;
	s3 =	simm.s32 $0x103D0;
	v41 =	vadd.f32 v43, v27;
	s1 =	simm.s32 $0x14088;
	[tilespmem:v11+s0+$0x0] =	vst.idx.msk $0xffff, v23;
	v23 =	vadd.f32 v19, v45  }
.LBB2_46:
0x316: {  	v43 =	vld.idx.msk [tilespmem:v2+s3+$0x8], $0xffff;
	s2 =	sadd.s32 $0x10, s2;
	v44 =	vadd.f32 v28, v19;
	v32 =	vadd.f32 v32, v20;
	[tilespmem:v14+s0+$0xFFFFFFF8] =	vst.idx.msk $0xffff, v36;
	s1 =	sadd.s32 $0x10, s1  }
0x317: {  	v36 =	vadd.f32 v40, v39;
	v33 =	vadd.f32 v33, v25;
	v45 =	vld.idx.msk [tilespmem:v6+s3+$0x0], $0xffff;
	p0 =	slt.u32 s2, $0x3F0;
	v20 =	vmov v29  }
0x318: {  	v40 =	vadd.f32 v18, v21;
	v39 =	vadd.f32 v39, v41;
	v46 =	vld.idx.msk [tilespmem:v7+s3+$0x0], $0xffff;
	[tilespmem:v15+s0+$0xFFFFFFF8] =	vst.idx.msk $0xffff, v32  }
0x319: {  	v42 =	vadd.f32 v42, v31;
	v47 =	vadd.f32 v44, v21;
	v32 =	vld.idx.msk [tilespmem:v3+s3+$0x0], $0xffff;
	[tilespmem:v16+s0+$0xFFFFFFF8] =	vst.idx.msk $0xffff, v30  }
0x31a: {  	v48 =	vadd.f32 v41, v29;
	v39 =	vadd.f32 v39, v29;
	v18 =	vld.idx.msk [tilespmem:v9+s3+$0x0], $0xffff  }
0x31b: {  	v30 =	vadd.f32 v27, v29;
	v49 =	vld.idx.msk [tilespmem:v5+s3+$0x0], $0xffff  }
0x31c: {  	v51 =	vadd.f32 v22, v26;
	v27 =	vadd.f32 v40, v28;
	v50 =	vld.idx.msk [tilespmem:v1+s3+$0x0], $0xffff;
	[tilespmem:v12+s0+$0x0] =	vst.idx.msk $0xffff, v37  }
0x31d: {  	v36 =	vadd.f32 v36, v41;
	v33 =	vadd.f32 v33, v42;
	v28 =	vld.idx.msk [tilespmem:v2+s3+$0x0], $0xffff;
	[tilespmem:v13+s0+$0x0] =	vst.idx.msk $0xffff, v38  }
0x31e: {  	v52 =	vadd.f32 v27, v19;
	v21 =	vld.idx.msk [tilespmem:v8+s3+$0x0], $0xffff;
	[tilespmem:v14+s0+$0x0] =	vst.idx.msk $0xffff, v34  }
0x31f: {  	v33 =	vadd.f32 v33, v36;
	v34 =	vadd.f32 v42, v36;
	v27 =	vld.idx.msk [tilespmem:v1+s3+$0x8], $0xffff;
	[tilespmem:v15+s0+$0x0] =	vst.idx.msk $0xffff, v35  }
0x320: {  	v31 =	vadd.f32 v36, v31;
	v22 =	vmov v32;
	v35 =	vadd.f32 v36, v29;
	[tilespmem:v4+s1+$0xFFFFFFF8] =	vst.idx.msk $0xffff, v30  }
0x321: {  	v32 =	vadd.f32 v34, v25;
	v30 =	vadd.f32 v33, v29;
	[tilespmem:v10+s1+$0xFFFFFFF8] =	vst.idx.msk $0xffff, v48  }
0x322: {  	v41 =	vadd.f32 v31, v29;
	v36 =	vadd.f32 v34, v29;
	v33 =	vld.idx.msk [tilespmem:v9+s3+$0x8], $0xffff;
	[tilespmem:v11+s1+$0xFFFFFFF8] =	vst.idx.msk $0xffff, v39  }
0x323: {  	v48 =	vadd.f32 v28, v50;
	v24 =	vadd.f32 v24, v30;
	v25 =	vld.idx.msk [tilespmem:v8+s3+$0x8], $0xffff;
	[tilespmem:v16+s0+$0x0] =	vst.idx.msk $0xffff, v29;
	s0 =	smov.u32 s1  }
0x324: {  	v26 =	vadd.f32 v26, v30;
	v29 =	vadd.f32 v49, v22;
	v40 =	vld.idx.msk [tilespmem:v5+s3+$0x8], $0xffff;
	[tilespmem:v12+s1+$0xFFFFFFF8] =	vst.idx.msk $0xffff, v35  }
.Ltmp22:
0x325: {  	v28 =	vadd.f32 v46, v45;
	v35 =	vadd.f32 v51, v30;
	v39 =	vld.idx.msk [tilespmem:v3+s3+$0x8], $0xffff;
	[tilespmem:v4+s1+$0x0] =	vst.idx.msk $0xffff, v24;
	(pc) =	sbr.rel @p0 .LBB2_46-.Ltmp22, $4  }
0x326: {  	v37 =	vadd.f32 v19, v30;
	v19 =	vadd.f32 v29, v48;
	v42 =	vld.idx.msk [tilespmem:v7+s3+$0x8], $0xffff;
	[tilespmem:v10+s1+$0x0] =	vst.idx.msk $0xffff, v26  }
0x327: {  	v38 =	vadd.f32 v23, v30;
	v34 =	vadd.f32 v44, v30;
	v31 =	vld.idx.msk [tilespmem:v6+s3+$0x8], $0xffff;
	[tilespmem:v11+s1+$0x0] =	vst.idx.msk $0xffff, v35  }
0x328: {  	v24 =	vmov v50;
	v23 =	vadd.f32 v19, v45;
	v35 =	vadd.f32 v47, v30;
	[tilespmem:v13+s1+$0xFFFFFFF8] =	vst.idx.msk $0xffff, v41  }
0x329: {  	v29 =	vadd.f32 v52, v30;
	v26 =	vmov v48;
	s3 =	sadd.s32 $0xFFFFFFF0, s3;
	v41 =	vadd.f32 v43, v27  }
0x32a: {  	_ =	sdelay $0x3  }
0x32b: {  	[tilespmem:v14+s0+$0xFFFFFFF8] =	vst.idx.msk $0xffff, v36  }
0x32c: {  	v20 =	vadd.f32 v32, v20;
	[tilespmem:v12+s0+$0x0] =	vst.idx.msk $0xffff, v37  }
0x32d: {  	[tilespmem:v13+s0+$0x0] =	vst.idx.msk $0xffff, v38  }
0x32e: {  	v47 =	vadd.f32 v40, v39;
	[tilespmem:v15+s0+$0xFFFFFFF8] =	vst.idx.msk $0xffff, v20  }
0x32f: {  	v48 =	vadd.f32 v33, v25;
	v51 =	vadd.f32 v39, v41;
	[tilespmem:v14+s0+$0x0] =	vst.idx.msk $0xffff, v34  }
0x330: {  	v27 =	vadd.f32 v27, v29;
	v49 =	vadd.f32 v42, v31;
	[tilespmem:v16+s0+$0xFFFFFFF8] =	vst.idx.msk $0xffff, v30  }
0x331: {  	s4 =	sadd.s32 $0x10, s1;
	v52 =	vadd.f32 v41, v29;
	v50 =	vadd.f32 v47, v41;
	[tilespmem:v15+s0+$0x0] =	vst.idx.msk $0xffff, v35  }
0x332: {  	v32 =	vadd.f32 v51, v29;
	[tilespmem:v4+s4+$0xFFFFFFF8] =	vst.idx.msk $0xffff, v27;
	v20 =	vadd.f32 v48, v49  }
0x333: {  	[tilespmem:v10+s4+$0xFFFFFFF8] =	vst.idx.msk $0xffff, v52;
	v54 =	vadd.f32 v49, v50;
	v30 =	vadd.f32 v50, v31  }
0x334: {  	v53 =	vadd.f32 v50, v29;
	[tilespmem:v16+s0+$0x0] =	vst.idx.msk $0xffff, v29;
	v20 =	vadd.f32 v20, v50  }
0x335: {  	[tilespmem:v11+s4+$0xFFFFFFF8] =	vst.idx.msk $0xffff, v32;
	v56 =	vadd.f32 v54, v25;
	v57 =	vadd.f32 v30, v29  }
0x336: {  	[tilespmem:v12+s4+$0xFFFFFFF8] =	vst.idx.msk $0xffff, v53;
	v58 =	vadd.f32 v54, v29  }
0x337: {  	v20 =	vadd.f32 v20, v29;
	[tilespmem:v13+s4+$0xFFFFFFF8] =	vst.idx.msk $0xffff, v57;
	v59 =	vadd.f32 v56, v29  }
0x338: {  	[tilespmem:v14+s4+$0xFFFFFFF8] =	vst.idx.msk $0xffff, v58  }
0x339: {  	v22 =	vadd.f32 v22, v26;
	v24 =	vadd.f32 v24, v20;
	[tilespmem:v15+s4+$0xFFFFFFF8] =	vst.idx.msk $0xffff, v59  }
0x33a: {  	v18 =	vadd.f32 v18, v21;
	v55 =	vadd.f32 v26, v20;
	[tilespmem:v16+s4+$0xFFFFFFF8] =	vst.idx.msk $0xffff, v20  }
0x33b: {  	v60 =	vadd.f32 v28, v19;
	v22 =	vadd.f32 v22, v20;
	[tilespmem:v4+s4+$0x0] =	vst.idx.msk $0xffff, v24  }
0x33c: {  	v18 =	vadd.f32 v18, v28;
	v61 =	vadd.f32 v19, v20;
	[tilespmem:v10+s4+$0x0] =	vst.idx.msk $0xffff, v55  }
0x33d: {  	v62 =	vadd.f32 v60, v21;
	v63 =	vadd.f32 v23, v20;
	[tilespmem:v11+s4+$0x0] =	vst.idx.msk $0xffff, v22  }
0x33e: {  	v18 =	vadd.f32 v18, v19;
	v19 =	vadd.f32 v60, v20;
	[tilespmem:v12+s4+$0x0] =	vst.idx.msk $0xffff, v61  }
0x33f: {  	v21 =	vadd.f32 v62, v20;
	[tilespmem:v13+s4+$0x0] =	vst.idx.msk $0xffff, v63  }
0x340: {  	v18 =	vadd.f32 v18, v20;
	[tilespmem:v14+s4+$0x0] =	vst.idx.msk $0xffff, v19  }
0x341: {  	s1 =	simm.s32 $0x0;
	s2 =	simm.s32 $0x140C0;
	[tilespmem:v15+s4+$0x0] =	vst.idx.msk $0xffff, v21  }
0x342: {  	s3 =	simm.s32 $0x14080;
	s0 =	simm.s32 $0x8040;
	[tilespmem:v16+s4+$0x0] =	vst.idx.msk $0xffff, v18;
	s4 =	simm.s32 $0x0  }
.LBB2_48:
0x343: {  	s5 =	sand.u32 $0x3FFFFF80, s1;
	v24 =	vld [tilespmem:s2+$0x30]  }
0x344: {  	v22 =	vld [tilespmem:s2+$0xFFFFFFD0];
	s5 =	sadd.s32 s5, s3  }
0x345: {  	v23 =	vld [tilespmem:s5+$0x0]  }
0x346: {  	v21 =	vld [tilespmem:s2+$0xFFFFFFE0]  }
0x347: {  	v18 =	vld [tilespmem:s2+$0xFFFFFFF0]  }
0x348: {  	v19 =	vld [tilespmem:s2+$0x0]  }
0x349: {  	v20 =	vld [tilespmem:s2+$0x10];
	s6 =	simm.s32 $0x0;
	[tilespmem:s0+$0x30] =	vst v24  }
0x34a: {  	s8 =	smov.u32 s2;
	s7 =	sadd.s32 $0x80, s5;
	s5 =	smov.u32 s0;
	[tilespmem:s0+$0xFFFFFFC0] =	vst v23;
	v23 =	vld [tilespmem:s2+$0x20]  }
.LBB2_49:
0x34b: {  	v24 =	vld [tilespmem:s7+$0x0];
	[tilespmem:s5+$0xFFFFFFD0] =	vst v22;
	s8 =	sadd.s32 $0x80, s8  }
0x34c: {  	s6 =	sadd.s32 $0x8, s6;
	v25 =	vld [tilespmem:s8+$0x30];
	[tilespmem:s5+$0xFFFFFFE0] =	vst v21  }
0x34d: {  	p0 =	slt.u32 s6, $0x38;
	v22 =	vld [tilespmem:s8+$0xFFFFFFD0];
	[tilespmem:s5+$0xFFFFFFF0] =	vst v18  }
.Ltmp23:
0x34e: {  	v21 =	vld [tilespmem:s8+$0xFFFFFFE0];
	[tilespmem:s5+$0x0] =	vst v19;
	(pc) =	sbr.rel @p0 .LBB2_49-.Ltmp23, $4  }
0x34f: {  	v18 =	vld [tilespmem:s8+$0xFFFFFFF0];
	[tilespmem:s5+$0x10] =	vst v20  }
0x350: {  	v19 =	vld [tilespmem:s8+$0x0];
	[tilespmem:s5+$0x20] =	vst v23;
	s5 =	sadd.s32 $0x80, s5  }
0x351: {  	v20 =	vld [tilespmem:s8+$0x10];
	[tilespmem:s5+$0x30] =	vst v25  }
0x352: {  	s7 =	sadd.s32 $0x80, s7;
	[tilespmem:s5+$0xFFFFFFC0] =	vst v24;
	v23 =	vld [tilespmem:s8+$0x20]  }
0x353: {  	s4 =	sadd.s32 $0x1, s4  }
0x354: {  	[tilespmem:s5+$0xFFFFFFD0] =	vst v22;
	p0 =	sne.s32 s4, $0x10  }
.Ltmp24:
0x355: {  	[tilespmem:s5+$0xFFFFFFE0] =	vst v21;
	(pc) =	sbr.rel @p0 .LBB2_48-.Ltmp24, $4  }
0x356: {  	[tilespmem:s5+$0xFFFFFFF0] =	vst v18  }
0x357: {  	[tilespmem:s5+$0x0] =	vst v19  }
0x358: {  	s3 =	sadd.s32 $0x8, s3;
	[tilespmem:s5+$0x10] =	vst v20  }
0x359: {  	s1 =	sadd.s32 $0x408, s1;
	s2 =	sadd.s32 $0x408, s2;
	s0 =	sadd.s32 $0x400, s0;
	[tilespmem:s5+$0x20] =	vst v23  }
0x35a: {  	[hbm4b:s13+s20] =	stream.strided.scatter [tilespmem:s24], [sflag:$0x3], $0x4000, s21, s20, $0x38;
	[tilespmem:$0x18100] =	vst v63  }
0x35b: {  	s31 =	simm.s32 $0x0  }
0x35c: {  	[tilespmem:s31], [sflag:$0x1] =	stream.strided.gather [hbm4b:s14+s20], $0x4000, s21, s20, $0x38;
	[tilespmem:$0x18100] =	vst v63  }
0x35d: {  	_ =	swait.ge [sflag:s25], $0x4000  }
0x35e: {  	[sflag:s25] =	ssyncset.done $0x0  }
0x35f: {  	[sflag:s25] =	ssyncadd.s32 $0xFFFFC000  }
0x360: {  	_ =	swait.ge [sflag:s29], $0x4000  }
0x361: {  	s0 =	simm.s32 $0x10000;
	s1 =	simm.s32 $0x4040;
	[sflag:s29] =	ssyncset.done $0x0  }
0x362: {  	v18 =	vimm.f32 $0.0e+00;
	s2 =	simm.s32 $0x10040;
	s3 =	simm.s32 $0x0;
	[sflag:s29] =	ssyncadd.s32 $0xFFFFC000  }
.LBB2_52:
0x363: {  	v24 =	vld [tilespmem:s1+$0xFFFFFFC0];
	_ =	sdelay $0x1  }
0x364: {  	v23 =	vld [tilespmem:s1+$0x0]  }
0x365: {  	s4 =	sand.u32 $0x3FFFFF80, s31  }
0x366: {  	s4 =	sadd.s32 s4, s0  }
0x367: {  	[tilespmem:s4+$0x0] =	vst v24  }
0x368: {  	s7 =	sadd.s32 $0x80, s1;
	v34 =	vld [tilespmem:s1+$0xFFFFFFD0]  }
0x369: {  	v20 =	vld [tilespmem:s7+$0xFFFFFFC0];
	[tilespmem:s2+$0x0] =	vst v23  }
0x36a: {  	v25 =	vld [tilespmem:s1+$0x10];
	_ =	sdelay $0x1  }
0x36b: {  	v19 =	vld [tilespmem:s7+$0x0]  }
0x36c: {  	s5 =	sadd.s32 $0x80, s4;
	[tilespmem:s2+$0xFFFFFFD0] =	vst v34  }
0x36d: {  	[tilespmem:s5+$0x0] =	vst v20;
	v32 =	vld [tilespmem:s1+$0xFFFFFFE0]  }
0x36e: {  	v26 =	vld [tilespmem:s7+$0xFFFFFFD0];
	[tilespmem:s2+$0x10] =	vst v25  }
0x36f: {  	s6 =	sadd.s32 $0x80, s7;
	s4 =	sadd.s32 $0x80, s2;
	v31 =	vld [tilespmem:s1+$0x20]  }
0x370: {  	v21 =	vld [tilespmem:s6+$0xFFFFFFC0];
	[tilespmem:s4+$0x0] =	vst v19  }
0x371: {  	v27 =	vld [tilespmem:s7+$0x10]  }
0x372: {  	v22 =	vld [tilespmem:s6+$0x0];
	[tilespmem:s2+$0xFFFFFFE0] =	vst v32  }
0x373: {  	[tilespmem:s4+$0xFFFFFFD0] =	vst v26;
	v28 =	vld [tilespmem:s1+$0xFFFFFFF0]  }
0x374: {  	s9 =	sadd.s32 $0x80, s5;
	v33 =	vld [tilespmem:s7+$0xFFFFFFE0];
	[tilespmem:s2+$0x20] =	vst v31  }
0x375: {  	[tilespmem:s9+$0x0] =	vst v21;
	v29 =	vld [tilespmem:s1+$0x30]  }
0x376: {  	s10 =	simm.s32 $0x10;
	v30 =	vld [tilespmem:s6+$0xFFFFFFD0];
	[tilespmem:s4+$0x10] =	vst v27  }
0x377: {  	s8 =	smov.u32 s2;
	v36 =	vimm.f32 $0.0e+00;
	s11 =	sadd.s32 $0x80, s6;
	s5 =	sadd.s32 $0x80, s4;
	v35 =	vld [tilespmem:s7+$0x20]  }
.LBB2_53:
0x378: {  	[tilespmem:s5+$0x0] =	vst v22;
	v40 =	vadd.f32 v34, v24;
	v37 =	vadd.f32 v28, v32;
	v24 =	vmovc v20;
	v20 =	vmov v21;
	v21 =	vld [tilespmem:s11+$0xFFFFFFC0];
	s12 =	smov.u32 s4;
	s4 =	smov.u32 s5  }
0x379: {  	s10 =	sadd.s32 $0x8, s10;
	v38 =	vadd.f32 v25, v23;
	v25 =	vmovc v27;
	v23 =	vmovc v19;
	v19 =	vmov v22;
	[tilespmem:s8+$0xFFFFFFF0] =	vst v28;
	v27 =	vld [tilespmem:s6+$0x10];
	v32 =	vmov v33  }
0x37a: {  	v34 =	vmovc v26;
	p0 =	slt.u32 s10, $0x38;
	v22 =	vld [tilespmem:s11+$0x0];
	[tilespmem:s12+$0xFFFFFFE0] =	vst v32;
	v37 =	vadd.f32 v37, v40;
	v40 =	vadd.f32 v29, v31;
	v39 =	vmov v29  }
.Ltmp25:
0x37b: {  	[tilespmem:s5+$0xFFFFFFD0] =	vst v30;
	v28 =	vld [tilespmem:s7+$0xFFFFFFF0];
	v26 =	vmov v30;
	(pc) =	sbr.rel @p0 .LBB2_53-.Ltmp25, $4  }
0x37c: {  	s9 =	sadd.s32 $0x80, s9;
	v33 =	vld [tilespmem:s6+$0xFFFFFFE0];
	[tilespmem:s12+$0x20] =	vst v35;
	v36 =	vadd.f32 v37, v36;
	v37 =	vadd.f32 v40, v38;
	v31 =	vmov v35  }
0x37d: {  	[tilespmem:s9+$0x0] =	vst v21;
	v29 =	vld [tilespmem:s7+$0x30];
	s7 =	smov.u32 s6;
	s6 =	smov.u32 s11  }
0x37e: {  	v30 =	vld [tilespmem:s11+$0xFFFFFFD0];
	[tilespmem:s5+$0x10] =	vst v27;
	v36 =	vadd.f32 v37, v36  }
0x37f: {  	s11 =	sadd.s32 $0x80, s11;
	s5 =	sadd.s32 $0x80, s5;
	v35 =	vld [tilespmem:s7+$0x20];
	[tilespmem:s8+$0x30] =	vst v39;
	s8 =	smov.u32 s12  }
0x380: {  	[tilespmem:s5+$0x0] =	vst v22  }
0x381: {  	v37 =	vld [tilespmem:s6+$0x10];
	_ =	sdelay $0x2  }
0x382: {  	[tilespmem:s5+$0xFFFFFFD0] =	vst v30  }
0x383: {  	[tilespmem:s4+$0xFFFFFFE0] =	vst v33;
	v38 =	vld [tilespmem:s6+$0xFFFFFFE0]  }
0x384: {  	v24 =	vadd.f32 v34, v24;
	v32 =	vadd.f32 v28, v32;
	v55 =	vld [tilespmem:s7+$0xFFFFFFF0];
	[tilespmem:s5+$0x10] =	vst v37  }
0x385: {  	v23 =	vadd.f32 v25, v23;
	[tilespmem:s4+$0x20] =	vst v35;
	v56 =	vld [tilespmem:s6+$0x20]  }
0x386: {  	v24 =	vadd.f32 v32, v24;
	v31 =	vadd.f32 v29, v31;
	v57 =	vld [tilespmem:s7+$0x30];
	_ =	sdelay $0x1  }
0x387: {  	v24 =	vadd.f32 v24, v36;
	v23 =	vadd.f32 v31, v23;
	[tilespmem:s5+$0xFFFFFFE0] =	vst v38  }
0x388: {  	v20 =	vadd.f32 v26, v20;
	v58 =	vadd.f32 v55, v33;
	v59 =	vld [tilespmem:s6+$0xFFFFFFF0]  }
0x389: {  	v19 =	vadd.f32 v27, v19;
	v23 =	vadd.f32 v23, v24;
	[tilespmem:s5+$0x20] =	vst v56  }
0x38a: {  	v20 =	vadd.f32 v58, v20;
	v60 =	vadd.f32 v57, v35;
	v61 =	vld [tilespmem:s6+$0x30];
	_ =	sdelay $0x1  }
0x38b: {  	v20 =	vadd.f32 v20, v23;
	v19 =	vadd.f32 v60, v19  }
0x38c: {  	v21 =	vadd.f32 v30, v21;
	v62 =	vadd.f32 v59, v38  }
0x38d: {  	v19 =	vadd.f32 v19, v20;
	v20 =	vadd.f32 v37, v22  }
0x38e: {  	v21 =	vadd.f32 v62, v21;
	v63 =	vadd.f32 v61, v56;
	_ =	sdelay $0x1  }
0x38f: {  	v19 =	vadd.f32 v21, v19;
	v20 =	vadd.f32 v63, v20;
	_ =	sdelay $0x1  }
0x390: {  	v19 =	vadd.f32 v20, v19;
	_ =	sdelay $0x1  }
0x391: {  	(xrf2) =	vadd.scan.msk.f32 $0xffff, v19;
	_ =	sdelay $0x7  }
0x392: {  	s12 =	sxor.u32 $0xF, s3;
	s3 =	sadd.s32 $0x1, s3  }
0x393: {  	[tilespmem:s8+$0xFFFFFFF0] =	vst v28;
	p0 =	sne.s32 s3, $0x10  }
.Ltmp26:
0x394: {  	[tilespmem:s8+$0x30] =	vst v29;
	v19, _, _ =	vpop (xrf2);
	(pc) =	sbr.rel @p0 .LBB2_52-.Ltmp26, $4  }
0x395: {  	[tilespmem:s4+$0xFFFFFFF0] =	vst v55;
	v20 =	vmov s12;
	v19 =	vbroadcast v19, $0xF  }
0x396: {  	[tilespmem:s4+$0x30] =	vst v57;
	vm0 =	veq.s32 v20, v0  }
0x397: {  	s0 =	sadd.s32 $0x8, s0;
	[tilespmem:s5+$0xFFFFFFF0] =	vst v59;
	v19 =	vnsel vm0, $0x0, v19  }
0x398: {  	s31 =	sadd.s32 $0x408, s31;
	s1 =	sadd.s32 $0x400, s1;
	s2 =	sadd.s32 $0x408, s2;
	[tilespmem:s5+$0x30] =	vst v61;
	v18 =	vadd.f32 v19, v18  }
0x399: {  	_ =	sdelay $0x2  }
0x39a: {  	s0 =	simm.s32 $0x103F0  }
0x39b: {  	(v2sf) =	vpush v17, $0xF;
	v20 =	vld.idx.msk [tilespmem:v6+s0+$0x0], $0xffff  }
0x39c: {  	v22 =	vld.idx.msk [tilespmem:v3+s0+$0x0], $0xffff  }
0x39d: {  	v23 =	vld.idx.msk [tilespmem:v5+s0+$0x0], $0xffff  }
0x39e: {  	v24 =	vld.idx.msk [tilespmem:v1+s0+$0x0], $0xffff  }
0x39f: {  	(xrf2) =	vadd.scan.msk.f32 $0xffff, v18;
	v25 =	vld.idx.msk [tilespmem:v2+s0+$0x0], $0xffff  }
0x3a0: {  	v19 =	vld.idx.msk [tilespmem:v7+s0+$0x0], $0xffff  }
0x3a1: {  	v21 =	vld.idx.msk [tilespmem:v9+s0+$0x0], $0xffff  }
0x3a2: {  	v26 =	vld.idx.msk [tilespmem:v8+s0+$0x0], $0xffff  }
0x3a3: {  	v28 =	vld.idx.msk [tilespmem:v9+s0+$0x8], $0xffff  }
0x3a4: {  	v29 =	vld.idx.msk [tilespmem:v8+s0+$0x8], $0xffff;
	v30 =	vadd.f32 v25, v24;
	v23 =	vadd.f32 v23, v22  }
0x3a5: {  	v17 =	vld.idx.msk [tilespmem:v2+s0+$0x8], $0xffff  }
0x3a6: {  	v27 =	vld.idx.msk [tilespmem:v1+s0+$0x8], $0xffff;
	v33 =	vadd.f32 v23, v30;
	v23 =	vadd.f32 v19, v20  }
0x3a7: {  	v32 =	vld.idx.msk [tilespmem:v3+s0+$0x8], $0xffff  }
0x3a8: {  	v34 =	vld.idx.msk [tilespmem:v6+s0+$0x8], $0xffff;
	v37 =	vadd.f32 v33, v20;
	v40 =	vadd.f32 v23, v33  }
0x3a9: {  	v25 =	vld.idx.msk [tilespmem:v5+s0+$0x8], $0xffff;
	v20 =	vadd.f32 v28, v29;
	v28 =	vadd.f32 v21, v26;
	v31, _, _ =	vpop (xrf2)  }
0x3aa: {  	v18 =	vsub.f32 v31, v18;
	v31 =	vld.idx.msk [tilespmem:v7+s0+$0x8], $0xffff;
	s1 =	spop (v2sf)  }
0x3ab: {  	s31 =	simm.s32 $0x103E0;
	v43 =	vadd.f32 v40, v26;
	v26 =	vadd.f32 v28, v23;
	s1 =	sadd.f32 $0.0e+00, s1  }
0x3ac: {  	v38 =	vld.idx.msk [tilespmem:v5+s31+$0x0], $0xffff;
	v17 =	vadd.f32 v17, v27;
	v22 =	vadd.f32 v22, v30  }
0x3ad: {  	v21 =	vld.idx.msk [tilespmem:v3+s31+$0x0], $0xffff;
	v28 =	vadd.f32 v26, v33;
	v19 =	vadd.f32 s1, v18  }
0x3ae: {  	v42 =	vld.idx.msk [tilespmem:v2+s31+$0x8], $0xffff;
	v18 =	vadd.f32 v25, v32;
	v25 =	vadd.f32 v32, v17  }
0x3af: {  	v44 =	vld.idx.msk [tilespmem:v6+s31+$0x0], $0xffff;
	v31 =	vadd.f32 v31, v34;
	v62 =	vadd.f32 v17, v19  }
0x3b0: {  	v23 =	vld.idx.msk [tilespmem:v1+s31+$0x0], $0xffff;
	v36 =	vadd.f32 v25, v19;
	v17 =	vadd.f32 v18, v17  }
0x3b1: {  	v25 =	vadd.f32 v27, v19;
	v18 =	vadd.f32 v20, v31;
	v27 =	vld.idx.msk [tilespmem:v2+s31+$0x0], $0xffff  }
0x3b2: {  	v39 =	vld.idx.msk [tilespmem:v7+s31+$0x0], $0xffff;
	v63 =	vadd.f32 v38, v21;
	v26 =	vadd.f32 v31, v17  }
0x3b3: {  	v38 =	vld.idx.msk [tilespmem:v3+s31+$0x8], $0xffff;
	v18 =	vadd.f32 v18, v17;
	v34 =	vadd.f32 v17, v34  }
0x3b4: {  	s0 =	simm.s32 $0x14088;
	v32 =	vld.idx.msk [tilespmem:v9+s31+$0x8], $0xffff;
	v41 =	vadd.f32 v17, v19;
	v31 =	vadd.f32 v26, v29  }
0x3b5: {  	v20 =	vld.idx.msk [tilespmem:v8+s31+$0x0], $0xffff;
	[tilespmem:v4+s0+$0xFFFFFFF8] =	vst.idx.msk $0xffff, v25;
	v29 =	vadd.f32 v18, v19;
	v45 =	vadd.f32 v34, v19  }
0x3b6: {  	v17 =	vld.idx.msk [tilespmem:v9+s31+$0x0], $0xffff;
	[tilespmem:v10+s0+$0xFFFFFFF8] =	vst.idx.msk $0xffff, v62;
	v35 =	vadd.f32 v26, v19;
	v25 =	vadd.f32 v27, v23  }
0x3b7: {  	v26 =	vld.idx.msk [tilespmem:v1+s31+$0x8], $0xffff;
	[tilespmem:v11+s0+$0xFFFFFFF8] =	vst.idx.msk $0xffff, v36;
	v27 =	vadd.f32 v39, v44;
	v18 =	vadd.f32 v24, v29  }
0x3b8: {  	[tilespmem:v12+s0+$0xFFFFFFF8] =	vst.idx.msk $0xffff, v41;
	v39 =	vld.idx.msk [tilespmem:v5+s31+$0x8], $0xffff;
	v30 =	vadd.f32 v30, v29;
	v22 =	vadd.f32 v22, v29  }
0x3b9: {  	v24 =	vld.idx.msk [tilespmem:v8+s31+$0x8], $0xffff;
	v36 =	vadd.f32 v33, v29;
	v37 =	vadd.f32 v37, v29;
	[tilespmem:v13+s0+$0xFFFFFFF8] =	vst.idx.msk $0xffff, v45  }
0x3ba: {  	v41 =	vld.idx.msk [tilespmem:v7+s31+$0x8], $0xffff;
	v33 =	vadd.f32 v40, v29;
	[tilespmem:v4+s0+$0x0] =	vst.idx.msk $0xffff, v18;
	v18 =	vadd.f32 v63, v25  }
0x3bb: {  	v34 =	vadd.f32 v43, v29;
	v28 =	vadd.f32 v28, v29;
	[tilespmem:v10+s0+$0x0] =	vst.idx.msk $0xffff, v30;
	v30 =	vld.idx.msk [tilespmem:v6+s31+$0x8], $0xffff  }
0x3bc: {  	s2 =	simm.s32 $0x10;
	s3 =	simm.s32 $0x103D0;
	s1 =	simm.s32 $0x14088;
	v40 =	vadd.f32 v42, v26;
	[tilespmem:v11+s0+$0x0] =	vst.idx.msk $0xffff, v22;
	v22 =	vadd.f32 v18, v44  }
.LBB2_56:
0x3bd: {  	v42 =	vld.idx.msk [tilespmem:v2+s3+$0x8], $0xffff;
	s2 =	sadd.s32 $0x10, s2;
	v43 =	vadd.f32 v27, v18;
	v31 =	vadd.f32 v31, v19;
	[tilespmem:v14+s0+$0xFFFFFFF8] =	vst.idx.msk $0xffff, v35;
	s1 =	sadd.s32 $0x10, s1  }
0x3be: {  	v35 =	vadd.f32 v39, v38;
	v32 =	vadd.f32 v32, v24;
	v44 =	vld.idx.msk [tilespmem:v6+s3+$0x0], $0xffff;
	p0 =	slt.u32 s2, $0x3F0;
	v19 =	vmov v28  }
0x3bf: {  	v39 =	vadd.f32 v17, v20;
	v38 =	vadd.f32 v38, v40;
	v45 =	vld.idx.msk [tilespmem:v7+s3+$0x0], $0xffff;
	[tilespmem:v15+s0+$0xFFFFFFF8] =	vst.idx.msk $0xffff, v31  }
0x3c0: {  	v41 =	vadd.f32 v41, v30;
	v46 =	vadd.f32 v43, v20;
	v31 =	vld.idx.msk [tilespmem:v3+s3+$0x0], $0xffff;
	[tilespmem:v16+s0+$0xFFFFFFF8] =	vst.idx.msk $0xffff, v29  }
0x3c1: {  	v47 =	vadd.f32 v40, v28;
	v38 =	vadd.f32 v38, v28;
	v17 =	vld.idx.msk [tilespmem:v9+s3+$0x0], $0xffff  }
0x3c2: {  	v29 =	vadd.f32 v26, v28;
	v48 =	vld.idx.msk [tilespmem:v5+s3+$0x0], $0xffff  }
0x3c3: {  	v50 =	vadd.f32 v21, v25;
	v26 =	vadd.f32 v39, v27;
	v49 =	vld.idx.msk [tilespmem:v1+s3+$0x0], $0xffff;
	[tilespmem:v12+s0+$0x0] =	vst.idx.msk $0xffff, v36  }
0x3c4: {  	v35 =	vadd.f32 v35, v40;
	v32 =	vadd.f32 v32, v41;
	v27 =	vld.idx.msk [tilespmem:v2+s3+$0x0], $0xffff;
	[tilespmem:v13+s0+$0x0] =	vst.idx.msk $0xffff, v37  }
0x3c5: {  	v51 =	vadd.f32 v26, v18;
	v20 =	vld.idx.msk [tilespmem:v8+s3+$0x0], $0xffff;
	[tilespmem:v14+s0+$0x0] =	vst.idx.msk $0xffff, v33  }
0x3c6: {  	v32 =	vadd.f32 v32, v35;
	v33 =	vadd.f32 v41, v35;
	v26 =	vld.idx.msk [tilespmem:v1+s3+$0x8], $0xffff;
	[tilespmem:v15+s0+$0x0] =	vst.idx.msk $0xffff, v34  }
0x3c7: {  	v30 =	vadd.f32 v35, v30;
	v21 =	vmov v31;
	v34 =	vadd.f32 v35, v28;
	[tilespmem:v4+s1+$0xFFFFFFF8] =	vst.idx.msk $0xffff, v29  }
0x3c8: {  	v31 =	vadd.f32 v33, v24;
	v29 =	vadd.f32 v32, v28;
	[tilespmem:v10+s1+$0xFFFFFFF8] =	vst.idx.msk $0xffff, v47  }
0x3c9: {  	v40 =	vadd.f32 v30, v28;
	v35 =	vadd.f32 v33, v28;
	v32 =	vld.idx.msk [tilespmem:v9+s3+$0x8], $0xffff;
	[tilespmem:v11+s1+$0xFFFFFFF8] =	vst.idx.msk $0xffff, v38  }
0x3ca: {  	v47 =	vadd.f32 v27, v49;
	v23 =	vadd.f32 v23, v29;
	v24 =	vld.idx.msk [tilespmem:v8+s3+$0x8], $0xffff;
	[tilespmem:v16+s0+$0x0] =	vst.idx.msk $0xffff, v28;
	s0 =	smov.u32 s1  }
0x3cb: {  	v25 =	vadd.f32 v25, v29;
	v28 =	vadd.f32 v48, v21;
	v39 =	vld.idx.msk [tilespmem:v5+s3+$0x8], $0xffff;
	[tilespmem:v12+s1+$0xFFFFFFF8] =	vst.idx.msk $0xffff, v34  }
.Ltmp27:
0x3cc: {  	v27 =	vadd.f32 v45, v44;
	v34 =	vadd.f32 v50, v29;
	v38 =	vld.idx.msk [tilespmem:v3+s3+$0x8], $0xffff;
	[tilespmem:v4+s1+$0x0] =	vst.idx.msk $0xffff, v23;
	(pc) =	sbr.rel @p0 .LBB2_56-.Ltmp27, $4  }
0x3cd: {  	v36 =	vadd.f32 v18, v29;
	v18 =	vadd.f32 v28, v47;
	v41 =	vld.idx.msk [tilespmem:v7+s3+$0x8], $0xffff;
	[tilespmem:v10+s1+$0x0] =	vst.idx.msk $0xffff, v25  }
0x3ce: {  	v37 =	vadd.f32 v22, v29;
	v33 =	vadd.f32 v43, v29;
	v30 =	vld.idx.msk [tilespmem:v6+s3+$0x8], $0xffff;
	[tilespmem:v11+s1+$0x0] =	vst.idx.msk $0xffff, v34  }
0x3cf: {  	v23 =	vmov v49;
	v22 =	vadd.f32 v18, v44;
	v34 =	vadd.f32 v46, v29;
	[tilespmem:v13+s1+$0xFFFFFFF8] =	vst.idx.msk $0xffff, v40  }
0x3d0: {  	v28 =	vadd.f32 v51, v29;
	v25 =	vmov v47;
	s3 =	sadd.s32 $0xFFFFFFF0, s3;
	v40 =	vadd.f32 v42, v26  }
0x3d1: {  	_ =	sdelay $0x3  }
0x3d2: {  	[tilespmem:v14+s0+$0xFFFFFFF8] =	vst.idx.msk $0xffff, v35  }
0x3d3: {  	v19 =	vadd.f32 v31, v19;
	[tilespmem:v12+s0+$0x0] =	vst.idx.msk $0xffff, v36  }
0x3d4: {  	[tilespmem:v13+s0+$0x0] =	vst.idx.msk $0xffff, v37  }
0x3d5: {  	v48 =	vadd.f32 v39, v38;
	[tilespmem:v15+s0+$0xFFFFFFF8] =	vst.idx.msk $0xffff, v19  }
0x3d6: {  	v51 =	vadd.f32 v38, v40;
	v26 =	vadd.f32 v26, v28;
	[tilespmem:v14+s0+$0x0] =	vst.idx.msk $0xffff, v33  }
0x3d7: {  	v19 =	vadd.f32 v32, v24;
	v49 =	vadd.f32 v41, v30;
	[tilespmem:v16+s0+$0xFFFFFFF8] =	vst.idx.msk $0xffff, v29  }
0x3d8: {  	s4 =	sadd.s32 $0x10, s1;
	v52 =	vadd.f32 v40, v28;
	v50 =	vadd.f32 v48, v40;
	[tilespmem:v15+s0+$0x0] =	vst.idx.msk $0xffff, v34  }
0x3d9: {  	v31 =	vadd.f32 v51, v28;
	[tilespmem:v4+s4+$0xFFFFFFF8] =	vst.idx.msk $0xffff, v26;
	v19 =	vadd.f32 v19, v49  }
0x3da: {  	[tilespmem:v10+s4+$0xFFFFFFF8] =	vst.idx.msk $0xffff, v52;
	v54 =	vadd.f32 v49, v50;
	v29 =	vadd.f32 v50, v30  }
0x3db: {  	v53 =	vadd.f32 v50, v28;
	[tilespmem:v16+s0+$0x0] =	vst.idx.msk $0xffff, v28;
	v19 =	vadd.f32 v19, v50  }
0x3dc: {  	[tilespmem:v11+s4+$0xFFFFFFF8] =	vst.idx.msk $0xffff, v31;
	v56 =	vadd.f32 v54, v24;
	v57 =	vadd.f32 v29, v28  }
0x3dd: {  	[tilespmem:v12+s4+$0xFFFFFFF8] =	vst.idx.msk $0xffff, v53;
	v58 =	vadd.f32 v54, v28  }
0x3de: {  	v19 =	vadd.f32 v19, v28;
	[tilespmem:v13+s4+$0xFFFFFFF8] =	vst.idx.msk $0xffff, v57;
	v59 =	vadd.f32 v56, v28  }
0x3df: {  	[tilespmem:v14+s4+$0xFFFFFFF8] =	vst.idx.msk $0xffff, v58  }
0x3e0: {  	v21 =	vadd.f32 v21, v25;
	v23 =	vadd.f32 v23, v19;
	[tilespmem:v15+s4+$0xFFFFFFF8] =	vst.idx.msk $0xffff, v59  }
0x3e1: {  	v17 =	vadd.f32 v17, v20;
	v55 =	vadd.f32 v25, v19;
	[tilespmem:v16+s4+$0xFFFFFFF8] =	vst.idx.msk $0xffff, v19  }
0x3e2: {  	v60 =	vadd.f32 v27, v18;
	v21 =	vadd.f32 v21, v19;
	[tilespmem:v4+s4+$0x0] =	vst.idx.msk $0xffff, v23  }
0x3e3: {  	v17 =	vadd.f32 v17, v27;
	v61 =	vadd.f32 v18, v19;
	[tilespmem:v10+s4+$0x0] =	vst.idx.msk $0xffff, v55  }
0x3e4: {  	v62 =	vadd.f32 v60, v20;
	v63 =	vadd.f32 v22, v19;
	[tilespmem:v11+s4+$0x0] =	vst.idx.msk $0xffff, v21  }
0x3e5: {  	v17 =	vadd.f32 v17, v18;
	v18 =	vadd.f32 v60, v19;
	[tilespmem:v12+s4+$0x0] =	vst.idx.msk $0xffff, v61  }
0x3e6: {  	v20 =	vadd.f32 v62, v19;
	[tilespmem:v13+s4+$0x0] =	vst.idx.msk $0xffff, v63  }
0x3e7: {  	v17 =	vadd.f32 v17, v19;
	[tilespmem:v14+s4+$0x0] =	vst.idx.msk $0xffff, v18  }
0x3e8: {  	s1 =	simm.s32 $0x0;
	s2 =	simm.s32 $0x140C0;
	[tilespmem:v15+s4+$0x0] =	vst.idx.msk $0xffff, v20  }
0x3e9: {  	s3 =	simm.s32 $0x14080;
	s0 =	simm.s32 $0xC040;
	[tilespmem:v16+s4+$0x0] =	vst.idx.msk $0xffff, v17;
	s4 =	simm.s32 $0x0  }
.LBB2_58:
0x3ea: {  	s5 =	sand.u32 $0x3FFFFF80, s1;
	v23 =	vld [tilespmem:s2+$0x30]  }
0x3eb: {  	v21 =	vld [tilespmem:s2+$0xFFFFFFD0];
	s5 =	sadd.s32 s5, s3  }
0x3ec: {  	v22 =	vld [tilespmem:s5+$0x0]  }
0x3ed: {  	v20 =	vld [tilespmem:s2+$0xFFFFFFE0]  }
0x3ee: {  	v17 =	vld [tilespmem:s2+$0xFFFFFFF0]  }
0x3ef: {  	v18 =	vld [tilespmem:s2+$0x0]  }
0x3f0: {  	v19 =	vld [tilespmem:s2+$0x10];
	s6 =	simm.s32 $0x0;
	[tilespmem:s0+$0x30] =	vst v23  }
0x3f1: {  	s8 =	smov.u32 s2;
	s7 =	sadd.s32 $0x80, s5;
	s5 =	smov.u32 s0;
	[tilespmem:s0+$0xFFFFFFC0] =	vst v22;
	v22 =	vld [tilespmem:s2+$0x20]  }
.LBB2_59:
0x3f2: {  	v23 =	vld [tilespmem:s7+$0x0];
	[tilespmem:s5+$0xFFFFFFD0] =	vst v21;
	s8 =	sadd.s32 $0x80, s8  }
0x3f3: {  	s6 =	sadd.s32 $0x8, s6;
	v24 =	vld [tilespmem:s8+$0x30];
	[tilespmem:s5+$0xFFFFFFE0] =	vst v20  }
0x3f4: {  	p0 =	slt.u32 s6, $0x38;
	v21 =	vld [tilespmem:s8+$0xFFFFFFD0];
	[tilespmem:s5+$0xFFFFFFF0] =	vst v17  }
.Ltmp28:
0x3f5: {  	v20 =	vld [tilespmem:s8+$0xFFFFFFE0];
	[tilespmem:s5+$0x0] =	vst v18;
	(pc) =	sbr.rel @p0 .LBB2_59-.Ltmp28, $4  }
0x3f6: {  	v17 =	vld [tilespmem:s8+$0xFFFFFFF0];
	[tilespmem:s5+$0x10] =	vst v19  }
0x3f7: {  	v18 =	vld [tilespmem:s8+$0x0];
	[tilespmem:s5+$0x20] =	vst v22;
	s5 =	sadd.s32 $0x80, s5  }
0x3f8: {  	v19 =	vld [tilespmem:s8+$0x10];
	[tilespmem:s5+$0x30] =	vst v24  }
0x3f9: {  	s7 =	sadd.s32 $0x80, s7;
	[tilespmem:s5+$0xFFFFFFC0] =	vst v23;
	v22 =	vld [tilespmem:s8+$0x20]  }
0x3fa: {  	s4 =	sadd.s32 $0x1, s4  }
0x3fb: {  	[tilespmem:s5+$0xFFFFFFD0] =	vst v21;
	p0 =	sne.s32 s4, $0x10  }
.Ltmp29:
0x3fc: {  	[tilespmem:s5+$0xFFFFFFE0] =	vst v20;
	(pc) =	sbr.rel @p0 .LBB2_58-.Ltmp29, $4  }
0x3fd: {  	[tilespmem:s5+$0xFFFFFFF0] =	vst v17  }
0x3fe: {  	[tilespmem:s5+$0x0] =	vst v18  }
0x3ff: {  	s3 =	sadd.s32 $0x8, s3;
	[tilespmem:s5+$0x10] =	vst v19  }
0x400: {  	s1 =	sadd.s32 $0x408, s1;
	s2 =	sadd.s32 $0x408, s2;
	s0 =	sadd.s32 $0x400, s0;
	[tilespmem:s5+$0x20] =	vst v22  }
0x401: {  	[hbm4b:s15+s20] =	stream.strided.scatter [tilespmem:s26], [sflag:$0x4], $0x4000, s21, s20, $0x38;
	[tilespmem:$0x18100] =	vst v63  }
0x402: {  	_ = 	snop  }
0x403: {  	[tilespmem:s22], [sflag:$0x2] =	stream.strided.gather [hbm4b:s16+s20], $0x4000, s21, s20, $0x38;
	[tilespmem:$0x18100] =	vst v63  }
0x404: {  	_ =	swait.ge [sflag:s23], $0x4000  }
0x405: {  	[sflag:s23] =	ssyncset.done $0x0  }
0x406: {  	[sflag:s23] =	ssyncadd.s32 $0xFFFFC000  }
0x407: {  	s0 =	simm.s32 $0x10000;
	_ =	swait.ge [sflag:s28], $0x4000  }
0x408: {  	s31 =	simm.s32 $0x0;
	s1 =	simm.s32 $0x40;
	[sflag:s28] =	ssyncset.done $0x0  }
0x409: {  	v18 =	vimm.f32 $0.0e+00;
	s2 =	simm.s32 $0x10040;
	s3 =	simm.s32 $0x0;
	[sflag:s28] =	ssyncadd.s32 $0xFFFFC000  }
.LBB2_62:
0x40a: {  	v23 =	vld [tilespmem:s1+$0xFFFFFFC0];
	_ =	sdelay $0x1  }
0x40b: {  	v22 =	vld [tilespmem:s1+$0x0]  }
0x40c: {  	s4 =	sand.u32 $0x3FFFFF80, s31  }
0x40d: {  	s4 =	sadd.s32 s4, s0  }
0x40e: {  	[tilespmem:s4+$0x0] =	vst v23  }
0x40f: {  	s7 =	sadd.s32 $0x80, s1;
	v33 =	vld [tilespmem:s1+$0xFFFFFFD0]  }
0x410: {  	v19 =	vld [tilespmem:s7+$0xFFFFFFC0];
	[tilespmem:s2+$0x0] =	vst v22  }
0x411: {  	v24 =	vld [tilespmem:s1+$0x10];
	_ =	sdelay $0x1  }
0x412: {  	v17 =	vld [tilespmem:s7+$0x0]  }
0x413: {  	s5 =	sadd.s32 $0x80, s4;
	[tilespmem:s2+$0xFFFFFFD0] =	vst v33  }
0x414: {  	[tilespmem:s5+$0x0] =	vst v19;
	v31 =	vld [tilespmem:s1+$0xFFFFFFE0]  }
0x415: {  	v25 =	vld [tilespmem:s7+$0xFFFFFFD0];
	[tilespmem:s2+$0x10] =	vst v24  }
0x416: {  	s6 =	sadd.s32 $0x80, s7;
	s4 =	sadd.s32 $0x80, s2;
	v30 =	vld [tilespmem:s1+$0x20]  }
0x417: {  	v20 =	vld [tilespmem:s6+$0xFFFFFFC0];
	[tilespmem:s4+$0x0] =	vst v17  }
0x418: {  	v26 =	vld [tilespmem:s7+$0x10]  }
0x419: {  	v21 =	vld [tilespmem:s6+$0x0];
	[tilespmem:s2+$0xFFFFFFE0] =	vst v31  }
0x41a: {  	[tilespmem:s4+$0xFFFFFFD0] =	vst v25;
	v27 =	vld [tilespmem:s1+$0xFFFFFFF0]  }
0x41b: {  	s9 =	sadd.s32 $0x80, s5;
	v32 =	vld [tilespmem:s7+$0xFFFFFFE0];
	[tilespmem:s2+$0x20] =	vst v30  }
0x41c: {  	[tilespmem:s9+$0x0] =	vst v20;
	v28 =	vld [tilespmem:s1+$0x30]  }
0x41d: {  	s10 =	simm.s32 $0x10;
	v29 =	vld [tilespmem:s6+$0xFFFFFFD0];
	[tilespmem:s4+$0x10] =	vst v26  }
0x41e: {  	s8 =	smov.u32 s2;
	v35 =	vimm.f32 $0.0e+00;
	s11 =	sadd.s32 $0x80, s6;
	s5 =	sadd.s32 $0x80, s4;
	v34 =	vld [tilespmem:s7+$0x20]  }
.LBB2_63:
0x41f: {  	[tilespmem:s5+$0x0] =	vst v21;
	v39 =	vadd.f32 v33, v23;
	v36 =	vadd.f32 v27, v31;
	v23 =	vmovc v19;
	v19 =	vmov v20;
	v20 =	vld [tilespmem:s11+$0xFFFFFFC0];
	s12 =	smov.u32 s4;
	s4 =	smov.u32 s5  }
0x420: {  	s10 =	sadd.s32 $0x8, s10;
	v37 =	vadd.f32 v24, v22;
	v24 =	vmovc v26;
	v22 =	vmovc v17;
	v17 =	vmov v21;
	[tilespmem:s8+$0xFFFFFFF0] =	vst v27;
	v26 =	vld [tilespmem:s6+$0x10];
	v31 =	vmov v32  }
0x421: {  	v33 =	vmovc v25;
	p0 =	slt.u32 s10, $0x38;
	v21 =	vld [tilespmem:s11+$0x0];
	[tilespmem:s12+$0xFFFFFFE0] =	vst v31;
	v36 =	vadd.f32 v36, v39;
	v39 =	vadd.f32 v28, v30;
	v38 =	vmov v28  }
.Ltmp30:
0x422: {  	[tilespmem:s5+$0xFFFFFFD0] =	vst v29;
	v27 =	vld [tilespmem:s7+$0xFFFFFFF0];
	v25 =	vmov v29;
	(pc) =	sbr.rel @p0 .LBB2_63-.Ltmp30, $4  }
0x423: {  	s9 =	sadd.s32 $0x80, s9;
	v32 =	vld [tilespmem:s6+$0xFFFFFFE0];
	[tilespmem:s12+$0x20] =	vst v34;
	v35 =	vadd.f32 v36, v35;
	v36 =	vadd.f32 v39, v37;
	v30 =	vmov v34  }
0x424: {  	[tilespmem:s9+$0x0] =	vst v20;
	v28 =	vld [tilespmem:s7+$0x30];
	s7 =	smov.u32 s6;
	s6 =	smov.u32 s11  }
0x425: {  	v29 =	vld [tilespmem:s11+$0xFFFFFFD0];
	[tilespmem:s5+$0x10] =	vst v26;
	v35 =	vadd.f32 v36, v35  }
0x426: {  	s11 =	sadd.s32 $0x80, s11;
	s5 =	sadd.s32 $0x80, s5;
	v34 =	vld [tilespmem:s7+$0x20];
	[tilespmem:s8+$0x30] =	vst v38;
	s8 =	smov.u32 s12  }
0x427: {  	[tilespmem:s5+$0x0] =	vst v21  }
0x428: {  	v36 =	vld [tilespmem:s6+$0x10];
	_ =	sdelay $0x2  }
0x429: {  	[tilespmem:s5+$0xFFFFFFD0] =	vst v29  }
0x42a: {  	[tilespmem:s4+$0xFFFFFFE0] =	vst v32;
	v37 =	vld [tilespmem:s6+$0xFFFFFFE0]  }
0x42b: {  	v23 =	vadd.f32 v33, v23;
	v31 =	vadd.f32 v27, v31;
	v55 =	vld [tilespmem:s7+$0xFFFFFFF0];
	[tilespmem:s5+$0x10] =	vst v36  }
0x42c: {  	v22 =	vadd.f32 v24, v22;
	[tilespmem:s4+$0x20] =	vst v34;
	v56 =	vld [tilespmem:s6+$0x20]  }
0x42d: {  	v23 =	vadd.f32 v31, v23;
	v30 =	vadd.f32 v28, v30;
	v57 =	vld [tilespmem:s7+$0x30];
	_ =	sdelay $0x1  }
0x42e: {  	v23 =	vadd.f32 v23, v35;
	v22 =	vadd.f32 v30, v22;
	[tilespmem:s5+$0xFFFFFFE0] =	vst v37  }
0x42f: {  	v19 =	vadd.f32 v25, v19;
	v58 =	vadd.f32 v55, v32;
	v59 =	vld [tilespmem:s6+$0xFFFFFFF0]  }
0x430: {  	v17 =	vadd.f32 v26, v17;
	v22 =	vadd.f32 v22, v23;
	[tilespmem:s5+$0x20] =	vst v56  }
0x431: {  	v19 =	vadd.f32 v58, v19;
	v60 =	vadd.f32 v57, v34;
	v61 =	vld [tilespmem:s6+$0x30];
	_ =	sdelay $0x1  }
0x432: {  	v19 =	vadd.f32 v19, v22;
	v17 =	vadd.f32 v60, v17  }
0x433: {  	v20 =	vadd.f32 v29, v20;
	v62 =	vadd.f32 v59, v37  }
0x434: {  	v17 =	vadd.f32 v17, v19;
	v19 =	vadd.f32 v36, v21  }
0x435: {  	v20 =	vadd.f32 v62, v20;
	v63 =	vadd.f32 v61, v56;
	_ =	sdelay $0x1  }
0x436: {  	v17 =	vadd.f32 v20, v17;
	v19 =	vadd.f32 v63, v19;
	_ =	sdelay $0x1  }
0x437: {  	v17 =	vadd.f32 v19, v17;
	_ =	sdelay $0x1  }
0x438: {  	(xrf2) =	vadd.scan.msk.f32 $0xffff, v17;
	_ =	sdelay $0x7  }
0x439: {  	s12 =	sxor.u32 $0xF, s3;
	s3 =	sadd.s32 $0x1, s3  }
0x43a: {  	[tilespmem:s8+$0xFFFFFFF0] =	vst v27;
	p0 =	sne.s32 s3, $0x10  }
.Ltmp31:
0x43b: {  	[tilespmem:s8+$0x30] =	vst v28;
	v17, _, _ =	vpop (xrf2);
	(pc) =	sbr.rel @p0 .LBB2_62-.Ltmp31, $4  }
0x43c: {  	[tilespmem:s4+$0xFFFFFFF0] =	vst v55;
	v19 =	vmov s12;
	v17 =	vbroadcast v17, $0xF  }
0x43d: {  	[tilespmem:s4+$0x30] =	vst v57;
	vm0 =	veq.s32 v19, v0  }
0x43e: {  	s0 =	sadd.s32 $0x8, s0;
	[tilespmem:s5+$0xFFFFFFF0] =	vst v59;
	v17 =	vnsel vm0, $0x0, v17  }
0x43f: {  	s31 =	sadd.s32 $0x408, s31;
	s1 =	sadd.s32 $0x400, s1;
	s2 =	sadd.s32 $0x408, s2;
	[tilespmem:s5+$0x30] =	vst v61;
	v18 =	vadd.f32 v17, v18  }
0x440: {  	_ =	sdelay $0x2  }
0x441: {  	s0 =	simm.s32 $0x103F0  }
0x442: {  	v21 =	vld.idx.msk [tilespmem:v6+s0+$0x0], $0xffff  }
0x443: {  	v20 =	vld.idx.msk [tilespmem:v7+s0+$0x0], $0xffff  }
0x444: {  	v23 =	vld.idx.msk [tilespmem:v3+s0+$0x0], $0xffff  }
0x445: {  	v22 =	vld.idx.msk [tilespmem:v9+s0+$0x0], $0xffff  }
0x446: {  	v17 =	vld.idx.msk [tilespmem:v5+s0+$0x0], $0xffff  }
0x447: {  	v25 =	vld.idx.msk [tilespmem:v1+s0+$0x0], $0xffff  }
0x448: {  	(xrf2) =	vadd.scan.msk.f32 $0xffff, v18;
	v24 =	vld.idx.msk [tilespmem:v2+s0+$0x0], $0xffff  }
0x449: {  	v26 =	vld.idx.msk [tilespmem:v8+s0+$0x0], $0xffff  }
0x44a: {  	v33 =	vld.idx.msk [tilespmem:v7+s0+$0x8], $0xffff  }
0x44b: {  	v35 =	vld.idx.msk [tilespmem:v6+s0+$0x8], $0xffff  }
0x44c: {  	v28 =	vld.idx.msk [tilespmem:v9+s0+$0x8], $0xffff  }
0x44d: {  	v29 =	vld.idx.msk [tilespmem:v8+s0+$0x8], $0xffff;
	v31 =	vadd.f32 v24, v25;
	v30 =	vadd.f32 v17, v23  }
0x44e: {  	v19 =	vld.idx.msk [tilespmem:v2+s0+$0x8], $0xffff  }
0x44f: {  	v27 =	vld.idx.msk [tilespmem:v1+s0+$0x8], $0xffff;
	v34 =	vadd.f32 v30, v31;
	v30 =	vadd.f32 v20, v21  }
0x450: {  	v32 =	vld.idx.msk [tilespmem:v3+s0+$0x8], $0xffff;
	v61 =	vadd.f32 v33, v35  }
0x451: {  	v24 =	vld.idx.msk [tilespmem:v5+s0+$0x8], $0xffff;
	v38 =	vadd.f32 v34, v21;
	v41 =	vadd.f32 v30, v34  }
0x452: {  	v21 =	vadd.f32 v28, v29;
	v28 =	vadd.f32 v22, v26;
	v17, _, _ =	vpop (xrf2)  }
0x453: {  	s1 =	simm.s32 $0x103E0;
	v23 =	vadd.f32 v23, v31;
	v18 =	vsub.f32 v17, v18  }
0x454: {  	v45 =	vld.idx.msk [tilespmem:v6+s1+$0x0], $0xffff;
	v44 =	vadd.f32 v41, v26;
	v28 =	vadd.f32 v28, v30  }
0x455: {  	v39 =	vld.idx.msk [tilespmem:v7+s1+$0x0], $0xffff;
	v20 =	vadd.f32 $0.0e+00, v18;
	v18 =	vadd.f32 v19, v27  }
0x456: {  	v22 =	vld.idx.msk [tilespmem:v3+s1+$0x0], $0xffff;
	v19 =	vadd.f32 v24, v32;
	v46 =	vadd.f32 v28, v34  }
0x457: {  	v28 =	vld.idx.msk [tilespmem:v5+s1+$0x0], $0xffff;
	v24 =	vadd.f32 v32, v18;
	v26 =	vadd.f32 v18, v20  }
0x458: {  	v43 =	vld.idx.msk [tilespmem:v2+s1+$0x8], $0xffff;
	v18 =	vadd.f32 v19, v18;
	v19 =	vadd.f32 v21, v61  }
0x459: {  	v62 =	vld.idx.msk [tilespmem:v2+s1+$0x0], $0xffff;
	v27 =	vadd.f32 v27, v20;
	v37 =	vadd.f32 v24, v20  }
0x45a: {  	v42 =	vld.idx.msk [tilespmem:v7+s1+$0x8], $0xffff;
	v36 =	vadd.f32 v61, v18;
	v19 =	vadd.f32 v19, v18  }
0x45b: {  	v24 =	vld.idx.msk [tilespmem:v1+s1+$0x0], $0xffff;
	v35 =	vadd.f32 v18, v35;
	v40 =	vadd.f32 v18, v20  }
0x45c: {  	s0 =	simm.s32 $0x14088;
	v33 =	vld.idx.msk [tilespmem:v9+s1+$0x8], $0xffff;
	v63 =	vadd.f32 v28, v22;
	v28 =	vadd.f32 v39, v45  }
0x45d: {  	v21 =	vld.idx.msk [tilespmem:v8+s1+$0x0], $0xffff;
	[tilespmem:v4+s0+$0xFFFFFFF8] =	vst.idx.msk $0xffff, v27;
	v32 =	vadd.f32 v36, v29;
	v30 =	vadd.f32 v19, v20  }
0x45e: {  	v27 =	vld.idx.msk [tilespmem:v1+s1+$0x8], $0xffff;
	[tilespmem:v10+s0+$0xFFFFFFF8] =	vst.idx.msk $0xffff, v26;
	v29 =	vadd.f32 v35, v20;
	v36 =	vadd.f32 v36, v20  }
0x45f: {  	v39 =	vld.idx.msk [tilespmem:v3+s1+$0x8], $0xffff;
	[tilespmem:v11+s0+$0xFFFFFFF8] =	vst.idx.msk $0xffff, v37;
	v19 =	vadd.f32 v25, v30;
	v31 =	vadd.f32 v31, v30  }
0x460: {  	[tilespmem:v12+s0+$0xFFFFFFF8] =	vst.idx.msk $0xffff, v40;
	v40 =	vld.idx.msk [tilespmem:v5+s1+$0x8], $0xffff;
	v23 =	vadd.f32 v23, v30;
	v26 =	vadd.f32 v62, v24  }
0x461: {  	v25 =	vld.idx.msk [tilespmem:v8+s1+$0x8], $0xffff;
	v37 =	vadd.f32 v34, v30;
	v38 =	vadd.f32 v38, v30;
	[tilespmem:v13+s0+$0xFFFFFFF8] =	vst.idx.msk $0xffff, v29  }
0x462: {  	v18 =	vld.idx.msk [tilespmem:v9+s1+$0x0], $0xffff;
	v34 =	vadd.f32 v41, v30;
	[tilespmem:v4+s0+$0x0] =	vst.idx.msk $0xffff, v19;
	v19 =	vadd.f32 v63, v26  }
0x463: {  	v35 =	vadd.f32 v44, v30;
	v29 =	vadd.f32 v46, v30;
	[tilespmem:v10+s0+$0x0] =	vst.idx.msk $0xffff, v31;
	v31 =	vld.idx.msk [tilespmem:v6+s1+$0x8], $0xffff  }
0x464: {  	s2 =	simm.s32 $0x10;
	s3 =	simm.s32 $0x103D0;
	v41 =	vadd.f32 v43, v27;
	s1 =	simm.s32 $0x14088;
	[tilespmem:v11+s0+$0x0] =	vst.idx.msk $0xffff, v23;
	v23 =	vadd.f32 v19, v45  }
.LBB2_66:
0x465: {  	v43 =	vld.idx.msk [tilespmem:v2+s3+$0x8], $0xffff;
	s2 =	sadd.s32 $0x10, s2;
	v44 =	vadd.f32 v28, v19;
	v32 =	vadd.f32 v32, v20;
	[tilespmem:v14+s0+$0xFFFFFFF8] =	vst.idx.msk $0xffff, v36;
	s1 =	sadd.s32 $0x10, s1  }
0x466: {  	v36 =	vadd.f32 v40, v39;
	v33 =	vadd.f32 v33, v25;
	v45 =	vld.idx.msk [tilespmem:v6+s3+$0x0], $0xffff;
	p0 =	slt.u32 s2, $0x3F0;
	v20 =	vmov v29  }
0x467: {  	v40 =	vadd.f32 v18, v21;
	v39 =	vadd.f32 v39, v41;
	v46 =	vld.idx.msk [tilespmem:v7+s3+$0x0], $0xffff;
	[tilespmem:v15+s0+$0xFFFFFFF8] =	vst.idx.msk $0xffff, v32  }
0x468: {  	v42 =	vadd.f32 v42, v31;
	v47 =	vadd.f32 v44, v21;
	v32 =	vld.idx.msk [tilespmem:v3+s3+$0x0], $0xffff;
	[tilespmem:v16+s0+$0xFFFFFFF8] =	vst.idx.msk $0xffff, v30  }
0x469: {  	v48 =	vadd.f32 v41, v29;
	v39 =	vadd.f32 v39, v29;
	v18 =	vld.idx.msk [tilespmem:v9+s3+$0x0], $0xffff  }
0x46a: {  	v30 =	vadd.f32 v27, v29;
	v49 =	vld.idx.msk [tilespmem:v5+s3+$0x0], $0xffff  }
0x46b: {  	v51 =	vadd.f32 v22, v26;
	v27 =	vadd.f32 v40, v28;
	v50 =	vld.idx.msk [tilespmem:v1+s3+$0x0], $0xffff;
	[tilespmem:v12+s0+$0x0] =	vst.idx.msk $0xffff, v37  }
0x46c: {  	v36 =	vadd.f32 v36, v41;
	v33 =	vadd.f32 v33, v42;
	v28 =	vld.idx.msk [tilespmem:v2+s3+$0x0], $0xffff;
	[tilespmem:v13+s0+$0x0] =	vst.idx.msk $0xffff, v38  }
0x46d: {  	v52 =	vadd.f32 v27, v19;
	v21 =	vld.idx.msk [tilespmem:v8+s3+$0x0], $0xffff;
	[tilespmem:v14+s0+$0x0] =	vst.idx.msk $0xffff, v34  }
0x46e: {  	v33 =	vadd.f32 v33, v36;
	v34 =	vadd.f32 v42, v36;
	v27 =	vld.idx.msk [tilespmem:v1+s3+$0x8], $0xffff;
	[tilespmem:v15+s0+$0x0] =	vst.idx.msk $0xffff, v35  }
0x46f: {  	v31 =	vadd.f32 v36, v31;
	v22 =	vmov v32;
	v35 =	vadd.f32 v36, v29;
	[tilespmem:v4+s1+$0xFFFFFFF8] =	vst.idx.msk $0xffff, v30  }
0x470: {  	v32 =	vadd.f32 v34, v25;
	v30 =	vadd.f32 v33, v29;
	[tilespmem:v10+s1+$0xFFFFFFF8] =	vst.idx.msk $0xffff, v48  }
0x471: {  	v41 =	vadd.f32 v31, v29;
	v36 =	vadd.f32 v34, v29;
	v33 =	vld.idx.msk [tilespmem:v9+s3+$0x8], $0xffff;
	[tilespmem:v11+s1+$0xFFFFFFF8] =	vst.idx.msk $0xffff, v39  }
0x472: {  	v48 =	vadd.f32 v28, v50;
	v24 =	vadd.f32 v24, v30;
	v25 =	vld.idx.msk [tilespmem:v8+s3+$0x8], $0xffff;
	[tilespmem:v16+s0+$0x0] =	vst.idx.msk $0xffff, v29;
	s0 =	smov.u32 s1  }
0x473: {  	v26 =	vadd.f32 v26, v30;
	v29 =	vadd.f32 v49, v22;
	v40 =	vld.idx.msk [tilespmem:v5+s3+$0x8], $0xffff;
	[tilespmem:v12+s1+$0xFFFFFFF8] =	vst.idx.msk $0xffff, v35  }
.Ltmp32:
0x474: {  	v28 =	vadd.f32 v46, v45;
	v35 =	vadd.f32 v51, v30;
	v39 =	vld.idx.msk [tilespmem:v3+s3+$0x8], $0xffff;
	[tilespmem:v4+s1+$0x0] =	vst.idx.msk $0xffff, v24;
	(pc) =	sbr.rel @p0 .LBB2_66-.Ltmp32, $4  }
0x475: {  	v37 =	vadd.f32 v19, v30;
	v19 =	vadd.f32 v29, v48;
	v42 =	vld.idx.msk [tilespmem:v7+s3+$0x8], $0xffff;
	[tilespmem:v10+s1+$0x0] =	vst.idx.msk $0xffff, v26  }
0x476: {  	v38 =	vadd.f32 v23, v30;
	v34 =	vadd.f32 v44, v30;
	v31 =	vld.idx.msk [tilespmem:v6+s3+$0x8], $0xffff;
	[tilespmem:v11+s1+$0x0] =	vst.idx.msk $0xffff, v35  }
0x477: {  	v24 =	vmov v50;
	v23 =	vadd.f32 v19, v45;
	v35 =	vadd.f32 v47, v30;
	[tilespmem:v13+s1+$0xFFFFFFF8] =	vst.idx.msk $0xffff, v41  }
0x478: {  	v29 =	vadd.f32 v52, v30;
	v26 =	vmov v48;
	s3 =	sadd.s32 $0xFFFFFFF0, s3;
	v41 =	vadd.f32 v43, v27  }
0x479: {  	_ =	sdelay $0x3  }
0x47a: {  	[tilespmem:v14+s0+$0xFFFFFFF8] =	vst.idx.msk $0xffff, v36  }
0x47b: {  	v20 =	vadd.f32 v32, v20;
	[tilespmem:v12+s0+$0x0] =	vst.idx.msk $0xffff, v37  }
0x47c: {  	[tilespmem:v13+s0+$0x0] =	vst.idx.msk $0xffff, v38  }
0x47d: {  	v47 =	vadd.f32 v40, v39;
	[tilespmem:v15+s0+$0xFFFFFFF8] =	vst.idx.msk $0xffff, v20  }
0x47e: {  	v48 =	vadd.f32 v33, v25;
	v51 =	vadd.f32 v39, v41;
	[tilespmem:v14+s0+$0x0] =	vst.idx.msk $0xffff, v34  }
0x47f: {  	v27 =	vadd.f32 v27, v29;
	v49 =	vadd.f32 v42, v31;
	[tilespmem:v16+s0+$0xFFFFFFF8] =	vst.idx.msk $0xffff, v30  }
0x480: {  	s4 =	sadd.s32 $0x10, s1;
	v52 =	vadd.f32 v41, v29;
	v50 =	vadd.f32 v47, v41;
	[tilespmem:v15+s0+$0x0] =	vst.idx.msk $0xffff, v35  }
0x481: {  	v32 =	vadd.f32 v51, v29;
	[tilespmem:v4+s4+$0xFFFFFFF8] =	vst.idx.msk $0xffff, v27;
	v20 =	vadd.f32 v48, v49  }
0x482: {  	[tilespmem:v10+s4+$0xFFFFFFF8] =	vst.idx.msk $0xffff, v52;
	v54 =	vadd.f32 v49, v50;
	v30 =	vadd.f32 v50, v31  }
0x483: {  	v53 =	vadd.f32 v50, v29;
	[tilespmem:v16+s0+$0x0] =	vst.idx.msk $0xffff, v29;
	v20 =	vadd.f32 v20, v50  }
0x484: {  	[tilespmem:v11+s4+$0xFFFFFFF8] =	vst.idx.msk $0xffff, v32;
	v56 =	vadd.f32 v54, v25;
	v57 =	vadd.f32 v30, v29  }
0x485: {  	[tilespmem:v12+s4+$0xFFFFFFF8] =	vst.idx.msk $0xffff, v53;
	v58 =	vadd.f32 v54, v29  }
0x486: {  	v20 =	vadd.f32 v20, v29;
	[tilespmem:v13+s4+$0xFFFFFFF8] =	vst.idx.msk $0xffff, v57;
	v59 =	vadd.f32 v56, v29  }
0x487: {  	[tilespmem:v14+s4+$0xFFFFFFF8] =	vst.idx.msk $0xffff, v58  }
0x488: {  	v22 =	vadd.f32 v22, v26;
	v24 =	vadd.f32 v24, v20;
	[tilespmem:v15+s4+$0xFFFFFFF8] =	vst.idx.msk $0xffff, v59  }
0x489: {  	v18 =	vadd.f32 v18, v21;
	v55 =	vadd.f32 v26, v20;
	[tilespmem:v16+s4+$0xFFFFFFF8] =	vst.idx.msk $0xffff, v20  }
0x48a: {  	v60 =	vadd.f32 v28, v19;
	v22 =	vadd.f32 v22, v20;
	[tilespmem:v4+s4+$0x0] =	vst.idx.msk $0xffff, v24  }
0x48b: {  	v18 =	vadd.f32 v18, v28;
	v61 =	vadd.f32 v19, v20;
	[tilespmem:v10+s4+$0x0] =	vst.idx.msk $0xffff, v55  }
0x48c: {  	v62 =	vadd.f32 v60, v21;
	v63 =	vadd.f32 v23, v20;
	[tilespmem:v11+s4+$0x0] =	vst.idx.msk $0xffff, v22  }
0x48d: {  	v18 =	vadd.f32 v18, v19;
	v19 =	vadd.f32 v60, v20;
	[tilespmem:v12+s4+$0x0] =	vst.idx.msk $0xffff, v61  }
0x48e: {  	v21 =	vadd.f32 v62, v20;
	[tilespmem:v13+s4+$0x0] =	vst.idx.msk $0xffff, v63  }
0x48f: {  	v18 =	vadd.f32 v18, v20;
	[tilespmem:v14+s4+$0x0] =	vst.idx.msk $0xffff, v19  }
0x490: {  	s1 =	simm.s32 $0x0;
	s2 =	simm.s32 $0x140C0;
	[tilespmem:v15+s4+$0x0] =	vst.idx.msk $0xffff, v21  }
0x491: {  	s3 =	simm.s32 $0x14080;
	s0 =	simm.s32 $0x8040;
	[tilespmem:v16+s4+$0x0] =	vst.idx.msk $0xffff, v18;
	s4 =	simm.s32 $0x0  }
.LBB2_68:
0x492: {  	s5 =	sand.u32 $0x3FFFFF80, s1;
	v24 =	vld [tilespmem:s2+$0x30]  }
0x493: {  	v22 =	vld [tilespmem:s2+$0xFFFFFFD0];
	s5 =	sadd.s32 s5, s3  }
0x494: {  	v23 =	vld [tilespmem:s5+$0x0]  }
0x495: {  	v21 =	vld [tilespmem:s2+$0xFFFFFFE0]  }
0x496: {  	v18 =	vld [tilespmem:s2+$0xFFFFFFF0]  }
0x497: {  	v19 =	vld [tilespmem:s2+$0x0]  }
0x498: {  	v20 =	vld [tilespmem:s2+$0x10];
	s6 =	simm.s32 $0x0;
	[tilespmem:s0+$0x30] =	vst v24  }
0x499: {  	s8 =	smov.u32 s2;
	s7 =	sadd.s32 $0x80, s5;
	s5 =	smov.u32 s0;
	[tilespmem:s0+$0xFFFFFFC0] =	vst v23;
	v23 =	vld [tilespmem:s2+$0x20]  }
.LBB2_69:
0x49a: {  	v24 =	vld [tilespmem:s7+$0x0];
	[tilespmem:s5+$0xFFFFFFD0] =	vst v22;
	s8 =	sadd.s32 $0x80, s8  }
0x49b: {  	s6 =	sadd.s32 $0x8, s6;
	v25 =	vld [tilespmem:s8+$0x30];
	[tilespmem:s5+$0xFFFFFFE0] =	vst v21  }
0x49c: {  	p0 =	slt.u32 s6, $0x38;
	v22 =	vld [tilespmem:s8+$0xFFFFFFD0];
	[tilespmem:s5+$0xFFFFFFF0] =	vst v18  }
.Ltmp33:
0x49d: {  	v21 =	vld [tilespmem:s8+$0xFFFFFFE0];
	[tilespmem:s5+$0x0] =	vst v19;
	(pc) =	sbr.rel @p0 .LBB2_69-.Ltmp33, $4  }
0x49e: {  	v18 =	vld [tilespmem:s8+$0xFFFFFFF0];
	[tilespmem:s5+$0x10] =	vst v20  }
0x49f: {  	v19 =	vld [tilespmem:s8+$0x0];
	[tilespmem:s5+$0x20] =	vst v23;
	s5 =	sadd.s32 $0x80, s5  }
0x4a0: {  	v20 =	vld [tilespmem:s8+$0x10];
	[tilespmem:s5+$0x30] =	vst v25  }
0x4a1: {  	s7 =	sadd.s32 $0x80, s7;
	[tilespmem:s5+$0xFFFFFFC0] =	vst v24;
	v23 =	vld [tilespmem:s8+$0x20]  }
0x4a2: {  	s4 =	sadd.s32 $0x1, s4  }
0x4a3: {  	[tilespmem:s5+$0xFFFFFFD0] =	vst v22;
	p0 =	sne.s32 s4, $0x10  }
.Ltmp34:
0x4a4: {  	[tilespmem:s5+$0xFFFFFFE0] =	vst v21;
	(pc) =	sbr.rel @p0 .LBB2_68-.Ltmp34, $4  }
0x4a5: {  	[tilespmem:s5+$0xFFFFFFF0] =	vst v18  }
0x4a6: {  	[tilespmem:s5+$0x0] =	vst v19  }
0x4a7: {  	s3 =	sadd.s32 $0x8, s3;
	[tilespmem:s5+$0x10] =	vst v20  }
0x4a8: {  	s1 =	sadd.s32 $0x408, s1;
	s2 =	sadd.s32 $0x408, s2;
	s0 =	sadd.s32 $0x400, s0;
	[tilespmem:s5+$0x20] =	vst v23  }
0x4a9: {  	[hbm4b:s17+s20] =	stream.strided.scatter [tilespmem:s24], [sflag:$0x3], $0x4000, s21, s20, $0x38;
	[tilespmem:$0x18100] =	vst v63  }
0x4aa: {  	_ =	swait.ge [sflag:s25], $0x4000  }
0x4ab: {  	[sflag:s25] =	ssyncset.done $0x0  }
0x4ac: {  	[sflag:s25] =	ssyncadd.s32 $0xFFFFC000  }
0x4ad: {  	s0 =	simm.s32 $0x10000;
	_ =	swait.ge [sflag:s29], $0x4000  }
0x4ae: {  	s31 =	simm.s32 $0x0;
	s1 =	simm.s32 $0x4040;
	[sflag:s29] =	ssyncset.done $0x0  }
0x4af: {  	v18 =	vimm.f32 $0.0e+00;
	s2 =	simm.s32 $0x10040;
	s3 =	simm.s32 $0x0;
	[sflag:s29] =	ssyncadd.s32 $0xFFFFC000  }
.LBB2_72:
0x4b0: {  	v24 =	vld [tilespmem:s1+$0xFFFFFFC0];
	_ =	sdelay $0x1  }
0x4b1: {  	v23 =	vld [tilespmem:s1+$0x0]  }
0x4b2: {  	s4 =	sand.u32 $0x3FFFFF80, s31  }
0x4b3: {  	s4 =	sadd.s32 s4, s0  }
0x4b4: {  	[tilespmem:s4+$0x0] =	vst v24  }
0x4b5: {  	s7 =	sadd.s32 $0x80, s1;
	v34 =	vld [tilespmem:s1+$0xFFFFFFD0]  }
0x4b6: {  	v20 =	vld [tilespmem:s7+$0xFFFFFFC0];
	[tilespmem:s2+$0x0] =	vst v23  }
0x4b7: {  	v25 =	vld [tilespmem:s1+$0x10];
	_ =	sdelay $0x1  }
0x4b8: {  	v19 =	vld [tilespmem:s7+$0x0]  }
0x4b9: {  	s5 =	sadd.s32 $0x80, s4;
	[tilespmem:s2+$0xFFFFFFD0] =	vst v34  }
0x4ba: {  	[tilespmem:s5+$0x0] =	vst v20;
	v32 =	vld [tilespmem:s1+$0xFFFFFFE0]  }
0x4bb: {  	v26 =	vld [tilespmem:s7+$0xFFFFFFD0];
	[tilespmem:s2+$0x10] =	vst v25  }
0x4bc: {  	s6 =	sadd.s32 $0x80, s7;
	s4 =	sadd.s32 $0x80, s2;
	v31 =	vld [tilespmem:s1+$0x20]  }
0x4bd: {  	v21 =	vld [tilespmem:s6+$0xFFFFFFC0];
	[tilespmem:s4+$0x0] =	vst v19  }
0x4be: {  	v27 =	vld [tilespmem:s7+$0x10]  }
0x4bf: {  	v22 =	vld [tilespmem:s6+$0x0];
	[tilespmem:s2+$0xFFFFFFE0] =	vst v32  }
0x4c0: {  	[tilespmem:s4+$0xFFFFFFD0] =	vst v26;
	v28 =	vld [tilespmem:s1+$0xFFFFFFF0]  }
0x4c1: {  	s9 =	sadd.s32 $0x80, s5;
	v33 =	vld [tilespmem:s7+$0xFFFFFFE0];
	[tilespmem:s2+$0x20] =	vst v31  }
0x4c2: {  	[tilespmem:s9+$0x0] =	vst v21;
	v29 =	vld [tilespmem:s1+$0x30]  }
0x4c3: {  	s10 =	simm.s32 $0x10;
	v30 =	vld [tilespmem:s6+$0xFFFFFFD0];
	[tilespmem:s4+$0x10] =	vst v27  }
0x4c4: {  	s8 =	smov.u32 s2;
	v36 =	vimm.f32 $0.0e+00;
	s11 =	sadd.s32 $0x80, s6;
	s5 =	sadd.s32 $0x80, s4;
	v35 =	vld [tilespmem:s7+$0x20]  }
.LBB2_73:
0x4c5: {  	[tilespmem:s5+$0x0] =	vst v22;
	v40 =	vadd.f32 v34, v24;
	v37 =	vadd.f32 v28, v32;
	v24 =	vmovc v20;
	v20 =	vmov v21;
	v21 =	vld [tilespmem:s11+$0xFFFFFFC0];
	s12 =	smov.u32 s4;
	s4 =	smov.u32 s5  }
0x4c6: {  	s10 =	sadd.s32 $0x8, s10;
	v38 =	vadd.f32 v25, v23;
	v25 =	vmovc v27;
	v23 =	vmovc v19;
	v19 =	vmov v22;
	[tilespmem:s8+$0xFFFFFFF0] =	vst v28;
	v27 =	vld [tilespmem:s6+$0x10];
	v32 =	vmov v33  }
0x4c7: {  	v34 =	vmovc v26;
	p0 =	slt.u32 s10, $0x38;
	v22 =	vld [tilespmem:s11+$0x0];
	[tilespmem:s12+$0xFFFFFFE0] =	vst v32;
	v37 =	vadd.f32 v37, v40;
	v40 =	vadd.f32 v29, v31;
	v39 =	vmov v29  }
.Ltmp35:
0x4c8: {  	[tilespmem:s5+$0xFFFFFFD0] =	vst v30;
	v28 =	vld [tilespmem:s7+$0xFFFFFFF0];
	v26 =	vmov v30;
	(pc) =	sbr.rel @p0 .LBB2_73-.Ltmp35, $4  }
0x4c9: {  	s9 =	sadd.s32 $0x80, s9;
	v33 =	vld [tilespmem:s6+$0xFFFFFFE0];
	[tilespmem:s12+$0x20] =	vst v35;
	v36 =	vadd.f32 v37, v36;
	v37 =	vadd.f32 v40, v38;
	v31 =	vmov v35  }
0x4ca: {  	[tilespmem:s9+$0x0] =	vst v21;
	v29 =	vld [tilespmem:s7+$0x30];
	s7 =	smov.u32 s6;
	s6 =	smov.u32 s11  }
0x4cb: {  	v30 =	vld [tilespmem:s11+$0xFFFFFFD0];
	[tilespmem:s5+$0x10] =	vst v27;
	v36 =	vadd.f32 v37, v36  }
0x4cc: {  	s11 =	sadd.s32 $0x80, s11;
	s5 =	sadd.s32 $0x80, s5;
	v35 =	vld [tilespmem:s7+$0x20];
	[tilespmem:s8+$0x30] =	vst v39;
	s8 =	smov.u32 s12  }
0x4cd: {  	[tilespmem:s5+$0x0] =	vst v22  }
0x4ce: {  	v37 =	vld [tilespmem:s6+$0x10];
	_ =	sdelay $0x2  }
0x4cf: {  	[tilespmem:s5+$0xFFFFFFD0] =	vst v30  }
0x4d0: {  	[tilespmem:s4+$0xFFFFFFE0] =	vst v33;
	v38 =	vld [tilespmem:s6+$0xFFFFFFE0]  }
0x4d1: {  	v24 =	vadd.f32 v34, v24;
	v32 =	vadd.f32 v28, v32;
	v55 =	vld [tilespmem:s7+$0xFFFFFFF0];
	[tilespmem:s5+$0x10] =	vst v37  }
0x4d2: {  	v23 =	vadd.f32 v25, v23;
	[tilespmem:s4+$0x20] =	vst v35;
	v56 =	vld [tilespmem:s6+$0x20]  }
0x4d3: {  	v24 =	vadd.f32 v32, v24;
	v31 =	vadd.f32 v29, v31;
	v57 =	vld [tilespmem:s7+$0x30];
	_ =	sdelay $0x1  }
0x4d4: {  	v24 =	vadd.f32 v24, v36;
	v23 =	vadd.f32 v31, v23;
	[tilespmem:s5+$0xFFFFFFE0] =	vst v38  }
0x4d5: {  	v20 =	vadd.f32 v26, v20;
	v58 =	vadd.f32 v55, v33;
	v59 =	vld [tilespmem:s6+$0xFFFFFFF0]  }
0x4d6: {  	v19 =	vadd.f32 v27, v19;
	v23 =	vadd.f32 v23, v24;
	[tilespmem:s5+$0x20] =	vst v56  }
0x4d7: {  	v20 =	vadd.f32 v58, v20;
	v60 =	vadd.f32 v57, v35;
	v61 =	vld [tilespmem:s6+$0x30];
	_ =	sdelay $0x1  }
0x4d8: {  	v20 =	vadd.f32 v20, v23;
	v19 =	vadd.f32 v60, v19  }
0x4d9: {  	v21 =	vadd.f32 v30, v21;
	v62 =	vadd.f32 v59, v38  }
0x4da: {  	v19 =	vadd.f32 v19, v20;
	v20 =	vadd.f32 v37, v22  }
0x4db: {  	v21 =	vadd.f32 v62, v21;
	v63 =	vadd.f32 v61, v56;
	_ =	sdelay $0x1  }
0x4dc: {  	v19 =	vadd.f32 v21, v19;
	v20 =	vadd.f32 v63, v20;
	_ =	sdelay $0x1  }
0x4dd: {  	v19 =	vadd.f32 v20, v19;
	_ =	sdelay $0x1  }
0x4de: {  	(xrf2) =	vadd.scan.msk.f32 $0xffff, v19;
	_ =	sdelay $0x7  }
0x4df: {  	s12 =	sxor.u32 $0xF, s3;
	s3 =	sadd.s32 $0x1, s3  }
0x4e0: {  	[tilespmem:s8+$0xFFFFFFF0] =	vst v28;
	p0 =	sne.s32 s3, $0x10  }
.Ltmp36:
0x4e1: {  	[tilespmem:s8+$0x30] =	vst v29;
	v19, _, _ =	vpop (xrf2);
	(pc) =	sbr.rel @p0 .LBB2_72-.Ltmp36, $4  }
0x4e2: {  	[tilespmem:s4+$0xFFFFFFF0] =	vst v55;
	v20 =	vmov s12;
	v19 =	vbroadcast v19, $0xF  }
0x4e3: {  	[tilespmem:s4+$0x30] =	vst v57;
	vm0 =	veq.s32 v20, v0  }
0x4e4: {  	s0 =	sadd.s32 $0x8, s0;
	[tilespmem:s5+$0xFFFFFFF0] =	vst v59;
	v19 =	vnsel vm0, $0x0, v19  }
0x4e5: {  	s31 =	sadd.s32 $0x408, s31;
	s1 =	sadd.s32 $0x400, s1;
	s2 =	sadd.s32 $0x408, s2;
	[tilespmem:s5+$0x30] =	vst v61;
	v18 =	vadd.f32 v19, v18  }
0x4e6: {  	_ =	sdelay $0x2  }
0x4e7: {  	s0 =	simm.s32 $0x103F0  }
0x4e8: {  	(v2sf) =	vpush v17, $0xF;
	v20 =	vld.idx.msk [tilespmem:v6+s0+$0x0], $0xffff  }
0x4e9: {  	v22 =	vld.idx.msk [tilespmem:v3+s0+$0x0], $0xffff  }
0x4ea: {  	v23 =	vld.idx.msk [tilespmem:v5+s0+$0x0], $0xffff  }
0x4eb: {  	v24 =	vld.idx.msk [tilespmem:v1+s0+$0x0], $0xffff  }
0x4ec: {  	(xrf2) =	vadd.scan.msk.f32 $0xffff, v18;
	v25 =	vld.idx.msk [tilespmem:v2+s0+$0x0], $0xffff  }
0x4ed: {  	v19 =	vld.idx.msk [tilespmem:v7+s0+$0x0], $0xffff  }
0x4ee: {  	v21 =	vld.idx.msk [tilespmem:v9+s0+$0x0], $0xffff  }
0x4ef: {  	v26 =	vld.idx.msk [tilespmem:v8+s0+$0x0], $0xffff  }
0x4f0: {  	v28 =	vld.idx.msk [tilespmem:v9+s0+$0x8], $0xffff  }
0x4f1: {  	v29 =	vld.idx.msk [tilespmem:v8+s0+$0x8], $0xffff;
	v30 =	vadd.f32 v25, v24;
	v23 =	vadd.f32 v23, v22  }
0x4f2: {  	v17 =	vld.idx.msk [tilespmem:v2+s0+$0x8], $0xffff  }
0x4f3: {  	v27 =	vld.idx.msk [tilespmem:v1+s0+$0x8], $0xffff;
	v33 =	vadd.f32 v23, v30;
	v23 =	vadd.f32 v19, v20  }
0x4f4: {  	v32 =	vld.idx.msk [tilespmem:v3+s0+$0x8], $0xffff  }
0x4f5: {  	v34 =	vld.idx.msk [tilespmem:v6+s0+$0x8], $0xffff;
	v37 =	vadd.f32 v33, v20;
	v40 =	vadd.f32 v23, v33  }
0x4f6: {  	v25 =	vld.idx.msk [tilespmem:v5+s0+$0x8], $0xffff;
	v20 =	vadd.f32 v28, v29;
	v28 =	vadd.f32 v21, v26;
	v31, _, _ =	vpop (xrf2)  }
0x4f7: {  	v18 =	vsub.f32 v31, v18;
	v31 =	vld.idx.msk [tilespmem:v7+s0+$0x8], $0xffff;
	s1 =	spop (v2sf)  }
0x4f8: {  	s31 =	simm.s32 $0x103E0;
	v43 =	vadd.f32 v40, v26;
	v26 =	vadd.f32 v28, v23;
	s1 =	sadd.f32 $0.0e+00, s1  }
0x4f9: {  	v38 =	vld.idx.msk [tilespmem:v5+s31+$0x0], $0xffff;
	v17 =	vadd.f32 v17, v27;
	v22 =	vadd.f32 v22, v30  }
0x4fa: {  	v21 =	vld.idx.msk [tilespmem:v3+s31+$0x0], $0xffff;
	v28 =	vadd.f32 v26, v33;
	v19 =	vadd.f32 s1, v18  }
0x4fb: {  	v42 =	vld.idx.msk [tilespmem:v2+s31+$0x8], $0xffff;
	v18 =	vadd.f32 v25, v32;
	v25 =	vadd.f32 v32, v17  }
0x4fc: {  	v44 =	vld.idx.msk [tilespmem:v6+s31+$0x0], $0xffff;
	v31 =	vadd.f32 v31, v34;
	v62 =	vadd.f32 v17, v19  }
0x4fd: {  	v23 =	vld.idx.msk [tilespmem:v1+s31+$0x0], $0xffff;
	v36 =	vadd.f32 v25, v19;
	v17 =	vadd.f32 v18, v17  }
0x4fe: {  	v25 =	vadd.f32 v27, v19;
	v18 =	vadd.f32 v20, v31;
	v27 =	vld.idx.msk [tilespmem:v2+s31+$0x0], $0xffff  }
0x4ff: {  	v39 =	vld.idx.msk [tilespmem:v7+s31+$0x0], $0xffff;
	v63 =	vadd.f32 v38, v21;
	v26 =	vadd.f32 v31, v17  }
0x500: {  	v38 =	vld.idx.msk [tilespmem:v3+s31+$0x8], $0xffff;
	v18 =	vadd.f32 v18, v17;
	v34 =	vadd.f32 v17, v34  }
0x501: {  	s0 =	simm.s32 $0x14088;
	v32 =	vld.idx.msk [tilespmem:v9+s31+$0x8], $0xffff;
	v41 =	vadd.f32 v17, v19;
	v31 =	vadd.f32 v26, v29  }
0x502: {  	v20 =	vld.idx.msk [tilespmem:v8+s31+$0x0], $0xffff;
	[tilespmem:v4+s0+$0xFFFFFFF8] =	vst.idx.msk $0xffff, v25;
	v29 =	vadd.f32 v18, v19;
	v45 =	vadd.f32 v34, v19  }
0x503: {  	v17 =	vld.idx.msk [tilespmem:v9+s31+$0x0], $0xffff;
	[tilespmem:v10+s0+$0xFFFFFFF8] =	vst.idx.msk $0xffff, v62;
	v35 =	vadd.f32 v26, v19;
	v25 =	vadd.f32 v27, v23  }
0x504: {  	v26 =	vld.idx.msk [tilespmem:v1+s31+$0x8], $0xffff;
	[tilespmem:v11+s0+$0xFFFFFFF8] =	vst.idx.msk $0xffff, v36;
	v27 =	vadd.f32 v39, v44;
	v18 =	vadd.f32 v24, v29  }
0x505: {  	[tilespmem:v12+s0+$0xFFFFFFF8] =	vst.idx.msk $0xffff, v41;
	v39 =	vld.idx.msk [tilespmem:v5+s31+$0x8], $0xffff;
	v30 =	vadd.f32 v30, v29;
	v22 =	vadd.f32 v22, v29  }
0x506: {  	v24 =	vld.idx.msk [tilespmem:v8+s31+$0x8], $0xffff;
	v36 =	vadd.f32 v33, v29;
	v37 =	vadd.f32 v37, v29;
	[tilespmem:v13+s0+$0xFFFFFFF8] =	vst.idx.msk $0xffff, v45  }
0x507: {  	v41 =	vld.idx.msk [tilespmem:v7+s31+$0x8], $0xffff;
	v33 =	vadd.f32 v40, v29;
	[tilespmem:v4+s0+$0x0] =	vst.idx.msk $0xffff, v18;
	v18 =	vadd.f32 v63, v25  }
0x508: {  	v34 =	vadd.f32 v43, v29;
	v28 =	vadd.f32 v28, v29;
	[tilespmem:v10+s0+$0x0] =	vst.idx.msk $0xffff, v30;
	v30 =	vld.idx.msk [tilespmem:v6+s31+$0x8], $0xffff  }
0x509: {  	s2 =	simm.s32 $0x10;
	s3 =	simm.s32 $0x103D0;
	s1 =	simm.s32 $0x14088;
	v40 =	vadd.f32 v42, v26;
	[tilespmem:v11+s0+$0x0] =	vst.idx.msk $0xffff, v22;
	v22 =	vadd.f32 v18, v44  }
.LBB2_76:
0x50a: {  	v42 =	vld.idx.msk [tilespmem:v2+s3+$0x8], $0xffff;
	s2 =	sadd.s32 $0x10, s2;
	v43 =	vadd.f32 v27, v18;
	v31 =	vadd.f32 v31, v19;
	[tilespmem:v14+s0+$0xFFFFFFF8] =	vst.idx.msk $0xffff, v35;
	s1 =	sadd.s32 $0x10, s1  }
0x50b: {  	v35 =	vadd.f32 v39, v38;
	v32 =	vadd.f32 v32, v24;
	v44 =	vld.idx.msk [tilespmem:v6+s3+$0x0], $0xffff;
	p0 =	slt.u32 s2, $0x3F0;
	v19 =	vmov v28  }
0x50c: {  	v39 =	vadd.f32 v17, v20;
	v38 =	vadd.f32 v38, v40;
	v45 =	vld.idx.msk [tilespmem:v7+s3+$0x0], $0xffff;
	[tilespmem:v15+s0+$0xFFFFFFF8] =	vst.idx.msk $0xffff, v31  }
0x50d: {  	v41 =	vadd.f32 v41, v30;
	v46 =	vadd.f32 v43, v20;
	v31 =	vld.idx.msk [tilespmem:v3+s3+$0x0], $0xffff;
	[tilespmem:v16+s0+$0xFFFFFFF8] =	vst.idx.msk $0xffff, v29  }
0x50e: {  	v47 =	vadd.f32 v40, v28;
	v38 =	vadd.f32 v38, v28;
	v17 =	vld.idx.msk [tilespmem:v9+s3+$0x0], $0xffff  }
0x50f: {  	v29 =	vadd.f32 v26, v28;
	v48 =	vld.idx.msk [tilespmem:v5+s3+$0x0], $0xffff  }
0x510: {  	v50 =	vadd.f32 v21, v25;
	v26 =	vadd.f32 v39, v27;
	v49 =	vld.idx.msk [tilespmem:v1+s3+$0x0], $0xffff;
	[tilespmem:v12+s0+$0x0] =	vst.idx.msk $0xffff, v36  }
0x511: {  	v35 =	vadd.f32 v35, v40;
	v32 =	vadd.f32 v32, v41;
	v27 =	vld.idx.msk [tilespmem:v2+s3+$0x0], $0xffff;
	[tilespmem:v13+s0+$0x0] =	vst.idx.msk $0xffff, v37  }
0x512: {  	v51 =	vadd.f32 v26, v18;
	v20 =	vld.idx.msk [tilespmem:v8+s3+$0x0], $0xffff;
	[tilespmem:v14+s0+$0x0] =	vst.idx.msk $0xffff, v33  }
0x513: {  	v32 =	vadd.f32 v32, v35;
	v33 =	vadd.f32 v41, v35;
	v26 =	vld.idx.msk [tilespmem:v1+s3+$0x8], $0xffff;
	[tilespmem:v15+s0+$0x0] =	vst.idx.msk $0xffff, v34  }
0x514: {  	v30 =	vadd.f32 v35, v30;
	v21 =	vmov v31;
	v34 =	vadd.f32 v35, v28;
	[tilespmem:v4+s1+$0xFFFFFFF8] =	vst.idx.msk $0xffff, v29  }
0x515: {  	v31 =	vadd.f32 v33, v24;
	v29 =	vadd.f32 v32, v28;
	[tilespmem:v10+s1+$0xFFFFFFF8] =	vst.idx.msk $0xffff, v47  }
0x516: {  	v40 =	vadd.f32 v30, v28;
	v35 =	vadd.f32 v33, v28;
	v32 =	vld.idx.msk [tilespmem:v9+s3+$0x8], $0xffff;
	[tilespmem:v11+s1+$0xFFFFFFF8] =	vst.idx.msk $0xffff, v38  }
0x517: {  	v47 =	vadd.f32 v27, v49;
	v23 =	vadd.f32 v23, v29;
	v24 =	vld.idx.msk [tilespmem:v8+s3+$0x8], $0xffff;
	[tilespmem:v16+s0+$0x0] =	vst.idx.msk $0xffff, v28;
	s0 =	smov.u32 s1  }
0x518: {  	v25 =	vadd.f32 v25, v29;
	v28 =	vadd.f32 v48, v21;
	v39 =	vld.idx.msk [tilespmem:v5+s3+$0x8], $0xffff;
	[tilespmem:v12+s1+$0xFFFFFFF8] =	vst.idx.msk $0xffff, v34  }
.Ltmp37:
0x519: {  	v27 =	vadd.f32 v45, v44;
	v34 =	vadd.f32 v50, v29;
	v38 =	vld.idx.msk [tilespmem:v3+s3+$0x8], $0xffff;
	[tilespmem:v4+s1+$0x0] =	vst.idx.msk $0xffff, v23;
	(pc) =	sbr.rel @p0 .LBB2_76-.Ltmp37, $4  }
0x51a: {  	v36 =	vadd.f32 v18, v29;
	v18 =	vadd.f32 v28, v47;
	v41 =	vld.idx.msk [tilespmem:v7+s3+$0x8], $0xffff;
	[tilespmem:v10+s1+$0x0] =	vst.idx.msk $0xffff, v25  }
0x51b: {  	v37 =	vadd.f32 v22, v29;
	v33 =	vadd.f32 v43, v29;
	v30 =	vld.idx.msk [tilespmem:v6+s3+$0x8], $0xffff;
	[tilespmem:v11+s1+$0x0] =	vst.idx.msk $0xffff, v34  }
0x51c: {  	v23 =	vmov v49;
	v22 =	vadd.f32 v18, v44;
	v34 =	vadd.f32 v46, v29;
	[tilespmem:v13+s1+$0xFFFFFFF8] =	vst.idx.msk $0xffff, v40  }
0x51d: {  	v28 =	vadd.f32 v51, v29;
	v25 =	vmov v47;
	s3 =	sadd.s32 $0xFFFFFFF0, s3;
	v40 =	vadd.f32 v42, v26  }
0x51e: {  	_ =	sdelay $0x3  }
0x51f: {  	[tilespmem:v14+s0+$0xFFFFFFF8] =	vst.idx.msk $0xffff, v35  }
0x520: {  	v19 =	vadd.f32 v31, v19;
	[tilespmem:v12+s0+$0x0] =	vst.idx.msk $0xffff, v36  }
0x521: {  	[tilespmem:v13+s0+$0x0] =	vst.idx.msk $0xffff, v37  }
0x522: {  	v48 =	vadd.f32 v39, v38;
	[tilespmem:v15+s0+$0xFFFFFFF8] =	vst.idx.msk $0xffff, v19  }
0x523: {  	v51 =	vadd.f32 v38, v40;
	v26 =	vadd.f32 v26, v28;
	[tilespmem:v14+s0+$0x0] =	vst.idx.msk $0xffff, v33  }
0x524: {  	v19 =	vadd.f32 v32, v24;
	v49 =	vadd.f32 v41, v30;
	[tilespmem:v16+s0+$0xFFFFFFF8] =	vst.idx.msk $0xffff, v29  }
0x525: {  	s4 =	sadd.s32 $0x10, s1;
	v52 =	vadd.f32 v40, v28;
	v50 =	vadd.f32 v48, v40;
	[tilespmem:v15+s0+$0x0] =	vst.idx.msk $0xffff, v34  }
0x526: {  	v31 =	vadd.f32 v51, v28;
	[tilespmem:v4+s4+$0xFFFFFFF8] =	vst.idx.msk $0xffff, v26;
	v19 =	vadd.f32 v19, v49  }
0x527: {  	[tilespmem:v10+s4+$0xFFFFFFF8] =	vst.idx.msk $0xffff, v52;
	v54 =	vadd.f32 v49, v50;
	v29 =	vadd.f32 v50, v30  }
0x528: {  	v53 =	vadd.f32 v50, v28;
	[tilespmem:v16+s0+$0x0] =	vst.idx.msk $0xffff, v28;
	v19 =	vadd.f32 v19, v50  }
0x529: {  	[tilespmem:v11+s4+$0xFFFFFFF8] =	vst.idx.msk $0xffff, v31;
	v56 =	vadd.f32 v54, v24;
	v57 =	vadd.f32 v29, v28  }
0x52a: {  	[tilespmem:v12+s4+$0xFFFFFFF8] =	vst.idx.msk $0xffff, v53;
	v58 =	vadd.f32 v54, v28  }
0x52b: {  	v19 =	vadd.f32 v19, v28;
	[tilespmem:v13+s4+$0xFFFFFFF8] =	vst.idx.msk $0xffff, v57;
	v59 =	vadd.f32 v56, v28  }
0x52c: {  	[tilespmem:v14+s4+$0xFFFFFFF8] =	vst.idx.msk $0xffff, v58  }
0x52d: {  	v21 =	vadd.f32 v21, v25;
	v23 =	vadd.f32 v23, v19;
	[tilespmem:v15+s4+$0xFFFFFFF8] =	vst.idx.msk $0xffff, v59  }
0x52e: {  	v17 =	vadd.f32 v17, v20;
	v55 =	vadd.f32 v25, v19;
	[tilespmem:v16+s4+$0xFFFFFFF8] =	vst.idx.msk $0xffff, v19  }
0x52f: {  	v60 =	vadd.f32 v27, v18;
	v21 =	vadd.f32 v21, v19;
	[tilespmem:v4+s4+$0x0] =	vst.idx.msk $0xffff, v23  }
0x530: {  	v17 =	vadd.f32 v17, v27;
	v61 =	vadd.f32 v18, v19;
	[tilespmem:v10+s4+$0x0] =	vst.idx.msk $0xffff, v55  }
0x531: {  	v62 =	vadd.f32 v60, v20;
	v63 =	vadd.f32 v22, v19;
	[tilespmem:v11+s4+$0x0] =	vst.idx.msk $0xffff, v21  }
0x532: {  	v17 =	vadd.f32 v17, v18;
	v18 =	vadd.f32 v60, v19;
	[tilespmem:v12+s4+$0x0] =	vst.idx.msk $0xffff, v61  }
0x533: {  	v20 =	vadd.f32 v62, v19;
	[tilespmem:v13+s4+$0x0] =	vst.idx.msk $0xffff, v63  }
0x534: {  	v17 =	vadd.f32 v17, v19;
	[tilespmem:v14+s4+$0x0] =	vst.idx.msk $0xffff, v18  }
0x535: {  	s1 =	simm.s32 $0x0;
	s2 =	simm.s32 $0x140C0;
	[tilespmem:v15+s4+$0x0] =	vst.idx.msk $0xffff, v20  }
0x536: {  	s3 =	simm.s32 $0x14080;
	s0 =	simm.s32 $0xC040;
	[tilespmem:v16+s4+$0x0] =	vst.idx.msk $0xffff, v17;
	s4 =	simm.s32 $0x0  }
.LBB2_78:
0x537: {  	s5 =	sand.u32 $0x3FFFFF80, s1;
	v23 =	vld [tilespmem:s2+$0x30]  }
0x538: {  	v21 =	vld [tilespmem:s2+$0xFFFFFFD0];
	s5 =	sadd.s32 s5, s3  }
0x539: {  	v22 =	vld [tilespmem:s5+$0x0]  }
0x53a: {  	v20 =	vld [tilespmem:s2+$0xFFFFFFE0]  }
0x53b: {  	v17 =	vld [tilespmem:s2+$0xFFFFFFF0]  }
0x53c: {  	v18 =	vld [tilespmem:s2+$0x0]  }
0x53d: {  	v19 =	vld [tilespmem:s2+$0x10];
	s6 =	simm.s32 $0x0;
	[tilespmem:s0+$0x30] =	vst v23  }
0x53e: {  	s8 =	smov.u32 s2;
	s7 =	sadd.s32 $0x80, s5;
	s5 =	smov.u32 s0;
	[tilespmem:s0+$0xFFFFFFC0] =	vst v22;
	v22 =	vld [tilespmem:s2+$0x20]  }
.LBB2_79:
0x53f: {  	v23 =	vld [tilespmem:s7+$0x0];
	[tilespmem:s5+$0xFFFFFFD0] =	vst v21;
	s8 =	sadd.s32 $0x80, s8  }
0x540: {  	s6 =	sadd.s32 $0x8, s6;
	v24 =	vld [tilespmem:s8+$0x30];
	[tilespmem:s5+$0xFFFFFFE0] =	vst v20  }
0x541: {  	p0 =	slt.u32 s6, $0x38;
	v21 =	vld [tilespmem:s8+$0xFFFFFFD0];
	[tilespmem:s5+$0xFFFFFFF0] =	vst v17  }
.Ltmp38:
0x542: {  	v20 =	vld [tilespmem:s8+$0xFFFFFFE0];
	[tilespmem:s5+$0x0] =	vst v18;
	(pc) =	sbr.rel @p0 .LBB2_79-.Ltmp38, $4  }
0x543: {  	v17 =	vld [tilespmem:s8+$0xFFFFFFF0];
	[tilespmem:s5+$0x10] =	vst v19  }
0x544: {  	v18 =	vld [tilespmem:s8+$0x0];
	[tilespmem:s5+$0x20] =	vst v22;
	s5 =	sadd.s32 $0x80, s5  }
0x545: {  	v19 =	vld [tilespmem:s8+$0x10];
	[tilespmem:s5+$0x30] =	vst v24  }
0x546: {  	s7 =	sadd.s32 $0x80, s7;
	[tilespmem:s5+$0xFFFFFFC0] =	vst v23;
	v22 =	vld [tilespmem:s8+$0x20]  }
0x547: {  	s4 =	sadd.s32 $0x1, s4  }
0x548: {  	[tilespmem:s5+$0xFFFFFFD0] =	vst v21;
	p0 =	sne.s32 s4, $0x10  }
.Ltmp39:
0x549: {  	[tilespmem:s5+$0xFFFFFFE0] =	vst v20;
	(pc) =	sbr.rel @p0 .LBB2_78-.Ltmp39, $4  }
0x54a: {  	[tilespmem:s5+$0xFFFFFFF0] =	vst v17  }
0x54b: {  	[tilespmem:s5+$0x0] =	vst v18  }
0x54c: {  	s3 =	sadd.s32 $0x8, s3;
	[tilespmem:s5+$0x10] =	vst v19  }
0x54d: {  	s1 =	sadd.s32 $0x408, s1;
	s2 =	sadd.s32 $0x408, s2;
	s0 =	sadd.s32 $0x400, s0;
	[tilespmem:s5+$0x20] =	vst v22  }
0x54e: {  	[hbm4b:s18+s20] =	stream.strided.scatter [tilespmem:s26], [sflag:$0x4], $0x4000, s21, s20, $0x38;
	[tilespmem:$0x18100] =	vst v63  }
0x54f: {  	s30 =	sadd.s32 $0x1, s30  }
0x550: {  	_ =	swait.ge [sflag:s28], $0x4000;
	p0 =	sne.s32 s30, s19  }
.Ltmp40:
0x551: {  	[sflag:s28] =	ssyncset.done $0x0;
	(pc) =	sbr.rel @p0 .LBB2_1-.Ltmp40, $4  }
0x552: {  	[sflag:s28] =	ssyncadd.s32 $0xFFFFC000  }
0x553: {  	_ =	swait.ge [sflag:s29], $0x4000  }
0x554: {  	[sflag:s29] =	ssyncset.done $0x0  }
0x555: {  	[sflag:s29] =	ssyncadd.s32 $0xFFFFC000  }
0x556: {  	_ =	sfence.sel $0x180000  }
0x557: {  	[bflag:$0x0] =	sbarrier.arrive $0xFFFF  }
0x558: {  	_ =	strace $0x90000047  }
0x559: {  	s0 =	stileid.u32;
	[bflag:$0x2] =	sbarrier.arrive $0xFFFF  }
0x55a: {  	p0 =	sne.s32 s0, $0x0;
	s0 =	rddreg [dreg:$0x2]  }
0x55b: {  	s0 =	sadd.s32 @!p0 $0x100000, s0  }
0x55c: {  	[sflag:s0] =	ssyncadd.tile.s32 @!p0 $0x1;
	_ =	shalt  }
.Lfunc_end2:
_tile_overlayer_lowered:
.L_overlay_start_2:
0x55d: {  	(tag) =	ssettag $0x2  }
0x55e: {  	s0 =	rddreg [dreg:$0x0];
	s2 =	stileid.u32  }
0x55f: {  	s1 =	rddreg [dreg:$0x1];
	p0 =	sne.s32 s2, $0x0  }
0x560: {  	s3 =	rddreg [dreg:$0x2];
	[bflag:$0x3] =	sbarrier.arrive $0xFFFF;
	s2 =	simm.s32 @!p0 $0x1C05  }
0x561: {  	[timem:s3], [sflag:s2] =	dma.local @!p0 [hbm:s0], s1  }
0x562: {  	s0 =	simm.s32 @!p0 $0x5  }
0x563: {  	_ =	swait.ge @!p0 [sflag:s0], s1  }
0x564: {  	s1 =	ssub.s32 @!p0 $0x0, s1;
	[sflag:s0] =	ssyncset.done @!p0 $0x0  }
0x565: {  	[sflag:s0] =	ssyncadd.s32 @!p0 s1  }
0x566: {  	[bflag:$0x3] =	sbarrier.arrive $0xFFFF  }
0x567: {  	_ =	shalt  }

</sc_bundles>
